<compile_context>
chip_gen: v7x
topology: tpu7x:2x2x1
jax: 0.10.2.dev20260603
libtpu: 0.0.44.dev20260713+nightly
codegen_flags: <defaults>
</compile_context>

<pallas_src>
import functools

import jax
import jax.numpy as jnp
from jax import lax
from jax.experimental import pallas as pl
from jax.experimental.pallas import tpu as pltpu
from jax.experimental.pallas import tpu_sc as plsc

KS = (3, 4, 3)
KTOT = 36
NC, NS, LANES = 2, 16, 16
NW = NC * NS
BE = 64
NPAD = 6912


def _cdiv(a, b):
    return (a + b - 1) // b



def _prep_body(E, BEP, pseudo_ref, src_ref, wgt_ref, gidx_ref, val_ref):
    p0 = pseudo_ref[:, 0:1]
    p1 = pseudo_ref[:, 1:2]
    p2 = pseudo_ref[:, 2:3]
    u0 = p0 * 2.0
    i0a = jnp.clip(jnp.floor(u0), 0.0, 1.0)
    f0 = u0 - i0a
    u1 = p1 * 4.0
    i1a = jnp.clip(jnp.floor(u1), 0.0, 3.0)
    f1 = u1 - i1a
    u2 = p2 * 2.0
    i2a = jnp.clip(jnp.floor(u2), 0.0, 1.0)
    f2 = u2 - i2a
    i0a_i = i0a.astype(jnp.int32)
    i1a_i = i1a.astype(jnp.int32)
    i2a_i = i2a.astype(jnp.int32)
    i0b_i = i0a_i + 1
    i1b_i = jnp.where(i1a_i == 3, 0, i1a_i + 1)
    i2b_i = i2a_i + 1
    src = src_ref[:, 0:1]
    wcols = []
    kcols = []
    for b in range(8):
        b0, b1, b2 = b & 1, (b >> 1) & 1, (b >> 2) & 1
        w = (f0 if b0 else (1.0 - f0)) \
            * (f1 if b1 else (1.0 - f1)) \
            * (f2 if b2 else (1.0 - f2))
        i0 = i0b_i if b0 else i0a_i
        i1 = i1b_i if b1 else i1a_i
        i2 = i2b_i if b2 else i2a_i
        kidx = (i0 * 4 + i1) * 3 + i2
        wcols.append(w)
        kcols.append(src * KTOT + kidx)
    e_glob = pl.program_id(0) * BEP + lax.broadcasted_iota(
        jnp.int32, (BEP, 1), 0)
    valid = (e_glob < E).astype(jnp.float32)
    wgt_ref[...] = jnp.concatenate(wcols, axis=1) * valid
    gidx_ref[...] = jnp.concatenate(kcols, axis=1)
    col0 = (lax.broadcasted_iota(jnp.int32, (1, 16), 1) == 0)
    val_ref[...] = valid * col0.astype(jnp.float32)


def _edge_prep(pseudo_p, src_p, E):
    EPAD = pseudo_p.shape[0]
    BEP = 1024
    grid = EPAD // BEP
    return pl.pallas_call(
        functools.partial(_prep_body, E, BEP),
        grid=(grid,),
        in_specs=[
            pl.BlockSpec((BEP, 3), lambda i: (i, 0)),
            pl.BlockSpec((BEP, 1), lambda i: (i, 0)),
        ],
        out_specs=[
            pl.BlockSpec((BEP, 8), lambda i: (i, 0)),
            pl.BlockSpec((BEP, 8), lambda i: (i, 0)),
            pl.BlockSpec((BEP, 16), lambda i: (i, 0)),
        ],
        out_shape=[
            jax.ShapeDtypeStruct((EPAD, 8), jnp.float32),
            jax.ShapeDtypeStruct((EPAD, 8), jnp.int32),
            jax.ShapeDtypeStruct((EPAD, 16), jnp.float32),
        ],
    )(pseudo_p, src_p)



def _mm_body(h_ref, w_ref, o_ref):
    o_ref[...] = jnp.dot(h_ref[...], w_ref[...],
                         preferred_element_type=jnp.float32)


def _mm(h, w, br=256):
    n, k = h.shape
    m = w.shape[1]
    return pl.pallas_call(
        _mm_body,
        grid=(n // br,),
        in_specs=[
            pl.BlockSpec((br, k), lambda i: (i, 0)),
            pl.BlockSpec((k, m), lambda i: (0, 0)),
        ],
        out_specs=pl.BlockSpec((br, m), lambda i: (i, 0)),
        out_shape=jax.ShapeDtypeStruct((n, m), jnp.float32),
    )(h, w)



def _combine_body(a0_ref, a1_ref, d0_ref, d1_ref, h_ref, r_ref, b_ref, o_ref):
    agg = a0_ref[...] + a1_ref[...]
    deg = d0_ref[:, 0:1] + d1_ref[:, 0:1]
    root = jnp.dot(h_ref[...], r_ref[...], preferred_element_type=jnp.float32)
    o_ref[...] = jnp.maximum(
        agg / jnp.maximum(deg, 1.0) + root + b_ref[...], 0.0)


def _combine(a0, a1, d0, d1, h, root, bias):
    n, fo = a0.shape
    k = h.shape[1]
    br = 256
    b2 = bias.reshape(1, fo)
    return pl.pallas_call(
        _combine_body,
        grid=(n // br,),
        in_specs=[
            pl.BlockSpec((br, fo), lambda i: (i, 0)),
            pl.BlockSpec((br, fo), lambda i: (i, 0)),
            pl.BlockSpec((br, 16), lambda i: (i, 0)),
            pl.BlockSpec((br, 16), lambda i: (i, 0)),
            pl.BlockSpec((br, k), lambda i: (i, 0)),
            pl.BlockSpec((k, fo), lambda i: (0, 0)),
            pl.BlockSpec((1, fo), lambda i: (0, 0)),
        ],
        out_specs=pl.BlockSpec((br, fo), lambda i: (i, 0)),
        out_shape=jax.ShapeDtypeStruct((n, fo), jnp.float32),
    )(a0, a1, d0, d1, h, root, b2)



def _head1_body(h_ref, w_ref, b_ref, o_ref):
    o_ref[...] = jnp.maximum(
        jnp.dot(h_ref[...], w_ref[...], preferred_element_type=jnp.float32)
        + b_ref[...], 0.0)


def _head1(h, w, bias):
    n, k = h.shape
    m = w.shape[1]
    br = 256
    return pl.pallas_call(
        _head1_body,
        grid=(n // br,),
        in_specs=[
            pl.BlockSpec((br, k), lambda i: (i, 0)),
            pl.BlockSpec((k, m), lambda i: (0, 0)),
            pl.BlockSpec((1, m), lambda i: (0, 0)),
        ],
        out_specs=pl.BlockSpec((br, m), lambda i: (i, 0)),
        out_shape=jax.ShapeDtypeStruct((n, m), jnp.float32),
    )(h, w, bias.reshape(1, m))


def _head2_body(h_ref, w_ref, b_ref, o_ref):
    logits = jnp.dot(h_ref[...], w_ref[...],
                     preferred_element_type=jnp.float32) + b_ref[...]
    m = jnp.max(logits, axis=-1, keepdims=True)
    lse = jnp.log(jnp.sum(jnp.exp(logits - m), axis=-1, keepdims=True))
    o_ref[...] = logits - m - lse


def _head2(h, w, bias):
    n, k = h.shape
    m = w.shape[1]
    br = 128
    return pl.pallas_call(
        _head2_body,
        grid=(n // br,),
        in_specs=[
            pl.BlockSpec((br, k), lambda i: (i, 0)),
            pl.BlockSpec((k, m), lambda i: (0, 0)),
            pl.BlockSpec((1, m), lambda i: (0, 0)),
        ],
        out_specs=pl.BlockSpec((br, m), lambda i: (i, 0)),
        out_shape=jax.ShapeDtypeStruct((n, m), jnp.float32),
    )(h, w, bias.reshape(1, m))



def _sc_conv_body(F, KB, y_hbm, gidx_hbm, wgt_hbm, dst_hbm, z_hbm, out_hbm,
                  gidx_v, dst_v, wgt_v, rows_v, msg_v, agg_sh, sem):
    c = lax.axis_index("c")
    s = lax.axis_index("s")
    w = s * NC + c
    rp = NPAD // NS
    pltpu.sync_copy(z_hbm.at[pl.ds(s * rp, rp)], agg_sh.at[pl.ds(s * rp, rp)])
    pltpu.sync_copy(gidx_hbm.at[w], gidx_v)
    pltpu.sync_copy(dst_hbm.at[w], dst_v)
    pltpu.sync_copy(wgt_hbm.at[w], wgt_v)
    plsc.subcore_barrier()
    nv = F // LANES

    def block(kb, carry):
        for half in range(2):
            for j in range(2):
                pltpu.async_copy(y_hbm.at[gidx_v.at[kb * 4 + half * 2 + j]],
                                 rows_v.at[pl.ds(j * 128, 128)], sem).wait()

            def edge(e, cc):
                base = kb * 512 + half * 256 + e * 8
                accs = [jnp.zeros((LANES,), jnp.float32)] * nv
                for b in range(8):
                    wb = plsc.load_gather(
                        wgt_v, [jnp.full((LANES,), base + b, jnp.int32)])
                    for j2 in range(nv):
                        accs[j2] = accs[j2] + wb * rows_v[e * 8 + b,
                                                          pl.ds(j2 * 16, 16)]
                for j2 in range(nv):
                    msg_v[half * 32 + e, pl.ds(j2 * 16, 16)] = accs[j2]
                return cc

            lax.fori_loop(0, 32, edge, 0)
        pltpu.sync_copy(msg_v, agg_sh.at[dst_v.at[kb]], add=True)
        return carry

    lax.fori_loop(0, KB, block, 0)
    plsc.subcore_barrier()
    pltpu.sync_copy(agg_sh.at[pl.ds(s * rp, rp)],
                    out_hbm.at[c].at[pl.ds(s * rp, rp)])


def _sc_conv(y2d, gidx_sc, wgt_sc, dst_sc, zeros, F, KB):
    mesh = plsc.VectorSubcoreMesh(core_axis_name="c", subcore_axis_name="s")
    fn = pl.kernel(
        functools.partial(_sc_conv_body, F, KB),
        out_type=jax.ShapeDtypeStruct((NC, NPAD, F), jnp.float32),
        mesh=mesh,
        scratch_types=[
            pltpu.VMEM((KB * 4, 128), jnp.int32),
            pltpu.VMEM((KB, BE), jnp.int32),
            pltpu.VMEM((KB * 512,), jnp.float32),
            pltpu.VMEM((256, F), jnp.float32),
            pltpu.VMEM((BE, F), jnp.float32),
            pltpu.VMEM_SHARED((NPAD, F), jnp.float32),
            pltpu.SemaphoreType.DMA,
        ],
        compiler_params=pltpu.CompilerParams(use_tc_tiling_on_sc=False, needs_layout_passes=False),
    )
    return fn(y2d, gidx_sc, wgt_sc, dst_sc, zeros)



def _sc_deg_body(KB, val_hbm, dst_hbm, z_hbm, out_hbm, val_v, dst_v, deg_sh):
    c = lax.axis_index("c")
    s = lax.axis_index("s")
    w = s * NC + c
    rp = NPAD // NS
    pltpu.sync_copy(z_hbm.at[pl.ds(s * rp, rp)], deg_sh.at[pl.ds(s * rp, rp)])
    pltpu.sync_copy(val_hbm.at[w], val_v)
    pltpu.sync_copy(dst_hbm.at[w], dst_v)
    plsc.subcore_barrier()

    def block(kb, carry):
        pltpu.sync_copy(val_v.at[kb], deg_sh.at[dst_v.at[kb]], add=True)
        return carry

    lax.fori_loop(0, KB, block, 0)
    plsc.subcore_barrier()
    pltpu.sync_copy(deg_sh.at[pl.ds(s * rp, rp)],
                    out_hbm.at[c].at[pl.ds(s * rp, rp)])


def _sc_deg(val_sc, dst_sc, zeros, KB):
    mesh = plsc.VectorSubcoreMesh(core_axis_name="c", subcore_axis_name="s")
    fn = pl.kernel(
        functools.partial(_sc_deg_body, KB),
        out_type=jax.ShapeDtypeStruct((NC, NPAD, 16), jnp.float32),
        mesh=mesh,
        scratch_types=[
            pltpu.VMEM((KB, BE, 16), jnp.float32),
            pltpu.VMEM((KB, BE), jnp.int32),
            pltpu.VMEM_SHARED((NPAD, 16), jnp.float32),
        ],
        compiler_params=pltpu.CompilerParams(use_tc_tiling_on_sc=False, needs_layout_passes=False),
    )
    return fn(val_sc, dst_sc, zeros)



def _conv_layer(h, wflat, gidx_sc, wgt_sc, dst_sc, d0, d1, root_p, bias, F,
                KB, zeros):
    y = _mm(h, wflat)
    y2d = y.reshape(NPAD * KTOT, F)
    agg = _sc_conv(y2d, gidx_sc, wgt_sc, dst_sc, zeros, F, KB)
    return _combine(agg[0], agg[1], d0, d1, h, root_p, bias)


def kernel(x, edge_index, pseudo, W1, root1, b1, W2, root2, b2, W3, root3, b3,
           Wl1, bl1, Wl2, bl2):
    N = x.shape[0]
    E = edge_index.shape[1]
    KB = _cdiv(E, NW * BE)
    EPAD = NW * BE * KB

    src = edge_index[0]
    dst = edge_index[1]
    pseudo_p = jnp.pad(pseudo, ((0, EPAD - E), (0, 0)))
    src_p = jnp.pad(src, (0, EPAD - E)).reshape(EPAD, 1)
    dst_p = jnp.pad(dst, (0, EPAD - E))

    wgt8, gidx8, valid16 = _edge_prep(pseudo_p, src_p, E)

    gidx_sc = gidx8.reshape(NW, KB * 4, 128)
    wgt_sc = wgt8.reshape(NW, KB * 512)
    dst_sc = dst_p.reshape(NW, KB, BE)
    val_sc = valid16.reshape(NW, KB, BE, 16)

    zeros16 = jnp.zeros((NPAD, 16), jnp.float32)
    deg = _sc_deg(val_sc, dst_sc, zeros16, KB)
    d0, d1 = deg[0], deg[1]

    xp = jnp.pad(x, ((0, NPAD - N), (0, 7)))

    w1f = jnp.pad(W1.transpose(1, 0, 2).reshape(1, KTOT * 32), ((0, 7), (0, 0)))
    r1p = jnp.pad(root1, ((0, 7), (0, 0)))
    w2f = W2.transpose(1, 0, 2).reshape(32, KTOT * 64)
    w3f = W3.transpose(1, 0, 2).reshape(64, KTOT * 128)

    z32 = jnp.zeros((NPAD, 32), jnp.float32)
    z64 = jnp.zeros((NPAD, 64), jnp.float32)
    z128 = jnp.zeros((NPAD, 128), jnp.float32)

    h1 = _conv_layer(xp, w1f, gidx_sc, wgt_sc, dst_sc, d0, d1, r1p, b1, 32,
                     KB, z32)
    h2 = _conv_layer(h1, w2f, gidx_sc, wgt_sc, dst_sc, d0, d1, root2, b2, 64,
                     KB, z64)
    h3 = _conv_layer(h2, w3f, gidx_sc, wgt_sc, dst_sc, d0, d1, root3, b3, 128,
                     KB, z128)

    h4 = _head1(h3, Wl1, bl1)
    ncls = Wl2.shape[1]
    cpad = NPAD - ncls
    wl2p = jnp.pad(Wl2, ((0, 0), (0, cpad)))
    bl2p = jnp.pad(bl2, (0, cpad), constant_values=-1e30)
    out = _head2(h4, wl2p, bl2p)
    return out[:N, :ncls]

# --- scband reference (transcript-rebuilt; emitter-appended) ---
"""Pipeline reference for scband-net-18279380812273 (READ-ONLY COPY).

The authoritative reference and input builder live on the scoring server;
editing this copy changes nothing except your own understanding.
"""

import jax, jax.numpy as jnp
import numpy as np

KS = (3, 4, 3)
IS_OPEN = (1, 0, 1)
KTOT = 36  # 3*4*3


def spline_coeff(pseudo):
    # degree-1 B-spline basis over 3 pseudo-coordinate dims -> [E, KTOT] coefficients
    E = pseudo.shape[0]
    idxs = []
    fracs = []
    for d in range(3):
        k = KS[d]
        if IS_OPEN[d]:
            u = pseudo[:, d] * (k - 1)
            i0 = jnp.clip(jnp.floor(u), 0, k - 2).astype(jnp.int32)
            f = u - i0.astype(pseudo.dtype)
            i1 = i0 + 1
        else:
            u = pseudo[:, d] * k
            i0 = jnp.clip(jnp.floor(u), 0, k - 1).astype(jnp.int32)
            f = u - i0.astype(pseudo.dtype)
            i1 = (i0 + 1) % k
        idxs.append((i0, i1))
        fracs.append(f)
    coeff = jnp.zeros((E, KTOT), dtype=pseudo.dtype)
    for b in range(8):
        wgt = jnp.ones((E,), dtype=pseudo.dtype)
        kidx = jnp.zeros((E,), dtype=jnp.int32)
        for d in range(3):
            bit = (b >> d) & 1
            i = idxs[d][bit]
            f = fracs[d]
            wgt = wgt * (f if bit else (1.0 - f))
            kidx = kidx * KS[d] + i
        coeff = coeff + wgt[:, None] * jax.nn.one_hot(kidx, KTOT, dtype=pseudo.dtype)
    return coeff


def spline_conv(x, edge_index, coeff, W, root, bias):
    src = edge_index[0]
    dst = edge_index[1]
    N, Fin = x.shape
    Fout = W.shape[2]
    E = coeff.shape[0]
    x_src = jnp.take(x, src, axis=0)                      # gather  [E, Fin]
    z = (coeff[:, :, None] * x_src[:, None, :]).reshape(E, KTOT * Fin)
    msg = z @ W.reshape(KTOT * Fin, Fout)                 # per-edge spline-weighted transform
    agg = jnp.zeros((N, Fout), dtype=x.dtype).at[dst].add(msg)   # scatter-add
    deg = jnp.zeros((N,), dtype=x.dtype).at[dst].add(jnp.ones((E,), dtype=x.dtype))
    agg = agg / jnp.maximum(deg, 1.0)[:, None]            # degree normalization
    return agg + x @ root + bias                           # root weight + bias


def setup_inputs(seed: int = 0):
    key = jax.random.key(seed)
    ks = jax.random.split(key, 20)
    N, E = 6890, 41340
    x = jax.random.normal(ks[0], (N, 1), dtype=jnp.float32)
    edge_index = jax.random.randint(ks[1], (2, E), 0, N, dtype=jnp.int32)
    pseudo = jax.random.uniform(ks[2], (E, 3), dtype=jnp.float32)
    W1 = jax.random.normal(ks[3], (KTOT, 1, 32), dtype=jnp.float32) * 0.1
    root1 = jax.random.normal(ks[4], (1, 32), dtype=jnp.float32) * 0.1
    b1 = jnp.zeros((32,), dtype=jnp.float32)
    W2 = jax.random.normal(ks[5], (KTOT, 32, 64), dtype=jnp.float32) * 0.05
    root2 = jax.random.normal(ks[6], (32, 64), dtype=jnp.float32) * 0.05
    b2 = jnp.zeros((64,), dtype=jnp.float32)
    W3 = jax.random.normal(ks[7], (KTOT, 64, 128), dtype=jnp.float32) * 0.05
    root3 = jax.random.normal(ks[8], (64, 128), dtype=jnp.float32) * 0.05
    b3 = jnp.zeros((128,), dtype=jnp.float32)
    Wl1 = jax.random.normal(ks[9], (128, 256), dtype=jnp.float32) * 0.05
    bl1 = jnp.zeros((256,), dtype=jnp.float32)
    Wl2 = jax.random.normal(ks[10], (256, 6890), dtype=jnp.float32) * 0.05
    bl2 = jnp.zeros((6890,), dtype=jnp.float32)
    return {"x": x, "edge_index": edge_index, "pseudo": pseudo,
            "W1": W1, "root1": root1, "b1": b1,
            "W2": W2, "root2": root2, "b2": b2,
            "W3": W3, "root3": root3, "b3": b3,
            "Wl1": Wl1, "bl1": bl1, "Wl2": Wl2, "bl2": bl2}


def reference(x, edge_index, pseudo, W1, root1, b1, W2, root2, b2, W3, root3, b3, Wl1, bl1, Wl2, bl2):
    coeff = spline_coeff(pseudo)
    h = jax.nn.relu(spline_conv(x, edge_index, coeff, W1, root1, b1))
    h = jax.nn.relu(spline_conv(h, edge_index, coeff, W2, root2, b2))
    h = jax.nn.relu(spline_conv(h, edge_index, coeff, W3, root3, b3))
    h = jax.nn.relu(h @ Wl1 + bl1)
    # dropout is identity in eval mode
    h = h @ Wl2 + bl2
    return jax.nn.log_softmax(h, axis=-1)

if __name__ == "__main__":
    import jax
    _d = setup_inputs()
    print(jax.jit(kernel)(*tuple(_d.values())))

</pallas_src>

<mosaic_0001>
#map = affine_map<(d0, d1) -> (0, 0)>
#map1 = affine_map<(d0, d1) -> (0, 0, 0)>
module attributes {stable_mosaic.version = 14 : i64} {
  func.func @_sc_conv_body(%arg0: i32, %arg1: i32, %arg2: memref<248832x128xf32, #tpu.memory_space<hbm>>, %arg3: memref<32x84x128xi32, #tpu.memory_space<hbm>>, %arg4: memref<32x10752xf32, #tpu.memory_space<hbm>>, %arg5: memref<32x21x64xi32, #tpu.memory_space<hbm>>, %arg6: memref<6912x128xf32, #tpu.memory_space<hbm>>, %arg7: memref<2x6912x128xf32, #tpu.memory_space<hbm>>, %arg8: memref<84x128xi32, #tpu.memory_space<vmem>>, %arg9: memref<21x64xi32, #tpu.memory_space<vmem>>, %arg10: memref<10752xf32, #tpu.memory_space<vmem>>, %arg11: memref<256x128xf32, #tpu.memory_space<vmem>>, %arg12: memref<64x128xf32, #tpu.memory_space<vmem>>, %arg13: memref<6912x128xf32, #tpu.memory_space<vmem_shared>>, %arg14: memref<!tpu.dma_semaphore, #tpu.memory_space<semaphore_mem>>) attributes {dimension_semantics = [#tpu.dimension_semantics<core_parallel>, #tpu.dimension_semantics<subcore_parallel>], iteration_bounds = array<i64: 2, 16>, scalar_prefetch = 0 : i64, scratch_operands = 7 : i64, tpu.core_type = #tpu.core_type<sc_vector_subcore>, window_params = [{transform_indices = #map}, {transform_indices = #map1}, {transform_indices = #map}, {transform_indices = #map1}, {transform_indices = #map}, {transform_indices = #map1}]} {
    %mul3A = arith.constant 2 : i32
    %mul3A_0 = arith.muli %arg1, %mul3A : i32
    %add3A = arith.addi %mul3A_0, %arg0 : i32
    %mul3A_1 = arith.constant 432 : i32
    %mul3A_2 = arith.muli %arg1, %mul3A_1 : i32
    %mul3A_3 = arith.constant 432 : i32
    %mul3A_4 = arith.muli %arg1, %mul3A_3 : i32
    "tpu.region"() ({
      %run_scoped3A = tpu.sem_alloc : memref<!tpu.dma_semaphore, #tpu.memory_space<semaphore_mem>>
      %dma_start3A = arith.constant 0 : i32
      %dma_start3A_15 = tpu.memref_slice %arg13[%mul3A_4, %dma_start3A] : memref<6912x128xf32, #tpu.memory_space<vmem_shared>> -> memref<432x128xf32, #tpu.memory_space<vmem_shared>>
      %dma_start3A_16 = arith.constant 0 : i32
      %dma_start3A_17 = tpu.memref_slice %arg6[%mul3A_2, %dma_start3A_16] : memref<6912x128xf32, #tpu.memory_space<hbm>> -> memref<432x128xf32, #tpu.memory_space<hbm>>
      tpu.enqueue_dma source(%dma_start3A_17 : memref<432x128xf32, #tpu.memory_space<hbm>>) target(%dma_start3A_15 : memref<432x128xf32, #tpu.memory_space<vmem_shared>>) target_semaphore(%run_scoped3A : memref<!tpu.dma_semaphore, #tpu.memory_space<semaphore_mem>>)
      %dma_wait3A = arith.constant 0 : i32
      %dma_wait3A_18 = tpu.memref_slice %arg13[%mul3A_4, %dma_wait3A] : memref<6912x128xf32, #tpu.memory_space<vmem_shared>> -> memref<432x128xf32, #tpu.memory_space<vmem_shared>>
      %dma_wait3A_19 = arith.constant 0 : i32
      %dma_wait3A_20 = tpu.memref_slice %arg6[%mul3A_2, %dma_wait3A_19] : memref<6912x128xf32, #tpu.memory_space<hbm>> -> memref<432x128xf32, #tpu.memory_space<hbm>>
      tpu.wait_dma2 semaphore(%run_scoped3A : memref<!tpu.dma_semaphore, #tpu.memory_space<semaphore_mem>>) src(%dma_wait3A_20 : memref<432x128xf32, #tpu.memory_space<hbm>>) dst(%dma_wait3A_18 : memref<432x128xf32, #tpu.memory_space<vmem_shared>>)
      tpu.yield
    }) : () -> ()
    "tpu.region"() ({
      %run_scoped3A = tpu.sem_alloc : memref<!tpu.dma_semaphore, #tpu.memory_space<semaphore_mem>>
      %dma_start3A = arith.constant 0 : i32
      %dma_start3A_15 = arith.constant 0 : i32
      %dma_start3A_16 = tpu.memref_slice %arg3[%add3A, %dma_start3A, %dma_start3A_15] : memref<32x84x128xi32, #tpu.memory_space<hbm>> -> memref<1x84x128xi32, #tpu.memory_space<hbm>>
      %dma_start3A_17 = tpu.memref_squeeze %dma_start3A_16 : memref<1x84x128xi32, #tpu.memory_space<hbm>> -> memref<84x128xi32, #tpu.memory_space<hbm>>
      %dma_start3A_18 = arith.constant 0 : i32
      %dma_start3A_19 = arith.constant 0 : i32
      %dma_start3A_20 = tpu.memref_slice %arg3[%add3A, %dma_start3A_18, %dma_start3A_19] : memref<32x84x128xi32, #tpu.memory_space<hbm>> -> memref<1x84x128xi32, #tpu.memory_space<hbm>>
      %dma_start3A_21 = tpu.memref_squeeze %dma_start3A_20 : memref<1x84x128xi32, #tpu.memory_space<hbm>> -> memref<84x128xi32, #tpu.memory_space<hbm>>
      tpu.enqueue_dma source(%dma_start3A_21 : memref<84x128xi32, #tpu.memory_space<hbm>>) target(%arg8 : memref<84x128xi32, #tpu.memory_space<vmem>>) target_semaphore(%run_scoped3A : memref<!tpu.dma_semaphore, #tpu.memory_space<semaphore_mem>>)
      %dma_wait3A = arith.constant 0 : i32
      %dma_wait3A_22 = arith.constant 0 : i32
      %dma_wait3A_23 = tpu.memref_slice %arg3[%add3A, %dma_wait3A, %dma_wait3A_22] : memref<32x84x128xi32, #tpu.memory_space<hbm>> -> memref<1x84x128xi32, #tpu.memory_space<hbm>>
      %dma_wait3A_24 = tpu.memref_squeeze %dma_wait3A_23 : memref<1x84x128xi32, #tpu.memory_space<hbm>> -> memref<84x128xi32, #tpu.memory_space<hbm>>
      %dma_wait3A_25 = arith.constant 0 : i32
      %dma_wait3A_26 = arith.constant 0 : i32
      %dma_wait3A_27 = tpu.memref_slice %arg3[%add3A, %dma_wait3A_25, %dma_wait3A_26] : memref<32x84x128xi32, #tpu.memory_space<hbm>> -> memref<1x84x128xi32, #tpu.memory_space<hbm>>
      %dma_wait3A_28 = tpu.memref_squeeze %dma_wait3A_27 : memref<1x84x128xi32, #tpu.memory_space<hbm>> -> memref<84x128xi32, #tpu.memory_space<hbm>>
      tpu.wait_dma2 semaphore(%run_scoped3A : memref<!tpu.dma_semaphore, #tpu.memory_space<semaphore_mem>>) src(%dma_wait3A_28 : memref<84x128xi32, #tpu.memory_space<hbm>>) dst(%arg8 : memref<84x128xi32, #tpu.memory_space<vmem>>)
      tpu.yield
    }) : () -> ()
    "tpu.region"() ({
      %run_scoped3A = tpu.sem_alloc : memref<!tpu.dma_semaphore, #tpu.memory_space<semaphore_mem>>
      %dma_start3A = arith.constant 0 : i32
      %dma_start3A_15 = arith.constant 0 : i32
      %dma_start3A_16 = tpu.memref_slice %arg5[%add3A, %dma_start3A, %dma_start3A_15] : memref<32x21x64xi32, #tpu.memory_space<hbm>> -> memref<1x21x64xi32, #tpu.memory_space<hbm>>
      %dma_start3A_17 = tpu.memref_squeeze %dma_start3A_16 : memref<1x21x64xi32, #tpu.memory_space<hbm>> -> memref<21x64xi32, #tpu.memory_space<hbm>>
      %dma_start3A_18 = arith.constant 0 : i32
      %dma_start3A_19 = arith.constant 0 : i32
      %dma_start3A_20 = tpu.memref_slice %arg5[%add3A, %dma_start3A_18, %dma_start3A_19] : memref<32x21x64xi32, #tpu.memory_space<hbm>> -> memref<1x21x64xi32, #tpu.memory_space<hbm>>
      %dma_start3A_21 = tpu.memref_squeeze %dma_start3A_20 : memref<1x21x64xi32, #tpu.memory_space<hbm>> -> memref<21x64xi32, #tpu.memory_space<hbm>>
      tpu.enqueue_dma source(%dma_start3A_21 : memref<21x64xi32, #tpu.memory_space<hbm>>) target(%arg9 : memref<21x64xi32, #tpu.memory_space<vmem>>) target_semaphore(%run_scoped3A : memref<!tpu.dma_semaphore, #tpu.memory_space<semaphore_mem>>)
      %dma_wait3A = arith.constant 0 : i32
      %dma_wait3A_22 = arith.constant 0 : i32
      %dma_wait3A_23 = tpu.memref_slice %arg5[%add3A, %dma_wait3A, %dma_wait3A_22] : memref<32x21x64xi32, #tpu.memory_space<hbm>> -> memref<1x21x64xi32, #tpu.memory_space<hbm>>
      %dma_wait3A_24 = tpu.memref_squeeze %dma_wait3A_23 : memref<1x21x64xi32, #tpu.memory_space<hbm>> -> memref<21x64xi32, #tpu.memory_space<hbm>>
      %dma_wait3A_25 = arith.constant 0 : i32
      %dma_wait3A_26 = arith.constant 0 : i32
      %dma_wait3A_27 = tpu.memref_slice %arg5[%add3A, %dma_wait3A_25, %dma_wait3A_26] : memref<32x21x64xi32, #tpu.memory_space<hbm>> -> memref<1x21x64xi32, #tpu.memory_space<hbm>>
      %dma_wait3A_28 = tpu.memref_squeeze %dma_wait3A_27 : memref<1x21x64xi32, #tpu.memory_space<hbm>> -> memref<21x64xi32, #tpu.memory_space<hbm>>
      tpu.wait_dma2 semaphore(%run_scoped3A : memref<!tpu.dma_semaphore, #tpu.memory_space<semaphore_mem>>) src(%dma_wait3A_28 : memref<21x64xi32, #tpu.memory_space<hbm>>) dst(%arg9 : memref<21x64xi32, #tpu.memory_space<vmem>>)
      tpu.yield
    }) : () -> ()
    "tpu.region"() ({
      %run_scoped3A = tpu.sem_alloc : memref<!tpu.dma_semaphore, #tpu.memory_space<semaphore_mem>>
      %dma_start3A = arith.constant 0 : i32
      %dma_start3A_15 = tpu.memref_slice %arg4[%add3A, %dma_start3A] : memref<32x10752xf32, #tpu.memory_space<hbm>> -> memref<1x10752xf32, #tpu.memory_space<hbm>>
      %dma_start3A_16 = tpu.memref_squeeze %dma_start3A_15 : memref<1x10752xf32, #tpu.memory_space<hbm>> -> memref<10752xf32, #tpu.memory_space<hbm>>
      %dma_start3A_17 = arith.constant 0 : i32
      %dma_start3A_18 = tpu.memref_slice %arg4[%add3A, %dma_start3A_17] : memref<32x10752xf32, #tpu.memory_space<hbm>> -> memref<1x10752xf32, #tpu.memory_space<hbm>>
      %dma_start3A_19 = tpu.memref_squeeze %dma_start3A_18 : memref<1x10752xf32, #tpu.memory_space<hbm>> -> memref<10752xf32, #tpu.memory_space<hbm>>
      tpu.enqueue_dma source(%dma_start3A_19 : memref<10752xf32, #tpu.memory_space<hbm>>) target(%arg10 : memref<10752xf32, #tpu.memory_space<vmem>>) target_semaphore(%run_scoped3A : memref<!tpu.dma_semaphore, #tpu.memory_space<semaphore_mem>>)
      %dma_wait3A = arith.constant 0 : i32
      %dma_wait3A_20 = tpu.memref_slice %arg4[%add3A, %dma_wait3A] : memref<32x10752xf32, #tpu.memory_space<hbm>> -> memref<1x10752xf32, #tpu.memory_space<hbm>>
      %dma_wait3A_21 = tpu.memref_squeeze %dma_wait3A_20 : memref<1x10752xf32, #tpu.memory_space<hbm>> -> memref<10752xf32, #tpu.memory_space<hbm>>
      %dma_wait3A_22 = arith.constant 0 : i32
      %dma_wait3A_23 = tpu.memref_slice %arg4[%add3A, %dma_wait3A_22] : memref<32x10752xf32, #tpu.memory_space<hbm>> -> memref<1x10752xf32, #tpu.memory_space<hbm>>
      %dma_wait3A_24 = tpu.memref_squeeze %dma_wait3A_23 : memref<1x10752xf32, #tpu.memory_space<hbm>> -> memref<10752xf32, #tpu.memory_space<hbm>>
      tpu.wait_dma2 semaphore(%run_scoped3A : memref<!tpu.dma_semaphore, #tpu.memory_space<semaphore_mem>>) src(%dma_wait3A_24 : memref<10752xf32, #tpu.memory_space<hbm>>) dst(%arg10 : memref<10752xf32, #tpu.memory_space<vmem>>)
      tpu.yield
    }) : () -> ()
    %barrier3A = arith.constant 0 : index
    tpu.barrier barrier_id(%barrier3A)
    %scan3A = arith.constant 0 : i32
    %scan3A_5 = arith.constant 0 : i32
    %scan3A_6 = arith.constant 21 : i32
    %scan3A_7 = arith.addi %scan3A_5, %scan3A_6 : i32
    %scan3A_8 = arith.constant 1 : i32
    scf.for %scan3A_15 = %scan3A_5 to %scan3A_7 step %scan3A_8  : i32 {
      %mul3A_16 = arith.constant 4 : i32
      %mul3A_17 = arith.muli %scan3A_15, %mul3A_16 : i32
      %add3A_18 = arith.constant 0 : i32
      %add3A_19 = arith.addi %mul3A_17, %add3A_18 : i32
      %add3A_20 = arith.constant 0 : i32
      %add3A_21 = arith.addi %add3A_19, %add3A_20 : i32
      %dma_start3A = arith.constant 0 : i32
      %dma_start3A_22 = arith.constant 0 : i32
      %dma_start3A_23 = tpu.memref_slice %arg11[%dma_start3A, %dma_start3A_22] : memref<256x128xf32, #tpu.memory_space<vmem>> -> memref<128x128xf32, #tpu.memory_space<vmem>>
      %dma_start3A_24 = arith.constant 0 : i32
      %dma_start3A_25 = tpu.memref_slice %arg8[%add3A_21, %dma_start3A_24] : memref<84x128xi32, #tpu.memory_space<vmem>> -> memref<1x128xi32, #tpu.memory_space<vmem>>
      %dma_start3A_26 = tpu.memref_squeeze %dma_start3A_25 : memref<1x128xi32, #tpu.memory_space<vmem>> -> memref<128xi32, #tpu.memory_space<vmem>>
      %dma_start3A_27 = arith.constant 0 : i32
      %dma_start3A_28 = arith.constant 0 : i32
      %dma_start3A_29 = tpu.memref_slice %arg2[%dma_start3A_27, %dma_start3A_28] : memref<248832x128xf32, #tpu.memory_space<hbm>> -> memref<248832x128xf32, #tpu.memory_space<hbm>>
      tpu.enqueue_indirect_dma source(%dma_start3A_29 : memref<248832x128xf32, #tpu.memory_space<hbm>>) target(%dma_start3A_23 : memref<128x128xf32, #tpu.memory_space<vmem>>) offsets(%dma_start3A_26 : memref<128xi32, #tpu.memory_space<vmem>>) semaphore(%arg14 : memref<!tpu.dma_semaphore, #tpu.memory_space<semaphore_mem>>)
      %dma_wait3A = arith.constant 0 : i32
      %dma_wait3A_30 = arith.constant 0 : i32
      %dma_wait3A_31 = tpu.memref_slice %arg11[%dma_wait3A, %dma_wait3A_30] : memref<256x128xf32, #tpu.memory_space<vmem>> -> memref<128x128xf32, #tpu.memory_space<vmem>>
      %dma_wait3A_32 = arith.constant 0 : i32
      %dma_wait3A_33 = tpu.memref_slice %arg8[%add3A_21, %dma_wait3A_32] : memref<84x128xi32, #tpu.memory_space<vmem>> -> memref<1x128xi32, #tpu.memory_space<vmem>>
      %dma_wait3A_34 = tpu.memref_squeeze %dma_wait3A_33 : memref<1x128xi32, #tpu.memory_space<vmem>> -> memref<128xi32, #tpu.memory_space<vmem>>
      %dma_wait3A_35 = arith.constant 0 : i32
      %dma_wait3A_36 = arith.constant 0 : i32
      %dma_wait3A_37 = tpu.memref_slice %arg2[%dma_wait3A_35, %dma_wait3A_36] : memref<248832x128xf32, #tpu.memory_space<hbm>> -> memref<248832x128xf32, #tpu.memory_space<hbm>>
      tpu.wait_indirect_dma semaphore(%arg14 : memref<!tpu.dma_semaphore, #tpu.memory_space<semaphore_mem>>) src(%dma_wait3A_37 : memref<248832x128xf32, #tpu.memory_space<hbm>>) dst(%dma_wait3A_31 : memref<128x128xf32, #tpu.memory_space<vmem>>)
      %mul3A_38 = arith.constant 4 : i32
      %mul3A_39 = arith.muli %scan3A_15, %mul3A_38 : i32
      %add3A_40 = arith.constant 0 : i32
      %add3A_41 = arith.addi %mul3A_39, %add3A_40 : i32
      %add3A_42 = arith.constant 1 : i32
      %add3A_43 = arith.addi %add3A_41, %add3A_42 : i32
      %dma_start3A_44 = arith.constant 128 : i32
      %dma_start3A_45 = arith.constant 0 : i32
      %dma_start3A_46 = tpu.memref_slice %arg11[%dma_start3A_44, %dma_start3A_45] : memref<256x128xf32, #tpu.memory_space<vmem>> -> memref<128x128xf32, #tpu.memory_space<vmem>>
      %dma_start3A_47 = arith.constant 0 : i32
      %dma_start3A_48 = tpu.memref_slice %arg8[%add3A_43, %dma_start3A_47] : memref<84x128xi32, #tpu.memory_space<vmem>> -> memref<1x128xi32, #tpu.memory_space<vmem>>
      %dma_start3A_49 = tpu.memref_squeeze %dma_start3A_48 : memref<1x128xi32, #tpu.memory_space<vmem>> -> memref<128xi32, #tpu.memory_space<vmem>>
      %dma_start3A_50 = arith.constant 0 : i32
      %dma_start3A_51 = arith.constant 0 : i32
      %dma_start3A_52 = tpu.memref_slice %arg2[%dma_start3A_50, %dma_start3A_51] : memref<248832x128xf32, #tpu.memory_space<hbm>> -> memref<248832x128xf32, #tpu.memory_space<hbm>>
      tpu.enqueue_indirect_dma source(%dma_start3A_52 : memref<248832x128xf32, #tpu.memory_space<hbm>>) target(%dma_start3A_46 : memref<128x128xf32, #tpu.memory_space<vmem>>) offsets(%dma_start3A_49 : memref<128xi32, #tpu.memory_space<vmem>>) semaphore(%arg14 : memref<!tpu.dma_semaphore, #tpu.memory_space<semaphore_mem>>)
      %dma_wait3A_53 = arith.constant 128 : i32
      %dma_wait3A_54 = arith.constant 0 : i32
      %dma_wait3A_55 = tpu.memref_slice %arg11[%dma_wait3A_53, %dma_wait3A_54] : memref<256x128xf32, #tpu.memory_space<vmem>> -> memref<128x128xf32, #tpu.memory_space<vmem>>
      %dma_wait3A_56 = arith.constant 0 : i32
      %dma_wait3A_57 = tpu.memref_slice %arg8[%add3A_43, %dma_wait3A_56] : memref<84x128xi32, #tpu.memory_space<vmem>> -> memref<1x128xi32, #tpu.memory_space<vmem>>
      %dma_wait3A_58 = tpu.memref_squeeze %dma_wait3A_57 : memref<1x128xi32, #tpu.memory_space<vmem>> -> memref<128xi32, #tpu.memory_space<vmem>>
      %dma_wait3A_59 = arith.constant 0 : i32
      %dma_wait3A_60 = arith.constant 0 : i32
      %dma_wait3A_61 = tpu.memref_slice %arg2[%dma_wait3A_59, %dma_wait3A_60] : memref<248832x128xf32, #tpu.memory_space<hbm>> -> memref<248832x128xf32, #tpu.memory_space<hbm>>
      tpu.wait_indirect_dma semaphore(%arg14 : memref<!tpu.dma_semaphore, #tpu.memory_space<semaphore_mem>>) src(%dma_wait3A_61 : memref<248832x128xf32, #tpu.memory_space<hbm>>) dst(%dma_wait3A_55 : memref<128x128xf32, #tpu.memory_space<vmem>>)
      %scan3A_62 = arith.constant 0 : i32
      %scan3A_63 = arith.constant 0 : i32
      %scan3A_64 = arith.constant 32 : i32
      %scan3A_65 = arith.addi %scan3A_63, %scan3A_64 : i32
      %scan3A_66 = arith.constant 1 : i32
      scf.for %scan3A_122 = %scan3A_63 to %scan3A_65 step %scan3A_66  : i32 {
        %mul3A_123 = arith.constant 512 : i32
        %mul3A_124 = arith.muli %scan3A_15, %mul3A_123 : i32
        %add3A_125 = arith.constant 0 : i32
        %add3A_126 = arith.addi %mul3A_124, %add3A_125 : i32
        %mul3A_127 = arith.constant 8 : i32
        %mul3A_128 = arith.muli %scan3A_122, %mul3A_127 : i32
        %add3A_129 = arith.addi %add3A_126, %mul3A_128 : i32
        %broadcast_in_dim3A = arith.constant 0.000000e+00 : f32
        %broadcast_in_dim3A_130 = vector.broadcast %broadcast_in_dim3A : f32 to vector<16xf32>
        %add3A_131 = arith.constant 0 : i32
        %add3A_132 = arith.addi %add3A_129, %add3A_131 : i32
        %broadcast_in_dim3A_133 = vector.broadcast %add3A_132 : i32 to vector<16xi32>
        %gather3A = tpu.vector_load_idx %arg10[%broadcast_in_dim3A_133] : memref<10752xf32, #tpu.memory_space<vmem>>[vector<16xi32>], vector<16xf32>,
        %mul3A_134 = arith.constant 8 : i32
        %mul3A_135 = arith.muli %scan3A_122, %mul3A_134 : i32
        %add3A_136 = arith.constant 0 : i32
        %add3A_137 = arith.addi %mul3A_135, %add3A_136 : i32
        %get3A = arith.index_cast %add3A_137 : i32 to index
        %get3A_138 = arith.constant 0 : index
        %get3A_139 = tpu.vector_load %arg11[%get3A, %get3A_138] {strides = array<i32>} : memref<256x128xf32, #tpu.memory_space<vmem>>, vector<16xf32>,
        %mul3A_140 = arith.mulf %gather3A, %get3A_139 : vector<16xf32>
        %add3A_141 = arith.addf %broadcast_in_dim3A_130, %mul3A_140 : vector<16xf32>
        %mul3A_142 = arith.constant 8 : i32
        %mul3A_143 = arith.muli %scan3A_122, %mul3A_142 : i32
        %add3A_144 = arith.constant 0 : i32
        %add3A_145 = arith.addi %mul3A_143, %add3A_144 : i32
        %get3A_146 = arith.index_cast %add3A_145 : i32 to index
        %get3A_147 = arith.constant 16 : index
        %get3A_148 = tpu.vector_load %arg11[%get3A_146, %get3A_147] {strides = array<i32>} : memref<256x128xf32, #tpu.memory_space<vmem>>, vector<16xf32>,
        %mul3A_149 = arith.mulf %gather3A, %get3A_148 : vector<16xf32>
        %add3A_150 = arith.addf %broadcast_in_dim3A_130, %mul3A_149 : vector<16xf32>
        %mul3A_151 = arith.constant 8 : i32
        %mul3A_152 = arith.muli %scan3A_122, %mul3A_151 : i32
        %add3A_153 = arith.constant 0 : i32
        %add3A_154 = arith.addi %mul3A_152, %add3A_153 : i32
        %get3A_155 = arith.index_cast %add3A_154 : i32 to index
        %get3A_156 = arith.constant 32 : index
        %get3A_157 = tpu.vector_load %arg11[%get3A_155, %get3A_156] {strides = array<i32>} : memref<256x128xf32, #tpu.memory_space<vmem>>, vector<16xf32>,
        %mul3A_158 = arith.mulf %gather3A, %get3A_157 : vector<16xf32>
        %add3A_159 = arith.addf %broadcast_in_dim3A_130, %mul3A_158 : vector<16xf32>
        %mul3A_160 = arith.constant 8 : i32
        %mul3A_161 = arith.muli %scan3A_122, %mul3A_160 : i32
        %add3A_162 = arith.constant 0 : i32
        %add3A_163 = arith.addi %mul3A_161, %add3A_162 : i32
        %get3A_164 = arith.index_cast %add3A_163 : i32 to index
        %get3A_165 = arith.constant 48 : index
        %get3A_166 = tpu.vector_load %arg11[%get3A_164, %get3A_165] {strides = array<i32>} : memref<256x128xf32, #tpu.memory_space<vmem>>, vector<16xf32>,
        %mul3A_167 = arith.mulf %gather3A, %get3A_166 : vector<16xf32>
        %add3A_168 = arith.addf %broadcast_in_dim3A_130, %mul3A_167 : vector<16xf32>
        %mul3A_169 = arith.constant 8 : i32
        %mul3A_170 = arith.muli %scan3A_122, %mul3A_169 : i32
        %add3A_171 = arith.constant 0 : i32
        %add3A_172 = arith.addi %mul3A_170, %add3A_171 : i32
        %get3A_173 = arith.index_cast %add3A_172 : i32 to index
        %get3A_174 = arith.constant 64 : index
        %get3A_175 = tpu.vector_load %arg11[%get3A_173, %get3A_174] {strides = array<i32>} : memref<256x128xf32, #tpu.memory_space<vmem>>, vector<16xf32>,
        %mul3A_176 = arith.mulf %gather3A, %get3A_175 : vector<16xf32>
        %add3A_177 = arith.addf %broadcast_in_dim3A_130, %mul3A_176 : vector<16xf32>
        %mul3A_178 = arith.constant 8 : i32
        %mul3A_179 = arith.muli %scan3A_122, %mul3A_178 : i32
        %add3A_180 = arith.constant 0 : i32
        %add3A_181 = arith.addi %mul3A_179, %add3A_180 : i32
        %get3A_182 = arith.index_cast %add3A_181 : i32 to index
        %get3A_183 = arith.constant 80 : index
        %get3A_184 = tpu.vector_load %arg11[%get3A_182, %get3A_183] {strides = array<i32>} : memref<256x128xf32, #tpu.memory_space<vmem>>, vector<16xf32>,
        %mul3A_185 = arith.mulf %gather3A, %get3A_184 : vector<16xf32>
        %add3A_186 = arith.addf %broadcast_in_dim3A_130, %mul3A_185 : vector<16xf32>
        %mul3A_187 = arith.constant 8 : i32
        %mul3A_188 = arith.muli %scan3A_122, %mul3A_187 : i32
        %add3A_189 = arith.constant 0 : i32
        %add3A_190 = arith.addi %mul3A_188, %add3A_189 : i32
        %get3A_191 = arith.index_cast %add3A_190 : i32 to index
        %get3A_192 = arith.constant 96 : index
        %get3A_193 = tpu.vector_load %arg11[%get3A_191, %get3A_192] {strides = array<i32>} : memref<256x128xf32, #tpu.memory_space<vmem>>, vector<16xf32>,
        %mul3A_194 = arith.mulf %gather3A, %get3A_193 : vector<16xf32>
        %add3A_195 = arith.addf %broadcast_in_dim3A_130, %mul3A_194 : vector<16xf32>
        %mul3A_196 = arith.constant 8 : i32
        %mul3A_197 = arith.muli %scan3A_122, %mul3A_196 : i32
        %add3A_198 = arith.constant 0 : i32
        %add3A_199 = arith.addi %mul3A_197, %add3A_198 : i32
        %get3A_200 = arith.index_cast %add3A_199 : i32 to index
        %get3A_201 = arith.constant 112 : index
        %get3A_202 = tpu.vector_load %arg11[%get3A_200, %get3A_201] {strides = array<i32>} : memref<256x128xf32, #tpu.memory_space<vmem>>, vector<16xf32>,
        %mul3A_203 = arith.mulf %gather3A, %get3A_202 : vector<16xf32>
        %add3A_204 = arith.addf %broadcast_in_dim3A_130, %mul3A_203 : vector<16xf32>
        %add3A_205 = arith.constant 1 : i32
        %add3A_206 = arith.addi %add3A_129, %add3A_205 : i32
        %broadcast_in_dim3A_207 = vector.broadcast %add3A_206 : i32 to vector<16xi32>
        %gather3A_208 = tpu.vector_load_idx %arg10[%broadcast_in_dim3A_207] : memref<10752xf32, #tpu.memory_space<vmem>>[vector<16xi32>], vector<16xf32>,
        %mul3A_209 = arith.constant 8 : i32
        %mul3A_210 = arith.muli %scan3A_122, %mul3A_209 : i32
        %add3A_211 = arith.constant 1 : i32
        %add3A_212 = arith.addi %mul3A_210, %add3A_211 : i32
        %get3A_213 = arith.index_cast %add3A_212 : i32 to index
        %get3A_214 = arith.constant 0 : index
        %get3A_215 = tpu.vector_load %arg11[%get3A_213, %get3A_214] {strides = array<i32>} : memref<256x128xf32, #tpu.memory_space<vmem>>, vector<16xf32>,
        %mul3A_216 = arith.mulf %gather3A_208, %get3A_215 : vector<16xf32>
        %add3A_217 = arith.addf %add3A_141, %mul3A_216 : vector<16xf32>
        %mul3A_218 = arith.constant 8 : i32
        %mul3A_219 = arith.muli %scan3A_122, %mul3A_218 : i32
        %add3A_220 = arith.constant 1 : i32
        %add3A_221 = arith.addi %mul3A_219, %add3A_220 : i32
        %get3A_222 = arith.index_cast %add3A_221 : i32 to index
        %get3A_223 = arith.constant 16 : index
        %get3A_224 = tpu.vector_load %arg11[%get3A_222, %get3A_223] {strides = array<i32>} : memref<256x128xf32, #tpu.memory_space<vmem>>, vector<16xf32>,
        %mul3A_225 = arith.mulf %gather3A_208, %get3A_224 : vector<16xf32>
        %add3A_226 = arith.addf %add3A_150, %mul3A_225 : vector<16xf32>
        %mul3A_227 = arith.constant 8 : i32
        %mul3A_228 = arith.muli %scan3A_122, %mul3A_227 : i32
        %add3A_229 = arith.constant 1 : i32
        %add3A_230 = arith.addi %mul3A_228, %add3A_229 : i32
        %get3A_231 = arith.index_cast %add3A_230 : i32 to index
        %get3A_232 = arith.constant 32 : index
        %get3A_233 = tpu.vector_load %arg11[%get3A_231, %get3A_232] {strides = array<i32>} : memref<256x128xf32, #tpu.memory_space<vmem>>, vector<16xf32>,
        %mul3A_234 = arith.mulf %gather3A_208, %get3A_233 : vector<16xf32>
        %add3A_235 = arith.addf %add3A_159, %mul3A_234 : vector<16xf32>
        %mul3A_236 = arith.constant 8 : i32
        %mul3A_237 = arith.muli %scan3A_122, %mul3A_236 : i32
        %add3A_238 = arith.constant 1 : i32
        %add3A_239 = arith.addi %mul3A_237, %add3A_238 : i32
        %get3A_240 = arith.index_cast %add3A_239 : i32 to index
        %get3A_241 = arith.constant 48 : index
        %get3A_242 = tpu.vector_load %arg11[%get3A_240, %get3A_241] {strides = array<i32>} : memref<256x128xf32, #tpu.memory_space<vmem>>, vector<16xf32>,
        %mul3A_243 = arith.mulf %gather3A_208, %get3A_242 : vector<16xf32>
        %add3A_244 = arith.addf %add3A_168, %mul3A_243 : vector<16xf32>
        %mul3A_245 = arith.constant 8 : i32
        %mul3A_246 = arith.muli %scan3A_122, %mul3A_245 : i32
        %add3A_247 = arith.constant 1 : i32
        %add3A_248 = arith.addi %mul3A_246, %add3A_247 : i32
        %get3A_249 = arith.index_cast %add3A_248 : i32 to index
        %get3A_250 = arith.constant 64 : index
        %get3A_251 = tpu.vector_load %arg11[%get3A_249, %get3A_250] {strides = array<i32>} : memref<256x128xf32, #tpu.memory_space<vmem>>, vector<16xf32>,
        %mul3A_252 = arith.mulf %gather3A_208, %get3A_251 : vector<16xf32>
        %add3A_253 = arith.addf %add3A_177, %mul3A_252 : vector<16xf32>
        %mul3A_254 = arith.constant 8 : i32
        %mul3A_255 = arith.muli %scan3A_122, %mul3A_254 : i32
        %add3A_256 = arith.constant 1 : i32
        %add3A_257 = arith.addi %mul3A_255, %add3A_256 : i32
        %get3A_258 = arith.index_cast %add3A_257 : i32 to index
        %get3A_259 = arith.constant 80 : index
        %get3A_260 = tpu.vector_load %arg11[%get3A_258, %get3A_259] {strides = array<i32>} : memref<256x128xf32, #tpu.memory_space<vmem>>, vector<16xf32>,
        %mul3A_261 = arith.mulf %gather3A_208, %get3A_260 : vector<16xf32>
        %add3A_262 = arith.addf %add3A_186, %mul3A_261 : vector<16xf32>
        %mul3A_263 = arith.constant 8 : i32
        %mul3A_264 = arith.muli %scan3A_122, %mul3A_263 : i32
        %add3A_265 = arith.constant 1 : i32
        %add3A_266 = arith.addi %mul3A_264, %add3A_265 : i32
        %get3A_267 = arith.index_cast %add3A_266 : i32 to index
        %get3A_268 = arith.constant 96 : index
        %get3A_269 = tpu.vector_load %arg11[%get3A_267, %get3A_268] {strides = array<i32>} : memref<256x128xf32, #tpu.memory_space<vmem>>, vector<16xf32>,
        %mul3A_270 = arith.mulf %gather3A_208, %get3A_269 : vector<16xf32>
        %add3A_271 = arith.addf %add3A_195, %mul3A_270 : vector<16xf32>
        %mul3A_272 = arith.constant 8 : i32
        %mul3A_273 = arith.muli %scan3A_122, %mul3A_272 : i32
        %add3A_274 = arith.constant 1 : i32
        %add3A_275 = arith.addi %mul3A_273, %add3A_274 : i32
        %get3A_276 = arith.index_cast %add3A_275 : i32 to index
        %get3A_277 = arith.constant 112 : index
        %get3A_278 = tpu.vector_load %arg11[%get3A_276, %get3A_277] {strides = array<i32>} : memref<256x128xf32, #tpu.memory_space<vmem>>, vector<16xf32>,
        %mul3A_279 = arith.mulf %gather3A_208, %get3A_278 : vector<16xf32>
        %add3A_280 = arith.addf %add3A_204, %mul3A_279 : vector<16xf32>
        %add3A_281 = arith.constant 2 : i32
        %add3A_282 = arith.addi %add3A_129, %add3A_281 : i32
        %broadcast_in_dim3A_283 = vector.broadcast %add3A_282 : i32 to vector<16xi32>
        %gather3A_284 = tpu.vector_load_idx %arg10[%broadcast_in_dim3A_283] : memref<10752xf32, #tpu.memory_space<vmem>>[vector<16xi32>], vector<16xf32>,
        %mul3A_285 = arith.constant 8 : i32
        %mul3A_286 = arith.muli %scan3A_122, %mul3A_285 : i32
        %add3A_287 = arith.constant 2 : i32
        %add3A_288 = arith.addi %mul3A_286, %add3A_287 : i32
        %get3A_289 = arith.index_cast %add3A_288 : i32 to index
        %get3A_290 = arith.constant 0 : index
        %get3A_291 = tpu.vector_load %arg11[%get3A_289, %get3A_290] {strides = array<i32>} : memref<256x128xf32, #tpu.memory_space<vmem>>, vector<16xf32>,
        %mul3A_292 = arith.mulf %gather3A_284, %get3A_291 : vector<16xf32>
        %add3A_293 = arith.addf %add3A_217, %mul3A_292 : vector<16xf32>
        %mul3A_294 = arith.constant 8 : i32
        %mul3A_295 = arith.muli %scan3A_122, %mul3A_294 : i32
        %add3A_296 = arith.constant 2 : i32
        %add3A_297 = arith.addi %mul3A_295, %add3A_296 : i32
        %get3A_298 = arith.index_cast %add3A_297 : i32 to index
        %get3A_299 = arith.constant 16 : index
        %get3A_300 = tpu.vector_load %arg11[%get3A_298, %get3A_299] {strides = array<i32>} : memref<256x128xf32, #tpu.memory_space<vmem>>, vector<16xf32>,
        %mul3A_301 = arith.mulf %gather3A_284, %get3A_300 : vector<16xf32>
        %add3A_302 = arith.addf %add3A_226, %mul3A_301 : vector<16xf32>
        %mul3A_303 = arith.constant 8 : i32
        %mul3A_304 = arith.muli %scan3A_122, %mul3A_303 : i32
        %add3A_305 = arith.constant 2 : i32
        %add3A_306 = arith.addi %mul3A_304, %add3A_305 : i32
        %get3A_307 = arith.index_cast %add3A_306 : i32 to index
        %get3A_308 = arith.constant 32 : index
        %get3A_309 = tpu.vector_load %arg11[%get3A_307, %get3A_308] {strides = array<i32>} : memref<256x128xf32, #tpu.memory_space<vmem>>, vector<16xf32>,
        %mul3A_310 = arith.mulf %gather3A_284, %get3A_309 : vector<16xf32>
        %add3A_311 = arith.addf %add3A_235, %mul3A_310 : vector<16xf32>
        %mul3A_312 = arith.constant 8 : i32
        %mul3A_313 = arith.muli %scan3A_122, %mul3A_312 : i32
        %add3A_314 = arith.constant 2 : i32
        %add3A_315 = arith.addi %mul3A_313, %add3A_314 : i32
        %get3A_316 = arith.index_cast %add3A_315 : i32 to index
        %get3A_317 = arith.constant 48 : index
        %get3A_318 = tpu.vector_load %arg11[%get3A_316, %get3A_317] {strides = array<i32>} : memref<256x128xf32, #tpu.memory_space<vmem>>, vector<16xf32>,
        %mul3A_319 = arith.mulf %gather3A_284, %get3A_318 : vector<16xf32>
        %add3A_320 = arith.addf %add3A_244, %mul3A_319 : vector<16xf32>
        %mul3A_321 = arith.constant 8 : i32
        %mul3A_322 = arith.muli %scan3A_122, %mul3A_321 : i32
        %add3A_323 = arith.constant 2 : i32
        %add3A_324 = arith.addi %mul3A_322, %add3A_323 : i32
        %get3A_325 = arith.index_cast %add3A_324 : i32 to index
        %get3A_326 = arith.constant 64 : index
        %get3A_327 = tpu.vector_load %arg11[%get3A_325, %get3A_326] {strides = array<i32>} : memref<256x128xf32, #tpu.memory_space<vmem>>, vector<16xf32>,
        %mul3A_328 = arith.mulf %gather3A_284, %get3A_327 : vector<16xf32>
        %add3A_329 = arith.addf %add3A_253, %mul3A_328 : vector<16xf32>
        %mul3A_330 = arith.constant 8 : i32
        %mul3A_331 = arith.muli %scan3A_122, %mul3A_330 : i32
        %add3A_332 = arith.constant 2 : i32
        %add3A_333 = arith.addi %mul3A_331, %add3A_332 : i32
        %get3A_334 = arith.index_cast %add3A_333 : i32 to index
        %get3A_335 = arith.constant 80 : index
        %get3A_336 = tpu.vector_load %arg11[%get3A_334, %get3A_335] {strides = array<i32>} : memref<256x128xf32, #tpu.memory_space<vmem>>, vector<16xf32>,
        %mul3A_337 = arith.mulf %gather3A_284, %get3A_336 : vector<16xf32>
        %add3A_338 = arith.addf %add3A_262, %mul3A_337 : vector<16xf32>
        %mul3A_339 = arith.constant 8 : i32
        %mul3A_340 = arith.muli %scan3A_122, %mul3A_339 : i32
        %add3A_341 = arith.constant 2 : i32
        %add3A_342 = arith.addi %mul3A_340, %add3A_341 : i32
        %get3A_343 = arith.index_cast %add3A_342 : i32 to index
        %get3A_344 = arith.constant 96 : index
        %get3A_345 = tpu.vector_load %arg11[%get3A_343, %get3A_344] {strides = array<i32>} : memref<256x128xf32, #tpu.memory_space<vmem>>, vector<16xf32>,
        %mul3A_346 = arith.mulf %gather3A_284, %get3A_345 : vector<16xf32>
        %add3A_347 = arith.addf %add3A_271, %mul3A_346 : vector<16xf32>
        %mul3A_348 = arith.constant 8 : i32
        %mul3A_349 = arith.muli %scan3A_122, %mul3A_348 : i32
        %add3A_350 = arith.constant 2 : i32
        %add3A_351 = arith.addi %mul3A_349, %add3A_350 : i32
        %get3A_352 = arith.index_cast %add3A_351 : i32 to index
        %get3A_353 = arith.constant 112 : index
        %get3A_354 = tpu.vector_load %arg11[%get3A_352, %get3A_353] {strides = array<i32>} : memref<256x128xf32, #tpu.memory_space<vmem>>, vector<16xf32>,
        %mul3A_355 = arith.mulf %gather3A_284, %get3A_354 : vector<16xf32>
        %add3A_356 = arith.addf %add3A_280, %mul3A_355 : vector<16xf32>
        %add3A_357 = arith.constant 3 : i32
        %add3A_358 = arith.addi %add3A_129, %add3A_357 : i32
        %broadcast_in_dim3A_359 = vector.broadcast %add3A_358 : i32 to vector<16xi32>
        %gather3A_360 = tpu.vector_load_idx %arg10[%broadcast_in_dim3A_359] : memref<10752xf32, #tpu.memory_space<vmem>>[vector<16xi32>], vector<16xf32>,
        %mul3A_361 = arith.constant 8 : i32
        %mul3A_362 = arith.muli %scan3A_122, %mul3A_361 : i32
        %add3A_363 = arith.constant 3 : i32
        %add3A_364 = arith.addi %mul3A_362, %add3A_363 : i32
        %get3A_365 = arith.index_cast %add3A_364 : i32 to index
        %get3A_366 = arith.constant 0 : index
        %get3A_367 = tpu.vector_load %arg11[%get3A_365, %get3A_366] {strides = array<i32>} : memref<256x128xf32, #tpu.memory_space<vmem>>, vector<16xf32>,
        %mul3A_368 = arith.mulf %gather3A_360, %get3A_367 : vector<16xf32>
        %add3A_369 = arith.addf %add3A_293, %mul3A_368 : vector<16xf32>
        %mul3A_370 = arith.constant 8 : i32
        %mul3A_371 = arith.muli %scan3A_122, %mul3A_370 : i32
        %add3A_372 = arith.constant 3 : i32
        %add3A_373 = arith.addi %mul3A_371, %add3A_372 : i32
        %get3A_374 = arith.index_cast %add3A_373 : i32 to index
        %get3A_375 = arith.constant 16 : index
        %get3A_376 = tpu.vector_load %arg11[%get3A_374, %get3A_375] {strides = array<i32>} : memref<256x128xf32, #tpu.memory_space<vmem>>, vector<16xf32>,
        %mul3A_377 = arith.mulf %gather3A_360, %get3A_376 : vector<16xf32>
        %add3A_378 = arith.addf %add3A_302, %mul3A_377 : vector<16xf32>
        %mul3A_379 = arith.constant 8 : i32
        %mul3A_380 = arith.muli %scan3A_122, %mul3A_379 : i32
        %add3A_381 = arith.constant 3 : i32
        %add3A_382 = arith.addi %mul3A_380, %add3A_381 : i32
        %get3A_383 = arith.index_cast %add3A_382 : i32 to index
        %get3A_384 = arith.constant 32 : index
        %get3A_385 = tpu.vector_load %arg11[%get3A_383, %get3A_384] {strides = array<i32>} : memref<256x128xf32, #tpu.memory_space<vmem>>, vector<16xf32>,
        %mul3A_386 = arith.mulf %gather3A_360, %get3A_385 : vector<16xf32>
        %add3A_387 = arith.addf %add3A_311, %mul3A_386 : vector<16xf32>
        %mul3A_388 = arith.constant 8 : i32
        %mul3A_389 = arith.muli %scan3A_122, %mul3A_388 : i32
        %add3A_390 = arith.constant 3 : i32
        %add3A_391 = arith.addi %mul3A_389, %add3A_390 : i32
        %get3A_392 = arith.index_cast %add3A_391 : i32 to index
        %get3A_393 = arith.constant 48 : index
        %get3A_394 = tpu.vector_load %arg11[%get3A_392, %get3A_393] {strides = array<i32>} : memref<256x128xf32, #tpu.memory_space<vmem>>, vector<16xf32>,
        %mul3A_395 = arith.mulf %gather3A_360, %get3A_394 : vector<16xf32>
        %add3A_396 = arith.addf %add3A_320, %mul3A_395 : vector<16xf32>
        %mul3A_397 = arith.constant 8 : i32
        %mul3A_398 = arith.muli %scan3A_122, %mul3A_397 : i32
        %add3A_399 = arith.constant 3 : i32
        %add3A_400 = arith.addi %mul3A_398, %add3A_399 : i32
        %get3A_401 = arith.index_cast %add3A_400 : i32 to index
        %get3A_402 = arith.constant 64 : index
        %get3A_403 = tpu.vector_load %arg11[%get3A_401, %get3A_402] {strides = array<i32>} : memref<256x128xf32, #tpu.memory_space<vmem>>, vector<16xf32>,
        %mul3A_404 = arith.mulf %gather3A_360, %get3A_403 : vector<16xf32>
        %add3A_405 = arith.addf %add3A_329, %mul3A_404 : vector<16xf32>
        %mul3A_406 = arith.constant 8 : i32
        %mul3A_407 = arith.muli %scan3A_122, %mul3A_406 : i32
        %add3A_408 = arith.constant 3 : i32
        %add3A_409 = arith.addi %mul3A_407, %add3A_408 : i32
        %get3A_410 = arith.index_cast %add3A_409 : i32 to index
        %get3A_411 = arith.constant 80 : index
        %get3A_412 = tpu.vector_load %arg11[%get3A_410, %get3A_411] {strides = array<i32>} : memref<256x128xf32, #tpu.memory_space<vmem>>, vector<16xf32>,
        %mul3A_413 = arith.mulf %gather3A_360, %get3A_412 : vector<16xf32>
        %add3A_414 = arith.addf %add3A_338, %mul3A_413 : vector<16xf32>
        %mul3A_415 = arith.constant 8 : i32
        %mul3A_416 = arith.muli %scan3A_122, %mul3A_415 : i32
        %add3A_417 = arith.constant 3 : i32
        %add3A_418 = arith.addi %mul3A_416, %add3A_417 : i32
        %get3A_419 = arith.index_cast %add3A_418 : i32 to index
        %get3A_420 = arith.constant 96 : index
        %get3A_421 = tpu.vector_load %arg11[%get3A_419, %get3A_420] {strides = array<i32>} : memref<256x128xf32, #tpu.memory_space<vmem>>, vector<16xf32>,
        %mul3A_422 = arith.mulf %gather3A_360, %get3A_421 : vector<16xf32>
        %add3A_423 = arith.addf %add3A_347, %mul3A_422 : vector<16xf32>
        %mul3A_424 = arith.constant 8 : i32
        %mul3A_425 = arith.muli %scan3A_122, %mul3A_424 : i32
        %add3A_426 = arith.constant 3 : i32
        %add3A_427 = arith.addi %mul3A_425, %add3A_426 : i32
        %get3A_428 = arith.index_cast %add3A_427 : i32 to index
        %get3A_429 = arith.constant 112 : index
        %get3A_430 = tpu.vector_load %arg11[%get3A_428, %get3A_429] {strides = array<i32>} : memref<256x128xf32, #tpu.memory_space<vmem>>, vector<16xf32>,
        %mul3A_431 = arith.mulf %gather3A_360, %get3A_430 : vector<16xf32>
        %add3A_432 = arith.addf %add3A_356, %mul3A_431 : vector<16xf32>
        %add3A_433 = arith.constant 4 : i32
        %add3A_434 = arith.addi %add3A_129, %add3A_433 : i32
        %broadcast_in_dim3A_435 = vector.broadcast %add3A_434 : i32 to vector<16xi32>
        %gather3A_436 = tpu.vector_load_idx %arg10[%broadcast_in_dim3A_435] : memref<10752xf32, #tpu.memory_space<vmem>>[vector<16xi32>], vector<16xf32>,
        %mul3A_437 = arith.constant 8 : i32
        %mul3A_438 = arith.muli %scan3A_122, %mul3A_437 : i32
        %add3A_439 = arith.constant 4 : i32
        %add3A_440 = arith.addi %mul3A_438, %add3A_439 : i32
        %get3A_441 = arith.index_cast %add3A_440 : i32 to index
        %get3A_442 = arith.constant 0 : index
        %get3A_443 = tpu.vector_load %arg11[%get3A_441, %get3A_442] {strides = array<i32>} : memref<256x128xf32, #tpu.memory_space<vmem>>, vector<16xf32>,
        %mul3A_444 = arith.mulf %gather3A_436, %get3A_443 : vector<16xf32>
        %add3A_445 = arith.addf %add3A_369, %mul3A_444 : vector<16xf32>
        %mul3A_446 = arith.constant 8 : i32
        %mul3A_447 = arith.muli %scan3A_122, %mul3A_446 : i32
        %add3A_448 = arith.constant 4 : i32
        %add3A_449 = arith.addi %mul3A_447, %add3A_448 : i32
        %get3A_450 = arith.index_cast %add3A_449 : i32 to index
        %get3A_451 = arith.constant 16 : index
        %get3A_452 = tpu.vector_load %arg11[%get3A_450, %get3A_451] {strides = array<i32>} : memref<256x128xf32, #tpu.memory_space<vmem>>, vector<16xf32>,
        %mul3A_453 = arith.mulf %gather3A_436, %get3A_452 : vector<16xf32>
        %add3A_454 = arith.addf %add3A_378, %mul3A_453 : vector<16xf32>
        %mul3A_455 = arith.constant 8 : i32
        %mul3A_456 = arith.muli %scan3A_122, %mul3A_455 : i32
        %add3A_457 = arith.constant 4 : i32
        %add3A_458 = arith.addi %mul3A_456, %add3A_457 : i32
        %get3A_459 = arith.index_cast %add3A_458 : i32 to index
        %get3A_460 = arith.constant 32 : index
        %get3A_461 = tpu.vector_load %arg11[%get3A_459, %get3A_460] {strides = array<i32>} : memref<256x128xf32, #tpu.memory_space<vmem>>, vector<16xf32>,
        %mul3A_462 = arith.mulf %gather3A_436, %get3A_461 : vector<16xf32>
        %add3A_463 = arith.addf %add3A_387, %mul3A_462 : vector<16xf32>
        %mul3A_464 = arith.constant 8 : i32
        %mul3A_465 = arith.muli %scan3A_122, %mul3A_464 : i32
        %add3A_466 = arith.constant 4 : i32
        %add3A_467 = arith.addi %mul3A_465, %add3A_466 : i32
        %get3A_468 = arith.index_cast %add3A_467 : i32 to index
        %get3A_469 = arith.constant 48 : index
        %get3A_470 = tpu.vector_load %arg11[%get3A_468, %get3A_469] {strides = array<i32>} : memref<256x128xf32, #tpu.memory_space<vmem>>, vector<16xf32>,
        %mul3A_471 = arith.mulf %gather3A_436, %get3A_470 : vector<16xf32>
        %add3A_472 = arith.addf %add3A_396, %mul3A_471 : vector<16xf32>
        %mul3A_473 = arith.constant 8 : i32
        %mul3A_474 = arith.muli %scan3A_122, %mul3A_473 : i32
        %add3A_475 = arith.constant 4 : i32
        %add3A_476 = arith.addi %mul3A_474, %add3A_475 : i32
        %get3A_477 = arith.index_cast %add3A_476 : i32 to index
        %get3A_478 = arith.constant 64 : index
        %get3A_479 = tpu.vector_load %arg11[%get3A_477, %get3A_478] {strides = array<i32>} : memref<256x128xf32, #tpu.memory_space<vmem>>, vector<16xf32>,
        %mul3A_480 = arith.mulf %gather3A_436, %get3A_479 : vector<16xf32>
        %add3A_481 = arith.addf %add3A_405, %mul3A_480 : vector<16xf32>
        %mul3A_482 = arith.constant 8 : i32
        %mul3A_483 = arith.muli %scan3A_122, %mul3A_482 : i32
        %add3A_484 = arith.constant 4 : i32
        %add3A_485 = arith.addi %mul3A_483, %add3A_484 : i32
        %get3A_486 = arith.index_cast %add3A_485 : i32 to index
        %get3A_487 = arith.constant 80 : index
        %get3A_488 = tpu.vector_load %arg11[%get3A_486, %get3A_487] {strides = array<i32>} : memref<256x128xf32, #tpu.memory_space<vmem>>, vector<16xf32>,
        %mul3A_489 = arith.mulf %gather3A_436, %get3A_488 : vector<16xf32>
        %add3A_490 = arith.addf %add3A_414, %mul3A_489 : vector<16xf32>
        %mul3A_491 = arith.constant 8 : i32
        %mul3A_492 = arith.muli %scan3A_122, %mul3A_491 : i32
        %add3A_493 = arith.constant 4 : i32
        %add3A_494 = arith.addi %mul3A_492, %add3A_493 : i32
        %get3A_495 = arith.index_cast %add3A_494 : i32 to index
        %get3A_496 = arith.constant 96 : index
        %get3A_497 = tpu.vector_load %arg11[%get3A_495, %get3A_496] {strides = array<i32>} : memref<256x128xf32, #tpu.memory_space<vmem>>, vector<16xf32>,
        %mul3A_498 = arith.mulf %gather3A_436, %get3A_497 : vector<16xf32>
        %add3A_499 = arith.addf %add3A_423, %mul3A_498 : vector<16xf32>
        %mul3A_500 = arith.constant 8 : i32
        %mul3A_501 = arith.muli %scan3A_122, %mul3A_500 : i32
        %add3A_502 = arith.constant 4 : i32
        %add3A_503 = arith.addi %mul3A_501, %add3A_502 : i32
        %get3A_504 = arith.index_cast %add3A_503 : i32 to index
        %get3A_505 = arith.constant 112 : index
        %get3A_506 = tpu.vector_load %arg11[%get3A_504, %get3A_505] {strides = array<i32>} : memref<256x128xf32, #tpu.memory_space<vmem>>, vector<16xf32>,
        %mul3A_507 = arith.mulf %gather3A_436, %get3A_506 : vector<16xf32>
        %add3A_508 = arith.addf %add3A_432, %mul3A_507 : vector<16xf32>
        %add3A_509 = arith.constant 5 : i32
        %add3A_510 = arith.addi %add3A_129, %add3A_509 : i32
        %broadcast_in_dim3A_511 = vector.broadcast %add3A_510 : i32 to vector<16xi32>
        %gather3A_512 = tpu.vector_load_idx %arg10[%broadcast_in_dim3A_511] : memref<10752xf32, #tpu.memory_space<vmem>>[vector<16xi32>], vector<16xf32>,
        %mul3A_513 = arith.constant 8 : i32
        %mul3A_514 = arith.muli %scan3A_122, %mul3A_513 : i32
        %add3A_515 = arith.constant 5 : i32
        %add3A_516 = arith.addi %mul3A_514, %add3A_515 : i32
        %get3A_517 = arith.index_cast %add3A_516 : i32 to index
        %get3A_518 = arith.constant 0 : index
        %get3A_519 = tpu.vector_load %arg11[%get3A_517, %get3A_518] {strides = array<i32>} : memref<256x128xf32, #tpu.memory_space<vmem>>, vector<16xf32>,
        %mul3A_520 = arith.mulf %gather3A_512, %get3A_519 : vector<16xf32>
        %add3A_521 = arith.addf %add3A_445, %mul3A_520 : vector<16xf32>
        %mul3A_522 = arith.constant 8 : i32
        %mul3A_523 = arith.muli %scan3A_122, %mul3A_522 : i32
        %add3A_524 = arith.constant 5 : i32
        %add3A_525 = arith.addi %mul3A_523, %add3A_524 : i32
        %get3A_526 = arith.index_cast %add3A_525 : i32 to index
        %get3A_527 = arith.constant 16 : index
        %get3A_528 = tpu.vector_load %arg11[%get3A_526, %get3A_527] {strides = array<i32>} : memref<256x128xf32, #tpu.memory_space<vmem>>, vector<16xf32>,
        %mul3A_529 = arith.mulf %gather3A_512, %get3A_528 : vector<16xf32>
        %add3A_530 = arith.addf %add3A_454, %mul3A_529 : vector<16xf32>
        %mul3A_531 = arith.constant 8 : i32
        %mul3A_532 = arith.muli %scan3A_122, %mul3A_531 : i32
        %add3A_533 = arith.constant 5 : i32
        %add3A_534 = arith.addi %mul3A_532, %add3A_533 : i32
        %get3A_535 = arith.index_cast %add3A_534 : i32 to index
        %get3A_536 = arith.constant 32 : index
        %get3A_537 = tpu.vector_load %arg11[%get3A_535, %get3A_536] {strides = array<i32>} : memref<256x128xf32, #tpu.memory_space<vmem>>, vector<16xf32>,
        %mul3A_538 = arith.mulf %gather3A_512, %get3A_537 : vector<16xf32>
        %add3A_539 = arith.addf %add3A_463, %mul3A_538 : vector<16xf32>
        %mul3A_540 = arith.constant 8 : i32
        %mul3A_541 = arith.muli %scan3A_122, %mul3A_540 : i32
        %add3A_542 = arith.constant 5 : i32
        %add3A_543 = arith.addi %mul3A_541, %add3A_542 : i32
        %get3A_544 = arith.index_cast %add3A_543 : i32 to index
        %get3A_545 = arith.constant 48 : index
        %get3A_546 = tpu.vector_load %arg11[%get3A_544, %get3A_545] {strides = array<i32>} : memref<256x128xf32, #tpu.memory_space<vmem>>, vector<16xf32>,
        %mul3A_547 = arith.mulf %gather3A_512, %get3A_546 : vector<16xf32>
        %add3A_548 = arith.addf %add3A_472, %mul3A_547 : vector<16xf32>
        %mul3A_549 = arith.constant 8 : i32
        %mul3A_550 = arith.muli %scan3A_122, %mul3A_549 : i32
        %add3A_551 = arith.constant 5 : i32
        %add3A_552 = arith.addi %mul3A_550, %add3A_551 : i32
        %get3A_553 = arith.index_cast %add3A_552 : i32 to index
        %get3A_554 = arith.constant 64 : index
        %get3A_555 = tpu.vector_load %arg11[%get3A_553, %get3A_554] {strides = array<i32>} : memref<256x128xf32, #tpu.memory_space<vmem>>, vector<16xf32>,
        %mul3A_556 = arith.mulf %gather3A_512, %get3A_555 : vector<16xf32>
        %add3A_557 = arith.addf %add3A_481, %mul3A_556 : vector<16xf32>
        %mul3A_558 = arith.constant 8 : i32
        %mul3A_559 = arith.muli %scan3A_122, %mul3A_558 : i32
        %add3A_560 = arith.constant 5 : i32
        %add3A_561 = arith.addi %mul3A_559, %add3A_560 : i32
        %get3A_562 = arith.index_cast %add3A_561 : i32 to index
        %get3A_563 = arith.constant 80 : index
        %get3A_564 = tpu.vector_load %arg11[%get3A_562, %get3A_563] {strides = array<i32>} : memref<256x128xf32, #tpu.memory_space<vmem>>, vector<16xf32>,
        %mul3A_565 = arith.mulf %gather3A_512, %get3A_564 : vector<16xf32>
        %add3A_566 = arith.addf %add3A_490, %mul3A_565 : vector<16xf32>
        %mul3A_567 = arith.constant 8 : i32
        %mul3A_568 = arith.muli %scan3A_122, %mul3A_567 : i32
        %add3A_569 = arith.constant 5 : i32
        %add3A_570 = arith.addi %mul3A_568, %add3A_569 : i32
        %get3A_571 = arith.index_cast %add3A_570 : i32 to index
        %get3A_572 = arith.constant 96 : index
        %get3A_573 = tpu.vector_load %arg11[%get3A_571, %get3A_572] {strides = array<i32>} : memref<256x128xf32, #tpu.memory_space<vmem>>, vector<16xf32>,
        %mul3A_574 = arith.mulf %gather3A_512, %get3A_573 : vector<16xf32>
        %add3A_575 = arith.addf %add3A_499, %mul3A_574 : vector<16xf32>
        %mul3A_576 = arith.constant 8 : i32
        %mul3A_577 = arith.muli %scan3A_122, %mul3A_576 : i32
        %add3A_578 = arith.constant 5 : i32
        %add3A_579 = arith.addi %mul3A_577, %add3A_578 : i32
        %get3A_580 = arith.index_cast %add3A_579 : i32 to index
        %get3A_581 = arith.constant 112 : index
        %get3A_582 = tpu.vector_load %arg11[%get3A_580, %get3A_581] {strides = array<i32>} : memref<256x128xf32, #tpu.memory_space<vmem>>, vector<16xf32>,
        %mul3A_583 = arith.mulf %gather3A_512, %get3A_582 : vector<16xf32>
        %add3A_584 = arith.addf %add3A_508, %mul3A_583 : vector<16xf32>
        %add3A_585 = arith.constant 6 : i32
        %add3A_586 = arith.addi %add3A_129, %add3A_585 : i32
        %broadcast_in_dim3A_587 = vector.broadcast %add3A_586 : i32 to vector<16xi32>
        %gather3A_588 = tpu.vector_load_idx %arg10[%broadcast_in_dim3A_587] : memref<10752xf32, #tpu.memory_space<vmem>>[vector<16xi32>], vector<16xf32>,
        %mul3A_589 = arith.constant 8 : i32
        %mul3A_590 = arith.muli %scan3A_122, %mul3A_589 : i32
        %add3A_591 = arith.constant 6 : i32
        %add3A_592 = arith.addi %mul3A_590, %add3A_591 : i32
        %get3A_593 = arith.index_cast %add3A_592 : i32 to index
        %get3A_594 = arith.constant 0 : index
        %get3A_595 = tpu.vector_load %arg11[%get3A_593, %get3A_594] {strides = array<i32>} : memref<256x128xf32, #tpu.memory_space<vmem>>, vector<16xf32>,
        %mul3A_596 = arith.mulf %gather3A_588, %get3A_595 : vector<16xf32>
        %add3A_597 = arith.addf %add3A_521, %mul3A_596 : vector<16xf32>
        %mul3A_598 = arith.constant 8 : i32
        %mul3A_599 = arith.muli %scan3A_122, %mul3A_598 : i32
        %add3A_600 = arith.constant 6 : i32
        %add3A_601 = arith.addi %mul3A_599, %add3A_600 : i32
        %get3A_602 = arith.index_cast %add3A_601 : i32 to index
        %get3A_603 = arith.constant 16 : index
        %get3A_604 = tpu.vector_load %arg11[%get3A_602, %get3A_603] {strides = array<i32>} : memref<256x128xf32, #tpu.memory_space<vmem>>, vector<16xf32>,
        %mul3A_605 = arith.mulf %gather3A_588, %get3A_604 : vector<16xf32>
        %add3A_606 = arith.addf %add3A_530, %mul3A_605 : vector<16xf32>
        %mul3A_607 = arith.constant 8 : i32
        %mul3A_608 = arith.muli %scan3A_122, %mul3A_607 : i32
        %add3A_609 = arith.constant 6 : i32
        %add3A_610 = arith.addi %mul3A_608, %add3A_609 : i32
        %get3A_611 = arith.index_cast %add3A_610 : i32 to index
        %get3A_612 = arith.constant 32 : index
        %get3A_613 = tpu.vector_load %arg11[%get3A_611, %get3A_612] {strides = array<i32>} : memref<256x128xf32, #tpu.memory_space<vmem>>, vector<16xf32>,
        %mul3A_614 = arith.mulf %gather3A_588, %get3A_613 : vector<16xf32>
        %add3A_615 = arith.addf %add3A_539, %mul3A_614 : vector<16xf32>
        %mul3A_616 = arith.constant 8 : i32
        %mul3A_617 = arith.muli %scan3A_122, %mul3A_616 : i32
        %add3A_618 = arith.constant 6 : i32
        %add3A_619 = arith.addi %mul3A_617, %add3A_618 : i32
        %get3A_620 = arith.index_cast %add3A_619 : i32 to index
        %get3A_621 = arith.constant 48 : index
        %get3A_622 = tpu.vector_load %arg11[%get3A_620, %get3A_621] {strides = array<i32>} : memref<256x128xf32, #tpu.memory_space<vmem>>, vector<16xf32>,
        %mul3A_623 = arith.mulf %gather3A_588, %get3A_622 : vector<16xf32>
        %add3A_624 = arith.addf %add3A_548, %mul3A_623 : vector<16xf32>
        %mul3A_625 = arith.constant 8 : i32
        %mul3A_626 = arith.muli %scan3A_122, %mul3A_625 : i32
        %add3A_627 = arith.constant 6 : i32
        %add3A_628 = arith.addi %mul3A_626, %add3A_627 : i32
        %get3A_629 = arith.index_cast %add3A_628 : i32 to index
        %get3A_630 = arith.constant 64 : index
        %get3A_631 = tpu.vector_load %arg11[%get3A_629, %get3A_630] {strides = array<i32>} : memref<256x128xf32, #tpu.memory_space<vmem>>, vector<16xf32>,
        %mul3A_632 = arith.mulf %gather3A_588, %get3A_631 : vector<16xf32>
        %add3A_633 = arith.addf %add3A_557, %mul3A_632 : vector<16xf32>
        %mul3A_634 = arith.constant 8 : i32
        %mul3A_635 = arith.muli %scan3A_122, %mul3A_634 : i32
        %add3A_636 = arith.constant 6 : i32
        %add3A_637 = arith.addi %mul3A_635, %add3A_636 : i32
        %get3A_638 = arith.index_cast %add3A_637 : i32 to index
        %get3A_639 = arith.constant 80 : index
        %get3A_640 = tpu.vector_load %arg11[%get3A_638, %get3A_639] {strides = array<i32>} : memref<256x128xf32, #tpu.memory_space<vmem>>, vector<16xf32>,
        %mul3A_641 = arith.mulf %gather3A_588, %get3A_640 : vector<16xf32>
        %add3A_642 = arith.addf %add3A_566, %mul3A_641 : vector<16xf32>
        %mul3A_643 = arith.constant 8 : i32
        %mul3A_644 = arith.muli %scan3A_122, %mul3A_643 : i32
        %add3A_645 = arith.constant 6 : i32
        %add3A_646 = arith.addi %mul3A_644, %add3A_645 : i32
        %get3A_647 = arith.index_cast %add3A_646 : i32 to index
        %get3A_648 = arith.constant 96 : index
        %get3A_649 = tpu.vector_load %arg11[%get3A_647, %get3A_648] {strides = array<i32>} : memref<256x128xf32, #tpu.memory_space<vmem>>, vector<16xf32>,
        %mul3A_650 = arith.mulf %gather3A_588, %get3A_649 : vector<16xf32>
        %add3A_651 = arith.addf %add3A_575, %mul3A_650 : vector<16xf32>
        %mul3A_652 = arith.constant 8 : i32
        %mul3A_653 = arith.muli %scan3A_122, %mul3A_652 : i32
        %add3A_654 = arith.constant 6 : i32
        %add3A_655 = arith.addi %mul3A_653, %add3A_654 : i32
        %get3A_656 = arith.index_cast %add3A_655 : i32 to index
        %get3A_657 = arith.constant 112 : index
        %get3A_658 = tpu.vector_load %arg11[%get3A_656, %get3A_657] {strides = array<i32>} : memref<256x128xf32, #tpu.memory_space<vmem>>, vector<16xf32>,
        %mul3A_659 = arith.mulf %gather3A_588, %get3A_658 : vector<16xf32>
        %add3A_660 = arith.addf %add3A_584, %mul3A_659 : vector<16xf32>
        %add3A_661 = arith.constant 7 : i32
        %add3A_662 = arith.addi %add3A_129, %add3A_661 : i32
        %broadcast_in_dim3A_663 = vector.broadcast %add3A_662 : i32 to vector<16xi32>
        %gather3A_664 = tpu.vector_load_idx %arg10[%broadcast_in_dim3A_663] : memref<10752xf32, #tpu.memory_space<vmem>>[vector<16xi32>], vector<16xf32>,
        %mul3A_665 = arith.constant 8 : i32
        %mul3A_666 = arith.muli %scan3A_122, %mul3A_665 : i32
        %add3A_667 = arith.constant 7 : i32
        %add3A_668 = arith.addi %mul3A_666, %add3A_667 : i32
        %get3A_669 = arith.index_cast %add3A_668 : i32 to index
        %get3A_670 = arith.constant 0 : index
        %get3A_671 = tpu.vector_load %arg11[%get3A_669, %get3A_670] {strides = array<i32>} : memref<256x128xf32, #tpu.memory_space<vmem>>, vector<16xf32>,
        %mul3A_672 = arith.mulf %gather3A_664, %get3A_671 : vector<16xf32>
        %add3A_673 = arith.addf %add3A_597, %mul3A_672 : vector<16xf32>
        %mul3A_674 = arith.constant 8 : i32
        %mul3A_675 = arith.muli %scan3A_122, %mul3A_674 : i32
        %add3A_676 = arith.constant 7 : i32
        %add3A_677 = arith.addi %mul3A_675, %add3A_676 : i32
        %get3A_678 = arith.index_cast %add3A_677 : i32 to index
        %get3A_679 = arith.constant 16 : index
        %get3A_680 = tpu.vector_load %arg11[%get3A_678, %get3A_679] {strides = array<i32>} : memref<256x128xf32, #tpu.memory_space<vmem>>, vector<16xf32>,
        %mul3A_681 = arith.mulf %gather3A_664, %get3A_680 : vector<16xf32>
        %add3A_682 = arith.addf %add3A_606, %mul3A_681 : vector<16xf32>
        %mul3A_683 = arith.constant 8 : i32
        %mul3A_684 = arith.muli %scan3A_122, %mul3A_683 : i32
        %add3A_685 = arith.constant 7 : i32
        %add3A_686 = arith.addi %mul3A_684, %add3A_685 : i32
        %get3A_687 = arith.index_cast %add3A_686 : i32 to index
        %get3A_688 = arith.constant 32 : index
        %get3A_689 = tpu.vector_load %arg11[%get3A_687, %get3A_688] {strides = array<i32>} : memref<256x128xf32, #tpu.memory_space<vmem>>, vector<16xf32>,
        %mul3A_690 = arith.mulf %gather3A_664, %get3A_689 : vector<16xf32>
        %add3A_691 = arith.addf %add3A_615, %mul3A_690 : vector<16xf32>
        %mul3A_692 = arith.constant 8 : i32
        %mul3A_693 = arith.muli %scan3A_122, %mul3A_692 : i32
        %add3A_694 = arith.constant 7 : i32
        %add3A_695 = arith.addi %mul3A_693, %add3A_694 : i32
        %get3A_696 = arith.index_cast %add3A_695 : i32 to index
        %get3A_697 = arith.constant 48 : index
        %get3A_698 = tpu.vector_load %arg11[%get3A_696, %get3A_697] {strides = array<i32>} : memref<256x128xf32, #tpu.memory_space<vmem>>, vector<16xf32>,
        %mul3A_699 = arith.mulf %gather3A_664, %get3A_698 : vector<16xf32>
        %add3A_700 = arith.addf %add3A_624, %mul3A_699 : vector<16xf32>
        %mul3A_701 = arith.constant 8 : i32
        %mul3A_702 = arith.muli %scan3A_122, %mul3A_701 : i32
        %add3A_703 = arith.constant 7 : i32
        %add3A_704 = arith.addi %mul3A_702, %add3A_703 : i32
        %get3A_705 = arith.index_cast %add3A_704 : i32 to index
        %get3A_706 = arith.constant 64 : index
        %get3A_707 = tpu.vector_load %arg11[%get3A_705, %get3A_706] {strides = array<i32>} : memref<256x128xf32, #tpu.memory_space<vmem>>, vector<16xf32>,
        %mul3A_708 = arith.mulf %gather3A_664, %get3A_707 : vector<16xf32>
        %add3A_709 = arith.addf %add3A_633, %mul3A_708 : vector<16xf32>
        %mul3A_710 = arith.constant 8 : i32
        %mul3A_711 = arith.muli %scan3A_122, %mul3A_710 : i32
        %add3A_712 = arith.constant 7 : i32
        %add3A_713 = arith.addi %mul3A_711, %add3A_712 : i32
        %get3A_714 = arith.index_cast %add3A_713 : i32 to index
        %get3A_715 = arith.constant 80 : index
        %get3A_716 = tpu.vector_load %arg11[%get3A_714, %get3A_715] {strides = array<i32>} : memref<256x128xf32, #tpu.memory_space<vmem>>, vector<16xf32>,
        %mul3A_717 = arith.mulf %gather3A_664, %get3A_716 : vector<16xf32>
        %add3A_718 = arith.addf %add3A_642, %mul3A_717 : vector<16xf32>
        %mul3A_719 = arith.constant 8 : i32
        %mul3A_720 = arith.muli %scan3A_122, %mul3A_719 : i32
        %add3A_721 = arith.constant 7 : i32
        %add3A_722 = arith.addi %mul3A_720, %add3A_721 : i32
        %get3A_723 = arith.index_cast %add3A_722 : i32 to index
        %get3A_724 = arith.constant 96 : index
        %get3A_725 = tpu.vector_load %arg11[%get3A_723, %get3A_724] {strides = array<i32>} : memref<256x128xf32, #tpu.memory_space<vmem>>, vector<16xf32>,
        %mul3A_726 = arith.mulf %gather3A_664, %get3A_725 : vector<16xf32>
        %add3A_727 = arith.addf %add3A_651, %mul3A_726 : vector<16xf32>
        %mul3A_728 = arith.constant 8 : i32
        %mul3A_729 = arith.muli %scan3A_122, %mul3A_728 : i32
        %add3A_730 = arith.constant 7 : i32
        %add3A_731 = arith.addi %mul3A_729, %add3A_730 : i32
        %get3A_732 = arith.index_cast %add3A_731 : i32 to index
        %get3A_733 = arith.constant 112 : index
        %get3A_734 = tpu.vector_load %arg11[%get3A_732, %get3A_733] {strides = array<i32>} : memref<256x128xf32, #tpu.memory_space<vmem>>, vector<16xf32>,
        %mul3A_735 = arith.mulf %gather3A_664, %get3A_734 : vector<16xf32>
        %add3A_736 = arith.addf %add3A_660, %mul3A_735 : vector<16xf32>
        %add3A_737 = arith.constant 0 : i32
        %add3A_738 = arith.addi %add3A_737, %scan3A_122 : i32
        %swap3A = arith.index_cast %add3A_738 : i32 to index
        %swap3A_739 = arith.constant 0 : index
        %swap3A_740 = tpu.vector_load %arg12[%swap3A, %swap3A_739] {strides = array<i32>} : memref<64x128xf32, #tpu.memory_space<vmem>>, vector<16xf32>,
        tpu.vector_store %arg12[%swap3A, %swap3A_739], %add3A_673 {strides = array<i32>} : memref<64x128xf32, #tpu.memory_space<vmem>>, vector<16xf32>,
        %add3A_741 = arith.constant 0 : i32
        %add3A_742 = arith.addi %add3A_741, %scan3A_122 : i32
        %swap3A_743 = arith.index_cast %add3A_742 : i32 to index
        %swap3A_744 = arith.constant 16 : index
        %swap3A_745 = tpu.vector_load %arg12[%swap3A_743, %swap3A_744] {strides = array<i32>} : memref<64x128xf32, #tpu.memory_space<vmem>>, vector<16xf32>,
        tpu.vector_store %arg12[%swap3A_743, %swap3A_744], %add3A_682 {strides = array<i32>} : memref<64x128xf32, #tpu.memory_space<vmem>>, vector<16xf32>,
        %add3A_746 = arith.constant 0 : i32
        %add3A_747 = arith.addi %add3A_746, %scan3A_122 : i32
        %swap3A_748 = arith.index_cast %add3A_747 : i32 to index
        %swap3A_749 = arith.constant 32 : index
        %swap3A_750 = tpu.vector_load %arg12[%swap3A_748, %swap3A_749] {strides = array<i32>} : memref<64x128xf32, #tpu.memory_space<vmem>>, vector<16xf32>,
        tpu.vector_store %arg12[%swap3A_748, %swap3A_749], %add3A_691 {strides = array<i32>} : memref<64x128xf32, #tpu.memory_space<vmem>>, vector<16xf32>,
        %add3A_751 = arith.constant 0 : i32
        %add3A_752 = arith.addi %add3A_751, %scan3A_122 : i32
        %swap3A_753 = arith.index_cast %add3A_752 : i32 to index
        %swap3A_754 = arith.constant 48 : index
        %swap3A_755 = tpu.vector_load %arg12[%swap3A_753, %swap3A_754] {strides = array<i32>} : memref<64x128xf32, #tpu.memory_space<vmem>>, vector<16xf32>,
        tpu.vector_store %arg12[%swap3A_753, %swap3A_754], %add3A_700 {strides = array<i32>} : memref<64x128xf32, #tpu.memory_space<vmem>>, vector<16xf32>,
        %add3A_756 = arith.constant 0 : i32
        %add3A_757 = arith.addi %add3A_756, %scan3A_122 : i32
        %swap3A_758 = arith.index_cast %add3A_757 : i32 to index
        %swap3A_759 = arith.constant 64 : index
        %swap3A_760 = tpu.vector_load %arg12[%swap3A_758, %swap3A_759] {strides = array<i32>} : memref<64x128xf32, #tpu.memory_space<vmem>>, vector<16xf32>,
        tpu.vector_store %arg12[%swap3A_758, %swap3A_759], %add3A_709 {strides = array<i32>} : memref<64x128xf32, #tpu.memory_space<vmem>>, vector<16xf32>,
        %add3A_761 = arith.constant 0 : i32
        %add3A_762 = arith.addi %add3A_761, %scan3A_122 : i32
        %swap3A_763 = arith.index_cast %add3A_762 : i32 to index
        %swap3A_764 = arith.constant 80 : index
        %swap3A_765 = tpu.vector_load %arg12[%swap3A_763, %swap3A_764] {strides = array<i32>} : memref<64x128xf32, #tpu.memory_space<vmem>>, vector<16xf32>,
        tpu.vector_store %arg12[%swap3A_763, %swap3A_764], %add3A_718 {strides = array<i32>} : memref<64x128xf32, #tpu.memory_space<vmem>>, vector<16xf32>,
        %add3A_766 = arith.constant 0 : i32
        %add3A_767 = arith.addi %add3A_766, %scan3A_122 : i32
        %swap3A_768 = arith.index_cast %add3A_767 : i32 to index
        %swap3A_769 = arith.constant 96 : index
        %swap3A_770 = tpu.vector_load %arg12[%swap3A_768, %swap3A_769] {strides = array<i32>} : memref<64x128xf32, #tpu.memory_space<vmem>>, vector<16xf32>,
        tpu.vector_store %arg12[%swap3A_768, %swap3A_769], %add3A_727 {strides = array<i32>} : memref<64x128xf32, #tpu.memory_space<vmem>>, vector<16xf32>,
        %add3A_771 = arith.constant 0 : i32
        %add3A_772 = arith.addi %add3A_771, %scan3A_122 : i32
        %swap3A_773 = arith.index_cast %add3A_772 : i32 to index
        %swap3A_774 = arith.constant 112 : index
        %swap3A_775 = tpu.vector_load %arg12[%swap3A_773, %swap3A_774] {strides = array<i32>} : memref<64x128xf32, #tpu.memory_space<vmem>>, vector<16xf32>,
        tpu.vector_store %arg12[%swap3A_773, %swap3A_774], %add3A_736 {strides = array<i32>} : memref<64x128xf32, #tpu.memory_space<vmem>>, vector<16xf32>,
      }
      %scan3A_67 = arith.constant 32 : i32
      %mul3A_68 = arith.constant 4 : i32
      %mul3A_69 = arith.muli %scan3A_15, %mul3A_68 : i32
      %add3A_70 = arith.constant 2 : i32
      %add3A_71 = arith.addi %mul3A_69, %add3A_70 : i32
      %add3A_72 = arith.constant 0 : i32
      %add3A_73 = arith.addi %add3A_71, %add3A_72 : i32
      %dma_start3A_74 = arith.constant 0 : i32
      %dma_start3A_75 = arith.constant 0 : i32
      %dma_start3A_76 = tpu.memref_slice %arg11[%dma_start3A_74, %dma_start3A_75] : memref<256x128xf32, #tpu.memory_space<vmem>> -> memref<128x128xf32, #tpu.memory_space<vmem>>
      %dma_start3A_77 = arith.constant 0 : i32
      %dma_start3A_78 = tpu.memref_slice %arg8[%add3A_73, %dma_start3A_77] : memref<84x128xi32, #tpu.memory_space<vmem>> -> memref<1x128xi32, #tpu.memory_space<vmem>>
      %dma_start3A_79 = tpu.memref_squeeze %dma_start3A_78 : memref<1x128xi32, #tpu.memory_space<vmem>> -> memref<128xi32, #tpu.memory_space<vmem>>
      %dma_start3A_80 = arith.constant 0 : i32
      %dma_start3A_81 = arith.constant 0 : i32
      %dma_start3A_82 = tpu.memref_slice %arg2[%dma_start3A_80, %dma_start3A_81] : memref<248832x128xf32, #tpu.memory_space<hbm>> -> memref<248832x128xf32, #tpu.memory_space<hbm>>
      tpu.enqueue_indirect_dma source(%dma_start3A_82 : memref<248832x128xf32, #tpu.memory_space<hbm>>) target(%dma_start3A_76 : memref<128x128xf32, #tpu.memory_space<vmem>>) offsets(%dma_start3A_79 : memref<128xi32, #tpu.memory_space<vmem>>) semaphore(%arg14 : memref<!tpu.dma_semaphore, #tpu.memory_space<semaphore_mem>>)
      %dma_wait3A_83 = arith.constant 0 : i32
      %dma_wait3A_84 = arith.constant 0 : i32
      %dma_wait3A_85 = tpu.memref_slice %arg11[%dma_wait3A_83, %dma_wait3A_84] : memref<256x128xf32, #tpu.memory_space<vmem>> -> memref<128x128xf32, #tpu.memory_space<vmem>>
      %dma_wait3A_86 = arith.constant 0 : i32
      %dma_wait3A_87 = tpu.memref_slice %arg8[%add3A_73, %dma_wait3A_86] : memref<84x128xi32, #tpu.memory_space<vmem>> -> memref<1x128xi32, #tpu.memory_space<vmem>>
      %dma_wait3A_88 = tpu.memref_squeeze %dma_wait3A_87 : memref<1x128xi32, #tpu.memory_space<vmem>> -> memref<128xi32, #tpu.memory_space<vmem>>
      %dma_wait3A_89 = arith.constant 0 : i32
      %dma_wait3A_90 = arith.constant 0 : i32
      %dma_wait3A_91 = tpu.memref_slice %arg2[%dma_wait3A_89, %dma_wait3A_90] : memref<248832x128xf32, #tpu.memory_space<hbm>> -> memref<248832x128xf32, #tpu.memory_space<hbm>>
      tpu.wait_indirect_dma semaphore(%arg14 : memref<!tpu.dma_semaphore, #tpu.memory_space<semaphore_mem>>) src(%dma_wait3A_91 : memref<248832x128xf32, #tpu.memory_space<hbm>>) dst(%dma_wait3A_85 : memref<128x128xf32, #tpu.memory_space<vmem>>)
      %mul3A_92 = arith.constant 4 : i32
      %mul3A_93 = arith.muli %scan3A_15, %mul3A_92 : i32
      %add3A_94 = arith.constant 2 : i32
      %add3A_95 = arith.addi %mul3A_93, %add3A_94 : i32
      %add3A_96 = arith.constant 1 : i32
      %add3A_97 = arith.addi %add3A_95, %add3A_96 : i32
      %dma_start3A_98 = arith.constant 128 : i32
      %dma_start3A_99 = arith.constant 0 : i32
      %dma_start3A_100 = tpu.memref_slice %arg11[%dma_start3A_98, %dma_start3A_99] : memref<256x128xf32, #tpu.memory_space<vmem>> -> memref<128x128xf32, #tpu.memory_space<vmem>>
      %dma_start3A_101 = arith.constant 0 : i32
      %dma_start3A_102 = tpu.memref_slice %arg8[%add3A_97, %dma_start3A_101] : memref<84x128xi32, #tpu.memory_space<vmem>> -> memref<1x128xi32, #tpu.memory_space<vmem>>
      %dma_start3A_103 = tpu.memref_squeeze %dma_start3A_102 : memref<1x128xi32, #tpu.memory_space<vmem>> -> memref<128xi32, #tpu.memory_space<vmem>>
      %dma_start3A_104 = arith.constant 0 : i32
      %dma_start3A_105 = arith.constant 0 : i32
      %dma_start3A_106 = tpu.memref_slice %arg2[%dma_start3A_104, %dma_start3A_105] : memref<248832x128xf32, #tpu.memory_space<hbm>> -> memref<248832x128xf32, #tpu.memory_space<hbm>>
      tpu.enqueue_indirect_dma source(%dma_start3A_106 : memref<248832x128xf32, #tpu.memory_space<hbm>>) target(%dma_start3A_100 : memref<128x128xf32, #tpu.memory_space<vmem>>) offsets(%dma_start3A_103 : memref<128xi32, #tpu.memory_space<vmem>>) semaphore(%arg14 : memref<!tpu.dma_semaphore, #tpu.memory_space<semaphore_mem>>)
      %dma_wait3A_107 = arith.constant 128 : i32
      %dma_wait3A_108 = arith.constant 0 : i32
      %dma_wait3A_109 = tpu.memref_slice %arg11[%dma_wait3A_107, %dma_wait3A_108] : memref<256x128xf32, #tpu.memory_space<vmem>> -> memref<128x128xf32, #tpu.memory_space<vmem>>
      %dma_wait3A_110 = arith.constant 0 : i32
      %dma_wait3A_111 = tpu.memref_slice %arg8[%add3A_97, %dma_wait3A_110] : memref<84x128xi32, #tpu.memory_space<vmem>> -> memref<1x128xi32, #tpu.memory_space<vmem>>
      %dma_wait3A_112 = tpu.memref_squeeze %dma_wait3A_111 : memref<1x128xi32, #tpu.memory_space<vmem>> -> memref<128xi32, #tpu.memory_space<vmem>>
      %dma_wait3A_113 = arith.constant 0 : i32
      %dma_wait3A_114 = arith.constant 0 : i32
      %dma_wait3A_115 = tpu.memref_slice %arg2[%dma_wait3A_113, %dma_wait3A_114] : memref<248832x128xf32, #tpu.memory_space<hbm>> -> memref<248832x128xf32, #tpu.memory_space<hbm>>
      tpu.wait_indirect_dma semaphore(%arg14 : memref<!tpu.dma_semaphore, #tpu.memory_space<semaphore_mem>>) src(%dma_wait3A_115 : memref<248832x128xf32, #tpu.memory_space<hbm>>) dst(%dma_wait3A_109 : memref<128x128xf32, #tpu.memory_space<vmem>>)
      %scan3A_116 = arith.constant 0 : i32
      %scan3A_117 = arith.constant 0 : i32
      %scan3A_118 = arith.constant 32 : i32
      %scan3A_119 = arith.addi %scan3A_117, %scan3A_118 : i32
      %scan3A_120 = arith.constant 1 : i32
      scf.for %scan3A_122 = %scan3A_117 to %scan3A_119 step %scan3A_120  : i32 {
        %mul3A_123 = arith.constant 512 : i32
        %mul3A_124 = arith.muli %scan3A_15, %mul3A_123 : i32
        %add3A_125 = arith.constant 256 : i32
        %add3A_126 = arith.addi %mul3A_124, %add3A_125 : i32
        %mul3A_127 = arith.constant 8 : i32
        %mul3A_128 = arith.muli %scan3A_122, %mul3A_127 : i32
        %add3A_129 = arith.addi %add3A_126, %mul3A_128 : i32
        %broadcast_in_dim3A = arith.constant 0.000000e+00 : f32
        %broadcast_in_dim3A_130 = vector.broadcast %broadcast_in_dim3A : f32 to vector<16xf32>
        %add3A_131 = arith.constant 0 : i32
        %add3A_132 = arith.addi %add3A_129, %add3A_131 : i32
        %broadcast_in_dim3A_133 = vector.broadcast %add3A_132 : i32 to vector<16xi32>
        %gather3A = tpu.vector_load_idx %arg10[%broadcast_in_dim3A_133] : memref<10752xf32, #tpu.memory_space<vmem>>[vector<16xi32>], vector<16xf32>,
        %mul3A_134 = arith.constant 8 : i32
        %mul3A_135 = arith.muli %scan3A_122, %mul3A_134 : i32
        %add3A_136 = arith.constant 0 : i32
        %add3A_137 = arith.addi %mul3A_135, %add3A_136 : i32
        %get3A = arith.index_cast %add3A_137 : i32 to index
        %get3A_138 = arith.constant 0 : index
        %get3A_139 = tpu.vector_load %arg11[%get3A, %get3A_138] {strides = array<i32>} : memref<256x128xf32, #tpu.memory_space<vmem>>, vector<16xf32>,
        %mul3A_140 = arith.mulf %gather3A, %get3A_139 : vector<16xf32>
        %add3A_141 = arith.addf %broadcast_in_dim3A_130, %mul3A_140 : vector<16xf32>
        %mul3A_142 = arith.constant 8 : i32
        %mul3A_143 = arith.muli %scan3A_122, %mul3A_142 : i32
        %add3A_144 = arith.constant 0 : i32
        %add3A_145 = arith.addi %mul3A_143, %add3A_144 : i32
        %get3A_146 = arith.index_cast %add3A_145 : i32 to index
        %get3A_147 = arith.constant 16 : index
        %get3A_148 = tpu.vector_load %arg11[%get3A_146, %get3A_147] {strides = array<i32>} : memref<256x128xf32, #tpu.memory_space<vmem>>, vector<16xf32>,
        %mul3A_149 = arith.mulf %gather3A, %get3A_148 : vector<16xf32>
        %add3A_150 = arith.addf %broadcast_in_dim3A_130, %mul3A_149 : vector<16xf32>
        %mul3A_151 = arith.constant 8 : i32
        %mul3A_152 = arith.muli %scan3A_122, %mul3A_151 : i32
        %add3A_153 = arith.constant 0 : i32
        %add3A_154 = arith.addi %mul3A_152, %add3A_153 : i32
        %get3A_155 = arith.index_cast %add3A_154 : i32 to index
        %get3A_156 = arith.constant 32 : index
        %get3A_157 = tpu.vector_load %arg11[%get3A_155, %get3A_156] {strides = array<i32>} : memref<256x128xf32, #tpu.memory_space<vmem>>, vector<16xf32>,
        %mul3A_158 = arith.mulf %gather3A, %get3A_157 : vector<16xf32>
        %add3A_159 = arith.addf %broadcast_in_dim3A_130, %mul3A_158 : vector<16xf32>
        %mul3A_160 = arith.constant 8 : i32
        %mul3A_161 = arith.muli %scan3A_122, %mul3A_160 : i32
        %add3A_162 = arith.constant 0 : i32
        %add3A_163 = arith.addi %mul3A_161, %add3A_162 : i32
        %get3A_164 = arith.index_cast %add3A_163 : i32 to index
        %get3A_165 = arith.constant 48 : index
        %get3A_166 = tpu.vector_load %arg11[%get3A_164, %get3A_165] {strides = array<i32>} : memref<256x128xf32, #tpu.memory_space<vmem>>, vector<16xf32>,
        %mul3A_167 = arith.mulf %gather3A, %get3A_166 : vector<16xf32>
        %add3A_168 = arith.addf %broadcast_in_dim3A_130, %mul3A_167 : vector<16xf32>
        %mul3A_169 = arith.constant 8 : i32
        %mul3A_170 = arith.muli %scan3A_122, %mul3A_169 : i32
        %add3A_171 = arith.constant 0 : i32
        %add3A_172 = arith.addi %mul3A_170, %add3A_171 : i32
        %get3A_173 = arith.index_cast %add3A_172 : i32 to index
        %get3A_174 = arith.constant 64 : index
        %get3A_175 = tpu.vector_load %arg11[%get3A_173, %get3A_174] {strides = array<i32>} : memref<256x128xf32, #tpu.memory_space<vmem>>, vector<16xf32>,
        %mul3A_176 = arith.mulf %gather3A, %get3A_175 : vector<16xf32>
        %add3A_177 = arith.addf %broadcast_in_dim3A_130, %mul3A_176 : vector<16xf32>
        %mul3A_178 = arith.constant 8 : i32
        %mul3A_179 = arith.muli %scan3A_122, %mul3A_178 : i32
        %add3A_180 = arith.constant 0 : i32
        %add3A_181 = arith.addi %mul3A_179, %add3A_180 : i32
        %get3A_182 = arith.index_cast %add3A_181 : i32 to index
        %get3A_183 = arith.constant 80 : index
        %get3A_184 = tpu.vector_load %arg11[%get3A_182, %get3A_183] {strides = array<i32>} : memref<256x128xf32, #tpu.memory_space<vmem>>, vector<16xf32>,
        %mul3A_185 = arith.mulf %gather3A, %get3A_184 : vector<16xf32>
        %add3A_186 = arith.addf %broadcast_in_dim3A_130, %mul3A_185 : vector<16xf32>
        %mul3A_187 = arith.constant 8 : i32
        %mul3A_188 = arith.muli %scan3A_122, %mul3A_187 : i32
        %add3A_189 = arith.constant 0 : i32
        %add3A_190 = arith.addi %mul3A_188, %add3A_189 : i32
        %get3A_191 = arith.index_cast %add3A_190 : i32 to index
        %get3A_192 = arith.constant 96 : index
        %get3A_193 = tpu.vector_load %arg11[%get3A_191, %get3A_192] {strides = array<i32>} : memref<256x128xf32, #tpu.memory_space<vmem>>, vector<16xf32>,
        %mul3A_194 = arith.mulf %gather3A, %get3A_193 : vector<16xf32>
        %add3A_195 = arith.addf %broadcast_in_dim3A_130, %mul3A_194 : vector<16xf32>
        %mul3A_196 = arith.constant 8 : i32
        %mul3A_197 = arith.muli %scan3A_122, %mul3A_196 : i32
        %add3A_198 = arith.constant 0 : i32
        %add3A_199 = arith.addi %mul3A_197, %add3A_198 : i32
        %get3A_200 = arith.index_cast %add3A_199 : i32 to index
        %get3A_201 = arith.constant 112 : index
        %get3A_202 = tpu.vector_load %arg11[%get3A_200, %get3A_201] {strides = array<i32>} : memref<256x128xf32, #tpu.memory_space<vmem>>, vector<16xf32>,
        %mul3A_203 = arith.mulf %gather3A, %get3A_202 : vector<16xf32>
        %add3A_204 = arith.addf %broadcast_in_dim3A_130, %mul3A_203 : vector<16xf32>
        %add3A_205 = arith.constant 1 : i32
        %add3A_206 = arith.addi %add3A_129, %add3A_205 : i32
        %broadcast_in_dim3A_207 = vector.broadcast %add3A_206 : i32 to vector<16xi32>
        %gather3A_208 = tpu.vector_load_idx %arg10[%broadcast_in_dim3A_207] : memref<10752xf32, #tpu.memory_space<vmem>>[vector<16xi32>], vector<16xf32>,
        %mul3A_209 = arith.constant 8 : i32
        %mul3A_210 = arith.muli %scan3A_122, %mul3A_209 : i32
        %add3A_211 = arith.constant 1 : i32
        %add3A_212 = arith.addi %mul3A_210, %add3A_211 : i32
        %get3A_213 = arith.index_cast %add3A_212 : i32 to index
        %get3A_214 = arith.constant 0 : index
        %get3A_215 = tpu.vector_load %arg11[%get3A_213, %get3A_214] {strides = array<i32>} : memref<256x128xf32, #tpu.memory_space<vmem>>, vector<16xf32>,
        %mul3A_216 = arith.mulf %gather3A_208, %get3A_215 : vector<16xf32>
        %add3A_217 = arith.addf %add3A_141, %mul3A_216 : vector<16xf32>
        %mul3A_218 = arith.constant 8 : i32
        %mul3A_219 = arith.muli %scan3A_122, %mul3A_218 : i32
        %add3A_220 = arith.constant 1 : i32
        %add3A_221 = arith.addi %mul3A_219, %add3A_220 : i32
        %get3A_222 = arith.index_cast %add3A_221 : i32 to index
        %get3A_223 = arith.constant 16 : index
        %get3A_224 = tpu.vector_load %arg11[%get3A_222, %get3A_223] {strides = array<i32>} : memref<256x128xf32, #tpu.memory_space<vmem>>, vector<16xf32>,
        %mul3A_225 = arith.mulf %gather3A_208, %get3A_224 : vector<16xf32>
        %add3A_226 = arith.addf %add3A_150, %mul3A_225 : vector<16xf32>
        %mul3A_227 = arith.constant 8 : i32
        %mul3A_228 = arith.muli %scan3A_122, %mul3A_227 : i32
        %add3A_229 = arith.constant 1 : i32
        %add3A_230 = arith.addi %mul3A_228, %add3A_229 : i32
        %get3A_231 = arith.index_cast %add3A_230 : i32 to index
        %get3A_232 = arith.constant 32 : index
        %get3A_233 = tpu.vector_load %arg11[%get3A_231, %get3A_232] {strides = array<i32>} : memref<256x128xf32, #tpu.memory_space<vmem>>, vector<16xf32>,
        %mul3A_234 = arith.mulf %gather3A_208, %get3A_233 : vector<16xf32>
        %add3A_235 = arith.addf %add3A_159, %mul3A_234 : vector<16xf32>
        %mul3A_236 = arith.constant 8 : i32
        %mul3A_237 = arith.muli %scan3A_122, %mul3A_236 : i32
        %add3A_238 = arith.constant 1 : i32
        %add3A_239 = arith.addi %mul3A_237, %add3A_238 : i32
        %get3A_240 = arith.index_cast %add3A_239 : i32 to index
        %get3A_241 = arith.constant 48 : index
        %get3A_242 = tpu.vector_load %arg11[%get3A_240, %get3A_241] {strides = array<i32>} : memref<256x128xf32, #tpu.memory_space<vmem>>, vector<16xf32>,
        %mul3A_243 = arith.mulf %gather3A_208, %get3A_242 : vector<16xf32>
        %add3A_244 = arith.addf %add3A_168, %mul3A_243 : vector<16xf32>
        %mul3A_245 = arith.constant 8 : i32
        %mul3A_246 = arith.muli %scan3A_122, %mul3A_245 : i32
        %add3A_247 = arith.constant 1 : i32
        %add3A_248 = arith.addi %mul3A_246, %add3A_247 : i32
        %get3A_249 = arith.index_cast %add3A_248 : i32 to index
        %get3A_250 = arith.constant 64 : index
        %get3A_251 = tpu.vector_load %arg11[%get3A_249, %get3A_250] {strides = array<i32>} : memref<256x128xf32, #tpu.memory_space<vmem>>, vector<16xf32>,
        %mul3A_252 = arith.mulf %gather3A_208, %get3A_251 : vector<16xf32>
        %add3A_253 = arith.addf %add3A_177, %mul3A_252 : vector<16xf32>
        %mul3A_254 = arith.constant 8 : i32
        %mul3A_255 = arith.muli %scan3A_122, %mul3A_254 : i32
        %add3A_256 = arith.constant 1 : i32
        %add3A_257 = arith.addi %mul3A_255, %add3A_256 : i32
        %get3A_258 = arith.index_cast %add3A_257 : i32 to index
        %get3A_259 = arith.constant 80 : index
        %get3A_260 = tpu.vector_load %arg11[%get3A_258, %get3A_259] {strides = array<i32>} : memref<256x128xf32, #tpu.memory_space<vmem>>, vector<16xf32>,
        %mul3A_261 = arith.mulf %gather3A_208, %get3A_260 : vector<16xf32>
        %add3A_262 = arith.addf %add3A_186, %mul3A_261 : vector<16xf32>
        %mul3A_263 = arith.constant 8 : i32
        %mul3A_264 = arith.muli %scan3A_122, %mul3A_263 : i32
        %add3A_265 = arith.constant 1 : i32
        %add3A_266 = arith.addi %mul3A_264, %add3A_265 : i32
        %get3A_267 = arith.index_cast %add3A_266 : i32 to index
        %get3A_268 = arith.constant 96 : index
        %get3A_269 = tpu.vector_load %arg11[%get3A_267, %get3A_268] {strides = array<i32>} : memref<256x128xf32, #tpu.memory_space<vmem>>, vector<16xf32>,
        %mul3A_270 = arith.mulf %gather3A_208, %get3A_269 : vector<16xf32>
        %add3A_271 = arith.addf %add3A_195, %mul3A_270 : vector<16xf32>
        %mul3A_272 = arith.constant 8 : i32
        %mul3A_273 = arith.muli %scan3A_122, %mul3A_272 : i32
        %add3A_274 = arith.constant 1 : i32
        %add3A_275 = arith.addi %mul3A_273, %add3A_274 : i32
        %get3A_276 = arith.index_cast %add3A_275 : i32 to index
        %get3A_277 = arith.constant 112 : index
        %get3A_278 = tpu.vector_load %arg11[%get3A_276, %get3A_277] {strides = array<i32>} : memref<256x128xf32, #tpu.memory_space<vmem>>, vector<16xf32>,
        %mul3A_279 = arith.mulf %gather3A_208, %get3A_278 : vector<16xf32>
        %add3A_280 = arith.addf %add3A_204, %mul3A_279 : vector<16xf32>
        %add3A_281 = arith.constant 2 : i32
        %add3A_282 = arith.addi %add3A_129, %add3A_281 : i32
        %broadcast_in_dim3A_283 = vector.broadcast %add3A_282 : i32 to vector<16xi32>
        %gather3A_284 = tpu.vector_load_idx %arg10[%broadcast_in_dim3A_283] : memref<10752xf32, #tpu.memory_space<vmem>>[vector<16xi32>], vector<16xf32>,
        %mul3A_285 = arith.constant 8 : i32
        %mul3A_286 = arith.muli %scan3A_122, %mul3A_285 : i32
        %add3A_287 = arith.constant 2 : i32
        %add3A_288 = arith.addi %mul3A_286, %add3A_287 : i32
        %get3A_289 = arith.index_cast %add3A_288 : i32 to index
        %get3A_290 = arith.constant 0 : index
        %get3A_291 = tpu.vector_load %arg11[%get3A_289, %get3A_290] {strides = array<i32>} : memref<256x128xf32, #tpu.memory_space<vmem>>, vector<16xf32>,
        %mul3A_292 = arith.mulf %gather3A_284, %get3A_291 : vector<16xf32>
        %add3A_293 = arith.addf %add3A_217, %mul3A_292 : vector<16xf32>
        %mul3A_294 = arith.constant 8 : i32
        %mul3A_295 = arith.muli %scan3A_122, %mul3A_294 : i32
        %add3A_296 = arith.constant 2 : i32
        %add3A_297 = arith.addi %mul3A_295, %add3A_296 : i32
        %get3A_298 = arith.index_cast %add3A_297 : i32 to index
        %get3A_299 = arith.constant 16 : index
        %get3A_300 = tpu.vector_load %arg11[%get3A_298, %get3A_299] {strides = array<i32>} : memref<256x128xf32, #tpu.memory_space<vmem>>, vector<16xf32>,
        %mul3A_301 = arith.mulf %gather3A_284, %get3A_300 : vector<16xf32>
        %add3A_302 = arith.addf %add3A_226, %mul3A_301 : vector<16xf32>
        %mul3A_303 = arith.constant 8 : i32
        %mul3A_304 = arith.muli %scan3A_122, %mul3A_303 : i32
        %add3A_305 = arith.constant 2 : i32
        %add3A_306 = arith.addi %mul3A_304, %add3A_305 : i32
        %get3A_307 = arith.index_cast %add3A_306 : i32 to index
        %get3A_308 = arith.constant 32 : index
        %get3A_309 = tpu.vector_load %arg11[%get3A_307, %get3A_308] {strides = array<i32>} : memref<256x128xf32, #tpu.memory_space<vmem>>, vector<16xf32>,
        %mul3A_310 = arith.mulf %gather3A_284, %get3A_309 : vector<16xf32>
        %add3A_311 = arith.addf %add3A_235, %mul3A_310 : vector<16xf32>
        %mul3A_312 = arith.constant 8 : i32
        %mul3A_313 = arith.muli %scan3A_122, %mul3A_312 : i32
        %add3A_314 = arith.constant 2 : i32
        %add3A_315 = arith.addi %mul3A_313, %add3A_314 : i32
        %get3A_316 = arith.index_cast %add3A_315 : i32 to index
        %get3A_317 = arith.constant 48 : index
        %get3A_318 = tpu.vector_load %arg11[%get3A_316, %get3A_317] {strides = array<i32>} : memref<256x128xf32, #tpu.memory_space<vmem>>, vector<16xf32>,
        %mul3A_319 = arith.mulf %gather3A_284, %get3A_318 : vector<16xf32>
        %add3A_320 = arith.addf %add3A_244, %mul3A_319 : vector<16xf32>
        %mul3A_321 = arith.constant 8 : i32
        %mul3A_322 = arith.muli %scan3A_122, %mul3A_321 : i32
        %add3A_323 = arith.constant 2 : i32
        %add3A_324 = arith.addi %mul3A_322, %add3A_323 : i32
        %get3A_325 = arith.index_cast %add3A_324 : i32 to index
        %get3A_326 = arith.constant 64 : index
        %get3A_327 = tpu.vector_load %arg11[%get3A_325, %get3A_326] {strides = array<i32>} : memref<256x128xf32, #tpu.memory_space<vmem>>, vector<16xf32>,
        %mul3A_328 = arith.mulf %gather3A_284, %get3A_327 : vector<16xf32>
        %add3A_329 = arith.addf %add3A_253, %mul3A_328 : vector<16xf32>
        %mul3A_330 = arith.constant 8 : i32
        %mul3A_331 = arith.muli %scan3A_122, %mul3A_330 : i32
        %add3A_332 = arith.constant 2 : i32
        %add3A_333 = arith.addi %mul3A_331, %add3A_332 : i32
        %get3A_334 = arith.index_cast %add3A_333 : i32 to index
        %get3A_335 = arith.constant 80 : index
        %get3A_336 = tpu.vector_load %arg11[%get3A_334, %get3A_335] {strides = array<i32>} : memref<256x128xf32, #tpu.memory_space<vmem>>, vector<16xf32>,
        %mul3A_337 = arith.mulf %gather3A_284, %get3A_336 : vector<16xf32>
        %add3A_338 = arith.addf %add3A_262, %mul3A_337 : vector<16xf32>
        %mul3A_339 = arith.constant 8 : i32
        %mul3A_340 = arith.muli %scan3A_122, %mul3A_339 : i32
        %add3A_341 = arith.constant 2 : i32
        %add3A_342 = arith.addi %mul3A_340, %add3A_341 : i32
        %get3A_343 = arith.index_cast %add3A_342 : i32 to index
        %get3A_344 = arith.constant 96 : index
        %get3A_345 = tpu.vector_load %arg11[%get3A_343, %get3A_344] {strides = array<i32>} : memref<256x128xf32, #tpu.memory_space<vmem>>, vector<16xf32>,
        %mul3A_346 = arith.mulf %gather3A_284, %get3A_345 : vector<16xf32>
        %add3A_347 = arith.addf %add3A_271, %mul3A_346 : vector<16xf32>
        %mul3A_348 = arith.constant 8 : i32
        %mul3A_349 = arith.muli %scan3A_122, %mul3A_348 : i32
        %add3A_350 = arith.constant 2 : i32
        %add3A_351 = arith.addi %mul3A_349, %add3A_350 : i32
        %get3A_352 = arith.index_cast %add3A_351 : i32 to index
        %get3A_353 = arith.constant 112 : index
        %get3A_354 = tpu.vector_load %arg11[%get3A_352, %get3A_353] {strides = array<i32>} : memref<256x128xf32, #tpu.memory_space<vmem>>, vector<16xf32>,
        %mul3A_355 = arith.mulf %gather3A_284, %get3A_354 : vector<16xf32>
        %add3A_356 = arith.addf %add3A_280, %mul3A_355 : vector<16xf32>
        %add3A_357 = arith.constant 3 : i32
        %add3A_358 = arith.addi %add3A_129, %add3A_357 : i32
        %broadcast_in_dim3A_359 = vector.broadcast %add3A_358 : i32 to vector<16xi32>
        %gather3A_360 = tpu.vector_load_idx %arg10[%broadcast_in_dim3A_359] : memref<10752xf32, #tpu.memory_space<vmem>>[vector<16xi32>], vector<16xf32>,
        %mul3A_361 = arith.constant 8 : i32
        %mul3A_362 = arith.muli %scan3A_122, %mul3A_361 : i32
        %add3A_363 = arith.constant 3 : i32
        %add3A_364 = arith.addi %mul3A_362, %add3A_363 : i32
        %get3A_365 = arith.index_cast %add3A_364 : i32 to index
        %get3A_366 = arith.constant 0 : index
        %get3A_367 = tpu.vector_load %arg11[%get3A_365, %get3A_366] {strides = array<i32>} : memref<256x128xf32, #tpu.memory_space<vmem>>, vector<16xf32>,
        %mul3A_368 = arith.mulf %gather3A_360, %get3A_367 : vector<16xf32>
        %add3A_369 = arith.addf %add3A_293, %mul3A_368 : vector<16xf32>
        %mul3A_370 = arith.constant 8 : i32
        %mul3A_371 = arith.muli %scan3A_122, %mul3A_370 : i32
        %add3A_372 = arith.constant 3 : i32
        %add3A_373 = arith.addi %mul3A_371, %add3A_372 : i32
        %get3A_374 = arith.index_cast %add3A_373 : i32 to index
        %get3A_375 = arith.constant 16 : index
        %get3A_376 = tpu.vector_load %arg11[%get3A_374, %get3A_375] {strides = array<i32>} : memref<256x128xf32, #tpu.memory_space<vmem>>, vector<16xf32>,
        %mul3A_377 = arith.mulf %gather3A_360, %get3A_376 : vector<16xf32>
        %add3A_378 = arith.addf %add3A_302, %mul3A_377 : vector<16xf32>
        %mul3A_379 = arith.constant 8 : i32
        %mul3A_380 = arith.muli %scan3A_122, %mul3A_379 : i32
        %add3A_381 = arith.constant 3 : i32
        %add3A_382 = arith.addi %mul3A_380, %add3A_381 : i32
        %get3A_383 = arith.index_cast %add3A_382 : i32 to index
        %get3A_384 = arith.constant 32 : index
        %get3A_385 = tpu.vector_load %arg11[%get3A_383, %get3A_384] {strides = array<i32>} : memref<256x128xf32, #tpu.memory_space<vmem>>, vector<16xf32>,
        %mul3A_386 = arith.mulf %gather3A_360, %get3A_385 : vector<16xf32>
        %add3A_387 = arith.addf %add3A_311, %mul3A_386 : vector<16xf32>
        %mul3A_388 = arith.constant 8 : i32
        %mul3A_389 = arith.muli %scan3A_122, %mul3A_388 : i32
        %add3A_390 = arith.constant 3 : i32
        %add3A_391 = arith.addi %mul3A_389, %add3A_390 : i32
        %get3A_392 = arith.index_cast %add3A_391 : i32 to index
        %get3A_393 = arith.constant 48 : index
        %get3A_394 = tpu.vector_load %arg11[%get3A_392, %get3A_393] {strides = array<i32>} : memref<256x128xf32, #tpu.memory_space<vmem>>, vector<16xf32>,
        %mul3A_395 = arith.mulf %gather3A_360, %get3A_394 : vector<16xf32>
        %add3A_396 = arith.addf %add3A_320, %mul3A_395 : vector<16xf32>
        %mul3A_397 = arith.constant 8 : i32
        %mul3A_398 = arith.muli %scan3A_122, %mul3A_397 : i32
        %add3A_399 = arith.constant 3 : i32
        %add3A_400 = arith.addi %mul3A_398, %add3A_399 : i32
        %get3A_401 = arith.index_cast %add3A_400 : i32 to index
        %get3A_402 = arith.constant 64 : index
        %get3A_403 = tpu.vector_load %arg11[%get3A_401, %get3A_402] {strides = array<i32>} : memref<256x128xf32, #tpu.memory_space<vmem>>, vector<16xf32>,
        %mul3A_404 = arith.mulf %gather3A_360, %get3A_403 : vector<16xf32>
        %add3A_405 = arith.addf %add3A_329, %mul3A_404 : vector<16xf32>
        %mul3A_406 = arith.constant 8 : i32
        %mul3A_407 = arith.muli %scan3A_122, %mul3A_406 : i32
        %add3A_408 = arith.constant 3 : i32
        %add3A_409 = arith.addi %mul3A_407, %add3A_408 : i32
        %get3A_410 = arith.index_cast %add3A_409 : i32 to index
        %get3A_411 = arith.constant 80 : index
        %get3A_412 = tpu.vector_load %arg11[%get3A_410, %get3A_411] {strides = array<i32>} : memref<256x128xf32, #tpu.memory_space<vmem>>, vector<16xf32>,
        %mul3A_413 = arith.mulf %gather3A_360, %get3A_412 : vector<16xf32>
        %add3A_414 = arith.addf %add3A_338, %mul3A_413 : vector<16xf32>
        %mul3A_415 = arith.constant 8 : i32
        %mul3A_416 = arith.muli %scan3A_122, %mul3A_415 : i32
        %add3A_417 = arith.constant 3 : i32
        %add3A_418 = arith.addi %mul3A_416, %add3A_417 : i32
        %get3A_419 = arith.index_cast %add3A_418 : i32 to index
        %get3A_420 = arith.constant 96 : index
        %get3A_421 = tpu.vector_load %arg11[%get3A_419, %get3A_420] {strides = array<i32>} : memref<256x128xf32, #tpu.memory_space<vmem>>, vector<16xf32>,
        %mul3A_422 = arith.mulf %gather3A_360, %get3A_421 : vector<16xf32>
        %add3A_423 = arith.addf %add3A_347, %mul3A_422 : vector<16xf32>
        %mul3A_424 = arith.constant 8 : i32
        %mul3A_425 = arith.muli %scan3A_122, %mul3A_424 : i32
        %add3A_426 = arith.constant 3 : i32
        %add3A_427 = arith.addi %mul3A_425, %add3A_426 : i32
        %get3A_428 = arith.index_cast %add3A_427 : i32 to index
        %get3A_429 = arith.constant 112 : index
        %get3A_430 = tpu.vector_load %arg11[%get3A_428, %get3A_429] {strides = array<i32>} : memref<256x128xf32, #tpu.memory_space<vmem>>, vector<16xf32>,
        %mul3A_431 = arith.mulf %gather3A_360, %get3A_430 : vector<16xf32>
        %add3A_432 = arith.addf %add3A_356, %mul3A_431 : vector<16xf32>
        %add3A_433 = arith.constant 4 : i32
        %add3A_434 = arith.addi %add3A_129, %add3A_433 : i32
        %broadcast_in_dim3A_435 = vector.broadcast %add3A_434 : i32 to vector<16xi32>
        %gather3A_436 = tpu.vector_load_idx %arg10[%broadcast_in_dim3A_435] : memref<10752xf32, #tpu.memory_space<vmem>>[vector<16xi32>], vector<16xf32>,
        %mul3A_437 = arith.constant 8 : i32
        %mul3A_438 = arith.muli %scan3A_122, %mul3A_437 : i32
        %add3A_439 = arith.constant 4 : i32
        %add3A_440 = arith.addi %mul3A_438, %add3A_439 : i32
        %get3A_441 = arith.index_cast %add3A_440 : i32 to index
        %get3A_442 = arith.constant 0 : index
        %get3A_443 = tpu.vector_load %arg11[%get3A_441, %get3A_442] {strides = array<i32>} : memref<256x128xf32, #tpu.memory_space<vmem>>, vector<16xf32>,
        %mul3A_444 = arith.mulf %gather3A_436, %get3A_443 : vector<16xf32>
        %add3A_445 = arith.addf %add3A_369, %mul3A_444 : vector<16xf32>
        %mul3A_446 = arith.constant 8 : i32
        %mul3A_447 = arith.muli %scan3A_122, %mul3A_446 : i32
        %add3A_448 = arith.constant 4 : i32
        %add3A_449 = arith.addi %mul3A_447, %add3A_448 : i32
        %get3A_450 = arith.index_cast %add3A_449 : i32 to index
        %get3A_451 = arith.constant 16 : index
        %get3A_452 = tpu.vector_load %arg11[%get3A_450, %get3A_451] {strides = array<i32>} : memref<256x128xf32, #tpu.memory_space<vmem>>, vector<16xf32>,
        %mul3A_453 = arith.mulf %gather3A_436, %get3A_452 : vector<16xf32>
        %add3A_454 = arith.addf %add3A_378, %mul3A_453 : vector<16xf32>
        %mul3A_455 = arith.constant 8 : i32
        %mul3A_456 = arith.muli %scan3A_122, %mul3A_455 : i32
        %add3A_457 = arith.constant 4 : i32
        %add3A_458 = arith.addi %mul3A_456, %add3A_457 : i32
        %get3A_459 = arith.index_cast %add3A_458 : i32 to index
        %get3A_460 = arith.constant 32 : index
        %get3A_461 = tpu.vector_load %arg11[%get3A_459, %get3A_460] {strides = array<i32>} : memref<256x128xf32, #tpu.memory_space<vmem>>, vector<16xf32>,
        %mul3A_462 = arith.mulf %gather3A_436, %get3A_461 : vector<16xf32>
        %add3A_463 = arith.addf %add3A_387, %mul3A_462 : vector<16xf32>
        %mul3A_464 = arith.constant 8 : i32
        %mul3A_465 = arith.muli %scan3A_122, %mul3A_464 : i32
        %add3A_466 = arith.constant 4 : i32
        %add3A_467 = arith.addi %mul3A_465, %add3A_466 : i32
        %get3A_468 = arith.index_cast %add3A_467 : i32 to index
        %get3A_469 = arith.constant 48 : index
        %get3A_470 = tpu.vector_load %arg11[%get3A_468, %get3A_469] {strides = array<i32>} : memref<256x128xf32, #tpu.memory_space<vmem>>, vector<16xf32>,
        %mul3A_471 = arith.mulf %gather3A_436, %get3A_470 : vector<16xf32>
        %add3A_472 = arith.addf %add3A_396, %mul3A_471 : vector<16xf32>
        %mul3A_473 = arith.constant 8 : i32
        %mul3A_474 = arith.muli %scan3A_122, %mul3A_473 : i32
        %add3A_475 = arith.constant 4 : i32
        %add3A_476 = arith.addi %mul3A_474, %add3A_475 : i32
        %get3A_477 = arith.index_cast %add3A_476 : i32 to index
        %get3A_478 = arith.constant 64 : index
        %get3A_479 = tpu.vector_load %arg11[%get3A_477, %get3A_478] {strides = array<i32>} : memref<256x128xf32, #tpu.memory_space<vmem>>, vector<16xf32>,
        %mul3A_480 = arith.mulf %gather3A_436, %get3A_479 : vector<16xf32>
        %add3A_481 = arith.addf %add3A_405, %mul3A_480 : vector<16xf32>
        %mul3A_482 = arith.constant 8 : i32
        %mul3A_483 = arith.muli %scan3A_122, %mul3A_482 : i32
        %add3A_484 = arith.constant 4 : i32
        %add3A_485 = arith.addi %mul3A_483, %add3A_484 : i32
        %get3A_486 = arith.index_cast %add3A_485 : i32 to index
        %get3A_487 = arith.constant 80 : index
        %get3A_488 = tpu.vector_load %arg11[%get3A_486, %get3A_487] {strides = array<i32>} : memref<256x128xf32, #tpu.memory_space<vmem>>, vector<16xf32>,
        %mul3A_489 = arith.mulf %gather3A_436, %get3A_488 : vector<16xf32>
        %add3A_490 = arith.addf %add3A_414, %mul3A_489 : vector<16xf32>
        %mul3A_491 = arith.constant 8 : i32
        %mul3A_492 = arith.muli %scan3A_122, %mul3A_491 : i32
        %add3A_493 = arith.constant 4 : i32
        %add3A_494 = arith.addi %mul3A_492, %add3A_493 : i32
        %get3A_495 = arith.index_cast %add3A_494 : i32 to index
        %get3A_496 = arith.constant 96 : index
        %get3A_497 = tpu.vector_load %arg11[%get3A_495, %get3A_496] {strides = array<i32>} : memref<256x128xf32, #tpu.memory_space<vmem>>, vector<16xf32>,
        %mul3A_498 = arith.mulf %gather3A_436, %get3A_497 : vector<16xf32>
        %add3A_499 = arith.addf %add3A_423, %mul3A_498 : vector<16xf32>
        %mul3A_500 = arith.constant 8 : i32
        %mul3A_501 = arith.muli %scan3A_122, %mul3A_500 : i32
        %add3A_502 = arith.constant 4 : i32
        %add3A_503 = arith.addi %mul3A_501, %add3A_502 : i32
        %get3A_504 = arith.index_cast %add3A_503 : i32 to index
        %get3A_505 = arith.constant 112 : index
        %get3A_506 = tpu.vector_load %arg11[%get3A_504, %get3A_505] {strides = array<i32>} : memref<256x128xf32, #tpu.memory_space<vmem>>, vector<16xf32>,
        %mul3A_507 = arith.mulf %gather3A_436, %get3A_506 : vector<16xf32>
        %add3A_508 = arith.addf %add3A_432, %mul3A_507 : vector<16xf32>
        %add3A_509 = arith.constant 5 : i32
        %add3A_510 = arith.addi %add3A_129, %add3A_509 : i32
        %broadcast_in_dim3A_511 = vector.broadcast %add3A_510 : i32 to vector<16xi32>
        %gather3A_512 = tpu.vector_load_idx %arg10[%broadcast_in_dim3A_511] : memref<10752xf32, #tpu.memory_space<vmem>>[vector<16xi32>], vector<16xf32>,
        %mul3A_513 = arith.constant 8 : i32
        %mul3A_514 = arith.muli %scan3A_122, %mul3A_513 : i32
        %add3A_515 = arith.constant 5 : i32
        %add3A_516 = arith.addi %mul3A_514, %add3A_515 : i32
        %get3A_517 = arith.index_cast %add3A_516 : i32 to index
        %get3A_518 = arith.constant 0 : index
        %get3A_519 = tpu.vector_load %arg11[%get3A_517, %get3A_518] {strides = array<i32>} : memref<256x128xf32, #tpu.memory_space<vmem>>, vector<16xf32>,
        %mul3A_520 = arith.mulf %gather3A_512, %get3A_519 : vector<16xf32>
        %add3A_521 = arith.addf %add3A_445, %mul3A_520 : vector<16xf32>
        %mul3A_522 = arith.constant 8 : i32
        %mul3A_523 = arith.muli %scan3A_122, %mul3A_522 : i32
        %add3A_524 = arith.constant 5 : i32
        %add3A_525 = arith.addi %mul3A_523, %add3A_524 : i32
        %get3A_526 = arith.index_cast %add3A_525 : i32 to index
        %get3A_527 = arith.constant 16 : index
        %get3A_528 = tpu.vector_load %arg11[%get3A_526, %get3A_527] {strides = array<i32>} : memref<256x128xf32, #tpu.memory_space<vmem>>, vector<16xf32>,
        %mul3A_529 = arith.mulf %gather3A_512, %get3A_528 : vector<16xf32>
        %add3A_530 = arith.addf %add3A_454, %mul3A_529 : vector<16xf32>
        %mul3A_531 = arith.constant 8 : i32
        %mul3A_532 = arith.muli %scan3A_122, %mul3A_531 : i32
        %add3A_533 = arith.constant 5 : i32
        %add3A_534 = arith.addi %mul3A_532, %add3A_533 : i32
        %get3A_535 = arith.index_cast %add3A_534 : i32 to index
        %get3A_536 = arith.constant 32 : index
        %get3A_537 = tpu.vector_load %arg11[%get3A_535, %get3A_536] {strides = array<i32>} : memref<256x128xf32, #tpu.memory_space<vmem>>, vector<16xf32>,
        %mul3A_538 = arith.mulf %gather3A_512, %get3A_537 : vector<16xf32>
        %add3A_539 = arith.addf %add3A_463, %mul3A_538 : vector<16xf32>
        %mul3A_540 = arith.constant 8 : i32
        %mul3A_541 = arith.muli %scan3A_122, %mul3A_540 : i32
        %add3A_542 = arith.constant 5 : i32
        %add3A_543 = arith.addi %mul3A_541, %add3A_542 : i32
        %get3A_544 = arith.index_cast %add3A_543 : i32 to index
        %get3A_545 = arith.constant 48 : index
        %get3A_546 = tpu.vector_load %arg11[%get3A_544, %get3A_545] {strides = array<i32>} : memref<256x128xf32, #tpu.memory_space<vmem>>, vector<16xf32>,
        %mul3A_547 = arith.mulf %gather3A_512, %get3A_546 : vector<16xf32>
        %add3A_548 = arith.addf %add3A_472, %mul3A_547 : vector<16xf32>
        %mul3A_549 = arith.constant 8 : i32
        %mul3A_550 = arith.muli %scan3A_122, %mul3A_549 : i32
        %add3A_551 = arith.constant 5 : i32
        %add3A_552 = arith.addi %mul3A_550, %add3A_551 : i32
        %get3A_553 = arith.index_cast %add3A_552 : i32 to index
        %get3A_554 = arith.constant 64 : index
        %get3A_555 = tpu.vector_load %arg11[%get3A_553, %get3A_554] {strides = array<i32>} : memref<256x128xf32, #tpu.memory_space<vmem>>, vector<16xf32>,
        %mul3A_556 = arith.mulf %gather3A_512, %get3A_555 : vector<16xf32>
        %add3A_557 = arith.addf %add3A_481, %mul3A_556 : vector<16xf32>
        %mul3A_558 = arith.constant 8 : i32
        %mul3A_559 = arith.muli %scan3A_122, %mul3A_558 : i32
        %add3A_560 = arith.constant 5 : i32
        %add3A_561 = arith.addi %mul3A_559, %add3A_560 : i32
        %get3A_562 = arith.index_cast %add3A_561 : i32 to index
        %get3A_563 = arith.constant 80 : index
        %get3A_564 = tpu.vector_load %arg11[%get3A_562, %get3A_563] {strides = array<i32>} : memref<256x128xf32, #tpu.memory_space<vmem>>, vector<16xf32>,
        %mul3A_565 = arith.mulf %gather3A_512, %get3A_564 : vector<16xf32>
        %add3A_566 = arith.addf %add3A_490, %mul3A_565 : vector<16xf32>
        %mul3A_567 = arith.constant 8 : i32
        %mul3A_568 = arith.muli %scan3A_122, %mul3A_567 : i32
        %add3A_569 = arith.constant 5 : i32
        %add3A_570 = arith.addi %mul3A_568, %add3A_569 : i32
        %get3A_571 = arith.index_cast %add3A_570 : i32 to index
        %get3A_572 = arith.constant 96 : index
        %get3A_573 = tpu.vector_load %arg11[%get3A_571, %get3A_572] {strides = array<i32>} : memref<256x128xf32, #tpu.memory_space<vmem>>, vector<16xf32>,
        %mul3A_574 = arith.mulf %gather3A_512, %get3A_573 : vector<16xf32>
        %add3A_575 = arith.addf %add3A_499, %mul3A_574 : vector<16xf32>
        %mul3A_576 = arith.constant 8 : i32
        %mul3A_577 = arith.muli %scan3A_122, %mul3A_576 : i32
        %add3A_578 = arith.constant 5 : i32
        %add3A_579 = arith.addi %mul3A_577, %add3A_578 : i32
        %get3A_580 = arith.index_cast %add3A_579 : i32 to index
        %get3A_581 = arith.constant 112 : index
        %get3A_582 = tpu.vector_load %arg11[%get3A_580, %get3A_581] {strides = array<i32>} : memref<256x128xf32, #tpu.memory_space<vmem>>, vector<16xf32>,
        %mul3A_583 = arith.mulf %gather3A_512, %get3A_582 : vector<16xf32>
        %add3A_584 = arith.addf %add3A_508, %mul3A_583 : vector<16xf32>
        %add3A_585 = arith.constant 6 : i32
        %add3A_586 = arith.addi %add3A_129, %add3A_585 : i32
        %broadcast_in_dim3A_587 = vector.broadcast %add3A_586 : i32 to vector<16xi32>
        %gather3A_588 = tpu.vector_load_idx %arg10[%broadcast_in_dim3A_587] : memref<10752xf32, #tpu.memory_space<vmem>>[vector<16xi32>], vector<16xf32>,
        %mul3A_589 = arith.constant 8 : i32
        %mul3A_590 = arith.muli %scan3A_122, %mul3A_589 : i32
        %add3A_591 = arith.constant 6 : i32
        %add3A_592 = arith.addi %mul3A_590, %add3A_591 : i32
        %get3A_593 = arith.index_cast %add3A_592 : i32 to index
        %get3A_594 = arith.constant 0 : index
        %get3A_595 = tpu.vector_load %arg11[%get3A_593, %get3A_594] {strides = array<i32>} : memref<256x128xf32, #tpu.memory_space<vmem>>, vector<16xf32>,
        %mul3A_596 = arith.mulf %gather3A_588, %get3A_595 : vector<16xf32>
        %add3A_597 = arith.addf %add3A_521, %mul3A_596 : vector<16xf32>
        %mul3A_598 = arith.constant 8 : i32
        %mul3A_599 = arith.muli %scan3A_122, %mul3A_598 : i32
        %add3A_600 = arith.constant 6 : i32
        %add3A_601 = arith.addi %mul3A_599, %add3A_600 : i32
        %get3A_602 = arith.index_cast %add3A_601 : i32 to index
        %get3A_603 = arith.constant 16 : index
        %get3A_604 = tpu.vector_load %arg11[%get3A_602, %get3A_603] {strides = array<i32>} : memref<256x128xf32, #tpu.memory_space<vmem>>, vector<16xf32>,
        %mul3A_605 = arith.mulf %gather3A_588, %get3A_604 : vector<16xf32>
        %add3A_606 = arith.addf %add3A_530, %mul3A_605 : vector<16xf32>
        %mul3A_607 = arith.constant 8 : i32
        %mul3A_608 = arith.muli %scan3A_122, %mul3A_607 : i32
        %add3A_609 = arith.constant 6 : i32
        %add3A_610 = arith.addi %mul3A_608, %add3A_609 : i32
        %get3A_611 = arith.index_cast %add3A_610 : i32 to index
        %get3A_612 = arith.constant 32 : index
        %get3A_613 = tpu.vector_load %arg11[%get3A_611, %get3A_612] {strides = array<i32>} : memref<256x128xf32, #tpu.memory_space<vmem>>, vector<16xf32>,
        %mul3A_614 = arith.mulf %gather3A_588, %get3A_613 : vector<16xf32>
        %add3A_615 = arith.addf %add3A_539, %mul3A_614 : vector<16xf32>
        %mul3A_616 = arith.constant 8 : i32
        %mul3A_617 = arith.muli %scan3A_122, %mul3A_616 : i32
        %add3A_618 = arith.constant 6 : i32
        %add3A_619 = arith.addi %mul3A_617, %add3A_618 : i32
        %get3A_620 = arith.index_cast %add3A_619 : i32 to index
        %get3A_621 = arith.constant 48 : index
        %get3A_622 = tpu.vector_load %arg11[%get3A_620, %get3A_621] {strides = array<i32>} : memref<256x128xf32, #tpu.memory_space<vmem>>, vector<16xf32>,
        %mul3A_623 = arith.mulf %gather3A_588, %get3A_622 : vector<16xf32>
        %add3A_624 = arith.addf %add3A_548, %mul3A_623 : vector<16xf32>
        %mul3A_625 = arith.constant 8 : i32
        %mul3A_626 = arith.muli %scan3A_122, %mul3A_625 : i32
        %add3A_627 = arith.constant 6 : i32
        %add3A_628 = arith.addi %mul3A_626, %add3A_627 : i32
        %get3A_629 = arith.index_cast %add3A_628 : i32 to index
        %get3A_630 = arith.constant 64 : index
        %get3A_631 = tpu.vector_load %arg11[%get3A_629, %get3A_630] {strides = array<i32>} : memref<256x128xf32, #tpu.memory_space<vmem>>, vector<16xf32>,
        %mul3A_632 = arith.mulf %gather3A_588, %get3A_631 : vector<16xf32>
        %add3A_633 = arith.addf %add3A_557, %mul3A_632 : vector<16xf32>
        %mul3A_634 = arith.constant 8 : i32
        %mul3A_635 = arith.muli %scan3A_122, %mul3A_634 : i32
        %add3A_636 = arith.constant 6 : i32
        %add3A_637 = arith.addi %mul3A_635, %add3A_636 : i32
        %get3A_638 = arith.index_cast %add3A_637 : i32 to index
        %get3A_639 = arith.constant 80 : index
        %get3A_640 = tpu.vector_load %arg11[%get3A_638, %get3A_639] {strides = array<i32>} : memref<256x128xf32, #tpu.memory_space<vmem>>, vector<16xf32>,
        %mul3A_641 = arith.mulf %gather3A_588, %get3A_640 : vector<16xf32>
        %add3A_642 = arith.addf %add3A_566, %mul3A_641 : vector<16xf32>
        %mul3A_643 = arith.constant 8 : i32
        %mul3A_644 = arith.muli %scan3A_122, %mul3A_643 : i32
        %add3A_645 = arith.constant 6 : i32
        %add3A_646 = arith.addi %mul3A_644, %add3A_645 : i32
        %get3A_647 = arith.index_cast %add3A_646 : i32 to index
        %get3A_648 = arith.constant 96 : index
        %get3A_649 = tpu.vector_load %arg11[%get3A_647, %get3A_648] {strides = array<i32>} : memref<256x128xf32, #tpu.memory_space<vmem>>, vector<16xf32>,
        %mul3A_650 = arith.mulf %gather3A_588, %get3A_649 : vector<16xf32>
        %add3A_651 = arith.addf %add3A_575, %mul3A_650 : vector<16xf32>
        %mul3A_652 = arith.constant 8 : i32
        %mul3A_653 = arith.muli %scan3A_122, %mul3A_652 : i32
        %add3A_654 = arith.constant 6 : i32
        %add3A_655 = arith.addi %mul3A_653, %add3A_654 : i32
        %get3A_656 = arith.index_cast %add3A_655 : i32 to index
        %get3A_657 = arith.constant 112 : index
        %get3A_658 = tpu.vector_load %arg11[%get3A_656, %get3A_657] {strides = array<i32>} : memref<256x128xf32, #tpu.memory_space<vmem>>, vector<16xf32>,
        %mul3A_659 = arith.mulf %gather3A_588, %get3A_658 : vector<16xf32>
        %add3A_660 = arith.addf %add3A_584, %mul3A_659 : vector<16xf32>
        %add3A_661 = arith.constant 7 : i32
        %add3A_662 = arith.addi %add3A_129, %add3A_661 : i32
        %broadcast_in_dim3A_663 = vector.broadcast %add3A_662 : i32 to vector<16xi32>
        %gather3A_664 = tpu.vector_load_idx %arg10[%broadcast_in_dim3A_663] : memref<10752xf32, #tpu.memory_space<vmem>>[vector<16xi32>], vector<16xf32>,
        %mul3A_665 = arith.constant 8 : i32
        %mul3A_666 = arith.muli %scan3A_122, %mul3A_665 : i32
        %add3A_667 = arith.constant 7 : i32
        %add3A_668 = arith.addi %mul3A_666, %add3A_667 : i32
        %get3A_669 = arith.index_cast %add3A_668 : i32 to index
        %get3A_670 = arith.constant 0 : index
        %get3A_671 = tpu.vector_load %arg11[%get3A_669, %get3A_670] {strides = array<i32>} : memref<256x128xf32, #tpu.memory_space<vmem>>, vector<16xf32>,
        %mul3A_672 = arith.mulf %gather3A_664, %get3A_671 : vector<16xf32>
        %add3A_673 = arith.addf %add3A_597, %mul3A_672 : vector<16xf32>
        %mul3A_674 = arith.constant 8 : i32
        %mul3A_675 = arith.muli %scan3A_122, %mul3A_674 : i32
        %add3A_676 = arith.constant 7 : i32
        %add3A_677 = arith.addi %mul3A_675, %add3A_676 : i32
        %get3A_678 = arith.index_cast %add3A_677 : i32 to index
        %get3A_679 = arith.constant 16 : index
        %get3A_680 = tpu.vector_load %arg11[%get3A_678, %get3A_679] {strides = array<i32>} : memref<256x128xf32, #tpu.memory_space<vmem>>, vector<16xf32>,
        %mul3A_681 = arith.mulf %gather3A_664, %get3A_680 : vector<16xf32>
        %add3A_682 = arith.addf %add3A_606, %mul3A_681 : vector<16xf32>
        %mul3A_683 = arith.constant 8 : i32
        %mul3A_684 = arith.muli %scan3A_122, %mul3A_683 : i32
        %add3A_685 = arith.constant 7 : i32
        %add3A_686 = arith.addi %mul3A_684, %add3A_685 : i32
        %get3A_687 = arith.index_cast %add3A_686 : i32 to index
        %get3A_688 = arith.constant 32 : index
        %get3A_689 = tpu.vector_load %arg11[%get3A_687, %get3A_688] {strides = array<i32>} : memref<256x128xf32, #tpu.memory_space<vmem>>, vector<16xf32>,
        %mul3A_690 = arith.mulf %gather3A_664, %get3A_689 : vector<16xf32>
        %add3A_691 = arith.addf %add3A_615, %mul3A_690 : vector<16xf32>
        %mul3A_692 = arith.constant 8 : i32
        %mul3A_693 = arith.muli %scan3A_122, %mul3A_692 : i32
        %add3A_694 = arith.constant 7 : i32
        %add3A_695 = arith.addi %mul3A_693, %add3A_694 : i32
        %get3A_696 = arith.index_cast %add3A_695 : i32 to index
        %get3A_697 = arith.constant 48 : index
        %get3A_698 = tpu.vector_load %arg11[%get3A_696, %get3A_697] {strides = array<i32>} : memref<256x128xf32, #tpu.memory_space<vmem>>, vector<16xf32>,
        %mul3A_699 = arith.mulf %gather3A_664, %get3A_698 : vector<16xf32>
        %add3A_700 = arith.addf %add3A_624, %mul3A_699 : vector<16xf32>
        %mul3A_701 = arith.constant 8 : i32
        %mul3A_702 = arith.muli %scan3A_122, %mul3A_701 : i32
        %add3A_703 = arith.constant 7 : i32
        %add3A_704 = arith.addi %mul3A_702, %add3A_703 : i32
        %get3A_705 = arith.index_cast %add3A_704 : i32 to index
        %get3A_706 = arith.constant 64 : index
        %get3A_707 = tpu.vector_load %arg11[%get3A_705, %get3A_706] {strides = array<i32>} : memref<256x128xf32, #tpu.memory_space<vmem>>, vector<16xf32>,
        %mul3A_708 = arith.mulf %gather3A_664, %get3A_707 : vector<16xf32>
        %add3A_709 = arith.addf %add3A_633, %mul3A_708 : vector<16xf32>
        %mul3A_710 = arith.constant 8 : i32
        %mul3A_711 = arith.muli %scan3A_122, %mul3A_710 : i32
        %add3A_712 = arith.constant 7 : i32
        %add3A_713 = arith.addi %mul3A_711, %add3A_712 : i32
        %get3A_714 = arith.index_cast %add3A_713 : i32 to index
        %get3A_715 = arith.constant 80 : index
        %get3A_716 = tpu.vector_load %arg11[%get3A_714, %get3A_715] {strides = array<i32>} : memref<256x128xf32, #tpu.memory_space<vmem>>, vector<16xf32>,
        %mul3A_717 = arith.mulf %gather3A_664, %get3A_716 : vector<16xf32>
        %add3A_718 = arith.addf %add3A_642, %mul3A_717 : vector<16xf32>
        %mul3A_719 = arith.constant 8 : i32
        %mul3A_720 = arith.muli %scan3A_122, %mul3A_719 : i32
        %add3A_721 = arith.constant 7 : i32
        %add3A_722 = arith.addi %mul3A_720, %add3A_721 : i32
        %get3A_723 = arith.index_cast %add3A_722 : i32 to index
        %get3A_724 = arith.constant 96 : index
        %get3A_725 = tpu.vector_load %arg11[%get3A_723, %get3A_724] {strides = array<i32>} : memref<256x128xf32, #tpu.memory_space<vmem>>, vector<16xf32>,
        %mul3A_726 = arith.mulf %gather3A_664, %get3A_725 : vector<16xf32>
        %add3A_727 = arith.addf %add3A_651, %mul3A_726 : vector<16xf32>
        %mul3A_728 = arith.constant 8 : i32
        %mul3A_729 = arith.muli %scan3A_122, %mul3A_728 : i32
        %add3A_730 = arith.constant 7 : i32
        %add3A_731 = arith.addi %mul3A_729, %add3A_730 : i32
        %get3A_732 = arith.index_cast %add3A_731 : i32 to index
        %get3A_733 = arith.constant 112 : index
        %get3A_734 = tpu.vector_load %arg11[%get3A_732, %get3A_733] {strides = array<i32>} : memref<256x128xf32, #tpu.memory_space<vmem>>, vector<16xf32>,
        %mul3A_735 = arith.mulf %gather3A_664, %get3A_734 : vector<16xf32>
        %add3A_736 = arith.addf %add3A_660, %mul3A_735 : vector<16xf32>
        %add3A_737 = arith.constant 32 : i32
        %add3A_738 = arith.addi %add3A_737, %scan3A_122 : i32
        %swap3A = arith.index_cast %add3A_738 : i32 to index
        %swap3A_739 = arith.constant 0 : index
        %swap3A_740 = tpu.vector_load %arg12[%swap3A, %swap3A_739] {strides = array<i32>} : memref<64x128xf32, #tpu.memory_space<vmem>>, vector<16xf32>,
        tpu.vector_store %arg12[%swap3A, %swap3A_739], %add3A_673 {strides = array<i32>} : memref<64x128xf32, #tpu.memory_space<vmem>>, vector<16xf32>,
        %add3A_741 = arith.constant 32 : i32
        %add3A_742 = arith.addi %add3A_741, %scan3A_122 : i32
        %swap3A_743 = arith.index_cast %add3A_742 : i32 to index
        %swap3A_744 = arith.constant 16 : index
        %swap3A_745 = tpu.vector_load %arg12[%swap3A_743, %swap3A_744] {strides = array<i32>} : memref<64x128xf32, #tpu.memory_space<vmem>>, vector<16xf32>,
        tpu.vector_store %arg12[%swap3A_743, %swap3A_744], %add3A_682 {strides = array<i32>} : memref<64x128xf32, #tpu.memory_space<vmem>>, vector<16xf32>,
        %add3A_746 = arith.constant 32 : i32
        %add3A_747 = arith.addi %add3A_746, %scan3A_122 : i32
        %swap3A_748 = arith.index_cast %add3A_747 : i32 to index
        %swap3A_749 = arith.constant 32 : index
        %swap3A_750 = tpu.vector_load %arg12[%swap3A_748, %swap3A_749] {strides = array<i32>} : memref<64x128xf32, #tpu.memory_space<vmem>>, vector<16xf32>,
        tpu.vector_store %arg12[%swap3A_748, %swap3A_749], %add3A_691 {strides = array<i32>} : memref<64x128xf32, #tpu.memory_space<vmem>>, vector<16xf32>,
        %add3A_751 = arith.constant 32 : i32
        %add3A_752 = arith.addi %add3A_751, %scan3A_122 : i32
        %swap3A_753 = arith.index_cast %add3A_752 : i32 to index
        %swap3A_754 = arith.constant 48 : index
        %swap3A_755 = tpu.vector_load %arg12[%swap3A_753, %swap3A_754] {strides = array<i32>} : memref<64x128xf32, #tpu.memory_space<vmem>>, vector<16xf32>,
        tpu.vector_store %arg12[%swap3A_753, %swap3A_754], %add3A_700 {strides = array<i32>} : memref<64x128xf32, #tpu.memory_space<vmem>>, vector<16xf32>,
        %add3A_756 = arith.constant 32 : i32
        %add3A_757 = arith.addi %add3A_756, %scan3A_122 : i32
        %swap3A_758 = arith.index_cast %add3A_757 : i32 to index
        %swap3A_759 = arith.constant 64 : index
        %swap3A_760 = tpu.vector_load %arg12[%swap3A_758, %swap3A_759] {strides = array<i32>} : memref<64x128xf32, #tpu.memory_space<vmem>>, vector<16xf32>,
        tpu.vector_store %arg12[%swap3A_758, %swap3A_759], %add3A_709 {strides = array<i32>} : memref<64x128xf32, #tpu.memory_space<vmem>>, vector<16xf32>,
        %add3A_761 = arith.constant 32 : i32
        %add3A_762 = arith.addi %add3A_761, %scan3A_122 : i32
        %swap3A_763 = arith.index_cast %add3A_762 : i32 to index
        %swap3A_764 = arith.constant 80 : index
        %swap3A_765 = tpu.vector_load %arg12[%swap3A_763, %swap3A_764] {strides = array<i32>} : memref<64x128xf32, #tpu.memory_space<vmem>>, vector<16xf32>,
        tpu.vector_store %arg12[%swap3A_763, %swap3A_764], %add3A_718 {strides = array<i32>} : memref<64x128xf32, #tpu.memory_space<vmem>>, vector<16xf32>,
        %add3A_766 = arith.constant 32 : i32
        %add3A_767 = arith.addi %add3A_766, %scan3A_122 : i32
        %swap3A_768 = arith.index_cast %add3A_767 : i32 to index
        %swap3A_769 = arith.constant 96 : index
        %swap3A_770 = tpu.vector_load %arg12[%swap3A_768, %swap3A_769] {strides = array<i32>} : memref<64x128xf32, #tpu.memory_space<vmem>>, vector<16xf32>,
        tpu.vector_store %arg12[%swap3A_768, %swap3A_769], %add3A_727 {strides = array<i32>} : memref<64x128xf32, #tpu.memory_space<vmem>>, vector<16xf32>,
        %add3A_771 = arith.constant 32 : i32
        %add3A_772 = arith.addi %add3A_771, %scan3A_122 : i32
        %swap3A_773 = arith.index_cast %add3A_772 : i32 to index
        %swap3A_774 = arith.constant 112 : index
        %swap3A_775 = tpu.vector_load %arg12[%swap3A_773, %swap3A_774] {strides = array<i32>} : memref<64x128xf32, #tpu.memory_space<vmem>>, vector<16xf32>,
        tpu.vector_store %arg12[%swap3A_773, %swap3A_774], %add3A_736 {strides = array<i32>} : memref<64x128xf32, #tpu.memory_space<vmem>>, vector<16xf32>,
      }
      %scan3A_121 = arith.constant 32 : i32
      "tpu.region"() ({
        %run_scoped3A = tpu.sem_alloc : memref<!tpu.dma_semaphore, #tpu.memory_space<semaphore_mem>>
        %dma_start3A_122 = arith.constant 0 : i32
        %dma_start3A_123 = tpu.memref_slice %arg9[%scan3A_15, %dma_start3A_122] : memref<21x64xi32, #tpu.memory_space<vmem>> -> memref<1x64xi32, #tpu.memory_space<vmem>>
        %dma_start3A_124 = tpu.memref_squeeze %dma_start3A_123 : memref<1x64xi32, #tpu.memory_space<vmem>> -> memref<64xi32, #tpu.memory_space<vmem>>
        %dma_start3A_125 = arith.constant 0 : i32
        %dma_start3A_126 = arith.constant 0 : i32
        %dma_start3A_127 = tpu.memref_slice %arg13[%dma_start3A_125, %dma_start3A_126] : memref<6912x128xf32, #tpu.memory_space<vmem_shared>> -> memref<6912x128xf32, #tpu.memory_space<vmem_shared>>
        tpu.enqueue_indirect_dma source(%arg12 : memref<64x128xf32, #tpu.memory_space<vmem>>) target(%dma_start3A_127 : memref<6912x128xf32, #tpu.memory_space<vmem_shared>>) offsets(%dma_start3A_124 : memref<64xi32, #tpu.memory_space<vmem>>) semaphore(%run_scoped3A : memref<!tpu.dma_semaphore, #tpu.memory_space<semaphore_mem>>) {add = true}
        %dma_wait3A_128 = arith.constant 0 : i32
        %dma_wait3A_129 = tpu.memref_slice %arg9[%scan3A_15, %dma_wait3A_128] : memref<21x64xi32, #tpu.memory_space<vmem>> -> memref<1x64xi32, #tpu.memory_space<vmem>>
        %dma_wait3A_130 = tpu.memref_squeeze %dma_wait3A_129 : memref<1x64xi32, #tpu.memory_space<vmem>> -> memref<64xi32, #tpu.memory_space<vmem>>
        %dma_wait3A_131 = arith.constant 0 : i32
        %dma_wait3A_132 = arith.constant 0 : i32
        %dma_wait3A_133 = tpu.memref_slice %arg13[%dma_wait3A_131, %dma_wait3A_132] : memref<6912x128xf32, #tpu.memory_space<vmem_shared>> -> memref<6912x128xf32, #tpu.memory_space<vmem_shared>>
        tpu.wait_indirect_dma semaphore(%run_scoped3A : memref<!tpu.dma_semaphore, #tpu.memory_space<semaphore_mem>>) src(%arg12 : memref<64x128xf32, #tpu.memory_space<vmem>>) dst(%dma_wait3A_133 : memref<6912x128xf32, #tpu.memory_space<vmem_shared>>)
        tpu.yield
      }) : () -> ()
    }
    %scan3A_9 = arith.constant 21 : i32
    %barrier3A_10 = arith.constant 0 : index
    tpu.barrier barrier_id(%barrier3A_10)
    %mul3A_11 = arith.constant 432 : i32
    %mul3A_12 = arith.muli %arg1, %mul3A_11 : i32
    %mul3A_13 = arith.constant 432 : i32
    %mul3A_14 = arith.muli %arg1, %mul3A_13 : i32
    "tpu.region"() ({
      %run_scoped3A = tpu.sem_alloc : memref<!tpu.dma_semaphore, #tpu.memory_space<semaphore_mem>>
      %dma_start3A = arith.constant 0 : i32
      %dma_start3A_15 = arith.constant 0 : i32
      %dma_start3A_16 = tpu.memref_slice %arg7[%arg0, %dma_start3A, %dma_start3A_15] : memref<2x6912x128xf32, #tpu.memory_space<hbm>> -> memref<1x6912x128xf32, #tpu.memory_space<hbm>>
      %dma_start3A_17 = tpu.memref_squeeze %dma_start3A_16 : memref<1x6912x128xf32, #tpu.memory_space<hbm>> -> memref<6912x128xf32, #tpu.memory_space<hbm>>
      %dma_start3A_18 = arith.constant 0 : i32
      %dma_start3A_19 = tpu.memref_slice %dma_start3A_17[%mul3A_14, %dma_start3A_18] : memref<6912x128xf32, #tpu.memory_space<hbm>> -> memref<432x128xf32, #tpu.memory_space<hbm>>
      %dma_start3A_20 = arith.constant 0 : i32
      %dma_start3A_21 = tpu.memref_slice %arg13[%mul3A_12, %dma_start3A_20] : memref<6912x128xf32, #tpu.memory_space<vmem_shared>> -> memref<432x128xf32, #tpu.memory_space<vmem_shared>>
      tpu.enqueue_dma source(%dma_start3A_21 : memref<432x128xf32, #tpu.memory_space<vmem_shared>>) target(%dma_start3A_19 : memref<432x128xf32, #tpu.memory_space<hbm>>) target_semaphore(%run_scoped3A : memref<!tpu.dma_semaphore, #tpu.memory_space<semaphore_mem>>)
      %dma_wait3A = arith.constant 0 : i32
      %dma_wait3A_22 = arith.constant 0 : i32
      %dma_wait3A_23 = tpu.memref_slice %arg7[%arg0, %dma_wait3A, %dma_wait3A_22] : memref<2x6912x128xf32, #tpu.memory_space<hbm>> -> memref<1x6912x128xf32, #tpu.memory_space<hbm>>
      %dma_wait3A_24 = tpu.memref_squeeze %dma_wait3A_23 : memref<1x6912x128xf32, #tpu.memory_space<hbm>> -> memref<6912x128xf32, #tpu.memory_space<hbm>>
      %dma_wait3A_25 = arith.constant 0 : i32
      %dma_wait3A_26 = tpu.memref_slice %dma_wait3A_24[%mul3A_14, %dma_wait3A_25] : memref<6912x128xf32, #tpu.memory_space<hbm>> -> memref<432x128xf32, #tpu.memory_space<hbm>>
      %dma_wait3A_27 = arith.constant 0 : i32
      %dma_wait3A_28 = tpu.memref_slice %arg13[%mul3A_12, %dma_wait3A_27] : memref<6912x128xf32, #tpu.memory_space<vmem_shared>> -> memref<432x128xf32, #tpu.memory_space<vmem_shared>>
      tpu.wait_dma2 semaphore(%run_scoped3A : memref<!tpu.dma_semaphore, #tpu.memory_space<semaphore_mem>>) src(%dma_wait3A_28 : memref<432x128xf32, #tpu.memory_space<vmem_shared>>) dst(%dma_wait3A_26 : memref<432x128xf32, #tpu.memory_space<hbm>>)
      tpu.yield
    }) : () -> ()
    return
  }
}

#map = affine_map<(d0, d1) -> (0, 0)>
#map1 = affine_map<(d0, d1) -> (0, 0, 0)>
module attributes {stable_mosaic.version = 14 : i64} {
  func.func @_sc_conv_body(%arg0: i32, %arg1: i32, %arg2: memref<248832x32xf32, #tpu.memory_space<hbm>>, %arg3: memref<32x84x128xi32, #tpu.memory_space<hbm>>, %arg4: memref<32x10752xf32, #tpu.memory_space<hbm>>, %arg5: memref<32x21x64xi32, #tpu.memory_space<hbm>>, %arg6: memref<6912x32xf32, #tpu.memory_space<hbm>>, %arg7: memref<2x6912x32xf32, #tpu.memory_space<hbm>>, %arg8: memref<84x128xi32, #tpu.memory_space<vmem>>, %arg9: memref<21x64xi32, #tpu.memory_space<vmem>>, %arg10: memref<10752xf32, #tpu.memory_space<vmem>>, %arg11: memref<256x32xf32, #tpu.memory_space<vmem>>, %arg12: memref<64x32xf32, #tpu.memory_space<vmem>>, %arg13: memref<6912x32xf32, #tpu.memory_space<vmem_shared>>, %arg14: memref<!tpu.dma_semaphore, #tpu.memory_space<semaphore_mem>>) attributes {dimension_semantics = [#tpu.dimension_semantics<core_parallel>, #tpu.dimension_semantics<subcore_parallel>], iteration_bounds = array<i64: 2, 16>, scalar_prefetch = 0 : i64, scratch_operands = 7 : i64, tpu.core_type = #tpu.core_type<sc_vector_subcore>, window_params = [{transform_indices = #map}, {transform_indices = #map1}, {transform_indices = #map}, {transform_indices = #map1}, {transform_indices = #map}, {transform_indices = #map1}]} {
    %mul3A = arith.constant 2 : i32
    %mul3A_0 = arith.muli %arg1, %mul3A : i32
    %add3A = arith.addi %mul3A_0, %arg0 : i32
    %mul3A_1 = arith.constant 432 : i32
    %mul3A_2 = arith.muli %arg1, %mul3A_1 : i32
    %mul3A_3 = arith.constant 432 : i32
    %mul3A_4 = arith.muli %arg1, %mul3A_3 : i32
    "tpu.region"() ({
      %run_scoped3A = tpu.sem_alloc : memref<!tpu.dma_semaphore, #tpu.memory_space<semaphore_mem>>
      %dma_start3A = arith.constant 0 : i32
      %dma_start3A_15 = tpu.memref_slice %arg13[%mul3A_4, %dma_start3A] : memref<6912x32xf32, #tpu.memory_space<vmem_shared>> -> memref<432x32xf32, #tpu.memory_space<vmem_shared>>
      %dma_start3A_16 = arith.constant 0 : i32
      %dma_start3A_17 = tpu.memref_slice %arg6[%mul3A_2, %dma_start3A_16] : memref<6912x32xf32, #tpu.memory_space<hbm>> -> memref<432x32xf32, #tpu.memory_space<hbm>>
      tpu.enqueue_dma source(%dma_start3A_17 : memref<432x32xf32, #tpu.memory_space<hbm>>) target(%dma_start3A_15 : memref<432x32xf32, #tpu.memory_space<vmem_shared>>) target_semaphore(%run_scoped3A : memref<!tpu.dma_semaphore, #tpu.memory_space<semaphore_mem>>)
      %dma_wait3A = arith.constant 0 : i32
      %dma_wait3A_18 = tpu.memref_slice %arg13[%mul3A_4, %dma_wait3A] : memref<6912x32xf32, #tpu.memory_space<vmem_shared>> -> memref<432x32xf32, #tpu.memory_space<vmem_shared>>
      %dma_wait3A_19 = arith.constant 0 : i32
      %dma_wait3A_20 = tpu.memref_slice %arg6[%mul3A_2, %dma_wait3A_19] : memref<6912x32xf32, #tpu.memory_space<hbm>> -> memref<432x32xf32, #tpu.memory_space<hbm>>
      tpu.wait_dma2 semaphore(%run_scoped3A : memref<!tpu.dma_semaphore, #tpu.memory_space<semaphore_mem>>) src(%dma_wait3A_20 : memref<432x32xf32, #tpu.memory_space<hbm>>) dst(%dma_wait3A_18 : memref<432x32xf32, #tpu.memory_space<vmem_shared>>)
      tpu.yield
    }) : () -> ()
    "tpu.region"() ({
      %run_scoped3A = tpu.sem_alloc : memref<!tpu.dma_semaphore, #tpu.memory_space<semaphore_mem>>
      %dma_start3A = arith.constant 0 : i32
      %dma_start3A_15 = arith.constant 0 : i32
      %dma_start3A_16 = tpu.memref_slice %arg3[%add3A, %dma_start3A, %dma_start3A_15] : memref<32x84x128xi32, #tpu.memory_space<hbm>> -> memref<1x84x128xi32, #tpu.memory_space<hbm>>
      %dma_start3A_17 = tpu.memref_squeeze %dma_start3A_16 : memref<1x84x128xi32, #tpu.memory_space<hbm>> -> memref<84x128xi32, #tpu.memory_space<hbm>>
      %dma_start3A_18 = arith.constant 0 : i32
      %dma_start3A_19 = arith.constant 0 : i32
      %dma_start3A_20 = tpu.memref_slice %arg3[%add3A, %dma_start3A_18, %dma_start3A_19] : memref<32x84x128xi32, #tpu.memory_space<hbm>> -> memref<1x84x128xi32, #tpu.memory_space<hbm>>
      %dma_start3A_21 = tpu.memref_squeeze %dma_start3A_20 : memref<1x84x128xi32, #tpu.memory_space<hbm>> -> memref<84x128xi32, #tpu.memory_space<hbm>>
      tpu.enqueue_dma source(%dma_start3A_21 : memref<84x128xi32, #tpu.memory_space<hbm>>) target(%arg8 : memref<84x128xi32, #tpu.memory_space<vmem>>) target_semaphore(%run_scoped3A : memref<!tpu.dma_semaphore, #tpu.memory_space<semaphore_mem>>)
      %dma_wait3A = arith.constant 0 : i32
      %dma_wait3A_22 = arith.constant 0 : i32
      %dma_wait3A_23 = tpu.memref_slice %arg3[%add3A, %dma_wait3A, %dma_wait3A_22] : memref<32x84x128xi32, #tpu.memory_space<hbm>> -> memref<1x84x128xi32, #tpu.memory_space<hbm>>
      %dma_wait3A_24 = tpu.memref_squeeze %dma_wait3A_23 : memref<1x84x128xi32, #tpu.memory_space<hbm>> -> memref<84x128xi32, #tpu.memory_space<hbm>>
      %dma_wait3A_25 = arith.constant 0 : i32
      %dma_wait3A_26 = arith.constant 0 : i32
      %dma_wait3A_27 = tpu.memref_slice %arg3[%add3A, %dma_wait3A_25, %dma_wait3A_26] : memref<32x84x128xi32, #tpu.memory_space<hbm>> -> memref<1x84x128xi32, #tpu.memory_space<hbm>>
      %dma_wait3A_28 = tpu.memref_squeeze %dma_wait3A_27 : memref<1x84x128xi32, #tpu.memory_space<hbm>> -> memref<84x128xi32, #tpu.memory_space<hbm>>
      tpu.wait_dma2 semaphore(%run_scoped3A : memref<!tpu.dma_semaphore, #tpu.memory_space<semaphore_mem>>) src(%dma_wait3A_28 : memref<84x128xi32, #tpu.memory_space<hbm>>) dst(%arg8 : memref<84x128xi32, #tpu.memory_space<vmem>>)
      tpu.yield
    }) : () -> ()
    "tpu.region"() ({
      %run_scoped3A = tpu.sem_alloc : memref<!tpu.dma_semaphore, #tpu.memory_space<semaphore_mem>>
      %dma_start3A = arith.constant 0 : i32
      %dma_start3A_15 = arith.constant 0 : i32
      %dma_start3A_16 = tpu.memref_slice %arg5[%add3A, %dma_start3A, %dma_start3A_15] : memref<32x21x64xi32, #tpu.memory_space<hbm>> -> memref<1x21x64xi32, #tpu.memory_space<hbm>>
      %dma_start3A_17 = tpu.memref_squeeze %dma_start3A_16 : memref<1x21x64xi32, #tpu.memory_space<hbm>> -> memref<21x64xi32, #tpu.memory_space<hbm>>
      %dma_start3A_18 = arith.constant 0 : i32
      %dma_start3A_19 = arith.constant 0 : i32
      %dma_start3A_20 = tpu.memref_slice %arg5[%add3A, %dma_start3A_18, %dma_start3A_19] : memref<32x21x64xi32, #tpu.memory_space<hbm>> -> memref<1x21x64xi32, #tpu.memory_space<hbm>>
      %dma_start3A_21 = tpu.memref_squeeze %dma_start3A_20 : memref<1x21x64xi32, #tpu.memory_space<hbm>> -> memref<21x64xi32, #tpu.memory_space<hbm>>
      tpu.enqueue_dma source(%dma_start3A_21 : memref<21x64xi32, #tpu.memory_space<hbm>>) target(%arg9 : memref<21x64xi32, #tpu.memory_space<vmem>>) target_semaphore(%run_scoped3A : memref<!tpu.dma_semaphore, #tpu.memory_space<semaphore_mem>>)
      %dma_wait3A = arith.constant 0 : i32
      %dma_wait3A_22 = arith.constant 0 : i32
      %dma_wait3A_23 = tpu.memref_slice %arg5[%add3A, %dma_wait3A, %dma_wait3A_22] : memref<32x21x64xi32, #tpu.memory_space<hbm>> -> memref<1x21x64xi32, #tpu.memory_space<hbm>>
      %dma_wait3A_24 = tpu.memref_squeeze %dma_wait3A_23 : memref<1x21x64xi32, #tpu.memory_space<hbm>> -> memref<21x64xi32, #tpu.memory_space<hbm>>
      %dma_wait3A_25 = arith.constant 0 : i32
      %dma_wait3A_26 = arith.constant 0 : i32
      %dma_wait3A_27 = tpu.memref_slice %arg5[%add3A, %dma_wait3A_25, %dma_wait3A_26] : memref<32x21x64xi32, #tpu.memory_space<hbm>> -> memref<1x21x64xi32, #tpu.memory_space<hbm>>
      %dma_wait3A_28 = tpu.memref_squeeze %dma_wait3A_27 : memref<1x21x64xi32, #tpu.memory_space<hbm>> -> memref<21x64xi32, #tpu.memory_space<hbm>>
      tpu.wait_dma2 semaphore(%run_scoped3A : memref<!tpu.dma_semaphore, #tpu.memory_space<semaphore_mem>>) src(%dma_wait3A_28 : memref<21x64xi32, #tpu.memory_space<hbm>>) dst(%arg9 : memref<21x64xi32, #tpu.memory_space<vmem>>)
      tpu.yield
    }) : () -> ()
    "tpu.region"() ({
      %run_scoped3A = tpu.sem_alloc : memref<!tpu.dma_semaphore, #tpu.memory_space<semaphore_mem>>
      %dma_start3A = arith.constant 0 : i32
      %dma_start3A_15 = tpu.memref_slice %arg4[%add3A, %dma_start3A] : memref<32x10752xf32, #tpu.memory_space<hbm>> -> memref<1x10752xf32, #tpu.memory_space<hbm>>
      %dma_start3A_16 = tpu.memref_squeeze %dma_start3A_15 : memref<1x10752xf32, #tpu.memory_space<hbm>> -> memref<10752xf32, #tpu.memory_space<hbm>>
      %dma_start3A_17 = arith.constant 0 : i32
      %dma_start3A_18 = tpu.memref_slice %arg4[%add3A, %dma_start3A_17] : memref<32x10752xf32, #tpu.memory_space<hbm>> -> memref<1x10752xf32, #tpu.memory_space<hbm>>
      %dma_start3A_19 = tpu.memref_squeeze %dma_start3A_18 : memref<1x10752xf32, #tpu.memory_space<hbm>> -> memref<10752xf32, #tpu.memory_space<hbm>>
      tpu.enqueue_dma source(%dma_start3A_19 : memref<10752xf32, #tpu.memory_space<hbm>>) target(%arg10 : memref<10752xf32, #tpu.memory_space<vmem>>) target_semaphore(%run_scoped3A : memref<!tpu.dma_semaphore, #tpu.memory_space<semaphore_mem>>)
      %dma_wait3A = arith.constant 0 : i32
      %dma_wait3A_20 = tpu.memref_slice %arg4[%add3A, %dma_wait3A] : memref<32x10752xf32, #tpu.memory_space<hbm>> -> memref<1x10752xf32, #tpu.memory_space<hbm>>
      %dma_wait3A_21 = tpu.memref_squeeze %dma_wait3A_20 : memref<1x10752xf32, #tpu.memory_space<hbm>> -> memref<10752xf32, #tpu.memory_space<hbm>>
      %dma_wait3A_22 = arith.constant 0 : i32
      %dma_wait3A_23 = tpu.memref_slice %arg4[%add3A, %dma_wait3A_22] : memref<32x10752xf32, #tpu.memory_space<hbm>> -> memref<1x10752xf32, #tpu.memory_space<hbm>>
      %dma_wait3A_24 = tpu.memref_squeeze %dma_wait3A_23 : memref<1x10752xf32, #tpu.memory_space<hbm>> -> memref<10752xf32, #tpu.memory_space<hbm>>
      tpu.wait_dma2 semaphore(%run_scoped3A : memref<!tpu.dma_semaphore, #tpu.memory_space<semaphore_mem>>) src(%dma_wait3A_24 : memref<10752xf32, #tpu.memory_space<hbm>>) dst(%arg10 : memref<10752xf32, #tpu.memory_space<vmem>>)
      tpu.yield
    }) : () -> ()
    %barrier3A = arith.constant 0 : index
    tpu.barrier barrier_id(%barrier3A)
    %scan3A = arith.constant 0 : i32
    %scan3A_5 = arith.constant 0 : i32
    %scan3A_6 = arith.constant 21 : i32
    %scan3A_7 = arith.addi %scan3A_5, %scan3A_6 : i32
    %scan3A_8 = arith.constant 1 : i32
    scf.for %scan3A_15 = %scan3A_5 to %scan3A_7 step %scan3A_8  : i32 {
      %mul3A_16 = arith.constant 4 : i32
      %mul3A_17 = arith.muli %scan3A_15, %mul3A_16 : i32
      %add3A_18 = arith.constant 0 : i32
      %add3A_19 = arith.addi %mul3A_17, %add3A_18 : i32
      %add3A_20 = arith.constant 0 : i32
      %add3A_21 = arith.addi %add3A_19, %add3A_20 : i32
      %dma_start3A = arith.constant 0 : i32
      %dma_start3A_22 = arith.constant 0 : i32
      %dma_start3A_23 = tpu.memref_slice %arg11[%dma_start3A, %dma_start3A_22] : memref<256x32xf32, #tpu.memory_space<vmem>> -> memref<128x32xf32, #tpu.memory_space<vmem>>
      %dma_start3A_24 = arith.constant 0 : i32
      %dma_start3A_25 = tpu.memref_slice %arg8[%add3A_21, %dma_start3A_24] : memref<84x128xi32, #tpu.memory_space<vmem>> -> memref<1x128xi32, #tpu.memory_space<vmem>>
      %dma_start3A_26 = tpu.memref_squeeze %dma_start3A_25 : memref<1x128xi32, #tpu.memory_space<vmem>> -> memref<128xi32, #tpu.memory_space<vmem>>
      %dma_start3A_27 = arith.constant 0 : i32
      %dma_start3A_28 = arith.constant 0 : i32
      %dma_start3A_29 = tpu.memref_slice %arg2[%dma_start3A_27, %dma_start3A_28] : memref<248832x32xf32, #tpu.memory_space<hbm>> -> memref<248832x32xf32, #tpu.memory_space<hbm>>
      tpu.enqueue_indirect_dma source(%dma_start3A_29 : memref<248832x32xf32, #tpu.memory_space<hbm>>) target(%dma_start3A_23 : memref<128x32xf32, #tpu.memory_space<vmem>>) offsets(%dma_start3A_26 : memref<128xi32, #tpu.memory_space<vmem>>) semaphore(%arg14 : memref<!tpu.dma_semaphore, #tpu.memory_space<semaphore_mem>>)
      %dma_wait3A = arith.constant 0 : i32
      %dma_wait3A_30 = arith.constant 0 : i32
      %dma_wait3A_31 = tpu.memref_slice %arg11[%dma_wait3A, %dma_wait3A_30] : memref<256x32xf32, #tpu.memory_space<vmem>> -> memref<128x32xf32, #tpu.memory_space<vmem>>
      %dma_wait3A_32 = arith.constant 0 : i32
      %dma_wait3A_33 = tpu.memref_slice %arg8[%add3A_21, %dma_wait3A_32] : memref<84x128xi32, #tpu.memory_space<vmem>> -> memref<1x128xi32, #tpu.memory_space<vmem>>
      %dma_wait3A_34 = tpu.memref_squeeze %dma_wait3A_33 : memref<1x128xi32, #tpu.memory_space<vmem>> -> memref<128xi32, #tpu.memory_space<vmem>>
      %dma_wait3A_35 = arith.constant 0 : i32
      %dma_wait3A_36 = arith.constant 0 : i32
      %dma_wait3A_37 = tpu.memref_slice %arg2[%dma_wait3A_35, %dma_wait3A_36] : memref<248832x32xf32, #tpu.memory_space<hbm>> -> memref<248832x32xf32, #tpu.memory_space<hbm>>
      tpu.wait_indirect_dma semaphore(%arg14 : memref<!tpu.dma_semaphore, #tpu.memory_space<semaphore_mem>>) src(%dma_wait3A_37 : memref<248832x32xf32, #tpu.memory_space<hbm>>) dst(%dma_wait3A_31 : memref<128x32xf32, #tpu.memory_space<vmem>>)
      %mul3A_38 = arith.constant 4 : i32
      %mul3A_39 = arith.muli %scan3A_15, %mul3A_38 : i32
      %add3A_40 = arith.constant 0 : i32
      %add3A_41 = arith.addi %mul3A_39, %add3A_40 : i32
      %add3A_42 = arith.constant 1 : i32
      %add3A_43 = arith.addi %add3A_41, %add3A_42 : i32
      %dma_start3A_44 = arith.constant 128 : i32
      %dma_start3A_45 = arith.constant 0 : i32
      %dma_start3A_46 = tpu.memref_slice %arg11[%dma_start3A_44, %dma_start3A_45] : memref<256x32xf32, #tpu.memory_space<vmem>> -> memref<128x32xf32, #tpu.memory_space<vmem>>
      %dma_start3A_47 = arith.constant 0 : i32
      %dma_start3A_48 = tpu.memref_slice %arg8[%add3A_43, %dma_start3A_47] : memref<84x128xi32, #tpu.memory_space<vmem>> -> memref<1x128xi32, #tpu.memory_space<vmem>>
      %dma_start3A_49 = tpu.memref_squeeze %dma_start3A_48 : memref<1x128xi32, #tpu.memory_space<vmem>> -> memref<128xi32, #tpu.memory_space<vmem>>
      %dma_start3A_50 = arith.constant 0 : i32
      %dma_start3A_51 = arith.constant 0 : i32
      %dma_start3A_52 = tpu.memref_slice %arg2[%dma_start3A_50, %dma_start3A_51] : memref<248832x32xf32, #tpu.memory_space<hbm>> -> memref<248832x32xf32, #tpu.memory_space<hbm>>
      tpu.enqueue_indirect_dma source(%dma_start3A_52 : memref<248832x32xf32, #tpu.memory_space<hbm>>) target(%dma_start3A_46 : memref<128x32xf32, #tpu.memory_space<vmem>>) offsets(%dma_start3A_49 : memref<128xi32, #tpu.memory_space<vmem>>) semaphore(%arg14 : memref<!tpu.dma_semaphore, #tpu.memory_space<semaphore_mem>>)
      %dma_wait3A_53 = arith.constant 128 : i32
      %dma_wait3A_54 = arith.constant 0 : i32
      %dma_wait3A_55 = tpu.memref_slice %arg11[%dma_wait3A_53, %dma_wait3A_54] : memref<256x32xf32, #tpu.memory_space<vmem>> -> memref<128x32xf32, #tpu.memory_space<vmem>>
      %dma_wait3A_56 = arith.constant 0 : i32
      %dma_wait3A_57 = tpu.memref_slice %arg8[%add3A_43, %dma_wait3A_56] : memref<84x128xi32, #tpu.memory_space<vmem>> -> memref<1x128xi32, #tpu.memory_space<vmem>>
      %dma_wait3A_58 = tpu.memref_squeeze %dma_wait3A_57 : memref<1x128xi32, #tpu.memory_space<vmem>> -> memref<128xi32, #tpu.memory_space<vmem>>
      %dma_wait3A_59 = arith.constant 0 : i32
      %dma_wait3A_60 = arith.constant 0 : i32
      %dma_wait3A_61 = tpu.memref_slice %arg2[%dma_wait3A_59, %dma_wait3A_60] : memref<248832x32xf32, #tpu.memory_space<hbm>> -> memref<248832x32xf32, #tpu.memory_space<hbm>>
      tpu.wait_indirect_dma semaphore(%arg14 : memref<!tpu.dma_semaphore, #tpu.memory_space<semaphore_mem>>) src(%dma_wait3A_61 : memref<248832x32xf32, #tpu.memory_space<hbm>>) dst(%dma_wait3A_55 : memref<128x32xf32, #tpu.memory_space<vmem>>)
      %scan3A_62 = arith.constant 0 : i32
      %scan3A_63 = arith.constant 0 : i32
      %scan3A_64 = arith.constant 32 : i32
      %scan3A_65 = arith.addi %scan3A_63, %scan3A_64 : i32
      %scan3A_66 = arith.constant 1 : i32
      scf.for %scan3A_122 = %scan3A_63 to %scan3A_65 step %scan3A_66  : i32 {
        %mul3A_123 = arith.constant 512 : i32
        %mul3A_124 = arith.muli %scan3A_15, %mul3A_123 : i32
        %add3A_125 = arith.constant 0 : i32
        %add3A_126 = arith.addi %mul3A_124, %add3A_125 : i32
        %mul3A_127 = arith.constant 8 : i32
        %mul3A_128 = arith.muli %scan3A_122, %mul3A_127 : i32
        %add3A_129 = arith.addi %add3A_126, %mul3A_128 : i32
        %broadcast_in_dim3A = arith.constant 0.000000e+00 : f32
        %broadcast_in_dim3A_130 = vector.broadcast %broadcast_in_dim3A : f32 to vector<16xf32>
        %add3A_131 = arith.constant 0 : i32
        %add3A_132 = arith.addi %add3A_129, %add3A_131 : i32
        %broadcast_in_dim3A_133 = vector.broadcast %add3A_132 : i32 to vector<16xi32>
        %gather3A = tpu.vector_load_idx %arg10[%broadcast_in_dim3A_133] : memref<10752xf32, #tpu.memory_space<vmem>>[vector<16xi32>], vector<16xf32>,
        %mul3A_134 = arith.constant 8 : i32
        %mul3A_135 = arith.muli %scan3A_122, %mul3A_134 : i32
        %add3A_136 = arith.constant 0 : i32
        %add3A_137 = arith.addi %mul3A_135, %add3A_136 : i32
        %get3A = arith.index_cast %add3A_137 : i32 to index
        %get3A_138 = arith.constant 0 : index
        %get3A_139 = tpu.vector_load %arg11[%get3A, %get3A_138] {strides = array<i32>} : memref<256x32xf32, #tpu.memory_space<vmem>>, vector<16xf32>,
        %mul3A_140 = arith.mulf %gather3A, %get3A_139 : vector<16xf32>
        %add3A_141 = arith.addf %broadcast_in_dim3A_130, %mul3A_140 : vector<16xf32>
        %mul3A_142 = arith.constant 8 : i32
        %mul3A_143 = arith.muli %scan3A_122, %mul3A_142 : i32
        %add3A_144 = arith.constant 0 : i32
        %add3A_145 = arith.addi %mul3A_143, %add3A_144 : i32
        %get3A_146 = arith.index_cast %add3A_145 : i32 to index
        %get3A_147 = arith.constant 16 : index
        %get3A_148 = tpu.vector_load %arg11[%get3A_146, %get3A_147] {strides = array<i32>} : memref<256x32xf32, #tpu.memory_space<vmem>>, vector<16xf32>,
        %mul3A_149 = arith.mulf %gather3A, %get3A_148 : vector<16xf32>
        %add3A_150 = arith.addf %broadcast_in_dim3A_130, %mul3A_149 : vector<16xf32>
        %add3A_151 = arith.constant 1 : i32
        %add3A_152 = arith.addi %add3A_129, %add3A_151 : i32
        %broadcast_in_dim3A_153 = vector.broadcast %add3A_152 : i32 to vector<16xi32>
        %gather3A_154 = tpu.vector_load_idx %arg10[%broadcast_in_dim3A_153] : memref<10752xf32, #tpu.memory_space<vmem>>[vector<16xi32>], vector<16xf32>,
        %mul3A_155 = arith.constant 8 : i32
        %mul3A_156 = arith.muli %scan3A_122, %mul3A_155 : i32
        %add3A_157 = arith.constant 1 : i32
        %add3A_158 = arith.addi %mul3A_156, %add3A_157 : i32
        %get3A_159 = arith.index_cast %add3A_158 : i32 to index
        %get3A_160 = arith.constant 0 : index
        %get3A_161 = tpu.vector_load %arg11[%get3A_159, %get3A_160] {strides = array<i32>} : memref<256x32xf32, #tpu.memory_space<vmem>>, vector<16xf32>,
        %mul3A_162 = arith.mulf %gather3A_154, %get3A_161 : vector<16xf32>
        %add3A_163 = arith.addf %add3A_141, %mul3A_162 : vector<16xf32>
        %mul3A_164 = arith.constant 8 : i32
        %mul3A_165 = arith.muli %scan3A_122, %mul3A_164 : i32
        %add3A_166 = arith.constant 1 : i32
        %add3A_167 = arith.addi %mul3A_165, %add3A_166 : i32
        %get3A_168 = arith.index_cast %add3A_167 : i32 to index
        %get3A_169 = arith.constant 16 : index
        %get3A_170 = tpu.vector_load %arg11[%get3A_168, %get3A_169] {strides = array<i32>} : memref<256x32xf32, #tpu.memory_space<vmem>>, vector<16xf32>,
        %mul3A_171 = arith.mulf %gather3A_154, %get3A_170 : vector<16xf32>
        %add3A_172 = arith.addf %add3A_150, %mul3A_171 : vector<16xf32>
        %add3A_173 = arith.constant 2 : i32
        %add3A_174 = arith.addi %add3A_129, %add3A_173 : i32
        %broadcast_in_dim3A_175 = vector.broadcast %add3A_174 : i32 to vector<16xi32>
        %gather3A_176 = tpu.vector_load_idx %arg10[%broadcast_in_dim3A_175] : memref<10752xf32, #tpu.memory_space<vmem>>[vector<16xi32>], vector<16xf32>,
        %mul3A_177 = arith.constant 8 : i32
        %mul3A_178 = arith.muli %scan3A_122, %mul3A_177 : i32
        %add3A_179 = arith.constant 2 : i32
        %add3A_180 = arith.addi %mul3A_178, %add3A_179 : i32
        %get3A_181 = arith.index_cast %add3A_180 : i32 to index
        %get3A_182 = arith.constant 0 : index
        %get3A_183 = tpu.vector_load %arg11[%get3A_181, %get3A_182] {strides = array<i32>} : memref<256x32xf32, #tpu.memory_space<vmem>>, vector<16xf32>,
        %mul3A_184 = arith.mulf %gather3A_176, %get3A_183 : vector<16xf32>
        %add3A_185 = arith.addf %add3A_163, %mul3A_184 : vector<16xf32>
        %mul3A_186 = arith.constant 8 : i32
        %mul3A_187 = arith.muli %scan3A_122, %mul3A_186 : i32
        %add3A_188 = arith.constant 2 : i32
        %add3A_189 = arith.addi %mul3A_187, %add3A_188 : i32
        %get3A_190 = arith.index_cast %add3A_189 : i32 to index
        %get3A_191 = arith.constant 16 : index
        %get3A_192 = tpu.vector_load %arg11[%get3A_190, %get3A_191] {strides = array<i32>} : memref<256x32xf32, #tpu.memory_space<vmem>>, vector<16xf32>,
        %mul3A_193 = arith.mulf %gather3A_176, %get3A_192 : vector<16xf32>
        %add3A_194 = arith.addf %add3A_172, %mul3A_193 : vector<16xf32>
        %add3A_195 = arith.constant 3 : i32
        %add3A_196 = arith.addi %add3A_129, %add3A_195 : i32
        %broadcast_in_dim3A_197 = vector.broadcast %add3A_196 : i32 to vector<16xi32>
        %gather3A_198 = tpu.vector_load_idx %arg10[%broadcast_in_dim3A_197] : memref<10752xf32, #tpu.memory_space<vmem>>[vector<16xi32>], vector<16xf32>,
        %mul3A_199 = arith.constant 8 : i32
        %mul3A_200 = arith.muli %scan3A_122, %mul3A_199 : i32
        %add3A_201 = arith.constant 3 : i32
        %add3A_202 = arith.addi %mul3A_200, %add3A_201 : i32
        %get3A_203 = arith.index_cast %add3A_202 : i32 to index
        %get3A_204 = arith.constant 0 : index
        %get3A_205 = tpu.vector_load %arg11[%get3A_203, %get3A_204] {strides = array<i32>} : memref<256x32xf32, #tpu.memory_space<vmem>>, vector<16xf32>,
        %mul3A_206 = arith.mulf %gather3A_198, %get3A_205 : vector<16xf32>
        %add3A_207 = arith.addf %add3A_185, %mul3A_206 : vector<16xf32>
        %mul3A_208 = arith.constant 8 : i32
        %mul3A_209 = arith.muli %scan3A_122, %mul3A_208 : i32
        %add3A_210 = arith.constant 3 : i32
        %add3A_211 = arith.addi %mul3A_209, %add3A_210 : i32
        %get3A_212 = arith.index_cast %add3A_211 : i32 to index
        %get3A_213 = arith.constant 16 : index
        %get3A_214 = tpu.vector_load %arg11[%get3A_212, %get3A_213] {strides = array<i32>} : memref<256x32xf32, #tpu.memory_space<vmem>>, vector<16xf32>,
        %mul3A_215 = arith.mulf %gather3A_198, %get3A_214 : vector<16xf32>
        %add3A_216 = arith.addf %add3A_194, %mul3A_215 : vector<16xf32>
        %add3A_217 = arith.constant 4 : i32
        %add3A_218 = arith.addi %add3A_129, %add3A_217 : i32
        %broadcast_in_dim3A_219 = vector.broadcast %add3A_218 : i32 to vector<16xi32>
        %gather3A_220 = tpu.vector_load_idx %arg10[%broadcast_in_dim3A_219] : memref<10752xf32, #tpu.memory_space<vmem>>[vector<16xi32>], vector<16xf32>,
        %mul3A_221 = arith.constant 8 : i32
        %mul3A_222 = arith.muli %scan3A_122, %mul3A_221 : i32
        %add3A_223 = arith.constant 4 : i32
        %add3A_224 = arith.addi %mul3A_222, %add3A_223 : i32
        %get3A_225 = arith.index_cast %add3A_224 : i32 to index
        %get3A_226 = arith.constant 0 : index
        %get3A_227 = tpu.vector_load %arg11[%get3A_225, %get3A_226] {strides = array<i32>} : memref<256x32xf32, #tpu.memory_space<vmem>>, vector<16xf32>,
        %mul3A_228 = arith.mulf %gather3A_220, %get3A_227 : vector<16xf32>
        %add3A_229 = arith.addf %add3A_207, %mul3A_228 : vector<16xf32>
        %mul3A_230 = arith.constant 8 : i32
        %mul3A_231 = arith.muli %scan3A_122, %mul3A_230 : i32
        %add3A_232 = arith.constant 4 : i32
        %add3A_233 = arith.addi %mul3A_231, %add3A_232 : i32
        %get3A_234 = arith.index_cast %add3A_233 : i32 to index
        %get3A_235 = arith.constant 16 : index
        %get3A_236 = tpu.vector_load %arg11[%get3A_234, %get3A_235] {strides = array<i32>} : memref<256x32xf32, #tpu.memory_space<vmem>>, vector<16xf32>,
        %mul3A_237 = arith.mulf %gather3A_220, %get3A_236 : vector<16xf32>
        %add3A_238 = arith.addf %add3A_216, %mul3A_237 : vector<16xf32>
        %add3A_239 = arith.constant 5 : i32
        %add3A_240 = arith.addi %add3A_129, %add3A_239 : i32
        %broadcast_in_dim3A_241 = vector.broadcast %add3A_240 : i32 to vector<16xi32>
        %gather3A_242 = tpu.vector_load_idx %arg10[%broadcast_in_dim3A_241] : memref<10752xf32, #tpu.memory_space<vmem>>[vector<16xi32>], vector<16xf32>,
        %mul3A_243 = arith.constant 8 : i32
        %mul3A_244 = arith.muli %scan3A_122, %mul3A_243 : i32
        %add3A_245 = arith.constant 5 : i32
        %add3A_246 = arith.addi %mul3A_244, %add3A_245 : i32
        %get3A_247 = arith.index_cast %add3A_246 : i32 to index
        %get3A_248 = arith.constant 0 : index
        %get3A_249 = tpu.vector_load %arg11[%get3A_247, %get3A_248] {strides = array<i32>} : memref<256x32xf32, #tpu.memory_space<vmem>>, vector<16xf32>,
        %mul3A_250 = arith.mulf %gather3A_242, %get3A_249 : vector<16xf32>
        %add3A_251 = arith.addf %add3A_229, %mul3A_250 : vector<16xf32>
        %mul3A_252 = arith.constant 8 : i32
        %mul3A_253 = arith.muli %scan3A_122, %mul3A_252 : i32
        %add3A_254 = arith.constant 5 : i32
        %add3A_255 = arith.addi %mul3A_253, %add3A_254 : i32
        %get3A_256 = arith.index_cast %add3A_255 : i32 to index
        %get3A_257 = arith.constant 16 : index
        %get3A_258 = tpu.vector_load %arg11[%get3A_256, %get3A_257] {strides = array<i32>} : memref<256x32xf32, #tpu.memory_space<vmem>>, vector<16xf32>,
        %mul3A_259 = arith.mulf %gather3A_242, %get3A_258 : vector<16xf32>
        %add3A_260 = arith.addf %add3A_238, %mul3A_259 : vector<16xf32>
        %add3A_261 = arith.constant 6 : i32
        %add3A_262 = arith.addi %add3A_129, %add3A_261 : i32
        %broadcast_in_dim3A_263 = vector.broadcast %add3A_262 : i32 to vector<16xi32>
        %gather3A_264 = tpu.vector_load_idx %arg10[%broadcast_in_dim3A_263] : memref<10752xf32, #tpu.memory_space<vmem>>[vector<16xi32>], vector<16xf32>,
        %mul3A_265 = arith.constant 8 : i32
        %mul3A_266 = arith.muli %scan3A_122, %mul3A_265 : i32
        %add3A_267 = arith.constant 6 : i32
        %add3A_268 = arith.addi %mul3A_266, %add3A_267 : i32
        %get3A_269 = arith.index_cast %add3A_268 : i32 to index
        %get3A_270 = arith.constant 0 : index
        %get3A_271 = tpu.vector_load %arg11[%get3A_269, %get3A_270] {strides = array<i32>} : memref<256x32xf32, #tpu.memory_space<vmem>>, vector<16xf32>,
        %mul3A_272 = arith.mulf %gather3A_264, %get3A_271 : vector<16xf32>
        %add3A_273 = arith.addf %add3A_251, %mul3A_272 : vector<16xf32>
        %mul3A_274 = arith.constant 8 : i32
        %mul3A_275 = arith.muli %scan3A_122, %mul3A_274 : i32
        %add3A_276 = arith.constant 6 : i32
        %add3A_277 = arith.addi %mul3A_275, %add3A_276 : i32
        %get3A_278 = arith.index_cast %add3A_277 : i32 to index
        %get3A_279 = arith.constant 16 : index
        %get3A_280 = tpu.vector_load %arg11[%get3A_278, %get3A_279] {strides = array<i32>} : memref<256x32xf32, #tpu.memory_space<vmem>>, vector<16xf32>,
        %mul3A_281 = arith.mulf %gather3A_264, %get3A_280 : vector<16xf32>
        %add3A_282 = arith.addf %add3A_260, %mul3A_281 : vector<16xf32>
        %add3A_283 = arith.constant 7 : i32
        %add3A_284 = arith.addi %add3A_129, %add3A_283 : i32
        %broadcast_in_dim3A_285 = vector.broadcast %add3A_284 : i32 to vector<16xi32>
        %gather3A_286 = tpu.vector_load_idx %arg10[%broadcast_in_dim3A_285] : memref<10752xf32, #tpu.memory_space<vmem>>[vector<16xi32>], vector<16xf32>,
        %mul3A_287 = arith.constant 8 : i32
        %mul3A_288 = arith.muli %scan3A_122, %mul3A_287 : i32
        %add3A_289 = arith.constant 7 : i32
        %add3A_290 = arith.addi %mul3A_288, %add3A_289 : i32
        %get3A_291 = arith.index_cast %add3A_290 : i32 to index
        %get3A_292 = arith.constant 0 : index
        %get3A_293 = tpu.vector_load %arg11[%get3A_291, %get3A_292] {strides = array<i32>} : memref<256x32xf32, #tpu.memory_space<vmem>>, vector<16xf32>,
        %mul3A_294 = arith.mulf %gather3A_286, %get3A_293 : vector<16xf32>
        %add3A_295 = arith.addf %add3A_273, %mul3A_294 : vector<16xf32>
        %mul3A_296 = arith.constant 8 : i32
        %mul3A_297 = arith.muli %scan3A_122, %mul3A_296 : i32
        %add3A_298 = arith.constant 7 : i32
        %add3A_299 = arith.addi %mul3A_297, %add3A_298 : i32
        %get3A_300 = arith.index_cast %add3A_299 : i32 to index
        %get3A_301 = arith.constant 16 : index
        %get3A_302 = tpu.vector_load %arg11[%get3A_300, %get3A_301] {strides = array<i32>} : memref<256x32xf32, #tpu.memory_space<vmem>>, vector<16xf32>,
        %mul3A_303 = arith.mulf %gather3A_286, %get3A_302 : vector<16xf32>
        %add3A_304 = arith.addf %add3A_282, %mul3A_303 : vector<16xf32>
        %add3A_305 = arith.constant 0 : i32
        %add3A_306 = arith.addi %add3A_305, %scan3A_122 : i32
        %swap3A = arith.index_cast %add3A_306 : i32 to index
        %swap3A_307 = arith.constant 0 : index
        %swap3A_308 = tpu.vector_load %arg12[%swap3A, %swap3A_307] {strides = array<i32>} : memref<64x32xf32, #tpu.memory_space<vmem>>, vector<16xf32>,
        tpu.vector_store %arg12[%swap3A, %swap3A_307], %add3A_295 {strides = array<i32>} : memref<64x32xf32, #tpu.memory_space<vmem>>, vector<16xf32>,
        %add3A_309 = arith.constant 0 : i32
        %add3A_310 = arith.addi %add3A_309, %scan3A_122 : i32
        %swap3A_311 = arith.index_cast %add3A_310 : i32 to index
        %swap3A_312 = arith.constant 16 : index
        %swap3A_313 = tpu.vector_load %arg12[%swap3A_311, %swap3A_312] {strides = array<i32>} : memref<64x32xf32, #tpu.memory_space<vmem>>, vector<16xf32>,
        tpu.vector_store %arg12[%swap3A_311, %swap3A_312], %add3A_304 {strides = array<i32>} : memref<64x32xf32, #tpu.memory_space<vmem>>, vector<16xf32>,
      }
      %scan3A_67 = arith.constant 32 : i32
      %mul3A_68 = arith.constant 4 : i32
      %mul3A_69 = arith.muli %scan3A_15, %mul3A_68 : i32
      %add3A_70 = arith.constant 2 : i32
      %add3A_71 = arith.addi %mul3A_69, %add3A_70 : i32
      %add3A_72 = arith.constant 0 : i32
      %add3A_73 = arith.addi %add3A_71, %add3A_72 : i32
      %dma_start3A_74 = arith.constant 0 : i32
      %dma_start3A_75 = arith.constant 0 : i32
      %dma_start3A_76 = tpu.memref_slice %arg11[%dma_start3A_74, %dma_start3A_75] : memref<256x32xf32, #tpu.memory_space<vmem>> -> memref<128x32xf32, #tpu.memory_space<vmem>>
      %dma_start3A_77 = arith.constant 0 : i32
      %dma_start3A_78 = tpu.memref_slice %arg8[%add3A_73, %dma_start3A_77] : memref<84x128xi32, #tpu.memory_space<vmem>> -> memref<1x128xi32, #tpu.memory_space<vmem>>
      %dma_start3A_79 = tpu.memref_squeeze %dma_start3A_78 : memref<1x128xi32, #tpu.memory_space<vmem>> -> memref<128xi32, #tpu.memory_space<vmem>>
      %dma_start3A_80 = arith.constant 0 : i32
      %dma_start3A_81 = arith.constant 0 : i32
      %dma_start3A_82 = tpu.memref_slice %arg2[%dma_start3A_80, %dma_start3A_81] : memref<248832x32xf32, #tpu.memory_space<hbm>> -> memref<248832x32xf32, #tpu.memory_space<hbm>>
      tpu.enqueue_indirect_dma source(%dma_start3A_82 : memref<248832x32xf32, #tpu.memory_space<hbm>>) target(%dma_start3A_76 : memref<128x32xf32, #tpu.memory_space<vmem>>) offsets(%dma_start3A_79 : memref<128xi32, #tpu.memory_space<vmem>>) semaphore(%arg14 : memref<!tpu.dma_semaphore, #tpu.memory_space<semaphore_mem>>)
      %dma_wait3A_83 = arith.constant 0 : i32
      %dma_wait3A_84 = arith.constant 0 : i32
      %dma_wait3A_85 = tpu.memref_slice %arg11[%dma_wait3A_83, %dma_wait3A_84] : memref<256x32xf32, #tpu.memory_space<vmem>> -> memref<128x32xf32, #tpu.memory_space<vmem>>
      %dma_wait3A_86 = arith.constant 0 : i32
      %dma_wait3A_87 = tpu.memref_slice %arg8[%add3A_73, %dma_wait3A_86] : memref<84x128xi32, #tpu.memory_space<vmem>> -> memref<1x128xi32, #tpu.memory_space<vmem>>
      %dma_wait3A_88 = tpu.memref_squeeze %dma_wait3A_87 : memref<1x128xi32, #tpu.memory_space<vmem>> -> memref<128xi32, #tpu.memory_space<vmem>>
      %dma_wait3A_89 = arith.constant 0 : i32
      %dma_wait3A_90 = arith.constant 0 : i32
      %dma_wait3A_91 = tpu.memref_slice %arg2[%dma_wait3A_89, %dma_wait3A_90] : memref<248832x32xf32, #tpu.memory_space<hbm>> -> memref<248832x32xf32, #tpu.memory_space<hbm>>
      tpu.wait_indirect_dma semaphore(%arg14 : memref<!tpu.dma_semaphore, #tpu.memory_space<semaphore_mem>>) src(%dma_wait3A_91 : memref<248832x32xf32, #tpu.memory_space<hbm>>) dst(%dma_wait3A_85 : memref<128x32xf32, #tpu.memory_space<vmem>>)
      %mul3A_92 = arith.constant 4 : i32
      %mul3A_93 = arith.muli %scan3A_15, %mul3A_92 : i32
      %add3A_94 = arith.constant 2 : i32
      %add3A_95 = arith.addi %mul3A_93, %add3A_94 : i32
      %add3A_96 = arith.constant 1 : i32
      %add3A_97 = arith.addi %add3A_95, %add3A_96 : i32
      %dma_start3A_98 = arith.constant 128 : i32
      %dma_start3A_99 = arith.constant 0 : i32
      %dma_start3A_100 = tpu.memref_slice %arg11[%dma_start3A_98, %dma_start3A_99] : memref<256x32xf32, #tpu.memory_space<vmem>> -> memref<128x32xf32, #tpu.memory_space<vmem>>
      %dma_start3A_101 = arith.constant 0 : i32
      %dma_start3A_102 = tpu.memref_slice %arg8[%add3A_97, %dma_start3A_101] : memref<84x128xi32, #tpu.memory_space<vmem>> -> memref<1x128xi32, #tpu.memory_space<vmem>>
      %dma_start3A_103 = tpu.memref_squeeze %dma_start3A_102 : memref<1x128xi32, #tpu.memory_space<vmem>> -> memref<128xi32, #tpu.memory_space<vmem>>
      %dma_start3A_104 = arith.constant 0 : i32
      %dma_start3A_105 = arith.constant 0 : i32
      %dma_start3A_106 = tpu.memref_slice %arg2[%dma_start3A_104, %dma_start3A_105] : memref<248832x32xf32, #tpu.memory_space<hbm>> -> memref<248832x32xf32, #tpu.memory_space<hbm>>
      tpu.enqueue_indirect_dma source(%dma_start3A_106 : memref<248832x32xf32, #tpu.memory_space<hbm>>) target(%dma_start3A_100 : memref<128x32xf32, #tpu.memory_space<vmem>>) offsets(%dma_start3A_103 : memref<128xi32, #tpu.memory_space<vmem>>) semaphore(%arg14 : memref<!tpu.dma_semaphore, #tpu.memory_space<semaphore_mem>>)
      %dma_wait3A_107 = arith.constant 128 : i32
      %dma_wait3A_108 = arith.constant 0 : i32
      %dma_wait3A_109 = tpu.memref_slice %arg11[%dma_wait3A_107, %dma_wait3A_108] : memref<256x32xf32, #tpu.memory_space<vmem>> -> memref<128x32xf32, #tpu.memory_space<vmem>>
      %dma_wait3A_110 = arith.constant 0 : i32
      %dma_wait3A_111 = tpu.memref_slice %arg8[%add3A_97, %dma_wait3A_110] : memref<84x128xi32, #tpu.memory_space<vmem>> -> memref<1x128xi32, #tpu.memory_space<vmem>>
      %dma_wait3A_112 = tpu.memref_squeeze %dma_wait3A_111 : memref<1x128xi32, #tpu.memory_space<vmem>> -> memref<128xi32, #tpu.memory_space<vmem>>
      %dma_wait3A_113 = arith.constant 0 : i32
      %dma_wait3A_114 = arith.constant 0 : i32
      %dma_wait3A_115 = tpu.memref_slice %arg2[%dma_wait3A_113, %dma_wait3A_114] : memref<248832x32xf32, #tpu.memory_space<hbm>> -> memref<248832x32xf32, #tpu.memory_space<hbm>>
      tpu.wait_indirect_dma semaphore(%arg14 : memref<!tpu.dma_semaphore, #tpu.memory_space<semaphore_mem>>) src(%dma_wait3A_115 : memref<248832x32xf32, #tpu.memory_space<hbm>>) dst(%dma_wait3A_109 : memref<128x32xf32, #tpu.memory_space<vmem>>)
      %scan3A_116 = arith.constant 0 : i32
      %scan3A_117 = arith.constant 0 : i32
      %scan3A_118 = arith.constant 32 : i32
      %scan3A_119 = arith.addi %scan3A_117, %scan3A_118 : i32
      %scan3A_120 = arith.constant 1 : i32
      scf.for %scan3A_122 = %scan3A_117 to %scan3A_119 step %scan3A_120  : i32 {
        %mul3A_123 = arith.constant 512 : i32
        %mul3A_124 = arith.muli %scan3A_15, %mul3A_123 : i32
        %add3A_125 = arith.constant 256 : i32
        %add3A_126 = arith.addi %mul3A_124, %add3A_125 : i32
        %mul3A_127 = arith.constant 8 : i32
        %mul3A_128 = arith.muli %scan3A_122, %mul3A_127 : i32
        %add3A_129 = arith.addi %add3A_126, %mul3A_128 : i32
        %broadcast_in_dim3A = arith.constant 0.000000e+00 : f32
        %broadcast_in_dim3A_130 = vector.broadcast %broadcast_in_dim3A : f32 to vector<16xf32>
        %add3A_131 = arith.constant 0 : i32
        %add3A_132 = arith.addi %add3A_129, %add3A_131 : i32
        %broadcast_in_dim3A_133 = vector.broadcast %add3A_132 : i32 to vector<16xi32>
        %gather3A = tpu.vector_load_idx %arg10[%broadcast_in_dim3A_133] : memref<10752xf32, #tpu.memory_space<vmem>>[vector<16xi32>], vector<16xf32>,
        %mul3A_134 = arith.constant 8 : i32
        %mul3A_135 = arith.muli %scan3A_122, %mul3A_134 : i32
        %add3A_136 = arith.constant 0 : i32
        %add3A_137 = arith.addi %mul3A_135, %add3A_136 : i32
        %get3A = arith.index_cast %add3A_137 : i32 to index
        %get3A_138 = arith.constant 0 : index
        %get3A_139 = tpu.vector_load %arg11[%get3A, %get3A_138] {strides = array<i32>} : memref<256x32xf32, #tpu.memory_space<vmem>>, vector<16xf32>,
        %mul3A_140 = arith.mulf %gather3A, %get3A_139 : vector<16xf32>
        %add3A_141 = arith.addf %broadcast_in_dim3A_130, %mul3A_140 : vector<16xf32>
        %mul3A_142 = arith.constant 8 : i32
        %mul3A_143 = arith.muli %scan3A_122, %mul3A_142 : i32
        %add3A_144 = arith.constant 0 : i32
        %add3A_145 = arith.addi %mul3A_143, %add3A_144 : i32
        %get3A_146 = arith.index_cast %add3A_145 : i32 to index
        %get3A_147 = arith.constant 16 : index
        %get3A_148 = tpu.vector_load %arg11[%get3A_146, %get3A_147] {strides = array<i32>} : memref<256x32xf32, #tpu.memory_space<vmem>>, vector<16xf32>,
        %mul3A_149 = arith.mulf %gather3A, %get3A_148 : vector<16xf32>
        %add3A_150 = arith.addf %broadcast_in_dim3A_130, %mul3A_149 : vector<16xf32>
        %add3A_151 = arith.constant 1 : i32
        %add3A_152 = arith.addi %add3A_129, %add3A_151 : i32
        %broadcast_in_dim3A_153 = vector.broadcast %add3A_152 : i32 to vector<16xi32>
        %gather3A_154 = tpu.vector_load_idx %arg10[%broadcast_in_dim3A_153] : memref<10752xf32, #tpu.memory_space<vmem>>[vector<16xi32>], vector<16xf32>,
        %mul3A_155 = arith.constant 8 : i32
        %mul3A_156 = arith.muli %scan3A_122, %mul3A_155 : i32
        %add3A_157 = arith.constant 1 : i32
        %add3A_158 = arith.addi %mul3A_156, %add3A_157 : i32
        %get3A_159 = arith.index_cast %add3A_158 : i32 to index
        %get3A_160 = arith.constant 0 : index
        %get3A_161 = tpu.vector_load %arg11[%get3A_159, %get3A_160] {strides = array<i32>} : memref<256x32xf32, #tpu.memory_space<vmem>>, vector<16xf32>,
        %mul3A_162 = arith.mulf %gather3A_154, %get3A_161 : vector<16xf32>
        %add3A_163 = arith.addf %add3A_141, %mul3A_162 : vector<16xf32>
        %mul3A_164 = arith.constant 8 : i32
        %mul3A_165 = arith.muli %scan3A_122, %mul3A_164 : i32
        %add3A_166 = arith.constant 1 : i32
        %add3A_167 = arith.addi %mul3A_165, %add3A_166 : i32
        %get3A_168 = arith.index_cast %add3A_167 : i32 to index
        %get3A_169 = arith.constant 16 : index
        %get3A_170 = tpu.vector_load %arg11[%get3A_168, %get3A_169] {strides = array<i32>} : memref<256x32xf32, #tpu.memory_space<vmem>>, vector<16xf32>,
        %mul3A_171 = arith.mulf %gather3A_154, %get3A_170 : vector<16xf32>
        %add3A_172 = arith.addf %add3A_150, %mul3A_171 : vector<16xf32>
        %add3A_173 = arith.constant 2 : i32
        %add3A_174 = arith.addi %add3A_129, %add3A_173 : i32
        %broadcast_in_dim3A_175 = vector.broadcast %add3A_174 : i32 to vector<16xi32>
        %gather3A_176 = tpu.vector_load_idx %arg10[%broadcast_in_dim3A_175] : memref<10752xf32, #tpu.memory_space<vmem>>[vector<16xi32>], vector<16xf32>,
        %mul3A_177 = arith.constant 8 : i32
        %mul3A_178 = arith.muli %scan3A_122, %mul3A_177 : i32
        %add3A_179 = arith.constant 2 : i32
        %add3A_180 = arith.addi %mul3A_178, %add3A_179 : i32
        %get3A_181 = arith.index_cast %add3A_180 : i32 to index
        %get3A_182 = arith.constant 0 : index
        %get3A_183 = tpu.vector_load %arg11[%get3A_181, %get3A_182] {strides = array<i32>} : memref<256x32xf32, #tpu.memory_space<vmem>>, vector<16xf32>,
        %mul3A_184 = arith.mulf %gather3A_176, %get3A_183 : vector<16xf32>
        %add3A_185 = arith.addf %add3A_163, %mul3A_184 : vector<16xf32>
        %mul3A_186 = arith.constant 8 : i32
        %mul3A_187 = arith.muli %scan3A_122, %mul3A_186 : i32
        %add3A_188 = arith.constant 2 : i32
        %add3A_189 = arith.addi %mul3A_187, %add3A_188 : i32
        %get3A_190 = arith.index_cast %add3A_189 : i32 to index
        %get3A_191 = arith.constant 16 : index
        %get3A_192 = tpu.vector_load %arg11[%get3A_190, %get3A_191] {strides = array<i32>} : memref<256x32xf32, #tpu.memory_space<vmem>>, vector<16xf32>,
        %mul3A_193 = arith.mulf %gather3A_176, %get3A_192 : vector<16xf32>
        %add3A_194 = arith.addf %add3A_172, %mul3A_193 : vector<16xf32>
        %add3A_195 = arith.constant 3 : i32
        %add3A_196 = arith.addi %add3A_129, %add3A_195 : i32
        %broadcast_in_dim3A_197 = vector.broadcast %add3A_196 : i32 to vector<16xi32>
        %gather3A_198 = tpu.vector_load_idx %arg10[%broadcast_in_dim3A_197] : memref<10752xf32, #tpu.memory_space<vmem>>[vector<16xi32>], vector<16xf32>,
        %mul3A_199 = arith.constant 8 : i32
        %mul3A_200 = arith.muli %scan3A_122, %mul3A_199 : i32
        %add3A_201 = arith.constant 3 : i32
        %add3A_202 = arith.addi %mul3A_200, %add3A_201 : i32
        %get3A_203 = arith.index_cast %add3A_202 : i32 to index
        %get3A_204 = arith.constant 0 : index
        %get3A_205 = tpu.vector_load %arg11[%get3A_203, %get3A_204] {strides = array<i32>} : memref<256x32xf32, #tpu.memory_space<vmem>>, vector<16xf32>,
        %mul3A_206 = arith.mulf %gather3A_198, %get3A_205 : vector<16xf32>
        %add3A_207 = arith.addf %add3A_185, %mul3A_206 : vector<16xf32>
        %mul3A_208 = arith.constant 8 : i32
        %mul3A_209 = arith.muli %scan3A_122, %mul3A_208 : i32
        %add3A_210 = arith.constant 3 : i32
        %add3A_211 = arith.addi %mul3A_209, %add3A_210 : i32
        %get3A_212 = arith.index_cast %add3A_211 : i32 to index
        %get3A_213 = arith.constant 16 : index
        %get3A_214 = tpu.vector_load %arg11[%get3A_212, %get3A_213] {strides = array<i32>} : memref<256x32xf32, #tpu.memory_space<vmem>>, vector<16xf32>,
        %mul3A_215 = arith.mulf %gather3A_198, %get3A_214 : vector<16xf32>
        %add3A_216 = arith.addf %add3A_194, %mul3A_215 : vector<16xf32>
        %add3A_217 = arith.constant 4 : i32
        %add3A_218 = arith.addi %add3A_129, %add3A_217 : i32
        %broadcast_in_dim3A_219 = vector.broadcast %add3A_218 : i32 to vector<16xi32>
        %gather3A_220 = tpu.vector_load_idx %arg10[%broadcast_in_dim3A_219] : memref<10752xf32, #tpu.memory_space<vmem>>[vector<16xi32>], vector<16xf32>,
        %mul3A_221 = arith.constant 8 : i32
        %mul3A_222 = arith.muli %scan3A_122, %mul3A_221 : i32
        %add3A_223 = arith.constant 4 : i32
        %add3A_224 = arith.addi %mul3A_222, %add3A_223 : i32
        %get3A_225 = arith.index_cast %add3A_224 : i32 to index
        %get3A_226 = arith.constant 0 : index
        %get3A_227 = tpu.vector_load %arg11[%get3A_225, %get3A_226] {strides = array<i32>} : memref<256x32xf32, #tpu.memory_space<vmem>>, vector<16xf32>,
        %mul3A_228 = arith.mulf %gather3A_220, %get3A_227 : vector<16xf32>
        %add3A_229 = arith.addf %add3A_207, %mul3A_228 : vector<16xf32>
        %mul3A_230 = arith.constant 8 : i32
        %mul3A_231 = arith.muli %scan3A_122, %mul3A_230 : i32
        %add3A_232 = arith.constant 4 : i32
        %add3A_233 = arith.addi %mul3A_231, %add3A_232 : i32
        %get3A_234 = arith.index_cast %add3A_233 : i32 to index
        %get3A_235 = arith.constant 16 : index
        %get3A_236 = tpu.vector_load %arg11[%get3A_234, %get3A_235] {strides = array<i32>} : memref<256x32xf32, #tpu.memory_space<vmem>>, vector<16xf32>,
        %mul3A_237 = arith.mulf %gather3A_220, %get3A_236 : vector<16xf32>
        %add3A_238 = arith.addf %add3A_216, %mul3A_237 : vector<16xf32>
        %add3A_239 = arith.constant 5 : i32
        %add3A_240 = arith.addi %add3A_129, %add3A_239 : i32
        %broadcast_in_dim3A_241 = vector.broadcast %add3A_240 : i32 to vector<16xi32>
        %gather3A_242 = tpu.vector_load_idx %arg10[%broadcast_in_dim3A_241] : memref<10752xf32, #tpu.memory_space<vmem>>[vector<16xi32>], vector<16xf32>,
        %mul3A_243 = arith.constant 8 : i32
        %mul3A_244 = arith.muli %scan3A_122, %mul3A_243 : i32
        %add3A_245 = arith.constant 5 : i32
        %add3A_246 = arith.addi %mul3A_244, %add3A_245 : i32
        %get3A_247 = arith.index_cast %add3A_246 : i32 to index
        %get3A_248 = arith.constant 0 : index
        %get3A_249 = tpu.vector_load %arg11[%get3A_247, %get3A_248] {strides = array<i32>} : memref<256x32xf32, #tpu.memory_space<vmem>>, vector<16xf32>,
        %mul3A_250 = arith.mulf %gather3A_242, %get3A_249 : vector<16xf32>
        %add3A_251 = arith.addf %add3A_229, %mul3A_250 : vector<16xf32>
        %mul3A_252 = arith.constant 8 : i32
        %mul3A_253 = arith.muli %scan3A_122, %mul3A_252 : i32
        %add3A_254 = arith.constant 5 : i32
        %add3A_255 = arith.addi %mul3A_253, %add3A_254 : i32
        %get3A_256 = arith.index_cast %add3A_255 : i32 to index
        %get3A_257 = arith.constant 16 : index
        %get3A_258 = tpu.vector_load %arg11[%get3A_256, %get3A_257] {strides = array<i32>} : memref<256x32xf32, #tpu.memory_space<vmem>>, vector<16xf32>,
        %mul3A_259 = arith.mulf %gather3A_242, %get3A_258 : vector<16xf32>
        %add3A_260 = arith.addf %add3A_238, %mul3A_259 : vector<16xf32>
        %add3A_261 = arith.constant 6 : i32
        %add3A_262 = arith.addi %add3A_129, %add3A_261 : i32
        %broadcast_in_dim3A_263 = vector.broadcast %add3A_262 : i32 to vector<16xi32>
        %gather3A_264 = tpu.vector_load_idx %arg10[%broadcast_in_dim3A_263] : memref<10752xf32, #tpu.memory_space<vmem>>[vector<16xi32>], vector<16xf32>,
        %mul3A_265 = arith.constant 8 : i32
        %mul3A_266 = arith.muli %scan3A_122, %mul3A_265 : i32
        %add3A_267 = arith.constant 6 : i32
        %add3A_268 = arith.addi %mul3A_266, %add3A_267 : i32
        %get3A_269 = arith.index_cast %add3A_268 : i32 to index
        %get3A_270 = arith.constant 0 : index
        %get3A_271 = tpu.vector_load %arg11[%get3A_269, %get3A_270] {strides = array<i32>} : memref<256x32xf32, #tpu.memory_space<vmem>>, vector<16xf32>,
        %mul3A_272 = arith.mulf %gather3A_264, %get3A_271 : vector<16xf32>
        %add3A_273 = arith.addf %add3A_251, %mul3A_272 : vector<16xf32>
        %mul3A_274 = arith.constant 8 : i32
        %mul3A_275 = arith.muli %scan3A_122, %mul3A_274 : i32
        %add3A_276 = arith.constant 6 : i32
        %add3A_277 = arith.addi %mul3A_275, %add3A_276 : i32
        %get3A_278 = arith.index_cast %add3A_277 : i32 to index
        %get3A_279 = arith.constant 16 : index
        %get3A_280 = tpu.vector_load %arg11[%get3A_278, %get3A_279] {strides = array<i32>} : memref<256x32xf32, #tpu.memory_space<vmem>>, vector<16xf32>,
        %mul3A_281 = arith.mulf %gather3A_264, %get3A_280 : vector<16xf32>
        %add3A_282 = arith.addf %add3A_260, %mul3A_281 : vector<16xf32>
        %add3A_283 = arith.constant 7 : i32
        %add3A_284 = arith.addi %add3A_129, %add3A_283 : i32
        %broadcast_in_dim3A_285 = vector.broadcast %add3A_284 : i32 to vector<16xi32>
        %gather3A_286 = tpu.vector_load_idx %arg10[%broadcast_in_dim3A_285] : memref<10752xf32, #tpu.memory_space<vmem>>[vector<16xi32>], vector<16xf32>,
        %mul3A_287 = arith.constant 8 : i32
        %mul3A_288 = arith.muli %scan3A_122, %mul3A_287 : i32
        %add3A_289 = arith.constant 7 : i32
        %add3A_290 = arith.addi %mul3A_288, %add3A_289 : i32
        %get3A_291 = arith.index_cast %add3A_290 : i32 to index
        %get3A_292 = arith.constant 0 : index
        %get3A_293 = tpu.vector_load %arg11[%get3A_291, %get3A_292] {strides = array<i32>} : memref<256x32xf32, #tpu.memory_space<vmem>>, vector<16xf32>,
        %mul3A_294 = arith.mulf %gather3A_286, %get3A_293 : vector<16xf32>
        %add3A_295 = arith.addf %add3A_273, %mul3A_294 : vector<16xf32>
        %mul3A_296 = arith.constant 8 : i32
        %mul3A_297 = arith.muli %scan3A_122, %mul3A_296 : i32
        %add3A_298 = arith.constant 7 : i32
        %add3A_299 = arith.addi %mul3A_297, %add3A_298 : i32
        %get3A_300 = arith.index_cast %add3A_299 : i32 to index
        %get3A_301 = arith.constant 16 : index
        %get3A_302 = tpu.vector_load %arg11[%get3A_300, %get3A_301] {strides = array<i32>} : memref<256x32xf32, #tpu.memory_space<vmem>>, vector<16xf32>,
        %mul3A_303 = arith.mulf %gather3A_286, %get3A_302 : vector<16xf32>
        %add3A_304 = arith.addf %add3A_282, %mul3A_303 : vector<16xf32>
        %add3A_305 = arith.constant 32 : i32
        %add3A_306 = arith.addi %add3A_305, %scan3A_122 : i32
        %swap3A = arith.index_cast %add3A_306 : i32 to index
        %swap3A_307 = arith.constant 0 : index
        %swap3A_308 = tpu.vector_load %arg12[%swap3A, %swap3A_307] {strides = array<i32>} : memref<64x32xf32, #tpu.memory_space<vmem>>, vector<16xf32>,
        tpu.vector_store %arg12[%swap3A, %swap3A_307], %add3A_295 {strides = array<i32>} : memref<64x32xf32, #tpu.memory_space<vmem>>, vector<16xf32>,
        %add3A_309 = arith.constant 32 : i32
        %add3A_310 = arith.addi %add3A_309, %scan3A_122 : i32
        %swap3A_311 = arith.index_cast %add3A_310 : i32 to index
        %swap3A_312 = arith.constant 16 : index
        %swap3A_313 = tpu.vector_load %arg12[%swap3A_311, %swap3A_312] {strides = array<i32>} : memref<64x32xf32, #tpu.memory_space<vmem>>, vector<16xf32>,
        tpu.vector_store %arg12[%swap3A_311, %swap3A_312], %add3A_304 {strides = array<i32>} : memref<64x32xf32, #tpu.memory_space<vmem>>, vector<16xf32>,
      }
      %scan3A_121 = arith.constant 32 : i32
      "tpu.region"() ({
        %run_scoped3A = tpu.sem_alloc : memref<!tpu.dma_semaphore, #tpu.memory_space<semaphore_mem>>
        %dma_start3A_122 = arith.constant 0 : i32
        %dma_start3A_123 = tpu.memref_slice %arg9[%scan3A_15, %dma_start3A_122] : memref<21x64xi32, #tpu.memory_space<vmem>> -> memref<1x64xi32, #tpu.memory_space<vmem>>
        %dma_start3A_124 = tpu.memref_squeeze %dma_start3A_123 : memref<1x64xi32, #tpu.memory_space<vmem>> -> memref<64xi32, #tpu.memory_space<vmem>>
        %dma_start3A_125 = arith.constant 0 : i32
        %dma_start3A_126 = arith.constant 0 : i32
        %dma_start3A_127 = tpu.memref_slice %arg13[%dma_start3A_125, %dma_start3A_126] : memref<6912x32xf32, #tpu.memory_space<vmem_shared>> -> memref<6912x32xf32, #tpu.memory_space<vmem_shared>>
        tpu.enqueue_indirect_dma source(%arg12 : memref<64x32xf32, #tpu.memory_space<vmem>>) target(%dma_start3A_127 : memref<6912x32xf32, #tpu.memory_space<vmem_shared>>) offsets(%dma_start3A_124 : memref<64xi32, #tpu.memory_space<vmem>>) semaphore(%run_scoped3A : memref<!tpu.dma_semaphore, #tpu.memory_space<semaphore_mem>>) {add = true}
        %dma_wait3A_128 = arith.constant 0 : i32
        %dma_wait3A_129 = tpu.memref_slice %arg9[%scan3A_15, %dma_wait3A_128] : memref<21x64xi32, #tpu.memory_space<vmem>> -> memref<1x64xi32, #tpu.memory_space<vmem>>
        %dma_wait3A_130 = tpu.memref_squeeze %dma_wait3A_129 : memref<1x64xi32, #tpu.memory_space<vmem>> -> memref<64xi32, #tpu.memory_space<vmem>>
        %dma_wait3A_131 = arith.constant 0 : i32
        %dma_wait3A_132 = arith.constant 0 : i32
        %dma_wait3A_133 = tpu.memref_slice %arg13[%dma_wait3A_131, %dma_wait3A_132] : memref<6912x32xf32, #tpu.memory_space<vmem_shared>> -> memref<6912x32xf32, #tpu.memory_space<vmem_shared>>
        tpu.wait_indirect_dma semaphore(%run_scoped3A : memref<!tpu.dma_semaphore, #tpu.memory_space<semaphore_mem>>) src(%arg12 : memref<64x32xf32, #tpu.memory_space<vmem>>) dst(%dma_wait3A_133 : memref<6912x32xf32, #tpu.memory_space<vmem_shared>>)
        tpu.yield
      }) : () -> ()
    }
    %scan3A_9 = arith.constant 21 : i32
    %barrier3A_10 = arith.constant 0 : index
    tpu.barrier barrier_id(%barrier3A_10)
    %mul3A_11 = arith.constant 432 : i32
    %mul3A_12 = arith.muli %arg1, %mul3A_11 : i32
    %mul3A_13 = arith.constant 432 : i32
    %mul3A_14 = arith.muli %arg1, %mul3A_13 : i32
    "tpu.region"() ({
      %run_scoped3A = tpu.sem_alloc : memref<!tpu.dma_semaphore, #tpu.memory_space<semaphore_mem>>
      %dma_start3A = arith.constant 0 : i32
      %dma_start3A_15 = arith.constant 0 : i32
      %dma_start3A_16 = tpu.memref_slice %arg7[%arg0, %dma_start3A, %dma_start3A_15] : memref<2x6912x32xf32, #tpu.memory_space<hbm>> -> memref<1x6912x32xf32, #tpu.memory_space<hbm>>
      %dma_start3A_17 = tpu.memref_squeeze %dma_start3A_16 : memref<1x6912x32xf32, #tpu.memory_space<hbm>> -> memref<6912x32xf32, #tpu.memory_space<hbm>>
      %dma_start3A_18 = arith.constant 0 : i32
      %dma_start3A_19 = tpu.memref_slice %dma_start3A_17[%mul3A_14, %dma_start3A_18] : memref<6912x32xf32, #tpu.memory_space<hbm>> -> memref<432x32xf32, #tpu.memory_space<hbm>>
      %dma_start3A_20 = arith.constant 0 : i32
      %dma_start3A_21 = tpu.memref_slice %arg13[%mul3A_12, %dma_start3A_20] : memref<6912x32xf32, #tpu.memory_space<vmem_shared>> -> memref<432x32xf32, #tpu.memory_space<vmem_shared>>
      tpu.enqueue_dma source(%dma_start3A_21 : memref<432x32xf32, #tpu.memory_space<vmem_shared>>) target(%dma_start3A_19 : memref<432x32xf32, #tpu.memory_space<hbm>>) target_semaphore(%run_scoped3A : memref<!tpu.dma_semaphore, #tpu.memory_space<semaphore_mem>>)
      %dma_wait3A = arith.constant 0 : i32
      %dma_wait3A_22 = arith.constant 0 : i32
      %dma_wait3A_23 = tpu.memref_slice %arg7[%arg0, %dma_wait3A, %dma_wait3A_22] : memref<2x6912x32xf32, #tpu.memory_space<hbm>> -> memref<1x6912x32xf32, #tpu.memory_space<hbm>>
      %dma_wait3A_24 = tpu.memref_squeeze %dma_wait3A_23 : memref<1x6912x32xf32, #tpu.memory_space<hbm>> -> memref<6912x32xf32, #tpu.memory_space<hbm>>
      %dma_wait3A_25 = arith.constant 0 : i32
      %dma_wait3A_26 = tpu.memref_slice %dma_wait3A_24[%mul3A_14, %dma_wait3A_25] : memref<6912x32xf32, #tpu.memory_space<hbm>> -> memref<432x32xf32, #tpu.memory_space<hbm>>
      %dma_wait3A_27 = arith.constant 0 : i32
      %dma_wait3A_28 = tpu.memref_slice %arg13[%mul3A_12, %dma_wait3A_27] : memref<6912x32xf32, #tpu.memory_space<vmem_shared>> -> memref<432x32xf32, #tpu.memory_space<vmem_shared>>
      tpu.wait_dma2 semaphore(%run_scoped3A : memref<!tpu.dma_semaphore, #tpu.memory_space<semaphore_mem>>) src(%dma_wait3A_28 : memref<432x32xf32, #tpu.memory_space<vmem_shared>>) dst(%dma_wait3A_26 : memref<432x32xf32, #tpu.memory_space<hbm>>)
      tpu.yield
    }) : () -> ()
    return
  }
}

#map = affine_map<(d0, d1) -> (0, 0, 0, 0)>
#map1 = affine_map<(d0, d1) -> (0, 0, 0)>
#map2 = affine_map<(d0, d1) -> (0, 0)>
module attributes {stable_mosaic.version = 14 : i64} {
  func.func @_sc_deg_body(%arg0: i32, %arg1: i32, %arg2: memref<32x21x64x16xf32, #tpu.memory_space<hbm>>, %arg3: memref<32x21x64xi32, #tpu.memory_space<hbm>>, %arg4: memref<6912x16xf32, #tpu.memory_space<hbm>>, %arg5: memref<2x6912x16xf32, #tpu.memory_space<hbm>>, %arg6: memref<21x64x16xf32, #tpu.memory_space<vmem>>, %arg7: memref<21x64xi32, #tpu.memory_space<vmem>>, %arg8: memref<6912x16xf32, #tpu.memory_space<vmem_shared>>) attributes {dimension_semantics = [#tpu.dimension_semantics<core_parallel>, #tpu.dimension_semantics<subcore_parallel>], iteration_bounds = array<i64: 2, 16>, scalar_prefetch = 0 : i64, scratch_operands = 3 : i64, tpu.core_type = #tpu.core_type<sc_vector_subcore>, window_params = [{transform_indices = #map}, {transform_indices = #map1}, {transform_indices = #map2}, {transform_indices = #map1}]} {
    %mul3A = arith.constant 2 : i32
    %mul3A_0 = arith.muli %arg1, %mul3A : i32
    %add3A = arith.addi %mul3A_0, %arg0 : i32
    %mul3A_1 = arith.constant 432 : i32
    %mul3A_2 = arith.muli %arg1, %mul3A_1 : i32
    %mul3A_3 = arith.constant 432 : i32
    %mul3A_4 = arith.muli %arg1, %mul3A_3 : i32
    "tpu.region"() ({
      %run_scoped3A = tpu.sem_alloc : memref<!tpu.dma_semaphore, #tpu.memory_space<semaphore_mem>>
      %dma_start3A = arith.constant 0 : i32
      %dma_start3A_15 = tpu.memref_slice %arg8[%mul3A_4, %dma_start3A] : memref<6912x16xf32, #tpu.memory_space<vmem_shared>> -> memref<432x16xf32, #tpu.memory_space<vmem_shared>>
      %dma_start3A_16 = arith.constant 0 : i32
      %dma_start3A_17 = tpu.memref_slice %arg4[%mul3A_2, %dma_start3A_16] : memref<6912x16xf32, #tpu.memory_space<hbm>> -> memref<432x16xf32, #tpu.memory_space<hbm>>
      tpu.enqueue_dma source(%dma_start3A_17 : memref<432x16xf32, #tpu.memory_space<hbm>>) target(%dma_start3A_15 : memref<432x16xf32, #tpu.memory_space<vmem_shared>>) target_semaphore(%run_scoped3A : memref<!tpu.dma_semaphore, #tpu.memory_space<semaphore_mem>>)
      %dma_wait3A = arith.constant 0 : i32
      %dma_wait3A_18 = tpu.memref_slice %arg8[%mul3A_4, %dma_wait3A] : memref<6912x16xf32, #tpu.memory_space<vmem_shared>> -> memref<432x16xf32, #tpu.memory_space<vmem_shared>>
      %dma_wait3A_19 = arith.constant 0 : i32
      %dma_wait3A_20 = tpu.memref_slice %arg4[%mul3A_2, %dma_wait3A_19] : memref<6912x16xf32, #tpu.memory_space<hbm>> -> memref<432x16xf32, #tpu.memory_space<hbm>>
      tpu.wait_dma2 semaphore(%run_scoped3A : memref<!tpu.dma_semaphore, #tpu.memory_space<semaphore_mem>>) src(%dma_wait3A_20 : memref<432x16xf32, #tpu.memory_space<hbm>>) dst(%dma_wait3A_18 : memref<432x16xf32, #tpu.memory_space<vmem_shared>>)
      tpu.yield
    }) : () -> ()
    "tpu.region"() ({
      %run_scoped3A = tpu.sem_alloc : memref<!tpu.dma_semaphore, #tpu.memory_space<semaphore_mem>>
      %dma_start3A = arith.constant 0 : i32
      %dma_start3A_15 = arith.constant 0 : i32
      %dma_start3A_16 = arith.constant 0 : i32
      %dma_start3A_17 = tpu.memref_slice %arg2[%add3A, %dma_start3A, %dma_start3A_15, %dma_start3A_16] : memref<32x21x64x16xf32, #tpu.memory_space<hbm>> -> memref<1x21x64x16xf32, #tpu.memory_space<hbm>>
      %dma_start3A_18 = tpu.memref_squeeze %dma_start3A_17 : memref<1x21x64x16xf32, #tpu.memory_space<hbm>> -> memref<21x64x16xf32, #tpu.memory_space<hbm>>
      %dma_start3A_19 = arith.constant 0 : i32
      %dma_start3A_20 = arith.constant 0 : i32
      %dma_start3A_21 = arith.constant 0 : i32
      %dma_start3A_22 = tpu.memref_slice %arg2[%add3A, %dma_start3A_19, %dma_start3A_20, %dma_start3A_21] : memref<32x21x64x16xf32, #tpu.memory_space<hbm>> -> memref<1x21x64x16xf32, #tpu.memory_space<hbm>>
      %dma_start3A_23 = tpu.memref_squeeze %dma_start3A_22 : memref<1x21x64x16xf32, #tpu.memory_space<hbm>> -> memref<21x64x16xf32, #tpu.memory_space<hbm>>
      tpu.enqueue_dma source(%dma_start3A_23 : memref<21x64x16xf32, #tpu.memory_space<hbm>>) target(%arg6 : memref<21x64x16xf32, #tpu.memory_space<vmem>>) target_semaphore(%run_scoped3A : memref<!tpu.dma_semaphore, #tpu.memory_space<semaphore_mem>>)
      %dma_wait3A = arith.constant 0 : i32
      %dma_wait3A_24 = arith.constant 0 : i32
      %dma_wait3A_25 = arith.constant 0 : i32
      %dma_wait3A_26 = tpu.memref_slice %arg2[%add3A, %dma_wait3A, %dma_wait3A_24, %dma_wait3A_25] : memref<32x21x64x16xf32, #tpu.memory_space<hbm>> -> memref<1x21x64x16xf32, #tpu.memory_space<hbm>>
      %dma_wait3A_27 = tpu.memref_squeeze %dma_wait3A_26 : memref<1x21x64x16xf32, #tpu.memory_space<hbm>> -> memref<21x64x16xf32, #tpu.memory_space<hbm>>
      %dma_wait3A_28 = arith.constant 0 : i32
      %dma_wait3A_29 = arith.constant 0 : i32
      %dma_wait3A_30 = arith.constant 0 : i32
      %dma_wait3A_31 = tpu.memref_slice %arg2[%add3A, %dma_wait3A_28, %dma_wait3A_29, %dma_wait3A_30] : memref<32x21x64x16xf32, #tpu.memory_space<hbm>> -> memref<1x21x64x16xf32, #tpu.memory_space<hbm>>
      %dma_wait3A_32 = tpu.memref_squeeze %dma_wait3A_31 : memref<1x21x64x16xf32, #tpu.memory_space<hbm>> -> memref<21x64x16xf32, #tpu.memory_space<hbm>>
      tpu.wait_dma2 semaphore(%run_scoped3A : memref<!tpu.dma_semaphore, #tpu.memory_space<semaphore_mem>>) src(%dma_wait3A_32 : memref<21x64x16xf32, #tpu.memory_space<hbm>>) dst(%arg6 : memref<21x64x16xf32, #tpu.memory_space<vmem>>)
      tpu.yield
    }) : () -> ()
    "tpu.region"() ({
      %run_scoped3A = tpu.sem_alloc : memref<!tpu.dma_semaphore, #tpu.memory_space<semaphore_mem>>
      %dma_start3A = arith.constant 0 : i32
      %dma_start3A_15 = arith.constant 0 : i32
      %dma_start3A_16 = tpu.memref_slice %arg3[%add3A, %dma_start3A, %dma_start3A_15] : memref<32x21x64xi32, #tpu.memory_space<hbm>> -> memref<1x21x64xi32, #tpu.memory_space<hbm>>
      %dma_start3A_17 = tpu.memref_squeeze %dma_start3A_16 : memref<1x21x64xi32, #tpu.memory_space<hbm>> -> memref<21x64xi32, #tpu.memory_space<hbm>>
      %dma_start3A_18 = arith.constant 0 : i32
      %dma_start3A_19 = arith.constant 0 : i32
      %dma_start3A_20 = tpu.memref_slice %arg3[%add3A, %dma_start3A_18, %dma_start3A_19] : memref<32x21x64xi32, #tpu.memory_space<hbm>> -> memref<1x21x64xi32, #tpu.memory_space<hbm>>
      %dma_start3A_21 = tpu.memref_squeeze %dma_start3A_20 : memref<1x21x64xi32, #tpu.memory_space<hbm>> -> memref<21x64xi32, #tpu.memory_space<hbm>>
      tpu.enqueue_dma source(%dma_start3A_21 : memref<21x64xi32, #tpu.memory_space<hbm>>) target(%arg7 : memref<21x64xi32, #tpu.memory_space<vmem>>) target_semaphore(%run_scoped3A : memref<!tpu.dma_semaphore, #tpu.memory_space<semaphore_mem>>)
      %dma_wait3A = arith.constant 0 : i32
      %dma_wait3A_22 = arith.constant 0 : i32
      %dma_wait3A_23 = tpu.memref_slice %arg3[%add3A, %dma_wait3A, %dma_wait3A_22] : memref<32x21x64xi32, #tpu.memory_space<hbm>> -> memref<1x21x64xi32, #tpu.memory_space<hbm>>
      %dma_wait3A_24 = tpu.memref_squeeze %dma_wait3A_23 : memref<1x21x64xi32, #tpu.memory_space<hbm>> -> memref<21x64xi32, #tpu.memory_space<hbm>>
      %dma_wait3A_25 = arith.constant 0 : i32
      %dma_wait3A_26 = arith.constant 0 : i32
      %dma_wait3A_27 = tpu.memref_slice %arg3[%add3A, %dma_wait3A_25, %dma_wait3A_26] : memref<32x21x64xi32, #tpu.memory_space<hbm>> -> memref<1x21x64xi32, #tpu.memory_space<hbm>>
      %dma_wait3A_28 = tpu.memref_squeeze %dma_wait3A_27 : memref<1x21x64xi32, #tpu.memory_space<hbm>> -> memref<21x64xi32, #tpu.memory_space<hbm>>
      tpu.wait_dma2 semaphore(%run_scoped3A : memref<!tpu.dma_semaphore, #tpu.memory_space<semaphore_mem>>) src(%dma_wait3A_28 : memref<21x64xi32, #tpu.memory_space<hbm>>) dst(%arg7 : memref<21x64xi32, #tpu.memory_space<vmem>>)
      tpu.yield
    }) : () -> ()
    %barrier3A = arith.constant 0 : index
    tpu.barrier barrier_id(%barrier3A)
    %scan3A = arith.constant 0 : i32
    %scan3A_5 = arith.constant 0 : i32
    %scan3A_6 = arith.constant 21 : i32
    %scan3A_7 = arith.addi %scan3A_5, %scan3A_6 : i32
    %scan3A_8 = arith.constant 1 : i32
    scf.for %scan3A_15 = %scan3A_5 to %scan3A_7 step %scan3A_8  : i32 {
      "tpu.region"() ({
        %run_scoped3A = tpu.sem_alloc : memref<!tpu.dma_semaphore, #tpu.memory_space<semaphore_mem>>
        %dma_start3A = arith.constant 0 : i32
        %dma_start3A_16 = arith.constant 0 : i32
        %dma_start3A_17 = tpu.memref_slice %arg6[%scan3A_15, %dma_start3A, %dma_start3A_16] : memref<21x64x16xf32, #tpu.memory_space<vmem>> -> memref<1x64x16xf32, #tpu.memory_space<vmem>>
        %dma_start3A_18 = tpu.memref_squeeze %dma_start3A_17 : memref<1x64x16xf32, #tpu.memory_space<vmem>> -> memref<64x16xf32, #tpu.memory_space<vmem>>
        %dma_start3A_19 = arith.constant 0 : i32
        %dma_start3A_20 = tpu.memref_slice %arg7[%scan3A_15, %dma_start3A_19] : memref<21x64xi32, #tpu.memory_space<vmem>> -> memref<1x64xi32, #tpu.memory_space<vmem>>
        %dma_start3A_21 = tpu.memref_squeeze %dma_start3A_20 : memref<1x64xi32, #tpu.memory_space<vmem>> -> memref<64xi32, #tpu.memory_space<vmem>>
        %dma_start3A_22 = arith.constant 0 : i32
        %dma_start3A_23 = arith.constant 0 : i32
        %dma_start3A_24 = tpu.memref_slice %arg8[%dma_start3A_22, %dma_start3A_23] : memref<6912x16xf32, #tpu.memory_space<vmem_shared>> -> memref<6912x16xf32, #tpu.memory_space<vmem_shared>>
        tpu.enqueue_indirect_dma source(%dma_start3A_18 : memref<64x16xf32, #tpu.memory_space<vmem>>) target(%dma_start3A_24 : memref<6912x16xf32, #tpu.memory_space<vmem_shared>>) offsets(%dma_start3A_21 : memref<64xi32, #tpu.memory_space<vmem>>) semaphore(%run_scoped3A : memref<!tpu.dma_semaphore, #tpu.memory_space<semaphore_mem>>) {add = true}
        %dma_wait3A = arith.constant 0 : i32
        %dma_wait3A_25 = arith.constant 0 : i32
        %dma_wait3A_26 = tpu.memref_slice %arg6[%scan3A_15, %dma_wait3A, %dma_wait3A_25] : memref<21x64x16xf32, #tpu.memory_space<vmem>> -> memref<1x64x16xf32, #tpu.memory_space<vmem>>
        %dma_wait3A_27 = tpu.memref_squeeze %dma_wait3A_26 : memref<1x64x16xf32, #tpu.memory_space<vmem>> -> memref<64x16xf32, #tpu.memory_space<vmem>>
        %dma_wait3A_28 = arith.constant 0 : i32
        %dma_wait3A_29 = tpu.memref_slice %arg7[%scan3A_15, %dma_wait3A_28] : memref<21x64xi32, #tpu.memory_space<vmem>> -> memref<1x64xi32, #tpu.memory_space<vmem>>
        %dma_wait3A_30 = tpu.memref_squeeze %dma_wait3A_29 : memref<1x64xi32, #tpu.memory_space<vmem>> -> memref<64xi32, #tpu.memory_space<vmem>>
        %dma_wait3A_31 = arith.constant 0 : i32
        %dma_wait3A_32 = arith.constant 0 : i32
        %dma_wait3A_33 = tpu.memref_slice %arg8[%dma_wait3A_31, %dma_wait3A_32] : memref<6912x16xf32, #tpu.memory_space<vmem_shared>> -> memref<6912x16xf32, #tpu.memory_space<vmem_shared>>
        tpu.wait_indirect_dma semaphore(%run_scoped3A : memref<!tpu.dma_semaphore, #tpu.memory_space<semaphore_mem>>) src(%dma_wait3A_27 : memref<64x16xf32, #tpu.memory_space<vmem>>) dst(%dma_wait3A_33 : memref<6912x16xf32, #tpu.memory_space<vmem_shared>>)
        tpu.yield
      }) : () -> ()
    }
    %scan3A_9 = arith.constant 21 : i32
    %barrier3A_10 = arith.constant 0 : index
    tpu.barrier barrier_id(%barrier3A_10)
    %mul3A_11 = arith.constant 432 : i32
    %mul3A_12 = arith.muli %arg1, %mul3A_11 : i32
    %mul3A_13 = arith.constant 432 : i32
    %mul3A_14 = arith.muli %arg1, %mul3A_13 : i32
    "tpu.region"() ({
      %run_scoped3A = tpu.sem_alloc : memref<!tpu.dma_semaphore, #tpu.memory_space<semaphore_mem>>
      %dma_start3A = arith.constant 0 : i32
      %dma_start3A_15 = arith.constant 0 : i32
      %dma_start3A_16 = tpu.memref_slice %arg5[%arg0, %dma_start3A, %dma_start3A_15] : memref<2x6912x16xf32, #tpu.memory_space<hbm>> -> memref<1x6912x16xf32, #tpu.memory_space<hbm>>
      %dma_start3A_17 = tpu.memref_squeeze %dma_start3A_16 : memref<1x6912x16xf32, #tpu.memory_space<hbm>> -> memref<6912x16xf32, #tpu.memory_space<hbm>>
      %dma_start3A_18 = arith.constant 0 : i32
      %dma_start3A_19 = tpu.memref_slice %dma_start3A_17[%mul3A_14, %dma_start3A_18] : memref<6912x16xf32, #tpu.memory_space<hbm>> -> memref<432x16xf32, #tpu.memory_space<hbm>>
      %dma_start3A_20 = arith.constant 0 : i32
      %dma_start3A_21 = tpu.memref_slice %arg8[%mul3A_12, %dma_start3A_20] : memref<6912x16xf32, #tpu.memory_space<vmem_shared>> -> memref<432x16xf32, #tpu.memory_space<vmem_shared>>
      tpu.enqueue_dma source(%dma_start3A_21 : memref<432x16xf32, #tpu.memory_space<vmem_shared>>) target(%dma_start3A_19 : memref<432x16xf32, #tpu.memory_space<hbm>>) target_semaphore(%run_scoped3A : memref<!tpu.dma_semaphore, #tpu.memory_space<semaphore_mem>>)
      %dma_wait3A = arith.constant 0 : i32
      %dma_wait3A_22 = arith.constant 0 : i32
      %dma_wait3A_23 = tpu.memref_slice %arg5[%arg0, %dma_wait3A, %dma_wait3A_22] : memref<2x6912x16xf32, #tpu.memory_space<hbm>> -> memref<1x6912x16xf32, #tpu.memory_space<hbm>>
      %dma_wait3A_24 = tpu.memref_squeeze %dma_wait3A_23 : memref<1x6912x16xf32, #tpu.memory_space<hbm>> -> memref<6912x16xf32, #tpu.memory_space<hbm>>
      %dma_wait3A_25 = arith.constant 0 : i32
      %dma_wait3A_26 = tpu.memref_slice %dma_wait3A_24[%mul3A_14, %dma_wait3A_25] : memref<6912x16xf32, #tpu.memory_space<hbm>> -> memref<432x16xf32, #tpu.memory_space<hbm>>
      %dma_wait3A_27 = arith.constant 0 : i32
      %dma_wait3A_28 = tpu.memref_slice %arg8[%mul3A_12, %dma_wait3A_27] : memref<6912x16xf32, #tpu.memory_space<vmem_shared>> -> memref<432x16xf32, #tpu.memory_space<vmem_shared>>
      tpu.wait_dma2 semaphore(%run_scoped3A : memref<!tpu.dma_semaphore, #tpu.memory_space<semaphore_mem>>) src(%dma_wait3A_28 : memref<432x16xf32, #tpu.memory_space<vmem_shared>>) dst(%dma_wait3A_26 : memref<432x16xf32, #tpu.memory_space<hbm>>)
      tpu.yield
    }) : () -> ()
    return
  }
}

#map = affine_map<(d0, d1) -> (0, 0)>
#map1 = affine_map<(d0, d1) -> (0, 0, 0)>
module attributes {stable_mosaic.version = 14 : i64} {
  func.func @_sc_conv_body(%arg0: i32, %arg1: i32, %arg2: memref<248832x64xf32, #tpu.memory_space<hbm>>, %arg3: memref<32x84x128xi32, #tpu.memory_space<hbm>>, %arg4: memref<32x10752xf32, #tpu.memory_space<hbm>>, %arg5: memref<32x21x64xi32, #tpu.memory_space<hbm>>, %arg6: memref<6912x64xf32, #tpu.memory_space<hbm>>, %arg7: memref<2x6912x64xf32, #tpu.memory_space<hbm>>, %arg8: memref<84x128xi32, #tpu.memory_space<vmem>>, %arg9: memref<21x64xi32, #tpu.memory_space<vmem>>, %arg10: memref<10752xf32, #tpu.memory_space<vmem>>, %arg11: memref<256x64xf32, #tpu.memory_space<vmem>>, %arg12: memref<64x64xf32, #tpu.memory_space<vmem>>, %arg13: memref<6912x64xf32, #tpu.memory_space<vmem_shared>>, %arg14: memref<!tpu.dma_semaphore, #tpu.memory_space<semaphore_mem>>) attributes {dimension_semantics = [#tpu.dimension_semantics<core_parallel>, #tpu.dimension_semantics<subcore_parallel>], iteration_bounds = array<i64: 2, 16>, scalar_prefetch = 0 : i64, scratch_operands = 7 : i64, tpu.core_type = #tpu.core_type<sc_vector_subcore>, window_params = [{transform_indices = #map}, {transform_indices = #map1}, {transform_indices = #map}, {transform_indices = #map1}, {transform_indices = #map}, {transform_indices = #map1}]} {
    %mul3A = arith.constant 2 : i32
    %mul3A_0 = arith.muli %arg1, %mul3A : i32
    %add3A = arith.addi %mul3A_0, %arg0 : i32
    %mul3A_1 = arith.constant 432 : i32
    %mul3A_2 = arith.muli %arg1, %mul3A_1 : i32
    %mul3A_3 = arith.constant 432 : i32
    %mul3A_4 = arith.muli %arg1, %mul3A_3 : i32
    "tpu.region"() ({
      %run_scoped3A = tpu.sem_alloc : memref<!tpu.dma_semaphore, #tpu.memory_space<semaphore_mem>>
      %dma_start3A = arith.constant 0 : i32
      %dma_start3A_15 = tpu.memref_slice %arg13[%mul3A_4, %dma_start3A] : memref<6912x64xf32, #tpu.memory_space<vmem_shared>> -> memref<432x64xf32, #tpu.memory_space<vmem_shared>>
      %dma_start3A_16 = arith.constant 0 : i32
      %dma_start3A_17 = tpu.memref_slice %arg6[%mul3A_2, %dma_start3A_16] : memref<6912x64xf32, #tpu.memory_space<hbm>> -> memref<432x64xf32, #tpu.memory_space<hbm>>
      tpu.enqueue_dma source(%dma_start3A_17 : memref<432x64xf32, #tpu.memory_space<hbm>>) target(%dma_start3A_15 : memref<432x64xf32, #tpu.memory_space<vmem_shared>>) target_semaphore(%run_scoped3A : memref<!tpu.dma_semaphore, #tpu.memory_space<semaphore_mem>>)
      %dma_wait3A = arith.constant 0 : i32
      %dma_wait3A_18 = tpu.memref_slice %arg13[%mul3A_4, %dma_wait3A] : memref<6912x64xf32, #tpu.memory_space<vmem_shared>> -> memref<432x64xf32, #tpu.memory_space<vmem_shared>>
      %dma_wait3A_19 = arith.constant 0 : i32
      %dma_wait3A_20 = tpu.memref_slice %arg6[%mul3A_2, %dma_wait3A_19] : memref<6912x64xf32, #tpu.memory_space<hbm>> -> memref<432x64xf32, #tpu.memory_space<hbm>>
      tpu.wait_dma2 semaphore(%run_scoped3A : memref<!tpu.dma_semaphore, #tpu.memory_space<semaphore_mem>>) src(%dma_wait3A_20 : memref<432x64xf32, #tpu.memory_space<hbm>>) dst(%dma_wait3A_18 : memref<432x64xf32, #tpu.memory_space<vmem_shared>>)
      tpu.yield
    }) : () -> ()
    "tpu.region"() ({
      %run_scoped3A = tpu.sem_alloc : memref<!tpu.dma_semaphore, #tpu.memory_space<semaphore_mem>>
      %dma_start3A = arith.constant 0 : i32
      %dma_start3A_15 = arith.constant 0 : i32
      %dma_start3A_16 = tpu.memref_slice %arg3[%add3A, %dma_start3A, %dma_start3A_15] : memref<32x84x128xi32, #tpu.memory_space<hbm>> -> memref<1x84x128xi32, #tpu.memory_space<hbm>>
      %dma_start3A_17 = tpu.memref_squeeze %dma_start3A_16 : memref<1x84x128xi32, #tpu.memory_space<hbm>> -> memref<84x128xi32, #tpu.memory_space<hbm>>
      %dma_start3A_18 = arith.constant 0 : i32
      %dma_start3A_19 = arith.constant 0 : i32
      %dma_start3A_20 = tpu.memref_slice %arg3[%add3A, %dma_start3A_18, %dma_start3A_19] : memref<32x84x128xi32, #tpu.memory_space<hbm>> -> memref<1x84x128xi32, #tpu.memory_space<hbm>>
      %dma_start3A_21 = tpu.memref_squeeze %dma_start3A_20 : memref<1x84x128xi32, #tpu.memory_space<hbm>> -> memref<84x128xi32, #tpu.memory_space<hbm>>
      tpu.enqueue_dma source(%dma_start3A_21 : memref<84x128xi32, #tpu.memory_space<hbm>>) target(%arg8 : memref<84x128xi32, #tpu.memory_space<vmem>>) target_semaphore(%run_scoped3A : memref<!tpu.dma_semaphore, #tpu.memory_space<semaphore_mem>>)
      %dma_wait3A = arith.constant 0 : i32
      %dma_wait3A_22 = arith.constant 0 : i32
      %dma_wait3A_23 = tpu.memref_slice %arg3[%add3A, %dma_wait3A, %dma_wait3A_22] : memref<32x84x128xi32, #tpu.memory_space<hbm>> -> memref<1x84x128xi32, #tpu.memory_space<hbm>>
      %dma_wait3A_24 = tpu.memref_squeeze %dma_wait3A_23 : memref<1x84x128xi32, #tpu.memory_space<hbm>> -> memref<84x128xi32, #tpu.memory_space<hbm>>
      %dma_wait3A_25 = arith.constant 0 : i32
      %dma_wait3A_26 = arith.constant 0 : i32
      %dma_wait3A_27 = tpu.memref_slice %arg3[%add3A, %dma_wait3A_25, %dma_wait3A_26] : memref<32x84x128xi32, #tpu.memory_space<hbm>> -> memref<1x84x128xi32, #tpu.memory_space<hbm>>
      %dma_wait3A_28 = tpu.memref_squeeze %dma_wait3A_27 : memref<1x84x128xi32, #tpu.memory_space<hbm>> -> memref<84x128xi32, #tpu.memory_space<hbm>>
      tpu.wait_dma2 semaphore(%run_scoped3A : memref<!tpu.dma_semaphore, #tpu.memory_space<semaphore_mem>>) src(%dma_wait3A_28 : memref<84x128xi32, #tpu.memory_space<hbm>>) dst(%arg8 : memref<84x128xi32, #tpu.memory_space<vmem>>)
      tpu.yield
    }) : () -> ()
    "tpu.region"() ({
      %run_scoped3A = tpu.sem_alloc : memref<!tpu.dma_semaphore, #tpu.memory_space<semaphore_mem>>
      %dma_start3A = arith.constant 0 : i32
      %dma_start3A_15 = arith.constant 0 : i32
      %dma_start3A_16 = tpu.memref_slice %arg5[%add3A, %dma_start3A, %dma_start3A_15] : memref<32x21x64xi32, #tpu.memory_space<hbm>> -> memref<1x21x64xi32, #tpu.memory_space<hbm>>
      %dma_start3A_17 = tpu.memref_squeeze %dma_start3A_16 : memref<1x21x64xi32, #tpu.memory_space<hbm>> -> memref<21x64xi32, #tpu.memory_space<hbm>>
      %dma_start3A_18 = arith.constant 0 : i32
      %dma_start3A_19 = arith.constant 0 : i32
      %dma_start3A_20 = tpu.memref_slice %arg5[%add3A, %dma_start3A_18, %dma_start3A_19] : memref<32x21x64xi32, #tpu.memory_space<hbm>> -> memref<1x21x64xi32, #tpu.memory_space<hbm>>
      %dma_start3A_21 = tpu.memref_squeeze %dma_start3A_20 : memref<1x21x64xi32, #tpu.memory_space<hbm>> -> memref<21x64xi32, #tpu.memory_space<hbm>>
      tpu.enqueue_dma source(%dma_start3A_21 : memref<21x64xi32, #tpu.memory_space<hbm>>) target(%arg9 : memref<21x64xi32, #tpu.memory_space<vmem>>) target_semaphore(%run_scoped3A : memref<!tpu.dma_semaphore, #tpu.memory_space<semaphore_mem>>)
      %dma_wait3A = arith.constant 0 : i32
      %dma_wait3A_22 = arith.constant 0 : i32
      %dma_wait3A_23 = tpu.memref_slice %arg5[%add3A, %dma_wait3A, %dma_wait3A_22] : memref<32x21x64xi32, #tpu.memory_space<hbm>> -> memref<1x21x64xi32, #tpu.memory_space<hbm>>
      %dma_wait3A_24 = tpu.memref_squeeze %dma_wait3A_23 : memref<1x21x64xi32, #tpu.memory_space<hbm>> -> memref<21x64xi32, #tpu.memory_space<hbm>>
      %dma_wait3A_25 = arith.constant 0 : i32
      %dma_wait3A_26 = arith.constant 0 : i32
      %dma_wait3A_27 = tpu.memref_slice %arg5[%add3A, %dma_wait3A_25, %dma_wait3A_26] : memref<32x21x64xi32, #tpu.memory_space<hbm>> -> memref<1x21x64xi32, #tpu.memory_space<hbm>>
      %dma_wait3A_28 = tpu.memref_squeeze %dma_wait3A_27 : memref<1x21x64xi32, #tpu.memory_space<hbm>> -> memref<21x64xi32, #tpu.memory_space<hbm>>
      tpu.wait_dma2 semaphore(%run_scoped3A : memref<!tpu.dma_semaphore, #tpu.memory_space<semaphore_mem>>) src(%dma_wait3A_28 : memref<21x64xi32, #tpu.memory_space<hbm>>) dst(%arg9 : memref<21x64xi32, #tpu.memory_space<vmem>>)
      tpu.yield
    }) : () -> ()
    "tpu.region"() ({
      %run_scoped3A = tpu.sem_alloc : memref<!tpu.dma_semaphore, #tpu.memory_space<semaphore_mem>>
      %dma_start3A = arith.constant 0 : i32
      %dma_start3A_15 = tpu.memref_slice %arg4[%add3A, %dma_start3A] : memref<32x10752xf32, #tpu.memory_space<hbm>> -> memref<1x10752xf32, #tpu.memory_space<hbm>>
      %dma_start3A_16 = tpu.memref_squeeze %dma_start3A_15 : memref<1x10752xf32, #tpu.memory_space<hbm>> -> memref<10752xf32, #tpu.memory_space<hbm>>
      %dma_start3A_17 = arith.constant 0 : i32
      %dma_start3A_18 = tpu.memref_slice %arg4[%add3A, %dma_start3A_17] : memref<32x10752xf32, #tpu.memory_space<hbm>> -> memref<1x10752xf32, #tpu.memory_space<hbm>>
      %dma_start3A_19 = tpu.memref_squeeze %dma_start3A_18 : memref<1x10752xf32, #tpu.memory_space<hbm>> -> memref<10752xf32, #tpu.memory_space<hbm>>
      tpu.enqueue_dma source(%dma_start3A_19 : memref<10752xf32, #tpu.memory_space<hbm>>) target(%arg10 : memref<10752xf32, #tpu.memory_space<vmem>>) target_semaphore(%run_scoped3A : memref<!tpu.dma_semaphore, #tpu.memory_space<semaphore_mem>>)
      %dma_wait3A = arith.constant 0 : i32
      %dma_wait3A_20 = tpu.memref_slice %arg4[%add3A, %dma_wait3A] : memref<32x10752xf32, #tpu.memory_space<hbm>> -> memref<1x10752xf32, #tpu.memory_space<hbm>>
      %dma_wait3A_21 = tpu.memref_squeeze %dma_wait3A_20 : memref<1x10752xf32, #tpu.memory_space<hbm>> -> memref<10752xf32, #tpu.memory_space<hbm>>
      %dma_wait3A_22 = arith.constant 0 : i32
      %dma_wait3A_23 = tpu.memref_slice %arg4[%add3A, %dma_wait3A_22] : memref<32x10752xf32, #tpu.memory_space<hbm>> -> memref<1x10752xf32, #tpu.memory_space<hbm>>
      %dma_wait3A_24 = tpu.memref_squeeze %dma_wait3A_23 : memref<1x10752xf32, #tpu.memory_space<hbm>> -> memref<10752xf32, #tpu.memory_space<hbm>>
      tpu.wait_dma2 semaphore(%run_scoped3A : memref<!tpu.dma_semaphore, #tpu.memory_space<semaphore_mem>>) src(%dma_wait3A_24 : memref<10752xf32, #tpu.memory_space<hbm>>) dst(%arg10 : memref<10752xf32, #tpu.memory_space<vmem>>)
      tpu.yield
    }) : () -> ()
    %barrier3A = arith.constant 0 : index
    tpu.barrier barrier_id(%barrier3A)
    %scan3A = arith.constant 0 : i32
    %scan3A_5 = arith.constant 0 : i32
    %scan3A_6 = arith.constant 21 : i32
    %scan3A_7 = arith.addi %scan3A_5, %scan3A_6 : i32
    %scan3A_8 = arith.constant 1 : i32
    scf.for %scan3A_15 = %scan3A_5 to %scan3A_7 step %scan3A_8  : i32 {
      %mul3A_16 = arith.constant 4 : i32
      %mul3A_17 = arith.muli %scan3A_15, %mul3A_16 : i32
      %add3A_18 = arith.constant 0 : i32
      %add3A_19 = arith.addi %mul3A_17, %add3A_18 : i32
      %add3A_20 = arith.constant 0 : i32
      %add3A_21 = arith.addi %add3A_19, %add3A_20 : i32
      %dma_start3A = arith.constant 0 : i32
      %dma_start3A_22 = arith.constant 0 : i32
      %dma_start3A_23 = tpu.memref_slice %arg11[%dma_start3A, %dma_start3A_22] : memref<256x64xf32, #tpu.memory_space<vmem>> -> memref<128x64xf32, #tpu.memory_space<vmem>>
      %dma_start3A_24 = arith.constant 0 : i32
      %dma_start3A_25 = tpu.memref_slice %arg8[%add3A_21, %dma_start3A_24] : memref<84x128xi32, #tpu.memory_space<vmem>> -> memref<1x128xi32, #tpu.memory_space<vmem>>
      %dma_start3A_26 = tpu.memref_squeeze %dma_start3A_25 : memref<1x128xi32, #tpu.memory_space<vmem>> -> memref<128xi32, #tpu.memory_space<vmem>>
      %dma_start3A_27 = arith.constant 0 : i32
      %dma_start3A_28 = arith.constant 0 : i32
      %dma_start3A_29 = tpu.memref_slice %arg2[%dma_start3A_27, %dma_start3A_28] : memref<248832x64xf32, #tpu.memory_space<hbm>> -> memref<248832x64xf32, #tpu.memory_space<hbm>>
      tpu.enqueue_indirect_dma source(%dma_start3A_29 : memref<248832x64xf32, #tpu.memory_space<hbm>>) target(%dma_start3A_23 : memref<128x64xf32, #tpu.memory_space<vmem>>) offsets(%dma_start3A_26 : memref<128xi32, #tpu.memory_space<vmem>>) semaphore(%arg14 : memref<!tpu.dma_semaphore, #tpu.memory_space<semaphore_mem>>)
      %dma_wait3A = arith.constant 0 : i32
      %dma_wait3A_30 = arith.constant 0 : i32
      %dma_wait3A_31 = tpu.memref_slice %arg11[%dma_wait3A, %dma_wait3A_30] : memref<256x64xf32, #tpu.memory_space<vmem>> -> memref<128x64xf32, #tpu.memory_space<vmem>>
      %dma_wait3A_32 = arith.constant 0 : i32
      %dma_wait3A_33 = tpu.memref_slice %arg8[%add3A_21, %dma_wait3A_32] : memref<84x128xi32, #tpu.memory_space<vmem>> -> memref<1x128xi32, #tpu.memory_space<vmem>>
      %dma_wait3A_34 = tpu.memref_squeeze %dma_wait3A_33 : memref<1x128xi32, #tpu.memory_space<vmem>> -> memref<128xi32, #tpu.memory_space<vmem>>
      %dma_wait3A_35 = arith.constant 0 : i32
      %dma_wait3A_36 = arith.constant 0 : i32
      %dma_wait3A_37 = tpu.memref_slice %arg2[%dma_wait3A_35, %dma_wait3A_36] : memref<248832x64xf32, #tpu.memory_space<hbm>> -> memref<248832x64xf32, #tpu.memory_space<hbm>>
      tpu.wait_indirect_dma semaphore(%arg14 : memref<!tpu.dma_semaphore, #tpu.memory_space<semaphore_mem>>) src(%dma_wait3A_37 : memref<248832x64xf32, #tpu.memory_space<hbm>>) dst(%dma_wait3A_31 : memref<128x64xf32, #tpu.memory_space<vmem>>)
      %mul3A_38 = arith.constant 4 : i32
      %mul3A_39 = arith.muli %scan3A_15, %mul3A_38 : i32
      %add3A_40 = arith.constant 0 : i32
      %add3A_41 = arith.addi %mul3A_39, %add3A_40 : i32
      %add3A_42 = arith.constant 1 : i32
      %add3A_43 = arith.addi %add3A_41, %add3A_42 : i32
      %dma_start3A_44 = arith.constant 128 : i32
      %dma_start3A_45 = arith.constant 0 : i32
      %dma_start3A_46 = tpu.memref_slice %arg11[%dma_start3A_44, %dma_start3A_45] : memref<256x64xf32, #tpu.memory_space<vmem>> -> memref<128x64xf32, #tpu.memory_space<vmem>>
      %dma_start3A_47 = arith.constant 0 : i32
      %dma_start3A_48 = tpu.memref_slice %arg8[%add3A_43, %dma_start3A_47] : memref<84x128xi32, #tpu.memory_space<vmem>> -> memref<1x128xi32, #tpu.memory_space<vmem>>
      %dma_start3A_49 = tpu.memref_squeeze %dma_start3A_48 : memref<1x128xi32, #tpu.memory_space<vmem>> -> memref<128xi32, #tpu.memory_space<vmem>>
      %dma_start3A_50 = arith.constant 0 : i32
      %dma_start3A_51 = arith.constant 0 : i32
      %dma_start3A_52 = tpu.memref_slice %arg2[%dma_start3A_50, %dma_start3A_51] : memref<248832x64xf32, #tpu.memory_space<hbm>> -> memref<248832x64xf32, #tpu.memory_space<hbm>>
      tpu.enqueue_indirect_dma source(%dma_start3A_52 : memref<248832x64xf32, #tpu.memory_space<hbm>>) target(%dma_start3A_46 : memref<128x64xf32, #tpu.memory_space<vmem>>) offsets(%dma_start3A_49 : memref<128xi32, #tpu.memory_space<vmem>>) semaphore(%arg14 : memref<!tpu.dma_semaphore, #tpu.memory_space<semaphore_mem>>)
      %dma_wait3A_53 = arith.constant 128 : i32
      %dma_wait3A_54 = arith.constant 0 : i32
      %dma_wait3A_55 = tpu.memref_slice %arg11[%dma_wait3A_53, %dma_wait3A_54] : memref<256x64xf32, #tpu.memory_space<vmem>> -> memref<128x64xf32, #tpu.memory_space<vmem>>
      %dma_wait3A_56 = arith.constant 0 : i32
      %dma_wait3A_57 = tpu.memref_slice %arg8[%add3A_43, %dma_wait3A_56] : memref<84x128xi32, #tpu.memory_space<vmem>> -> memref<1x128xi32, #tpu.memory_space<vmem>>
      %dma_wait3A_58 = tpu.memref_squeeze %dma_wait3A_57 : memref<1x128xi32, #tpu.memory_space<vmem>> -> memref<128xi32, #tpu.memory_space<vmem>>
      %dma_wait3A_59 = arith.constant 0 : i32
      %dma_wait3A_60 = arith.constant 0 : i32
      %dma_wait3A_61 = tpu.memref_slice %arg2[%dma_wait3A_59, %dma_wait3A_60] : memref<248832x64xf32, #tpu.memory_space<hbm>> -> memref<248832x64xf32, #tpu.memory_space<hbm>>
      tpu.wait_indirect_dma semaphore(%arg14 : memref<!tpu.dma_semaphore, #tpu.memory_space<semaphore_mem>>) src(%dma_wait3A_61 : memref<248832x64xf32, #tpu.memory_space<hbm>>) dst(%dma_wait3A_55 : memref<128x64xf32, #tpu.memory_space<vmem>>)
      %scan3A_62 = arith.constant 0 : i32
      %scan3A_63 = arith.constant 0 : i32
      %scan3A_64 = arith.constant 32 : i32
      %scan3A_65 = arith.addi %scan3A_63, %scan3A_64 : i32
      %scan3A_66 = arith.constant 1 : i32
      scf.for %scan3A_122 = %scan3A_63 to %scan3A_65 step %scan3A_66  : i32 {
        %mul3A_123 = arith.constant 512 : i32
        %mul3A_124 = arith.muli %scan3A_15, %mul3A_123 : i32
        %add3A_125 = arith.constant 0 : i32
        %add3A_126 = arith.addi %mul3A_124, %add3A_125 : i32
        %mul3A_127 = arith.constant 8 : i32
        %mul3A_128 = arith.muli %scan3A_122, %mul3A_127 : i32
        %add3A_129 = arith.addi %add3A_126, %mul3A_128 : i32
        %broadcast_in_dim3A = arith.constant 0.000000e+00 : f32
        %broadcast_in_dim3A_130 = vector.broadcast %broadcast_in_dim3A : f32 to vector<16xf32>
        %add3A_131 = arith.constant 0 : i32
        %add3A_132 = arith.addi %add3A_129, %add3A_131 : i32
        %broadcast_in_dim3A_133 = vector.broadcast %add3A_132 : i32 to vector<16xi32>
        %gather3A = tpu.vector_load_idx %arg10[%broadcast_in_dim3A_133] : memref<10752xf32, #tpu.memory_space<vmem>>[vector<16xi32>], vector<16xf32>,
        %mul3A_134 = arith.constant 8 : i32
        %mul3A_135 = arith.muli %scan3A_122, %mul3A_134 : i32
        %add3A_136 = arith.constant 0 : i32
        %add3A_137 = arith.addi %mul3A_135, %add3A_136 : i32
        %get3A = arith.index_cast %add3A_137 : i32 to index
        %get3A_138 = arith.constant 0 : index
        %get3A_139 = tpu.vector_load %arg11[%get3A, %get3A_138] {strides = array<i32>} : memref<256x64xf32, #tpu.memory_space<vmem>>, vector<16xf32>,
        %mul3A_140 = arith.mulf %gather3A, %get3A_139 : vector<16xf32>
        %add3A_141 = arith.addf %broadcast_in_dim3A_130, %mul3A_140 : vector<16xf32>
        %mul3A_142 = arith.constant 8 : i32
        %mul3A_143 = arith.muli %scan3A_122, %mul3A_142 : i32
        %add3A_144 = arith.constant 0 : i32
        %add3A_145 = arith.addi %mul3A_143, %add3A_144 : i32
        %get3A_146 = arith.index_cast %add3A_145 : i32 to index
        %get3A_147 = arith.constant 16 : index
        %get3A_148 = tpu.vector_load %arg11[%get3A_146, %get3A_147] {strides = array<i32>} : memref<256x64xf32, #tpu.memory_space<vmem>>, vector<16xf32>,
        %mul3A_149 = arith.mulf %gather3A, %get3A_148 : vector<16xf32>
        %add3A_150 = arith.addf %broadcast_in_dim3A_130, %mul3A_149 : vector<16xf32>
        %mul3A_151 = arith.constant 8 : i32
        %mul3A_152 = arith.muli %scan3A_122, %mul3A_151 : i32
        %add3A_153 = arith.constant 0 : i32
        %add3A_154 = arith.addi %mul3A_152, %add3A_153 : i32
        %get3A_155 = arith.index_cast %add3A_154 : i32 to index
        %get3A_156 = arith.constant 32 : index
        %get3A_157 = tpu.vector_load %arg11[%get3A_155, %get3A_156] {strides = array<i32>} : memref<256x64xf32, #tpu.memory_space<vmem>>, vector<16xf32>,
        %mul3A_158 = arith.mulf %gather3A, %get3A_157 : vector<16xf32>
        %add3A_159 = arith.addf %broadcast_in_dim3A_130, %mul3A_158 : vector<16xf32>
        %mul3A_160 = arith.constant 8 : i32
        %mul3A_161 = arith.muli %scan3A_122, %mul3A_160 : i32
        %add3A_162 = arith.constant 0 : i32
        %add3A_163 = arith.addi %mul3A_161, %add3A_162 : i32
        %get3A_164 = arith.index_cast %add3A_163 : i32 to index
        %get3A_165 = arith.constant 48 : index
        %get3A_166 = tpu.vector_load %arg11[%get3A_164, %get3A_165] {strides = array<i32>} : memref<256x64xf32, #tpu.memory_space<vmem>>, vector<16xf32>,
        %mul3A_167 = arith.mulf %gather3A, %get3A_166 : vector<16xf32>
        %add3A_168 = arith.addf %broadcast_in_dim3A_130, %mul3A_167 : vector<16xf32>
        %add3A_169 = arith.constant 1 : i32
        %add3A_170 = arith.addi %add3A_129, %add3A_169 : i32
        %broadcast_in_dim3A_171 = vector.broadcast %add3A_170 : i32 to vector<16xi32>
        %gather3A_172 = tpu.vector_load_idx %arg10[%broadcast_in_dim3A_171] : memref<10752xf32, #tpu.memory_space<vmem>>[vector<16xi32>], vector<16xf32>,
        %mul3A_173 = arith.constant 8 : i32
        %mul3A_174 = arith.muli %scan3A_122, %mul3A_173 : i32
        %add3A_175 = arith.constant 1 : i32
        %add3A_176 = arith.addi %mul3A_174, %add3A_175 : i32
        %get3A_177 = arith.index_cast %add3A_176 : i32 to index
        %get3A_178 = arith.constant 0 : index
        %get3A_179 = tpu.vector_load %arg11[%get3A_177, %get3A_178] {strides = array<i32>} : memref<256x64xf32, #tpu.memory_space<vmem>>, vector<16xf32>,
        %mul3A_180 = arith.mulf %gather3A_172, %get3A_179 : vector<16xf32>
        %add3A_181 = arith.addf %add3A_141, %mul3A_180 : vector<16xf32>
        %mul3A_182 = arith.constant 8 : i32
        %mul3A_183 = arith.muli %scan3A_122, %mul3A_182 : i32
        %add3A_184 = arith.constant 1 : i32
        %add3A_185 = arith.addi %mul3A_183, %add3A_184 : i32
        %get3A_186 = arith.index_cast %add3A_185 : i32 to index
        %get3A_187 = arith.constant 16 : index
        %get3A_188 = tpu.vector_load %arg11[%get3A_186, %get3A_187] {strides = array<i32>} : memref<256x64xf32, #tpu.memory_space<vmem>>, vector<16xf32>,
        %mul3A_189 = arith.mulf %gather3A_172, %get3A_188 : vector<16xf32>
        %add3A_190 = arith.addf %add3A_150, %mul3A_189 : vector<16xf32>
        %mul3A_191 = arith.constant 8 : i32
        %mul3A_192 = arith.muli %scan3A_122, %mul3A_191 : i32
        %add3A_193 = arith.constant 1 : i32
        %add3A_194 = arith.addi %mul3A_192, %add3A_193 : i32
        %get3A_195 = arith.index_cast %add3A_194 : i32 to index
        %get3A_196 = arith.constant 32 : index
        %get3A_197 = tpu.vector_load %arg11[%get3A_195, %get3A_196] {strides = array<i32>} : memref<256x64xf32, #tpu.memory_space<vmem>>, vector<16xf32>,
        %mul3A_198 = arith.mulf %gather3A_172, %get3A_197 : vector<16xf32>
        %add3A_199 = arith.addf %add3A_159, %mul3A_198 : vector<16xf32>
        %mul3A_200 = arith.constant 8 : i32
        %mul3A_201 = arith.muli %scan3A_122, %mul3A_200 : i32
        %add3A_202 = arith.constant 1 : i32
        %add3A_203 = arith.addi %mul3A_201, %add3A_202 : i32
        %get3A_204 = arith.index_cast %add3A_203 : i32 to index
        %get3A_205 = arith.constant 48 : index
        %get3A_206 = tpu.vector_load %arg11[%get3A_204, %get3A_205] {strides = array<i32>} : memref<256x64xf32, #tpu.memory_space<vmem>>, vector<16xf32>,
        %mul3A_207 = arith.mulf %gather3A_172, %get3A_206 : vector<16xf32>
        %add3A_208 = arith.addf %add3A_168, %mul3A_207 : vector<16xf32>
        %add3A_209 = arith.constant 2 : i32
        %add3A_210 = arith.addi %add3A_129, %add3A_209 : i32
        %broadcast_in_dim3A_211 = vector.broadcast %add3A_210 : i32 to vector<16xi32>
        %gather3A_212 = tpu.vector_load_idx %arg10[%broadcast_in_dim3A_211] : memref<10752xf32, #tpu.memory_space<vmem>>[vector<16xi32>], vector<16xf32>,
        %mul3A_213 = arith.constant 8 : i32
        %mul3A_214 = arith.muli %scan3A_122, %mul3A_213 : i32
        %add3A_215 = arith.constant 2 : i32
        %add3A_216 = arith.addi %mul3A_214, %add3A_215 : i32
        %get3A_217 = arith.index_cast %add3A_216 : i32 to index
        %get3A_218 = arith.constant 0 : index
        %get3A_219 = tpu.vector_load %arg11[%get3A_217, %get3A_218] {strides = array<i32>} : memref<256x64xf32, #tpu.memory_space<vmem>>, vector<16xf32>,
        %mul3A_220 = arith.mulf %gather3A_212, %get3A_219 : vector<16xf32>
        %add3A_221 = arith.addf %add3A_181, %mul3A_220 : vector<16xf32>
        %mul3A_222 = arith.constant 8 : i32
        %mul3A_223 = arith.muli %scan3A_122, %mul3A_222 : i32
        %add3A_224 = arith.constant 2 : i32
        %add3A_225 = arith.addi %mul3A_223, %add3A_224 : i32
        %get3A_226 = arith.index_cast %add3A_225 : i32 to index
        %get3A_227 = arith.constant 16 : index
        %get3A_228 = tpu.vector_load %arg11[%get3A_226, %get3A_227] {strides = array<i32>} : memref<256x64xf32, #tpu.memory_space<vmem>>, vector<16xf32>,
        %mul3A_229 = arith.mulf %gather3A_212, %get3A_228 : vector<16xf32>
        %add3A_230 = arith.addf %add3A_190, %mul3A_229 : vector<16xf32>
        %mul3A_231 = arith.constant 8 : i32
        %mul3A_232 = arith.muli %scan3A_122, %mul3A_231 : i32
        %add3A_233 = arith.constant 2 : i32
        %add3A_234 = arith.addi %mul3A_232, %add3A_233 : i32
        %get3A_235 = arith.index_cast %add3A_234 : i32 to index
        %get3A_236 = arith.constant 32 : index
        %get3A_237 = tpu.vector_load %arg11[%get3A_235, %get3A_236] {strides = array<i32>} : memref<256x64xf32, #tpu.memory_space<vmem>>, vector<16xf32>,
        %mul3A_238 = arith.mulf %gather3A_212, %get3A_237 : vector<16xf32>
        %add3A_239 = arith.addf %add3A_199, %mul3A_238 : vector<16xf32>
        %mul3A_240 = arith.constant 8 : i32
        %mul3A_241 = arith.muli %scan3A_122, %mul3A_240 : i32
        %add3A_242 = arith.constant 2 : i32
        %add3A_243 = arith.addi %mul3A_241, %add3A_242 : i32
        %get3A_244 = arith.index_cast %add3A_243 : i32 to index
        %get3A_245 = arith.constant 48 : index
        %get3A_246 = tpu.vector_load %arg11[%get3A_244, %get3A_245] {strides = array<i32>} : memref<256x64xf32, #tpu.memory_space<vmem>>, vector<16xf32>,
        %mul3A_247 = arith.mulf %gather3A_212, %get3A_246 : vector<16xf32>
        %add3A_248 = arith.addf %add3A_208, %mul3A_247 : vector<16xf32>
        %add3A_249 = arith.constant 3 : i32
        %add3A_250 = arith.addi %add3A_129, %add3A_249 : i32
        %broadcast_in_dim3A_251 = vector.broadcast %add3A_250 : i32 to vector<16xi32>
        %gather3A_252 = tpu.vector_load_idx %arg10[%broadcast_in_dim3A_251] : memref<10752xf32, #tpu.memory_space<vmem>>[vector<16xi32>], vector<16xf32>,
        %mul3A_253 = arith.constant 8 : i32
        %mul3A_254 = arith.muli %scan3A_122, %mul3A_253 : i32
        %add3A_255 = arith.constant 3 : i32
        %add3A_256 = arith.addi %mul3A_254, %add3A_255 : i32
        %get3A_257 = arith.index_cast %add3A_256 : i32 to index
        %get3A_258 = arith.constant 0 : index
        %get3A_259 = tpu.vector_load %arg11[%get3A_257, %get3A_258] {strides = array<i32>} : memref<256x64xf32, #tpu.memory_space<vmem>>, vector<16xf32>,
        %mul3A_260 = arith.mulf %gather3A_252, %get3A_259 : vector<16xf32>
        %add3A_261 = arith.addf %add3A_221, %mul3A_260 : vector<16xf32>
        %mul3A_262 = arith.constant 8 : i32
        %mul3A_263 = arith.muli %scan3A_122, %mul3A_262 : i32
        %add3A_264 = arith.constant 3 : i32
        %add3A_265 = arith.addi %mul3A_263, %add3A_264 : i32
        %get3A_266 = arith.index_cast %add3A_265 : i32 to index
        %get3A_267 = arith.constant 16 : index
        %get3A_268 = tpu.vector_load %arg11[%get3A_266, %get3A_267] {strides = array<i32>} : memref<256x64xf32, #tpu.memory_space<vmem>>, vector<16xf32>,
        %mul3A_269 = arith.mulf %gather3A_252, %get3A_268 : vector<16xf32>
        %add3A_270 = arith.addf %add3A_230, %mul3A_269 : vector<16xf32>
        %mul3A_271 = arith.constant 8 : i32
        %mul3A_272 = arith.muli %scan3A_122, %mul3A_271 : i32
        %add3A_273 = arith.constant 3 : i32
        %add3A_274 = arith.addi %mul3A_272, %add3A_273 : i32
        %get3A_275 = arith.index_cast %add3A_274 : i32 to index
        %get3A_276 = arith.constant 32 : index
        %get3A_277 = tpu.vector_load %arg11[%get3A_275, %get3A_276] {strides = array<i32>} : memref<256x64xf32, #tpu.memory_space<vmem>>, vector<16xf32>,
        %mul3A_278 = arith.mulf %gather3A_252, %get3A_277 : vector<16xf32>
        %add3A_279 = arith.addf %add3A_239, %mul3A_278 : vector<16xf32>
        %mul3A_280 = arith.constant 8 : i32
        %mul3A_281 = arith.muli %scan3A_122, %mul3A_280 : i32
        %add3A_282 = arith.constant 3 : i32
        %add3A_283 = arith.addi %mul3A_281, %add3A_282 : i32
        %get3A_284 = arith.index_cast %add3A_283 : i32 to index
        %get3A_285 = arith.constant 48 : index
        %get3A_286 = tpu.vector_load %arg11[%get3A_284, %get3A_285] {strides = array<i32>} : memref<256x64xf32, #tpu.memory_space<vmem>>, vector<16xf32>,
        %mul3A_287 = arith.mulf %gather3A_252, %get3A_286 : vector<16xf32>
        %add3A_288 = arith.addf %add3A_248, %mul3A_287 : vector<16xf32>
        %add3A_289 = arith.constant 4 : i32
        %add3A_290 = arith.addi %add3A_129, %add3A_289 : i32
        %broadcast_in_dim3A_291 = vector.broadcast %add3A_290 : i32 to vector<16xi32>
        %gather3A_292 = tpu.vector_load_idx %arg10[%broadcast_in_dim3A_291] : memref<10752xf32, #tpu.memory_space<vmem>>[vector<16xi32>], vector<16xf32>,
        %mul3A_293 = arith.constant 8 : i32
        %mul3A_294 = arith.muli %scan3A_122, %mul3A_293 : i32
        %add3A_295 = arith.constant 4 : i32
        %add3A_296 = arith.addi %mul3A_294, %add3A_295 : i32
        %get3A_297 = arith.index_cast %add3A_296 : i32 to index
        %get3A_298 = arith.constant 0 : index
        %get3A_299 = tpu.vector_load %arg11[%get3A_297, %get3A_298] {strides = array<i32>} : memref<256x64xf32, #tpu.memory_space<vmem>>, vector<16xf32>,
        %mul3A_300 = arith.mulf %gather3A_292, %get3A_299 : vector<16xf32>
        %add3A_301 = arith.addf %add3A_261, %mul3A_300 : vector<16xf32>
        %mul3A_302 = arith.constant 8 : i32
        %mul3A_303 = arith.muli %scan3A_122, %mul3A_302 : i32
        %add3A_304 = arith.constant 4 : i32
        %add3A_305 = arith.addi %mul3A_303, %add3A_304 : i32
        %get3A_306 = arith.index_cast %add3A_305 : i32 to index
        %get3A_307 = arith.constant 16 : index
        %get3A_308 = tpu.vector_load %arg11[%get3A_306, %get3A_307] {strides = array<i32>} : memref<256x64xf32, #tpu.memory_space<vmem>>, vector<16xf32>,
        %mul3A_309 = arith.mulf %gather3A_292, %get3A_308 : vector<16xf32>
        %add3A_310 = arith.addf %add3A_270, %mul3A_309 : vector<16xf32>
        %mul3A_311 = arith.constant 8 : i32
        %mul3A_312 = arith.muli %scan3A_122, %mul3A_311 : i32
        %add3A_313 = arith.constant 4 : i32
        %add3A_314 = arith.addi %mul3A_312, %add3A_313 : i32
        %get3A_315 = arith.index_cast %add3A_314 : i32 to index
        %get3A_316 = arith.constant 32 : index
        %get3A_317 = tpu.vector_load %arg11[%get3A_315, %get3A_316] {strides = array<i32>} : memref<256x64xf32, #tpu.memory_space<vmem>>, vector<16xf32>,
        %mul3A_318 = arith.mulf %gather3A_292, %get3A_317 : vector<16xf32>
        %add3A_319 = arith.addf %add3A_279, %mul3A_318 : vector<16xf32>
        %mul3A_320 = arith.constant 8 : i32
        %mul3A_321 = arith.muli %scan3A_122, %mul3A_320 : i32
        %add3A_322 = arith.constant 4 : i32
        %add3A_323 = arith.addi %mul3A_321, %add3A_322 : i32
        %get3A_324 = arith.index_cast %add3A_323 : i32 to index
        %get3A_325 = arith.constant 48 : index
        %get3A_326 = tpu.vector_load %arg11[%get3A_324, %get3A_325] {strides = array<i32>} : memref<256x64xf32, #tpu.memory_space<vmem>>, vector<16xf32>,
        %mul3A_327 = arith.mulf %gather3A_292, %get3A_326 : vector<16xf32>
        %add3A_328 = arith.addf %add3A_288, %mul3A_327 : vector<16xf32>
        %add3A_329 = arith.constant 5 : i32
        %add3A_330 = arith.addi %add3A_129, %add3A_329 : i32
        %broadcast_in_dim3A_331 = vector.broadcast %add3A_330 : i32 to vector<16xi32>
        %gather3A_332 = tpu.vector_load_idx %arg10[%broadcast_in_dim3A_331] : memref<10752xf32, #tpu.memory_space<vmem>>[vector<16xi32>], vector<16xf32>,
        %mul3A_333 = arith.constant 8 : i32
        %mul3A_334 = arith.muli %scan3A_122, %mul3A_333 : i32
        %add3A_335 = arith.constant 5 : i32
        %add3A_336 = arith.addi %mul3A_334, %add3A_335 : i32
        %get3A_337 = arith.index_cast %add3A_336 : i32 to index
        %get3A_338 = arith.constant 0 : index
        %get3A_339 = tpu.vector_load %arg11[%get3A_337, %get3A_338] {strides = array<i32>} : memref<256x64xf32, #tpu.memory_space<vmem>>, vector<16xf32>,
        %mul3A_340 = arith.mulf %gather3A_332, %get3A_339 : vector<16xf32>
        %add3A_341 = arith.addf %add3A_301, %mul3A_340 : vector<16xf32>
        %mul3A_342 = arith.constant 8 : i32
        %mul3A_343 = arith.muli %scan3A_122, %mul3A_342 : i32
        %add3A_344 = arith.constant 5 : i32
        %add3A_345 = arith.addi %mul3A_343, %add3A_344 : i32
        %get3A_346 = arith.index_cast %add3A_345 : i32 to index
        %get3A_347 = arith.constant 16 : index
        %get3A_348 = tpu.vector_load %arg11[%get3A_346, %get3A_347] {strides = array<i32>} : memref<256x64xf32, #tpu.memory_space<vmem>>, vector<16xf32>,
        %mul3A_349 = arith.mulf %gather3A_332, %get3A_348 : vector<16xf32>
        %add3A_350 = arith.addf %add3A_310, %mul3A_349 : vector<16xf32>
        %mul3A_351 = arith.constant 8 : i32
        %mul3A_352 = arith.muli %scan3A_122, %mul3A_351 : i32
        %add3A_353 = arith.constant 5 : i32
        %add3A_354 = arith.addi %mul3A_352, %add3A_353 : i32
        %get3A_355 = arith.index_cast %add3A_354 : i32 to index
        %get3A_356 = arith.constant 32 : index
        %get3A_357 = tpu.vector_load %arg11[%get3A_355, %get3A_356] {strides = array<i32>} : memref<256x64xf32, #tpu.memory_space<vmem>>, vector<16xf32>,
        %mul3A_358 = arith.mulf %gather3A_332, %get3A_357 : vector<16xf32>
        %add3A_359 = arith.addf %add3A_319, %mul3A_358 : vector<16xf32>
        %mul3A_360 = arith.constant 8 : i32
        %mul3A_361 = arith.muli %scan3A_122, %mul3A_360 : i32
        %add3A_362 = arith.constant 5 : i32
        %add3A_363 = arith.addi %mul3A_361, %add3A_362 : i32
        %get3A_364 = arith.index_cast %add3A_363 : i32 to index
        %get3A_365 = arith.constant 48 : index
        %get3A_366 = tpu.vector_load %arg11[%get3A_364, %get3A_365] {strides = array<i32>} : memref<256x64xf32, #tpu.memory_space<vmem>>, vector<16xf32>,
        %mul3A_367 = arith.mulf %gather3A_332, %get3A_366 : vector<16xf32>
        %add3A_368 = arith.addf %add3A_328, %mul3A_367 : vector<16xf32>
        %add3A_369 = arith.constant 6 : i32
        %add3A_370 = arith.addi %add3A_129, %add3A_369 : i32
        %broadcast_in_dim3A_371 = vector.broadcast %add3A_370 : i32 to vector<16xi32>
        %gather3A_372 = tpu.vector_load_idx %arg10[%broadcast_in_dim3A_371] : memref<10752xf32, #tpu.memory_space<vmem>>[vector<16xi32>], vector<16xf32>,
        %mul3A_373 = arith.constant 8 : i32
        %mul3A_374 = arith.muli %scan3A_122, %mul3A_373 : i32
        %add3A_375 = arith.constant 6 : i32
        %add3A_376 = arith.addi %mul3A_374, %add3A_375 : i32
        %get3A_377 = arith.index_cast %add3A_376 : i32 to index
        %get3A_378 = arith.constant 0 : index
        %get3A_379 = tpu.vector_load %arg11[%get3A_377, %get3A_378] {strides = array<i32>} : memref<256x64xf32, #tpu.memory_space<vmem>>, vector<16xf32>,
        %mul3A_380 = arith.mulf %gather3A_372, %get3A_379 : vector<16xf32>
        %add3A_381 = arith.addf %add3A_341, %mul3A_380 : vector<16xf32>
        %mul3A_382 = arith.constant 8 : i32
        %mul3A_383 = arith.muli %scan3A_122, %mul3A_382 : i32
        %add3A_384 = arith.constant 6 : i32
        %add3A_385 = arith.addi %mul3A_383, %add3A_384 : i32
        %get3A_386 = arith.index_cast %add3A_385 : i32 to index
        %get3A_387 = arith.constant 16 : index
        %get3A_388 = tpu.vector_load %arg11[%get3A_386, %get3A_387] {strides = array<i32>} : memref<256x64xf32, #tpu.memory_space<vmem>>, vector<16xf32>,
        %mul3A_389 = arith.mulf %gather3A_372, %get3A_388 : vector<16xf32>
        %add3A_390 = arith.addf %add3A_350, %mul3A_389 : vector<16xf32>
        %mul3A_391 = arith.constant 8 : i32
        %mul3A_392 = arith.muli %scan3A_122, %mul3A_391 : i32
        %add3A_393 = arith.constant 6 : i32
        %add3A_394 = arith.addi %mul3A_392, %add3A_393 : i32
        %get3A_395 = arith.index_cast %add3A_394 : i32 to index
        %get3A_396 = arith.constant 32 : index
        %get3A_397 = tpu.vector_load %arg11[%get3A_395, %get3A_396] {strides = array<i32>} : memref<256x64xf32, #tpu.memory_space<vmem>>, vector<16xf32>,
        %mul3A_398 = arith.mulf %gather3A_372, %get3A_397 : vector<16xf32>
        %add3A_399 = arith.addf %add3A_359, %mul3A_398 : vector<16xf32>
        %mul3A_400 = arith.constant 8 : i32
        %mul3A_401 = arith.muli %scan3A_122, %mul3A_400 : i32
        %add3A_402 = arith.constant 6 : i32
        %add3A_403 = arith.addi %mul3A_401, %add3A_402 : i32
        %get3A_404 = arith.index_cast %add3A_403 : i32 to index
        %get3A_405 = arith.constant 48 : index
        %get3A_406 = tpu.vector_load %arg11[%get3A_404, %get3A_405] {strides = array<i32>} : memref<256x64xf32, #tpu.memory_space<vmem>>, vector<16xf32>,
        %mul3A_407 = arith.mulf %gather3A_372, %get3A_406 : vector<16xf32>
        %add3A_408 = arith.addf %add3A_368, %mul3A_407 : vector<16xf32>
        %add3A_409 = arith.constant 7 : i32
        %add3A_410 = arith.addi %add3A_129, %add3A_409 : i32
        %broadcast_in_dim3A_411 = vector.broadcast %add3A_410 : i32 to vector<16xi32>
        %gather3A_412 = tpu.vector_load_idx %arg10[%broadcast_in_dim3A_411] : memref<10752xf32, #tpu.memory_space<vmem>>[vector<16xi32>], vector<16xf32>,
        %mul3A_413 = arith.constant 8 : i32
        %mul3A_414 = arith.muli %scan3A_122, %mul3A_413 : i32
        %add3A_415 = arith.constant 7 : i32
        %add3A_416 = arith.addi %mul3A_414, %add3A_415 : i32
        %get3A_417 = arith.index_cast %add3A_416 : i32 to index
        %get3A_418 = arith.constant 0 : index
        %get3A_419 = tpu.vector_load %arg11[%get3A_417, %get3A_418] {strides = array<i32>} : memref<256x64xf32, #tpu.memory_space<vmem>>, vector<16xf32>,
        %mul3A_420 = arith.mulf %gather3A_412, %get3A_419 : vector<16xf32>
        %add3A_421 = arith.addf %add3A_381, %mul3A_420 : vector<16xf32>
        %mul3A_422 = arith.constant 8 : i32
        %mul3A_423 = arith.muli %scan3A_122, %mul3A_422 : i32
        %add3A_424 = arith.constant 7 : i32
        %add3A_425 = arith.addi %mul3A_423, %add3A_424 : i32
        %get3A_426 = arith.index_cast %add3A_425 : i32 to index
        %get3A_427 = arith.constant 16 : index
        %get3A_428 = tpu.vector_load %arg11[%get3A_426, %get3A_427] {strides = array<i32>} : memref<256x64xf32, #tpu.memory_space<vmem>>, vector<16xf32>,
        %mul3A_429 = arith.mulf %gather3A_412, %get3A_428 : vector<16xf32>
        %add3A_430 = arith.addf %add3A_390, %mul3A_429 : vector<16xf32>
        %mul3A_431 = arith.constant 8 : i32
        %mul3A_432 = arith.muli %scan3A_122, %mul3A_431 : i32
        %add3A_433 = arith.constant 7 : i32
        %add3A_434 = arith.addi %mul3A_432, %add3A_433 : i32
        %get3A_435 = arith.index_cast %add3A_434 : i32 to index
        %get3A_436 = arith.constant 32 : index
        %get3A_437 = tpu.vector_load %arg11[%get3A_435, %get3A_436] {strides = array<i32>} : memref<256x64xf32, #tpu.memory_space<vmem>>, vector<16xf32>,
        %mul3A_438 = arith.mulf %gather3A_412, %get3A_437 : vector<16xf32>
        %add3A_439 = arith.addf %add3A_399, %mul3A_438 : vector<16xf32>
        %mul3A_440 = arith.constant 8 : i32
        %mul3A_441 = arith.muli %scan3A_122, %mul3A_440 : i32
        %add3A_442 = arith.constant 7 : i32
        %add3A_443 = arith.addi %mul3A_441, %add3A_442 : i32
        %get3A_444 = arith.index_cast %add3A_443 : i32 to index
        %get3A_445 = arith.constant 48 : index
        %get3A_446 = tpu.vector_load %arg11[%get3A_444, %get3A_445] {strides = array<i32>} : memref<256x64xf32, #tpu.memory_space<vmem>>, vector<16xf32>,
        %mul3A_447 = arith.mulf %gather3A_412, %get3A_446 : vector<16xf32>
        %add3A_448 = arith.addf %add3A_408, %mul3A_447 : vector<16xf32>
        %add3A_449 = arith.constant 0 : i32
        %add3A_450 = arith.addi %add3A_449, %scan3A_122 : i32
        %swap3A = arith.index_cast %add3A_450 : i32 to index
        %swap3A_451 = arith.constant 0 : index
        %swap3A_452 = tpu.vector_load %arg12[%swap3A, %swap3A_451] {strides = array<i32>} : memref<64x64xf32, #tpu.memory_space<vmem>>, vector<16xf32>,
        tpu.vector_store %arg12[%swap3A, %swap3A_451], %add3A_421 {strides = array<i32>} : memref<64x64xf32, #tpu.memory_space<vmem>>, vector<16xf32>,
        %add3A_453 = arith.constant 0 : i32
        %add3A_454 = arith.addi %add3A_453, %scan3A_122 : i32
        %swap3A_455 = arith.index_cast %add3A_454 : i32 to index
        %swap3A_456 = arith.constant 16 : index
        %swap3A_457 = tpu.vector_load %arg12[%swap3A_455, %swap3A_456] {strides = array<i32>} : memref<64x64xf32, #tpu.memory_space<vmem>>, vector<16xf32>,
        tpu.vector_store %arg12[%swap3A_455, %swap3A_456], %add3A_430 {strides = array<i32>} : memref<64x64xf32, #tpu.memory_space<vmem>>, vector<16xf32>,
        %add3A_458 = arith.constant 0 : i32
        %add3A_459 = arith.addi %add3A_458, %scan3A_122 : i32
        %swap3A_460 = arith.index_cast %add3A_459 : i32 to index
        %swap3A_461 = arith.constant 32 : index
        %swap3A_462 = tpu.vector_load %arg12[%swap3A_460, %swap3A_461] {strides = array<i32>} : memref<64x64xf32, #tpu.memory_space<vmem>>, vector<16xf32>,
        tpu.vector_store %arg12[%swap3A_460, %swap3A_461], %add3A_439 {strides = array<i32>} : memref<64x64xf32, #tpu.memory_space<vmem>>, vector<16xf32>,
        %add3A_463 = arith.constant 0 : i32
        %add3A_464 = arith.addi %add3A_463, %scan3A_122 : i32
        %swap3A_465 = arith.index_cast %add3A_464 : i32 to index
        %swap3A_466 = arith.constant 48 : index
        %swap3A_467 = tpu.vector_load %arg12[%swap3A_465, %swap3A_466] {strides = array<i32>} : memref<64x64xf32, #tpu.memory_space<vmem>>, vector<16xf32>,
        tpu.vector_store %arg12[%swap3A_465, %swap3A_466], %add3A_448 {strides = array<i32>} : memref<64x64xf32, #tpu.memory_space<vmem>>, vector<16xf32>,
      }
      %scan3A_67 = arith.constant 32 : i32
      %mul3A_68 = arith.constant 4 : i32
      %mul3A_69 = arith.muli %scan3A_15, %mul3A_68 : i32
      %add3A_70 = arith.constant 2 : i32
      %add3A_71 = arith.addi %mul3A_69, %add3A_70 : i32
      %add3A_72 = arith.constant 0 : i32
      %add3A_73 = arith.addi %add3A_71, %add3A_72 : i32
      %dma_start3A_74 = arith.constant 0 : i32
      %dma_start3A_75 = arith.constant 0 : i32
      %dma_start3A_76 = tpu.memref_slice %arg11[%dma_start3A_74, %dma_start3A_75] : memref<256x64xf32, #tpu.memory_space<vmem>> -> memref<128x64xf32, #tpu.memory_space<vmem>>
      %dma_start3A_77 = arith.constant 0 : i32
      %dma_start3A_78 = tpu.memref_slice %arg8[%add3A_73, %dma_start3A_77] : memref<84x128xi32, #tpu.memory_space<vmem>> -> memref<1x128xi32, #tpu.memory_space<vmem>>
      %dma_start3A_79 = tpu.memref_squeeze %dma_start3A_78 : memref<1x128xi32, #tpu.memory_space<vmem>> -> memref<128xi32, #tpu.memory_space<vmem>>
      %dma_start3A_80 = arith.constant 0 : i32
      %dma_start3A_81 = arith.constant 0 : i32
      %dma_start3A_82 = tpu.memref_slice %arg2[%dma_start3A_80, %dma_start3A_81] : memref<248832x64xf32, #tpu.memory_space<hbm>> -> memref<248832x64xf32, #tpu.memory_space<hbm>>
      tpu.enqueue_indirect_dma source(%dma_start3A_82 : memref<248832x64xf32, #tpu.memory_space<hbm>>) target(%dma_start3A_76 : memref<128x64xf32, #tpu.memory_space<vmem>>) offsets(%dma_start3A_79 : memref<128xi32, #tpu.memory_space<vmem>>) semaphore(%arg14 : memref<!tpu.dma_semaphore, #tpu.memory_space<semaphore_mem>>)
      %dma_wait3A_83 = arith.constant 0 : i32
      %dma_wait3A_84 = arith.constant 0 : i32
      %dma_wait3A_85 = tpu.memref_slice %arg11[%dma_wait3A_83, %dma_wait3A_84] : memref<256x64xf32, #tpu.memory_space<vmem>> -> memref<128x64xf32, #tpu.memory_space<vmem>>
      %dma_wait3A_86 = arith.constant 0 : i32
      %dma_wait3A_87 = tpu.memref_slice %arg8[%add3A_73, %dma_wait3A_86] : memref<84x128xi32, #tpu.memory_space<vmem>> -> memref<1x128xi32, #tpu.memory_space<vmem>>
      %dma_wait3A_88 = tpu.memref_squeeze %dma_wait3A_87 : memref<1x128xi32, #tpu.memory_space<vmem>> -> memref<128xi32, #tpu.memory_space<vmem>>
      %dma_wait3A_89 = arith.constant 0 : i32
      %dma_wait3A_90 = arith.constant 0 : i32
      %dma_wait3A_91 = tpu.memref_slice %arg2[%dma_wait3A_89, %dma_wait3A_90] : memref<248832x64xf32, #tpu.memory_space<hbm>> -> memref<248832x64xf32, #tpu.memory_space<hbm>>
      tpu.wait_indirect_dma semaphore(%arg14 : memref<!tpu.dma_semaphore, #tpu.memory_space<semaphore_mem>>) src(%dma_wait3A_91 : memref<248832x64xf32, #tpu.memory_space<hbm>>) dst(%dma_wait3A_85 : memref<128x64xf32, #tpu.memory_space<vmem>>)
      %mul3A_92 = arith.constant 4 : i32
      %mul3A_93 = arith.muli %scan3A_15, %mul3A_92 : i32
      %add3A_94 = arith.constant 2 : i32
      %add3A_95 = arith.addi %mul3A_93, %add3A_94 : i32
      %add3A_96 = arith.constant 1 : i32
      %add3A_97 = arith.addi %add3A_95, %add3A_96 : i32
      %dma_start3A_98 = arith.constant 128 : i32
      %dma_start3A_99 = arith.constant 0 : i32
      %dma_start3A_100 = tpu.memref_slice %arg11[%dma_start3A_98, %dma_start3A_99] : memref<256x64xf32, #tpu.memory_space<vmem>> -> memref<128x64xf32, #tpu.memory_space<vmem>>
      %dma_start3A_101 = arith.constant 0 : i32
      %dma_start3A_102 = tpu.memref_slice %arg8[%add3A_97, %dma_start3A_101] : memref<84x128xi32, #tpu.memory_space<vmem>> -> memref<1x128xi32, #tpu.memory_space<vmem>>
      %dma_start3A_103 = tpu.memref_squeeze %dma_start3A_102 : memref<1x128xi32, #tpu.memory_space<vmem>> -> memref<128xi32, #tpu.memory_space<vmem>>
      %dma_start3A_104 = arith.constant 0 : i32
      %dma_start3A_105 = arith.constant 0 : i32
      %dma_start3A_106 = tpu.memref_slice %arg2[%dma_start3A_104, %dma_start3A_105] : memref<248832x64xf32, #tpu.memory_space<hbm>> -> memref<248832x64xf32, #tpu.memory_space<hbm>>
      tpu.enqueue_indirect_dma source(%dma_start3A_106 : memref<248832x64xf32, #tpu.memory_space<hbm>>) target(%dma_start3A_100 : memref<128x64xf32, #tpu.memory_space<vmem>>) offsets(%dma_start3A_103 : memref<128xi32, #tpu.memory_space<vmem>>) semaphore(%arg14 : memref<!tpu.dma_semaphore, #tpu.memory_space<semaphore_mem>>)
      %dma_wait3A_107 = arith.constant 128 : i32
      %dma_wait3A_108 = arith.constant 0 : i32
      %dma_wait3A_109 = tpu.memref_slice %arg11[%dma_wait3A_107, %dma_wait3A_108] : memref<256x64xf32, #tpu.memory_space<vmem>> -> memref<128x64xf32, #tpu.memory_space<vmem>>
      %dma_wait3A_110 = arith.constant 0 : i32
      %dma_wait3A_111 = tpu.memref_slice %arg8[%add3A_97, %dma_wait3A_110] : memref<84x128xi32, #tpu.memory_space<vmem>> -> memref<1x128xi32, #tpu.memory_space<vmem>>
      %dma_wait3A_112 = tpu.memref_squeeze %dma_wait3A_111 : memref<1x128xi32, #tpu.memory_space<vmem>> -> memref<128xi32, #tpu.memory_space<vmem>>
      %dma_wait3A_113 = arith.constant 0 : i32
      %dma_wait3A_114 = arith.constant 0 : i32
      %dma_wait3A_115 = tpu.memref_slice %arg2[%dma_wait3A_113, %dma_wait3A_114] : memref<248832x64xf32, #tpu.memory_space<hbm>> -> memref<248832x64xf32, #tpu.memory_space<hbm>>
      tpu.wait_indirect_dma semaphore(%arg14 : memref<!tpu.dma_semaphore, #tpu.memory_space<semaphore_mem>>) src(%dma_wait3A_115 : memref<248832x64xf32, #tpu.memory_space<hbm>>) dst(%dma_wait3A_109 : memref<128x64xf32, #tpu.memory_space<vmem>>)
      %scan3A_116 = arith.constant 0 : i32
      %scan3A_117 = arith.constant 0 : i32
      %scan3A_118 = arith.constant 32 : i32
      %scan3A_119 = arith.addi %scan3A_117, %scan3A_118 : i32
      %scan3A_120 = arith.constant 1 : i32
      scf.for %scan3A_122 = %scan3A_117 to %scan3A_119 step %scan3A_120  : i32 {
        %mul3A_123 = arith.constant 512 : i32
        %mul3A_124 = arith.muli %scan3A_15, %mul3A_123 : i32
        %add3A_125 = arith.constant 256 : i32
        %add3A_126 = arith.addi %mul3A_124, %add3A_125 : i32
        %mul3A_127 = arith.constant 8 : i32
        %mul3A_128 = arith.muli %scan3A_122, %mul3A_127 : i32
        %add3A_129 = arith.addi %add3A_126, %mul3A_128 : i32
        %broadcast_in_dim3A = arith.constant 0.000000e+00 : f32
        %broadcast_in_dim3A_130 = vector.broadcast %broadcast_in_dim3A : f32 to vector<16xf32>
        %add3A_131 = arith.constant 0 : i32
        %add3A_132 = arith.addi %add3A_129, %add3A_131 : i32
        %broadcast_in_dim3A_133 = vector.broadcast %add3A_132 : i32 to vector<16xi32>
        %gather3A = tpu.vector_load_idx %arg10[%broadcast_in_dim3A_133] : memref<10752xf32, #tpu.memory_space<vmem>>[vector<16xi32>], vector<16xf32>,
        %mul3A_134 = arith.constant 8 : i32
        %mul3A_135 = arith.muli %scan3A_122, %mul3A_134 : i32
        %add3A_136 = arith.constant 0 : i32
        %add3A_137 = arith.addi %mul3A_135, %add3A_136 : i32
        %get3A = arith.index_cast %add3A_137 : i32 to index
        %get3A_138 = arith.constant 0 : index
        %get3A_139 = tpu.vector_load %arg11[%get3A, %get3A_138] {strides = array<i32>} : memref<256x64xf32, #tpu.memory_space<vmem>>, vector<16xf32>,
        %mul3A_140 = arith.mulf %gather3A, %get3A_139 : vector<16xf32>
        %add3A_141 = arith.addf %broadcast_in_dim3A_130, %mul3A_140 : vector<16xf32>
        %mul3A_142 = arith.constant 8 : i32
        %mul3A_143 = arith.muli %scan3A_122, %mul3A_142 : i32
        %add3A_144 = arith.constant 0 : i32
        %add3A_145 = arith.addi %mul3A_143, %add3A_144 : i32
        %get3A_146 = arith.index_cast %add3A_145 : i32 to index
        %get3A_147 = arith.constant 16 : index
        %get3A_148 = tpu.vector_load %arg11[%get3A_146, %get3A_147] {strides = array<i32>} : memref<256x64xf32, #tpu.memory_space<vmem>>, vector<16xf32>,
        %mul3A_149 = arith.mulf %gather3A, %get3A_148 : vector<16xf32>
        %add3A_150 = arith.addf %broadcast_in_dim3A_130, %mul3A_149 : vector<16xf32>
        %mul3A_151 = arith.constant 8 : i32
        %mul3A_152 = arith.muli %scan3A_122, %mul3A_151 : i32
        %add3A_153 = arith.constant 0 : i32
        %add3A_154 = arith.addi %mul3A_152, %add3A_153 : i32
        %get3A_155 = arith.index_cast %add3A_154 : i32 to index
        %get3A_156 = arith.constant 32 : index
        %get3A_157 = tpu.vector_load %arg11[%get3A_155, %get3A_156] {strides = array<i32>} : memref<256x64xf32, #tpu.memory_space<vmem>>, vector<16xf32>,
        %mul3A_158 = arith.mulf %gather3A, %get3A_157 : vector<16xf32>
        %add3A_159 = arith.addf %broadcast_in_dim3A_130, %mul3A_158 : vector<16xf32>
        %mul3A_160 = arith.constant 8 : i32
        %mul3A_161 = arith.muli %scan3A_122, %mul3A_160 : i32
        %add3A_162 = arith.constant 0 : i32
        %add3A_163 = arith.addi %mul3A_161, %add3A_162 : i32
        %get3A_164 = arith.index_cast %add3A_163 : i32 to index
        %get3A_165 = arith.constant 48 : index
        %get3A_166 = tpu.vector_load %arg11[%get3A_164, %get3A_165] {strides = array<i32>} : memref<256x64xf32, #tpu.memory_space<vmem>>, vector<16xf32>,
        %mul3A_167 = arith.mulf %gather3A, %get3A_166 : vector<16xf32>
        %add3A_168 = arith.addf %broadcast_in_dim3A_130, %mul3A_167 : vector<16xf32>
        %add3A_169 = arith.constant 1 : i32
        %add3A_170 = arith.addi %add3A_129, %add3A_169 : i32
        %broadcast_in_dim3A_171 = vector.broadcast %add3A_170 : i32 to vector<16xi32>
        %gather3A_172 = tpu.vector_load_idx %arg10[%broadcast_in_dim3A_171] : memref<10752xf32, #tpu.memory_space<vmem>>[vector<16xi32>], vector<16xf32>,
        %mul3A_173 = arith.constant 8 : i32
        %mul3A_174 = arith.muli %scan3A_122, %mul3A_173 : i32
        %add3A_175 = arith.constant 1 : i32
        %add3A_176 = arith.addi %mul3A_174, %add3A_175 : i32
        %get3A_177 = arith.index_cast %add3A_176 : i32 to index
        %get3A_178 = arith.constant 0 : index
        %get3A_179 = tpu.vector_load %arg11[%get3A_177, %get3A_178] {strides = array<i32>} : memref<256x64xf32, #tpu.memory_space<vmem>>, vector<16xf32>,
        %mul3A_180 = arith.mulf %gather3A_172, %get3A_179 : vector<16xf32>
        %add3A_181 = arith.addf %add3A_141, %mul3A_180 : vector<16xf32>
        %mul3A_182 = arith.constant 8 : i32
        %mul3A_183 = arith.muli %scan3A_122, %mul3A_182 : i32
        %add3A_184 = arith.constant 1 : i32
        %add3A_185 = arith.addi %mul3A_183, %add3A_184 : i32
        %get3A_186 = arith.index_cast %add3A_185 : i32 to index
        %get3A_187 = arith.constant 16 : index
        %get3A_188 = tpu.vector_load %arg11[%get3A_186, %get3A_187] {strides = array<i32>} : memref<256x64xf32, #tpu.memory_space<vmem>>, vector<16xf32>,
        %mul3A_189 = arith.mulf %gather3A_172, %get3A_188 : vector<16xf32>
        %add3A_190 = arith.addf %add3A_150, %mul3A_189 : vector<16xf32>
        %mul3A_191 = arith.constant 8 : i32
        %mul3A_192 = arith.muli %scan3A_122, %mul3A_191 : i32
        %add3A_193 = arith.constant 1 : i32
        %add3A_194 = arith.addi %mul3A_192, %add3A_193 : i32
        %get3A_195 = arith.index_cast %add3A_194 : i32 to index
        %get3A_196 = arith.constant 32 : index
        %get3A_197 = tpu.vector_load %arg11[%get3A_195, %get3A_196] {strides = array<i32>} : memref<256x64xf32, #tpu.memory_space<vmem>>, vector<16xf32>,
        %mul3A_198 = arith.mulf %gather3A_172, %get3A_197 : vector<16xf32>
        %add3A_199 = arith.addf %add3A_159, %mul3A_198 : vector<16xf32>
        %mul3A_200 = arith.constant 8 : i32
        %mul3A_201 = arith.muli %scan3A_122, %mul3A_200 : i32
        %add3A_202 = arith.constant 1 : i32
        %add3A_203 = arith.addi %mul3A_201, %add3A_202 : i32
        %get3A_204 = arith.index_cast %add3A_203 : i32 to index
        %get3A_205 = arith.constant 48 : index
        %get3A_206 = tpu.vector_load %arg11[%get3A_204, %get3A_205] {strides = array<i32>} : memref<256x64xf32, #tpu.memory_space<vmem>>, vector<16xf32>,
        %mul3A_207 = arith.mulf %gather3A_172, %get3A_206 : vector<16xf32>
        %add3A_208 = arith.addf %add3A_168, %mul3A_207 : vector<16xf32>
        %add3A_209 = arith.constant 2 : i32
        %add3A_210 = arith.addi %add3A_129, %add3A_209 : i32
        %broadcast_in_dim3A_211 = vector.broadcast %add3A_210 : i32 to vector<16xi32>
        %gather3A_212 = tpu.vector_load_idx %arg10[%broadcast_in_dim3A_211] : memref<10752xf32, #tpu.memory_space<vmem>>[vector<16xi32>], vector<16xf32>,
        %mul3A_213 = arith.constant 8 : i32
        %mul3A_214 = arith.muli %scan3A_122, %mul3A_213 : i32
        %add3A_215 = arith.constant 2 : i32
        %add3A_216 = arith.addi %mul3A_214, %add3A_215 : i32
        %get3A_217 = arith.index_cast %add3A_216 : i32 to index
        %get3A_218 = arith.constant 0 : index
        %get3A_219 = tpu.vector_load %arg11[%get3A_217, %get3A_218] {strides = array<i32>} : memref<256x64xf32, #tpu.memory_space<vmem>>, vector<16xf32>,
        %mul3A_220 = arith.mulf %gather3A_212, %get3A_219 : vector<16xf32>
        %add3A_221 = arith.addf %add3A_181, %mul3A_220 : vector<16xf32>
        %mul3A_222 = arith.constant 8 : i32
        %mul3A_223 = arith.muli %scan3A_122, %mul3A_222 : i32
        %add3A_224 = arith.constant 2 : i32
        %add3A_225 = arith.addi %mul3A_223, %add3A_224 : i32
        %get3A_226 = arith.index_cast %add3A_225 : i32 to index
        %get3A_227 = arith.constant 16 : index
        %get3A_228 = tpu.vector_load %arg11[%get3A_226, %get3A_227] {strides = array<i32>} : memref<256x64xf32, #tpu.memory_space<vmem>>, vector<16xf32>,
        %mul3A_229 = arith.mulf %gather3A_212, %get3A_228 : vector<16xf32>
        %add3A_230 = arith.addf %add3A_190, %mul3A_229 : vector<16xf32>
        %mul3A_231 = arith.constant 8 : i32
        %mul3A_232 = arith.muli %scan3A_122, %mul3A_231 : i32
        %add3A_233 = arith.constant 2 : i32
        %add3A_234 = arith.addi %mul3A_232, %add3A_233 : i32
        %get3A_235 = arith.index_cast %add3A_234 : i32 to index
        %get3A_236 = arith.constant 32 : index
        %get3A_237 = tpu.vector_load %arg11[%get3A_235, %get3A_236] {strides = array<i32>} : memref<256x64xf32, #tpu.memory_space<vmem>>, vector<16xf32>,
        %mul3A_238 = arith.mulf %gather3A_212, %get3A_237 : vector<16xf32>
        %add3A_239 = arith.addf %add3A_199, %mul3A_238 : vector<16xf32>
        %mul3A_240 = arith.constant 8 : i32
        %mul3A_241 = arith.muli %scan3A_122, %mul3A_240 : i32
        %add3A_242 = arith.constant 2 : i32
        %add3A_243 = arith.addi %mul3A_241, %add3A_242 : i32
        %get3A_244 = arith.index_cast %add3A_243 : i32 to index
        %get3A_245 = arith.constant 48 : index
        %get3A_246 = tpu.vector_load %arg11[%get3A_244, %get3A_245] {strides = array<i32>} : memref<256x64xf32, #tpu.memory_space<vmem>>, vector<16xf32>,
        %mul3A_247 = arith.mulf %gather3A_212, %get3A_246 : vector<16xf32>
        %add3A_248 = arith.addf %add3A_208, %mul3A_247 : vector<16xf32>
        %add3A_249 = arith.constant 3 : i32
        %add3A_250 = arith.addi %add3A_129, %add3A_249 : i32
        %broadcast_in_dim3A_251 = vector.broadcast %add3A_250 : i32 to vector<16xi32>
        %gather3A_252 = tpu.vector_load_idx %arg10[%broadcast_in_dim3A_251] : memref<10752xf32, #tpu.memory_space<vmem>>[vector<16xi32>], vector<16xf32>,
        %mul3A_253 = arith.constant 8 : i32
        %mul3A_254 = arith.muli %scan3A_122, %mul3A_253 : i32
        %add3A_255 = arith.constant 3 : i32
        %add3A_256 = arith.addi %mul3A_254, %add3A_255 : i32
        %get3A_257 = arith.index_cast %add3A_256 : i32 to index
        %get3A_258 = arith.constant 0 : index
        %get3A_259 = tpu.vector_load %arg11[%get3A_257, %get3A_258] {strides = array<i32>} : memref<256x64xf32, #tpu.memory_space<vmem>>, vector<16xf32>,
        %mul3A_260 = arith.mulf %gather3A_252, %get3A_259 : vector<16xf32>
        %add3A_261 = arith.addf %add3A_221, %mul3A_260 : vector<16xf32>
        %mul3A_262 = arith.constant 8 : i32
        %mul3A_263 = arith.muli %scan3A_122, %mul3A_262 : i32
        %add3A_264 = arith.constant 3 : i32
        %add3A_265 = arith.addi %mul3A_263, %add3A_264 : i32
        %get3A_266 = arith.index_cast %add3A_265 : i32 to index
        %get3A_267 = arith.constant 16 : index
        %get3A_268 = tpu.vector_load %arg11[%get3A_266, %get3A_267] {strides = array<i32>} : memref<256x64xf32, #tpu.memory_space<vmem>>, vector<16xf32>,
        %mul3A_269 = arith.mulf %gather3A_252, %get3A_268 : vector<16xf32>
        %add3A_270 = arith.addf %add3A_230, %mul3A_269 : vector<16xf32>
        %mul3A_271 = arith.constant 8 : i32
        %mul3A_272 = arith.muli %scan3A_122, %mul3A_271 : i32
        %add3A_273 = arith.constant 3 : i32
        %add3A_274 = arith.addi %mul3A_272, %add3A_273 : i32
        %get3A_275 = arith.index_cast %add3A_274 : i32 to index
        %get3A_276 = arith.constant 32 : index
        %get3A_277 = tpu.vector_load %arg11[%get3A_275, %get3A_276] {strides = array<i32>} : memref<256x64xf32, #tpu.memory_space<vmem>>, vector<16xf32>,
        %mul3A_278 = arith.mulf %gather3A_252, %get3A_277 : vector<16xf32>
        %add3A_279 = arith.addf %add3A_239, %mul3A_278 : vector<16xf32>
        %mul3A_280 = arith.constant 8 : i32
        %mul3A_281 = arith.muli %scan3A_122, %mul3A_280 : i32
        %add3A_282 = arith.constant 3 : i32
        %add3A_283 = arith.addi %mul3A_281, %add3A_282 : i32
        %get3A_284 = arith.index_cast %add3A_283 : i32 to index
        %get3A_285 = arith.constant 48 : index
        %get3A_286 = tpu.vector_load %arg11[%get3A_284, %get3A_285] {strides = array<i32>} : memref<256x64xf32, #tpu.memory_space<vmem>>, vector<16xf32>,
        %mul3A_287 = arith.mulf %gather3A_252, %get3A_286 : vector<16xf32>
        %add3A_288 = arith.addf %add3A_248, %mul3A_287 : vector<16xf32>
        %add3A_289 = arith.constant 4 : i32
        %add3A_290 = arith.addi %add3A_129, %add3A_289 : i32
        %broadcast_in_dim3A_291 = vector.broadcast %add3A_290 : i32 to vector<16xi32>
        %gather3A_292 = tpu.vector_load_idx %arg10[%broadcast_in_dim3A_291] : memref<10752xf32, #tpu.memory_space<vmem>>[vector<16xi32>], vector<16xf32>,
        %mul3A_293 = arith.constant 8 : i32
        %mul3A_294 = arith.muli %scan3A_122, %mul3A_293 : i32
        %add3A_295 = arith.constant 4 : i32
        %add3A_296 = arith.addi %mul3A_294, %add3A_295 : i32
        %get3A_297 = arith.index_cast %add3A_296 : i32 to index
        %get3A_298 = arith.constant 0 : index
        %get3A_299 = tpu.vector_load %arg11[%get3A_297, %get3A_298] {strides = array<i32>} : memref<256x64xf32, #tpu.memory_space<vmem>>, vector<16xf32>,
        %mul3A_300 = arith.mulf %gather3A_292, %get3A_299 : vector<16xf32>
        %add3A_301 = arith.addf %add3A_261, %mul3A_300 : vector<16xf32>
        %mul3A_302 = arith.constant 8 : i32
        %mul3A_303 = arith.muli %scan3A_122, %mul3A_302 : i32
        %add3A_304 = arith.constant 4 : i32
        %add3A_305 = arith.addi %mul3A_303, %add3A_304 : i32
        %get3A_306 = arith.index_cast %add3A_305 : i32 to index
        %get3A_307 = arith.constant 16 : index
        %get3A_308 = tpu.vector_load %arg11[%get3A_306, %get3A_307] {strides = array<i32>} : memref<256x64xf32, #tpu.memory_space<vmem>>, vector<16xf32>,
        %mul3A_309 = arith.mulf %gather3A_292, %get3A_308 : vector<16xf32>
        %add3A_310 = arith.addf %add3A_270, %mul3A_309 : vector<16xf32>
        %mul3A_311 = arith.constant 8 : i32
        %mul3A_312 = arith.muli %scan3A_122, %mul3A_311 : i32
        %add3A_313 = arith.constant 4 : i32
        %add3A_314 = arith.addi %mul3A_312, %add3A_313 : i32
        %get3A_315 = arith.index_cast %add3A_314 : i32 to index
        %get3A_316 = arith.constant 32 : index
        %get3A_317 = tpu.vector_load %arg11[%get3A_315, %get3A_316] {strides = array<i32>} : memref<256x64xf32, #tpu.memory_space<vmem>>, vector<16xf32>,
        %mul3A_318 = arith.mulf %gather3A_292, %get3A_317 : vector<16xf32>
        %add3A_319 = arith.addf %add3A_279, %mul3A_318 : vector<16xf32>
        %mul3A_320 = arith.constant 8 : i32
        %mul3A_321 = arith.muli %scan3A_122, %mul3A_320 : i32
        %add3A_322 = arith.constant 4 : i32
        %add3A_323 = arith.addi %mul3A_321, %add3A_322 : i32
        %get3A_324 = arith.index_cast %add3A_323 : i32 to index
        %get3A_325 = arith.constant 48 : index
        %get3A_326 = tpu.vector_load %arg11[%get3A_324, %get3A_325] {strides = array<i32>} : memref<256x64xf32, #tpu.memory_space<vmem>>, vector<16xf32>,
        %mul3A_327 = arith.mulf %gather3A_292, %get3A_326 : vector<16xf32>
        %add3A_328 = arith.addf %add3A_288, %mul3A_327 : vector<16xf32>
        %add3A_329 = arith.constant 5 : i32
        %add3A_330 = arith.addi %add3A_129, %add3A_329 : i32
        %broadcast_in_dim3A_331 = vector.broadcast %add3A_330 : i32 to vector<16xi32>
        %gather3A_332 = tpu.vector_load_idx %arg10[%broadcast_in_dim3A_331] : memref<10752xf32, #tpu.memory_space<vmem>>[vector<16xi32>], vector<16xf32>,
        %mul3A_333 = arith.constant 8 : i32
        %mul3A_334 = arith.muli %scan3A_122, %mul3A_333 : i32
        %add3A_335 = arith.constant 5 : i32
        %add3A_336 = arith.addi %mul3A_334, %add3A_335 : i32
        %get3A_337 = arith.index_cast %add3A_336 : i32 to index
        %get3A_338 = arith.constant 0 : index
        %get3A_339 = tpu.vector_load %arg11[%get3A_337, %get3A_338] {strides = array<i32>} : memref<256x64xf32, #tpu.memory_space<vmem>>, vector<16xf32>,
        %mul3A_340 = arith.mulf %gather3A_332, %get3A_339 : vector<16xf32>
        %add3A_341 = arith.addf %add3A_301, %mul3A_340 : vector<16xf32>
        %mul3A_342 = arith.constant 8 : i32
        %mul3A_343 = arith.muli %scan3A_122, %mul3A_342 : i32
        %add3A_344 = arith.constant 5 : i32
        %add3A_345 = arith.addi %mul3A_343, %add3A_344 : i32
        %get3A_346 = arith.index_cast %add3A_345 : i32 to index
        %get3A_347 = arith.constant 16 : index
        %get3A_348 = tpu.vector_load %arg11[%get3A_346, %get3A_347] {strides = array<i32>} : memref<256x64xf32, #tpu.memory_space<vmem>>, vector<16xf32>,
        %mul3A_349 = arith.mulf %gather3A_332, %get3A_348 : vector<16xf32>
        %add3A_350 = arith.addf %add3A_310, %mul3A_349 : vector<16xf32>
        %mul3A_351 = arith.constant 8 : i32
        %mul3A_352 = arith.muli %scan3A_122, %mul3A_351 : i32
        %add3A_353 = arith.constant 5 : i32
        %add3A_354 = arith.addi %mul3A_352, %add3A_353 : i32
        %get3A_355 = arith.index_cast %add3A_354 : i32 to index
        %get3A_356 = arith.constant 32 : index
        %get3A_357 = tpu.vector_load %arg11[%get3A_355, %get3A_356] {strides = array<i32>} : memref<256x64xf32, #tpu.memory_space<vmem>>, vector<16xf32>,
        %mul3A_358 = arith.mulf %gather3A_332, %get3A_357 : vector<16xf32>
        %add3A_359 = arith.addf %add3A_319, %mul3A_358 : vector<16xf32>
        %mul3A_360 = arith.constant 8 : i32
        %mul3A_361 = arith.muli %scan3A_122, %mul3A_360 : i32
        %add3A_362 = arith.constant 5 : i32
        %add3A_363 = arith.addi %mul3A_361, %add3A_362 : i32
        %get3A_364 = arith.index_cast %add3A_363 : i32 to index
        %get3A_365 = arith.constant 48 : index
        %get3A_366 = tpu.vector_load %arg11[%get3A_364, %get3A_365] {strides = array<i32>} : memref<256x64xf32, #tpu.memory_space<vmem>>, vector<16xf32>,
        %mul3A_367 = arith.mulf %gather3A_332, %get3A_366 : vector<16xf32>
        %add3A_368 = arith.addf %add3A_328, %mul3A_367 : vector<16xf32>
        %add3A_369 = arith.constant 6 : i32
        %add3A_370 = arith.addi %add3A_129, %add3A_369 : i32
        %broadcast_in_dim3A_371 = vector.broadcast %add3A_370 : i32 to vector<16xi32>
        %gather3A_372 = tpu.vector_load_idx %arg10[%broadcast_in_dim3A_371] : memref<10752xf32, #tpu.memory_space<vmem>>[vector<16xi32>], vector<16xf32>,
        %mul3A_373 = arith.constant 8 : i32
        %mul3A_374 = arith.muli %scan3A_122, %mul3A_373 : i32
        %add3A_375 = arith.constant 6 : i32
        %add3A_376 = arith.addi %mul3A_374, %add3A_375 : i32
        %get3A_377 = arith.index_cast %add3A_376 : i32 to index
        %get3A_378 = arith.constant 0 : index
        %get3A_379 = tpu.vector_load %arg11[%get3A_377, %get3A_378] {strides = array<i32>} : memref<256x64xf32, #tpu.memory_space<vmem>>, vector<16xf32>,
        %mul3A_380 = arith.mulf %gather3A_372, %get3A_379 : vector<16xf32>
        %add3A_381 = arith.addf %add3A_341, %mul3A_380 : vector<16xf32>
        %mul3A_382 = arith.constant 8 : i32
        %mul3A_383 = arith.muli %scan3A_122, %mul3A_382 : i32
        %add3A_384 = arith.constant 6 : i32
        %add3A_385 = arith.addi %mul3A_383, %add3A_384 : i32
        %get3A_386 = arith.index_cast %add3A_385 : i32 to index
        %get3A_387 = arith.constant 16 : index
        %get3A_388 = tpu.vector_load %arg11[%get3A_386, %get3A_387] {strides = array<i32>} : memref<256x64xf32, #tpu.memory_space<vmem>>, vector<16xf32>,
        %mul3A_389 = arith.mulf %gather3A_372, %get3A_388 : vector<16xf32>
        %add3A_390 = arith.addf %add3A_350, %mul3A_389 : vector<16xf32>
        %mul3A_391 = arith.constant 8 : i32
        %mul3A_392 = arith.muli %scan3A_122, %mul3A_391 : i32
        %add3A_393 = arith.constant 6 : i32
        %add3A_394 = arith.addi %mul3A_392, %add3A_393 : i32
        %get3A_395 = arith.index_cast %add3A_394 : i32 to index
        %get3A_396 = arith.constant 32 : index
        %get3A_397 = tpu.vector_load %arg11[%get3A_395, %get3A_396] {strides = array<i32>} : memref<256x64xf32, #tpu.memory_space<vmem>>, vector<16xf32>,
        %mul3A_398 = arith.mulf %gather3A_372, %get3A_397 : vector<16xf32>
        %add3A_399 = arith.addf %add3A_359, %mul3A_398 : vector<16xf32>
        %mul3A_400 = arith.constant 8 : i32
        %mul3A_401 = arith.muli %scan3A_122, %mul3A_400 : i32
        %add3A_402 = arith.constant 6 : i32
        %add3A_403 = arith.addi %mul3A_401, %add3A_402 : i32
        %get3A_404 = arith.index_cast %add3A_403 : i32 to index
        %get3A_405 = arith.constant 48 : index
        %get3A_406 = tpu.vector_load %arg11[%get3A_404, %get3A_405] {strides = array<i32>} : memref<256x64xf32, #tpu.memory_space<vmem>>, vector<16xf32>,
        %mul3A_407 = arith.mulf %gather3A_372, %get3A_406 : vector<16xf32>
        %add3A_408 = arith.addf %add3A_368, %mul3A_407 : vector<16xf32>
        %add3A_409 = arith.constant 7 : i32
        %add3A_410 = arith.addi %add3A_129, %add3A_409 : i32
        %broadcast_in_dim3A_411 = vector.broadcast %add3A_410 : i32 to vector<16xi32>
        %gather3A_412 = tpu.vector_load_idx %arg10[%broadcast_in_dim3A_411] : memref<10752xf32, #tpu.memory_space<vmem>>[vector<16xi32>], vector<16xf32>,
        %mul3A_413 = arith.constant 8 : i32
        %mul3A_414 = arith.muli %scan3A_122, %mul3A_413 : i32
        %add3A_415 = arith.constant 7 : i32
        %add3A_416 = arith.addi %mul3A_414, %add3A_415 : i32
        %get3A_417 = arith.index_cast %add3A_416 : i32 to index
        %get3A_418 = arith.constant 0 : index
        %get3A_419 = tpu.vector_load %arg11[%get3A_417, %get3A_418] {strides = array<i32>} : memref<256x64xf32, #tpu.memory_space<vmem>>, vector<16xf32>,
        %mul3A_420 = arith.mulf %gather3A_412, %get3A_419 : vector<16xf32>
        %add3A_421 = arith.addf %add3A_381, %mul3A_420 : vector<16xf32>
        %mul3A_422 = arith.constant 8 : i32
        %mul3A_423 = arith.muli %scan3A_122, %mul3A_422 : i32
        %add3A_424 = arith.constant 7 : i32
        %add3A_425 = arith.addi %mul3A_423, %add3A_424 : i32
        %get3A_426 = arith.index_cast %add3A_425 : i32 to index
        %get3A_427 = arith.constant 16 : index
        %get3A_428 = tpu.vector_load %arg11[%get3A_426, %get3A_427] {strides = array<i32>} : memref<256x64xf32, #tpu.memory_space<vmem>>, vector<16xf32>,
        %mul3A_429 = arith.mulf %gather3A_412, %get3A_428 : vector<16xf32>
        %add3A_430 = arith.addf %add3A_390, %mul3A_429 : vector<16xf32>
        %mul3A_431 = arith.constant 8 : i32
        %mul3A_432 = arith.muli %scan3A_122, %mul3A_431 : i32
        %add3A_433 = arith.constant 7 : i32
        %add3A_434 = arith.addi %mul3A_432, %add3A_433 : i32
        %get3A_435 = arith.index_cast %add3A_434 : i32 to index
        %get3A_436 = arith.constant 32 : index
        %get3A_437 = tpu.vector_load %arg11[%get3A_435, %get3A_436] {strides = array<i32>} : memref<256x64xf32, #tpu.memory_space<vmem>>, vector<16xf32>,
        %mul3A_438 = arith.mulf %gather3A_412, %get3A_437 : vector<16xf32>
        %add3A_439 = arith.addf %add3A_399, %mul3A_438 : vector<16xf32>
        %mul3A_440 = arith.constant 8 : i32
        %mul3A_441 = arith.muli %scan3A_122, %mul3A_440 : i32
        %add3A_442 = arith.constant 7 : i32
        %add3A_443 = arith.addi %mul3A_441, %add3A_442 : i32
        %get3A_444 = arith.index_cast %add3A_443 : i32 to index
        %get3A_445 = arith.constant 48 : index
        %get3A_446 = tpu.vector_load %arg11[%get3A_444, %get3A_445] {strides = array<i32>} : memref<256x64xf32, #tpu.memory_space<vmem>>, vector<16xf32>,
        %mul3A_447 = arith.mulf %gather3A_412, %get3A_446 : vector<16xf32>
        %add3A_448 = arith.addf %add3A_408, %mul3A_447 : vector<16xf32>
        %add3A_449 = arith.constant 32 : i32
        %add3A_450 = arith.addi %add3A_449, %scan3A_122 : i32
        %swap3A = arith.index_cast %add3A_450 : i32 to index
        %swap3A_451 = arith.constant 0 : index
        %swap3A_452 = tpu.vector_load %arg12[%swap3A, %swap3A_451] {strides = array<i32>} : memref<64x64xf32, #tpu.memory_space<vmem>>, vector<16xf32>,
        tpu.vector_store %arg12[%swap3A, %swap3A_451], %add3A_421 {strides = array<i32>} : memref<64x64xf32, #tpu.memory_space<vmem>>, vector<16xf32>,
        %add3A_453 = arith.constant 32 : i32
        %add3A_454 = arith.addi %add3A_453, %scan3A_122 : i32
        %swap3A_455 = arith.index_cast %add3A_454 : i32 to index
        %swap3A_456 = arith.constant 16 : index
        %swap3A_457 = tpu.vector_load %arg12[%swap3A_455, %swap3A_456] {strides = array<i32>} : memref<64x64xf32, #tpu.memory_space<vmem>>, vector<16xf32>,
        tpu.vector_store %arg12[%swap3A_455, %swap3A_456], %add3A_430 {strides = array<i32>} : memref<64x64xf32, #tpu.memory_space<vmem>>, vector<16xf32>,
        %add3A_458 = arith.constant 32 : i32
        %add3A_459 = arith.addi %add3A_458, %scan3A_122 : i32
        %swap3A_460 = arith.index_cast %add3A_459 : i32 to index
        %swap3A_461 = arith.constant 32 : index
        %swap3A_462 = tpu.vector_load %arg12[%swap3A_460, %swap3A_461] {strides = array<i32>} : memref<64x64xf32, #tpu.memory_space<vmem>>, vector<16xf32>,
        tpu.vector_store %arg12[%swap3A_460, %swap3A_461], %add3A_439 {strides = array<i32>} : memref<64x64xf32, #tpu.memory_space<vmem>>, vector<16xf32>,
        %add3A_463 = arith.constant 32 : i32
        %add3A_464 = arith.addi %add3A_463, %scan3A_122 : i32
        %swap3A_465 = arith.index_cast %add3A_464 : i32 to index
        %swap3A_466 = arith.constant 48 : index
        %swap3A_467 = tpu.vector_load %arg12[%swap3A_465, %swap3A_466] {strides = array<i32>} : memref<64x64xf32, #tpu.memory_space<vmem>>, vector<16xf32>,
        tpu.vector_store %arg12[%swap3A_465, %swap3A_466], %add3A_448 {strides = array<i32>} : memref<64x64xf32, #tpu.memory_space<vmem>>, vector<16xf32>,
      }
      %scan3A_121 = arith.constant 32 : i32
      "tpu.region"() ({
        %run_scoped3A = tpu.sem_alloc : memref<!tpu.dma_semaphore, #tpu.memory_space<semaphore_mem>>
        %dma_start3A_122 = arith.constant 0 : i32
        %dma_start3A_123 = tpu.memref_slice %arg9[%scan3A_15, %dma_start3A_122] : memref<21x64xi32, #tpu.memory_space<vmem>> -> memref<1x64xi32, #tpu.memory_space<vmem>>
        %dma_start3A_124 = tpu.memref_squeeze %dma_start3A_123 : memref<1x64xi32, #tpu.memory_space<vmem>> -> memref<64xi32, #tpu.memory_space<vmem>>
        %dma_start3A_125 = arith.constant 0 : i32
        %dma_start3A_126 = arith.constant 0 : i32
        %dma_start3A_127 = tpu.memref_slice %arg13[%dma_start3A_125, %dma_start3A_126] : memref<6912x64xf32, #tpu.memory_space<vmem_shared>> -> memref<6912x64xf32, #tpu.memory_space<vmem_shared>>
        tpu.enqueue_indirect_dma source(%arg12 : memref<64x64xf32, #tpu.memory_space<vmem>>) target(%dma_start3A_127 : memref<6912x64xf32, #tpu.memory_space<vmem_shared>>) offsets(%dma_start3A_124 : memref<64xi32, #tpu.memory_space<vmem>>) semaphore(%run_scoped3A : memref<!tpu.dma_semaphore, #tpu.memory_space<semaphore_mem>>) {add = true}
        %dma_wait3A_128 = arith.constant 0 : i32
        %dma_wait3A_129 = tpu.memref_slice %arg9[%scan3A_15, %dma_wait3A_128] : memref<21x64xi32, #tpu.memory_space<vmem>> -> memref<1x64xi32, #tpu.memory_space<vmem>>
        %dma_wait3A_130 = tpu.memref_squeeze %dma_wait3A_129 : memref<1x64xi32, #tpu.memory_space<vmem>> -> memref<64xi32, #tpu.memory_space<vmem>>
        %dma_wait3A_131 = arith.constant 0 : i32
        %dma_wait3A_132 = arith.constant 0 : i32
        %dma_wait3A_133 = tpu.memref_slice %arg13[%dma_wait3A_131, %dma_wait3A_132] : memref<6912x64xf32, #tpu.memory_space<vmem_shared>> -> memref<6912x64xf32, #tpu.memory_space<vmem_shared>>
        tpu.wait_indirect_dma semaphore(%run_scoped3A : memref<!tpu.dma_semaphore, #tpu.memory_space<semaphore_mem>>) src(%arg12 : memref<64x64xf32, #tpu.memory_space<vmem>>) dst(%dma_wait3A_133 : memref<6912x64xf32, #tpu.memory_space<vmem_shared>>)
        tpu.yield
      }) : () -> ()
    }
    %scan3A_9 = arith.constant 21 : i32
    %barrier3A_10 = arith.constant 0 : index
    tpu.barrier barrier_id(%barrier3A_10)
    %mul3A_11 = arith.constant 432 : i32
    %mul3A_12 = arith.muli %arg1, %mul3A_11 : i32
    %mul3A_13 = arith.constant 432 : i32
    %mul3A_14 = arith.muli %arg1, %mul3A_13 : i32
    "tpu.region"() ({
      %run_scoped3A = tpu.sem_alloc : memref<!tpu.dma_semaphore, #tpu.memory_space<semaphore_mem>>
      %dma_start3A = arith.constant 0 : i32
      %dma_start3A_15 = arith.constant 0 : i32
      %dma_start3A_16 = tpu.memref_slice %arg7[%arg0, %dma_start3A, %dma_start3A_15] : memref<2x6912x64xf32, #tpu.memory_space<hbm>> -> memref<1x6912x64xf32, #tpu.memory_space<hbm>>
      %dma_start3A_17 = tpu.memref_squeeze %dma_start3A_16 : memref<1x6912x64xf32, #tpu.memory_space<hbm>> -> memref<6912x64xf32, #tpu.memory_space<hbm>>
      %dma_start3A_18 = arith.constant 0 : i32
      %dma_start3A_19 = tpu.memref_slice %dma_start3A_17[%mul3A_14, %dma_start3A_18] : memref<6912x64xf32, #tpu.memory_space<hbm>> -> memref<432x64xf32, #tpu.memory_space<hbm>>
      %dma_start3A_20 = arith.constant 0 : i32
      %dma_start3A_21 = tpu.memref_slice %arg13[%mul3A_12, %dma_start3A_20] : memref<6912x64xf32, #tpu.memory_space<vmem_shared>> -> memref<432x64xf32, #tpu.memory_space<vmem_shared>>
      tpu.enqueue_dma source(%dma_start3A_21 : memref<432x64xf32, #tpu.memory_space<vmem_shared>>) target(%dma_start3A_19 : memref<432x64xf32, #tpu.memory_space<hbm>>) target_semaphore(%run_scoped3A : memref<!tpu.dma_semaphore, #tpu.memory_space<semaphore_mem>>)
      %dma_wait3A = arith.constant 0 : i32
      %dma_wait3A_22 = arith.constant 0 : i32
      %dma_wait3A_23 = tpu.memref_slice %arg7[%arg0, %dma_wait3A, %dma_wait3A_22] : memref<2x6912x64xf32, #tpu.memory_space<hbm>> -> memref<1x6912x64xf32, #tpu.memory_space<hbm>>
      %dma_wait3A_24 = tpu.memref_squeeze %dma_wait3A_23 : memref<1x6912x64xf32, #tpu.memory_space<hbm>> -> memref<6912x64xf32, #tpu.memory_space<hbm>>
      %dma_wait3A_25 = arith.constant 0 : i32
      %dma_wait3A_26 = tpu.memref_slice %dma_wait3A_24[%mul3A_14, %dma_wait3A_25] : memref<6912x64xf32, #tpu.memory_space<hbm>> -> memref<432x64xf32, #tpu.memory_space<hbm>>
      %dma_wait3A_27 = arith.constant 0 : i32
      %dma_wait3A_28 = tpu.memref_slice %arg13[%mul3A_12, %dma_wait3A_27] : memref<6912x64xf32, #tpu.memory_space<vmem_shared>> -> memref<432x64xf32, #tpu.memory_space<vmem_shared>>
      tpu.wait_dma2 semaphore(%run_scoped3A : memref<!tpu.dma_semaphore, #tpu.memory_space<semaphore_mem>>) src(%dma_wait3A_28 : memref<432x64xf32, #tpu.memory_space<vmem_shared>>) dst(%dma_wait3A_26 : memref<432x64xf32, #tpu.memory_space<hbm>>)
      tpu.yield
    }) : () -> ()
    return
  }
}

module attributes {stable_mosaic.version = 14 : i64} {
  func.func @_prep_body(%arg0: i32, %arg1: memref<1024x3xf32, #tpu.memory_space<vmem>>, %arg2: memref<1024x1xi32, #tpu.memory_space<vmem>>, %arg3: memref<1024x8xf32, #tpu.memory_space<vmem>>, %arg4: memref<1024x8xi32, #tpu.memory_space<vmem>>, %arg5: memref<1024x16xf32, #tpu.memory_space<vmem>>) attributes {dimension_semantics = [#tpu.dimension_semantics<arbitrary>], iteration_bounds = array<i64: 42>, scalar_prefetch = 0 : i64, scratch_operands = 0 : i64, tpu.core_type = #tpu.core_type<tc>, window_params = [{transform_indices = @transform_0, window_bounds = array<i64: 1024, 3>}, {transform_indices = @transform_1, window_bounds = array<i64: 1024, 1>}, {transform_indices = @transform_2, window_bounds = array<i64: 1024, 8>}, {transform_indices = @transform_3, window_bounds = array<i64: 1024, 8>}, {transform_indices = @transform_4, window_bounds = array<i64: 1024, 16>}]} {
    %get3A = arith.constant 0 : index
    %get3A_0 = arith.constant 0 : index
    %get3A_1 = vector.load %arg1[%get3A, %get3A_0] : memref<1024x3xf32, #tpu.memory_space<vmem>>, vector<1024x1xf32>
    %get3A_2 = arith.constant 0 : index
    %get3A_3 = arith.constant 1 : index
    %get3A_4 = vector.load %arg1[%get3A_2, %get3A_3] : memref<1024x3xf32, #tpu.memory_space<vmem>>, vector<1024x1xf32>
    %get3A_5 = arith.constant 0 : index
    %get3A_6 = arith.constant 2 : index
    %get3A_7 = vector.load %arg1[%get3A_5, %get3A_6] : memref<1024x3xf32, #tpu.memory_space<vmem>>, vector<1024x1xf32>
    %mul3A = arith.constant 2.000000e+00 : f32
    %mul3A_8 = vector.broadcast %mul3A : f32 to vector<1024x1xf32>
    %mul3A_9 = arith.mulf %get3A_1, %mul3A_8 : vector<1024x1xf32>
    %floor3A = math.floor %mul3A_9 : vector<1024x1xf32>
    %jit3A = arith.constant 0.000000e+00 : f32
    %jit3A_10 = arith.constant 1.000000e+00 : f32
    %max3A = vector.broadcast %jit3A : f32 to vector<1024x1xf32>
    %max3A_11 = arith.maximumf %max3A, %floor3A : vector<1024x1xf32>
    %min3A = vector.broadcast %jit3A_10 : f32 to vector<1024x1xf32>
    %min3A_12 = arith.minimumf %min3A, %max3A_11 : vector<1024x1xf32>
    %sub3A = arith.subf %mul3A_9, %min3A_12 : vector<1024x1xf32>
    %mul3A_13 = arith.constant 4.000000e+00 : f32
    %mul3A_14 = vector.broadcast %mul3A_13 : f32 to vector<1024x1xf32>
    %mul3A_15 = arith.mulf %get3A_4, %mul3A_14 : vector<1024x1xf32>
    %floor3A_16 = math.floor %mul3A_15 : vector<1024x1xf32>
    %jit3A_17 = arith.constant 0.000000e+00 : f32
    %jit3A_18 = arith.constant 3.000000e+00 : f32
    %max3A_19 = vector.broadcast %jit3A_17 : f32 to vector<1024x1xf32>
    %max3A_20 = arith.maximumf %max3A_19, %floor3A_16 : vector<1024x1xf32>
    %min3A_21 = vector.broadcast %jit3A_18 : f32 to vector<1024x1xf32>
    %min3A_22 = arith.minimumf %min3A_21, %max3A_20 : vector<1024x1xf32>
    %sub3A_23 = arith.subf %mul3A_15, %min3A_22 : vector<1024x1xf32>
    %mul3A_24 = arith.constant 2.000000e+00 : f32
    %mul3A_25 = vector.broadcast %mul3A_24 : f32 to vector<1024x1xf32>
    %mul3A_26 = arith.mulf %get3A_7, %mul3A_25 : vector<1024x1xf32>
    %floor3A_27 = math.floor %mul3A_26 : vector<1024x1xf32>
    %jit3A_28 = arith.constant 0.000000e+00 : f32
    %jit3A_29 = arith.constant 1.000000e+00 : f32
    %max3A_30 = vector.broadcast %jit3A_28 : f32 to vector<1024x1xf32>
    %max3A_31 = arith.maximumf %max3A_30, %floor3A_27 : vector<1024x1xf32>
    %min3A_32 = vector.broadcast %jit3A_29 : f32 to vector<1024x1xf32>
    %min3A_33 = arith.minimumf %min3A_32, %max3A_31 : vector<1024x1xf32>
    %sub3A_34 = arith.subf %mul3A_26, %min3A_33 : vector<1024x1xf32>
    %convert_element_type3A = arith.fptosi %min3A_12 : vector<1024x1xf32> to vector<1024x1xi32>
    %convert_element_type3A_35 = arith.fptosi %min3A_22 : vector<1024x1xf32> to vector<1024x1xi32>
    %convert_element_type3A_36 = arith.fptosi %min3A_33 : vector<1024x1xf32> to vector<1024x1xi32>
    %add3A = arith.constant 1 : i32
    %add3A_37 = vector.broadcast %add3A : i32 to vector<1024x1xi32>
    %add3A_38 = arith.addi %convert_element_type3A, %add3A_37 : vector<1024x1xi32>
    %eq3A = arith.constant 3 : i32
    %eq3A_39 = vector.broadcast %eq3A : i32 to vector<1024x1xi32>
    %eq3A_40 = arith.cmpi eq, %convert_element_type3A_35, %eq3A_39 : vector<1024x1xi32>
    %add3A_41 = arith.constant 1 : i32
    %add3A_42 = vector.broadcast %add3A_41 : i32 to vector<1024x1xi32>
    %add3A_43 = arith.addi %convert_element_type3A_35, %add3A_42 : vector<1024x1xi32>
    %jit3A_44 = arith.constant 0 : i32
    %broadcast_in_dim3A = vector.broadcast %jit3A_44 : i32 to vector<1024x1xi32>
    %select_n3A = arith.select %eq3A_40, %broadcast_in_dim3A, %add3A_43 : vector<1024x1xi1>, vector<1024x1xi32>
    %add3A_45 = arith.constant 1 : i32
    %add3A_46 = vector.broadcast %add3A_45 : i32 to vector<1024x1xi32>
    %add3A_47 = arith.addi %convert_element_type3A_36, %add3A_46 : vector<1024x1xi32>
    %get3A_48 = arith.constant 0 : index
    %get3A_49 = arith.constant 0 : index
    %get3A_50 = vector.load %arg2[%get3A_48, %get3A_49] : memref<1024x1xi32, #tpu.memory_space<vmem>>, vector<1024x1xi32>
    %sub3A_51 = arith.constant 1.000000e+00 : f32
    %sub3A_52 = vector.broadcast %sub3A_51 : f32 to vector<1024x1xf32>
    %sub3A_53 = arith.subf %sub3A_52, %sub3A : vector<1024x1xf32>
    %sub3A_54 = arith.constant 1.000000e+00 : f32
    %sub3A_55 = vector.broadcast %sub3A_54 : f32 to vector<1024x1xf32>
    %sub3A_56 = arith.subf %sub3A_55, %sub3A_23 : vector<1024x1xf32>
    %mul3A_57 = arith.mulf %sub3A_53, %sub3A_56 : vector<1024x1xf32>
    %sub3A_58 = arith.constant 1.000000e+00 : f32
    %sub3A_59 = vector.broadcast %sub3A_58 : f32 to vector<1024x1xf32>
    %sub3A_60 = arith.subf %sub3A_59, %sub3A_34 : vector<1024x1xf32>
    %mul3A_61 = arith.mulf %mul3A_57, %sub3A_60 : vector<1024x1xf32>
    %mul3A_62 = arith.constant 4 : i32
    %mul3A_63 = vector.broadcast %mul3A_62 : i32 to vector<1024x1xi32>
    %mul3A_64 = arith.muli %convert_element_type3A, %mul3A_63 : vector<1024x1xi32>
    %add3A_65 = arith.addi %mul3A_64, %convert_element_type3A_35 : vector<1024x1xi32>
    %mul3A_66 = arith.constant 3 : i32
    %mul3A_67 = vector.broadcast %mul3A_66 : i32 to vector<1024x1xi32>
    %mul3A_68 = arith.muli %add3A_65, %mul3A_67 : vector<1024x1xi32>
    %add3A_69 = arith.addi %mul3A_68, %convert_element_type3A_36 : vector<1024x1xi32>
    %mul3A_70 = arith.constant 36 : i32
    %mul3A_71 = vector.broadcast %mul3A_70 : i32 to vector<1024x1xi32>
    %mul3A_72 = arith.muli %get3A_50, %mul3A_71 : vector<1024x1xi32>
    %add3A_73 = arith.addi %mul3A_72, %add3A_69 : vector<1024x1xi32>
    %sub3A_74 = arith.constant 1.000000e+00 : f32
    %sub3A_75 = vector.broadcast %sub3A_74 : f32 to vector<1024x1xf32>
    %sub3A_76 = arith.subf %sub3A_75, %sub3A_23 : vector<1024x1xf32>
    %mul3A_77 = arith.mulf %sub3A, %sub3A_76 : vector<1024x1xf32>
    %sub3A_78 = arith.constant 1.000000e+00 : f32
    %sub3A_79 = vector.broadcast %sub3A_78 : f32 to vector<1024x1xf32>
    %sub3A_80 = arith.subf %sub3A_79, %sub3A_34 : vector<1024x1xf32>
    %mul3A_81 = arith.mulf %mul3A_77, %sub3A_80 : vector<1024x1xf32>
    %mul3A_82 = arith.constant 4 : i32
    %mul3A_83 = vector.broadcast %mul3A_82 : i32 to vector<1024x1xi32>
    %mul3A_84 = arith.muli %add3A_38, %mul3A_83 : vector<1024x1xi32>
    %add3A_85 = arith.addi %mul3A_84, %convert_element_type3A_35 : vector<1024x1xi32>
    %mul3A_86 = arith.constant 3 : i32
    %mul3A_87 = vector.broadcast %mul3A_86 : i32 to vector<1024x1xi32>
    %mul3A_88 = arith.muli %add3A_85, %mul3A_87 : vector<1024x1xi32>
    %add3A_89 = arith.addi %mul3A_88, %convert_element_type3A_36 : vector<1024x1xi32>
    %mul3A_90 = arith.constant 36 : i32
    %mul3A_91 = vector.broadcast %mul3A_90 : i32 to vector<1024x1xi32>
    %mul3A_92 = arith.muli %get3A_50, %mul3A_91 : vector<1024x1xi32>
    %add3A_93 = arith.addi %mul3A_92, %add3A_89 : vector<1024x1xi32>
    %sub3A_94 = arith.constant 1.000000e+00 : f32
    %sub3A_95 = vector.broadcast %sub3A_94 : f32 to vector<1024x1xf32>
    %sub3A_96 = arith.subf %sub3A_95, %sub3A : vector<1024x1xf32>
    %mul3A_97 = arith.mulf %sub3A_96, %sub3A_23 : vector<1024x1xf32>
    %sub3A_98 = arith.constant 1.000000e+00 : f32
    %sub3A_99 = vector.broadcast %sub3A_98 : f32 to vector<1024x1xf32>
    %sub3A_100 = arith.subf %sub3A_99, %sub3A_34 : vector<1024x1xf32>
    %mul3A_101 = arith.mulf %mul3A_97, %sub3A_100 : vector<1024x1xf32>
    %mul3A_102 = arith.constant 4 : i32
    %mul3A_103 = vector.broadcast %mul3A_102 : i32 to vector<1024x1xi32>
    %mul3A_104 = arith.muli %convert_element_type3A, %mul3A_103 : vector<1024x1xi32>
    %add3A_105 = arith.addi %mul3A_104, %select_n3A : vector<1024x1xi32>
    %mul3A_106 = arith.constant 3 : i32
    %mul3A_107 = vector.broadcast %mul3A_106 : i32 to vector<1024x1xi32>
    %mul3A_108 = arith.muli %add3A_105, %mul3A_107 : vector<1024x1xi32>
    %add3A_109 = arith.addi %mul3A_108, %convert_element_type3A_36 : vector<1024x1xi32>
    %mul3A_110 = arith.constant 36 : i32
    %mul3A_111 = vector.broadcast %mul3A_110 : i32 to vector<1024x1xi32>
    %mul3A_112 = arith.muli %get3A_50, %mul3A_111 : vector<1024x1xi32>
    %add3A_113 = arith.addi %mul3A_112, %add3A_109 : vector<1024x1xi32>
    %mul3A_114 = arith.mulf %sub3A, %sub3A_23 : vector<1024x1xf32>
    %sub3A_115 = arith.constant 1.000000e+00 : f32
    %sub3A_116 = vector.broadcast %sub3A_115 : f32 to vector<1024x1xf32>
    %sub3A_117 = arith.subf %sub3A_116, %sub3A_34 : vector<1024x1xf32>
    %mul3A_118 = arith.mulf %mul3A_114, %sub3A_117 : vector<1024x1xf32>
    %mul3A_119 = arith.constant 4 : i32
    %mul3A_120 = vector.broadcast %mul3A_119 : i32 to vector<1024x1xi32>
    %mul3A_121 = arith.muli %add3A_38, %mul3A_120 : vector<1024x1xi32>
    %add3A_122 = arith.addi %mul3A_121, %select_n3A : vector<1024x1xi32>
    %mul3A_123 = arith.constant 3 : i32
    %mul3A_124 = vector.broadcast %mul3A_123 : i32 to vector<1024x1xi32>
    %mul3A_125 = arith.muli %add3A_122, %mul3A_124 : vector<1024x1xi32>
    %add3A_126 = arith.addi %mul3A_125, %convert_element_type3A_36 : vector<1024x1xi32>
    %mul3A_127 = arith.constant 36 : i32
    %mul3A_128 = vector.broadcast %mul3A_127 : i32 to vector<1024x1xi32>
    %mul3A_129 = arith.muli %get3A_50, %mul3A_128 : vector<1024x1xi32>
    %add3A_130 = arith.addi %mul3A_129, %add3A_126 : vector<1024x1xi32>
    %sub3A_131 = arith.constant 1.000000e+00 : f32
    %sub3A_132 = vector.broadcast %sub3A_131 : f32 to vector<1024x1xf32>
    %sub3A_133 = arith.subf %sub3A_132, %sub3A : vector<1024x1xf32>
    %sub3A_134 = arith.constant 1.000000e+00 : f32
    %sub3A_135 = vector.broadcast %sub3A_134 : f32 to vector<1024x1xf32>
    %sub3A_136 = arith.subf %sub3A_135, %sub3A_23 : vector<1024x1xf32>
    %mul3A_137 = arith.mulf %sub3A_133, %sub3A_136 : vector<1024x1xf32>
    %mul3A_138 = arith.mulf %mul3A_137, %sub3A_34 : vector<1024x1xf32>
    %mul3A_139 = arith.constant 4 : i32
    %mul3A_140 = vector.broadcast %mul3A_139 : i32 to vector<1024x1xi32>
    %mul3A_141 = arith.muli %convert_element_type3A, %mul3A_140 : vector<1024x1xi32>
    %add3A_142 = arith.addi %mul3A_141, %convert_element_type3A_35 : vector<1024x1xi32>
    %mul3A_143 = arith.constant 3 : i32
    %mul3A_144 = vector.broadcast %mul3A_143 : i32 to vector<1024x1xi32>
    %mul3A_145 = arith.muli %add3A_142, %mul3A_144 : vector<1024x1xi32>
    %add3A_146 = arith.addi %mul3A_145, %add3A_47 : vector<1024x1xi32>
    %mul3A_147 = arith.constant 36 : i32
    %mul3A_148 = vector.broadcast %mul3A_147 : i32 to vector<1024x1xi32>
    %mul3A_149 = arith.muli %get3A_50, %mul3A_148 : vector<1024x1xi32>
    %add3A_150 = arith.addi %mul3A_149, %add3A_146 : vector<1024x1xi32>
    %sub3A_151 = arith.constant 1.000000e+00 : f32
    %sub3A_152 = vector.broadcast %sub3A_151 : f32 to vector<1024x1xf32>
    %sub3A_153 = arith.subf %sub3A_152, %sub3A_23 : vector<1024x1xf32>
    %mul3A_154 = arith.mulf %sub3A, %sub3A_153 : vector<1024x1xf32>
    %mul3A_155 = arith.mulf %mul3A_154, %sub3A_34 : vector<1024x1xf32>
    %mul3A_156 = arith.constant 4 : i32
    %mul3A_157 = vector.broadcast %mul3A_156 : i32 to vector<1024x1xi32>
    %mul3A_158 = arith.muli %add3A_38, %mul3A_157 : vector<1024x1xi32>
    %add3A_159 = arith.addi %mul3A_158, %convert_element_type3A_35 : vector<1024x1xi32>
    %mul3A_160 = arith.constant 3 : i32
    %mul3A_161 = vector.broadcast %mul3A_160 : i32 to vector<1024x1xi32>
    %mul3A_162 = arith.muli %add3A_159, %mul3A_161 : vector<1024x1xi32>
    %add3A_163 = arith.addi %mul3A_162, %add3A_47 : vector<1024x1xi32>
    %mul3A_164 = arith.constant 36 : i32
    %mul3A_165 = vector.broadcast %mul3A_164 : i32 to vector<1024x1xi32>
    %mul3A_166 = arith.muli %get3A_50, %mul3A_165 : vector<1024x1xi32>
    %add3A_167 = arith.addi %mul3A_166, %add3A_163 : vector<1024x1xi32>
    %sub3A_168 = arith.constant 1.000000e+00 : f32
    %sub3A_169 = vector.broadcast %sub3A_168 : f32 to vector<1024x1xf32>
    %sub3A_170 = arith.subf %sub3A_169, %sub3A : vector<1024x1xf32>
    %mul3A_171 = arith.mulf %sub3A_170, %sub3A_23 : vector<1024x1xf32>
    %mul3A_172 = arith.mulf %mul3A_171, %sub3A_34 : vector<1024x1xf32>
    %mul3A_173 = arith.constant 4 : i32
    %mul3A_174 = vector.broadcast %mul3A_173 : i32 to vector<1024x1xi32>
    %mul3A_175 = arith.muli %convert_element_type3A, %mul3A_174 : vector<1024x1xi32>
    %add3A_176 = arith.addi %mul3A_175, %select_n3A : vector<1024x1xi32>
    %mul3A_177 = arith.constant 3 : i32
    %mul3A_178 = vector.broadcast %mul3A_177 : i32 to vector<1024x1xi32>
    %mul3A_179 = arith.muli %add3A_176, %mul3A_178 : vector<1024x1xi32>
    %add3A_180 = arith.addi %mul3A_179, %add3A_47 : vector<1024x1xi32>
    %mul3A_181 = arith.constant 36 : i32
    %mul3A_182 = vector.broadcast %mul3A_181 : i32 to vector<1024x1xi32>
    %mul3A_183 = arith.muli %get3A_50, %mul3A_182 : vector<1024x1xi32>
    %add3A_184 = arith.addi %mul3A_183, %add3A_180 : vector<1024x1xi32>
    %mul3A_185 = arith.mulf %sub3A, %sub3A_23 : vector<1024x1xf32>
    %mul3A_186 = arith.mulf %mul3A_185, %sub3A_34 : vector<1024x1xf32>
    %mul3A_187 = arith.constant 4 : i32
    %mul3A_188 = vector.broadcast %mul3A_187 : i32 to vector<1024x1xi32>
    %mul3A_189 = arith.muli %add3A_38, %mul3A_188 : vector<1024x1xi32>
    %add3A_190 = arith.addi %mul3A_189, %select_n3A : vector<1024x1xi32>
    %mul3A_191 = arith.constant 3 : i32
    %mul3A_192 = vector.broadcast %mul3A_191 : i32 to vector<1024x1xi32>
    %mul3A_193 = arith.muli %add3A_190, %mul3A_192 : vector<1024x1xi32>
    %add3A_194 = arith.addi %mul3A_193, %add3A_47 : vector<1024x1xi32>
    %mul3A_195 = arith.constant 36 : i32
    %mul3A_196 = vector.broadcast %mul3A_195 : i32 to vector<1024x1xi32>
    %mul3A_197 = arith.muli %get3A_50, %mul3A_196 : vector<1024x1xi32>
    %add3A_198 = arith.addi %mul3A_197, %add3A_194 : vector<1024x1xi32>
    %mul3A_199 = arith.constant 1024 : i32
    %mul3A_200 = arith.muli %arg0, %mul3A_199 : i32
    %iota3A = tpu.iota {dimensions = array<i32: 0>} : vector<1024x1xi32>
    %add3A_201 = vector.broadcast %mul3A_200 : i32 to vector<1024x1xi32>
    %add3A_202 = arith.addi %add3A_201, %iota3A : vector<1024x1xi32>
    %lt3A = arith.constant 41340 : i32
    %lt3A_203 = vector.broadcast %lt3A : i32 to vector<1024x1xi32>
    %lt3A_204 = arith.cmpi slt, %add3A_202, %lt3A_203 : vector<1024x1xi32>
    %convert_element_type3A_205 = arith.extui %lt3A_204 : vector<1024x1xi1> to vector<1024x1xi32>
    %convert_element_type3A_206 = arith.sitofp %convert_element_type3A_205 : vector<1024x1xi32> to vector<1024x1xf32>
    %concatenate3A = tpu.concatenate %mul3A_61, %mul3A_81, %mul3A_101, %mul3A_118, %mul3A_138, %mul3A_155, %mul3A_172, %mul3A_186 in 1 : vector<1024x1xf32>, vector<1024x1xf32>, vector<1024x1xf32>, vector<1024x1xf32>, vector<1024x1xf32>, vector<1024x1xf32>, vector<1024x1xf32>, vector<1024x1xf32> -> vector<1024x8xf32>
    %mul3A_207 = vector.broadcast %convert_element_type3A_206 : vector<1024x1xf32> to vector<1024x8xf32>
    %mul3A_208 = arith.mulf %concatenate3A, %mul3A_207 : vector<1024x8xf32>
    %swap3A = arith.constant 0 : index
    %swap3A_209 = arith.constant 0 : index
    %swap3A_210 = vector.load %arg3[%swap3A, %swap3A_209] : memref<1024x8xf32, #tpu.memory_space<vmem>>, vector<1024x8xf32>
    tpu.vector_store %arg3[%swap3A, %swap3A_209], %mul3A_208 {strides = array<i32>} : memref<1024x8xf32, #tpu.memory_space<vmem>>, vector<1024x8xf32>,
    %concatenate3A_211 = tpu.concatenate %add3A_73, %add3A_93, %add3A_113, %add3A_130, %add3A_150, %add3A_167, %add3A_184, %add3A_198 in 1 : vector<1024x1xi32>, vector<1024x1xi32>, vector<1024x1xi32>, vector<1024x1xi32>, vector<1024x1xi32>, vector<1024x1xi32>, vector<1024x1xi32>, vector<1024x1xi32> -> vector<1024x8xi32>
    %swap3A_212 = arith.constant 0 : index
    %swap3A_213 = arith.constant 0 : index
    %swap3A_214 = vector.load %arg4[%swap3A_212, %swap3A_213] : memref<1024x8xi32, #tpu.memory_space<vmem>>, vector<1024x8xi32>
    tpu.vector_store %arg4[%swap3A_212, %swap3A_213], %concatenate3A_211 {strides = array<i32>} : memref<1024x8xi32, #tpu.memory_space<vmem>>, vector<1024x8xi32>,
    %iota3A_215 = tpu.iota {dimensions = array<i32: 1>} : vector<1x16xi32>
    %eq3A_216 = arith.constant 0 : i32
    %eq3A_217 = vector.broadcast %eq3A_216 : i32 to vector<1x16xi32>
    %eq3A_218 = arith.cmpi eq, %iota3A_215, %eq3A_217 : vector<1x16xi32>
    %convert_element_type3A_219 = arith.extui %eq3A_218 : vector<1x16xi1> to vector<1x16xi32>
    %convert_element_type3A_220 = arith.sitofp %convert_element_type3A_219 : vector<1x16xi32> to vector<1x16xf32>
    %mul3A_221 = vector.broadcast %convert_element_type3A_206 : vector<1024x1xf32> to vector<1024x16xf32>
    %mul3A_222 = vector.broadcast %convert_element_type3A_220 : vector<1x16xf32> to vector<1024x16xf32>
    %mul3A_223 = arith.mulf %mul3A_221, %mul3A_222 : vector<1024x16xf32>
    %swap3A_224 = arith.constant 0 : index
    %swap3A_225 = arith.constant 0 : index
    %swap3A_226 = vector.load %arg5[%swap3A_224, %swap3A_225] : memref<1024x16xf32, #tpu.memory_space<vmem>>, vector<1024x16xf32>
    tpu.vector_store %arg5[%swap3A_224, %swap3A_225], %mul3A_223 {strides = array<i32>} : memref<1024x16xf32, #tpu.memory_space<vmem>>, vector<1024x16xf32>,
    return
  }
  func.func @transform_0(%arg0: i32) -> (i32, i32) {
    %c0_i32 = arith.constant 0 : i32
    %c0_i32_0 = arith.constant 0 : i32
    return %arg0, %c0_i32 : i32, i32
  }
  func.func @transform_1(%arg0: i32) -> (i32, i32) {
    %c0_i32 = arith.constant 0 : i32
    %c0_i32_0 = arith.constant 0 : i32
    return %arg0, %c0_i32 : i32, i32
  }
  func.func @transform_2(%arg0: i32) -> (i32, i32) {
    %c0_i32 = arith.constant 0 : i32
    %c0_i32_0 = arith.constant 0 : i32
    return %arg0, %c0_i32 : i32, i32
  }
  func.func @transform_3(%arg0: i32) -> (i32, i32) {
    %c0_i32 = arith.constant 0 : i32
    %c0_i32_0 = arith.constant 0 : i32
    return %arg0, %c0_i32 : i32, i32
  }
  func.func @transform_4(%arg0: i32) -> (i32, i32) {
    %c0_i32 = arith.constant 0 : i32
    %c0_i32_0 = arith.constant 0 : i32
    return %arg0, %c0_i32 : i32, i32
  }
}

module attributes {stable_mosaic.version = 14 : i64} {
  func.func @_mm_body(%arg0: i32, %arg1: memref<256x8xf32, #tpu.memory_space<vmem>>, %arg2: memref<8x1152xf32, #tpu.memory_space<vmem>>, %arg3: memref<256x1152xf32, #tpu.memory_space<vmem>>) attributes {dimension_semantics = [#tpu.dimension_semantics<arbitrary>], iteration_bounds = array<i64: 27>, scalar_prefetch = 0 : i64, scratch_operands = 0 : i64, tpu.core_type = #tpu.core_type<tc>, window_params = [{transform_indices = @transform_0, window_bounds = array<i64: 256, 8>}, {pipeline_mode = #tpu.pipeline_mode<synchronous>, transform_indices = @transform_1, window_bounds = array<i64: 8, 1152>}, {transform_indices = @transform_2, window_bounds = array<i64: 256, 1152>}]} {
    %get3A = arith.constant 0 : index
    %get3A_0 = arith.constant 0 : index
    %get3A_1 = vector.load %arg1[%get3A, %get3A_0] : memref<256x8xf32, #tpu.memory_space<vmem>>, vector<256x8xf32>
    %get3A_2 = arith.constant 0 : index
    %get3A_3 = arith.constant 0 : index
    %get3A_4 = vector.load %arg2[%get3A_2, %get3A_3] : memref<8x1152xf32, #tpu.memory_space<vmem>>, vector<8x1152xf32>
    %dot_general3A = arith.constant dense<0.000000e+00> : vector<256x1152xf32>
    %dot_general3A_5 = tpu.matmul %get3A_1, %get3A_4, %dot_general3A {dimension_numbers = #tpu.dot_dimension_numbers<[1], [0], [0], [1], [0, 0, 1, 1], [], []>, transpose_lhs_hint = false} : vector<256x8xf32>, vector<8x1152xf32>, vector<256x1152xf32> -> vector<256x1152xf32>
    %swap3A = arith.constant 0 : index
    %swap3A_6 = arith.constant 0 : index
    %swap3A_7 = vector.load %arg3[%swap3A, %swap3A_6] : memref<256x1152xf32, #tpu.memory_space<vmem>>, vector<256x1152xf32>
    tpu.vector_store %arg3[%swap3A, %swap3A_6], %dot_general3A_5 {strides = array<i32>} : memref<256x1152xf32, #tpu.memory_space<vmem>>, vector<256x1152xf32>,
    return
  }
  func.func @transform_0(%arg0: i32) -> (i32, i32) {
    %c0_i32 = arith.constant 0 : i32
    %c0_i32_0 = arith.constant 0 : i32
    return %arg0, %c0_i32 : i32, i32
  }
  func.func @transform_1(%arg0: i32) -> (i32, i32) {
    %c0_i32 = arith.constant 0 : i32
    %c0_i32_0 = arith.constant 0 : i32
    %c0_i32_1 = arith.constant 0 : i32
    return %c0_i32, %c0_i32_0 : i32, i32
  }
  func.func @transform_2(%arg0: i32) -> (i32, i32) {
    %c0_i32 = arith.constant 0 : i32
    %c0_i32_0 = arith.constant 0 : i32
    return %arg0, %c0_i32 : i32, i32
  }
}

module attributes {stable_mosaic.version = 14 : i64} {
  func.func @_combine_body(%arg0: i32, %arg1: memref<256x32xf32, #tpu.memory_space<vmem>>, %arg2: memref<256x32xf32, #tpu.memory_space<vmem>>, %arg3: memref<256x16xf32, #tpu.memory_space<vmem>>, %arg4: memref<256x16xf32, #tpu.memory_space<vmem>>, %arg5: memref<256x8xf32, #tpu.memory_space<vmem>>, %arg6: memref<8x32xf32, #tpu.memory_space<vmem>>, %arg7: memref<1x32xf32, #tpu.memory_space<vmem>>, %arg8: memref<256x32xf32, #tpu.memory_space<vmem>>) attributes {dimension_semantics = [#tpu.dimension_semantics<arbitrary>], iteration_bounds = array<i64: 27>, scalar_prefetch = 0 : i64, scratch_operands = 0 : i64, tpu.core_type = #tpu.core_type<tc>, window_params = [{transform_indices = @transform_0, window_bounds = array<i64: 256, 32>}, {transform_indices = @transform_1, window_bounds = array<i64: 256, 32>}, {transform_indices = @transform_2, window_bounds = array<i64: 256, 16>}, {transform_indices = @transform_3, window_bounds = array<i64: 256, 16>}, {transform_indices = @transform_4, window_bounds = array<i64: 256, 8>}, {pipeline_mode = #tpu.pipeline_mode<synchronous>, transform_indices = @transform_5, window_bounds = array<i64: 8, 32>}, {pipeline_mode = #tpu.pipeline_mode<synchronous>, transform_indices = @transform_6, window_bounds = array<i64: 1, 32>}, {transform_indices = @transform_7, window_bounds = array<i64: 256, 32>}]} {
    %get3A = arith.constant 0 : index
    %get3A_0 = arith.constant 0 : index
    %get3A_1 = vector.load %arg1[%get3A, %get3A_0] : memref<256x32xf32, #tpu.memory_space<vmem>>, vector<256x32xf32>
    %get3A_2 = arith.constant 0 : index
    %get3A_3 = arith.constant 0 : index
    %get3A_4 = vector.load %arg2[%get3A_2, %get3A_3] : memref<256x32xf32, #tpu.memory_space<vmem>>, vector<256x32xf32>
    %add3A = arith.addf %get3A_1, %get3A_4 : vector<256x32xf32>
    %get3A_5 = arith.constant 0 : index
    %get3A_6 = arith.constant 0 : index
    %get3A_7 = vector.load %arg3[%get3A_5, %get3A_6] : memref<256x16xf32, #tpu.memory_space<vmem>>, vector<256x1xf32>
    %get3A_8 = arith.constant 0 : index
    %get3A_9 = arith.constant 0 : index
    %get3A_10 = vector.load %arg4[%get3A_8, %get3A_9] : memref<256x16xf32, #tpu.memory_space<vmem>>, vector<256x1xf32>
    %add3A_11 = arith.addf %get3A_7, %get3A_10 : vector<256x1xf32>
    %get3A_12 = arith.constant 0 : index
    %get3A_13 = arith.constant 0 : index
    %get3A_14 = vector.load %arg5[%get3A_12, %get3A_13] : memref<256x8xf32, #tpu.memory_space<vmem>>, vector<256x8xf32>
    %get3A_15 = arith.constant 0 : index
    %get3A_16 = arith.constant 0 : index
    %get3A_17 = vector.load %arg6[%get3A_15, %get3A_16] : memref<8x32xf32, #tpu.memory_space<vmem>>, vector<8x32xf32>
    %dot_general3A = arith.constant dense<0.000000e+00> : vector<256x32xf32>
    %dot_general3A_18 = tpu.matmul %get3A_14, %get3A_17, %dot_general3A {dimension_numbers = #tpu.dot_dimension_numbers<[1], [0], [0], [1], [0, 0, 1, 1], [], []>, transpose_lhs_hint = false} : vector<256x8xf32>, vector<8x32xf32>, vector<256x32xf32> -> vector<256x32xf32>
    %max3A = arith.constant 1.000000e+00 : f32
    %max3A_19 = vector.broadcast %max3A : f32 to vector<256x1xf32>
    %max3A_20 = arith.maximumf %add3A_11, %max3A_19 : vector<256x1xf32>
    %div3A = vector.broadcast %max3A_20 : vector<256x1xf32> to vector<256x32xf32>
    %div3A_21 = arith.divf %add3A, %div3A : vector<256x32xf32>
    %add3A_22 = arith.addf %div3A_21, %dot_general3A_18 : vector<256x32xf32>
    %get3A_23 = arith.constant 0 : index
    %get3A_24 = arith.constant 0 : index
    %get3A_25 = vector.load %arg7[%get3A_23, %get3A_24] : memref<1x32xf32, #tpu.memory_space<vmem>>, vector<1x32xf32>
    %add3A_26 = vector.broadcast %get3A_25 : vector<1x32xf32> to vector<256x32xf32>
    %add3A_27 = arith.addf %add3A_22, %add3A_26 : vector<256x32xf32>
    %max3A_28 = arith.constant 0.000000e+00 : f32
    %max3A_29 = vector.broadcast %max3A_28 : f32 to vector<256x32xf32>
    %max3A_30 = arith.maximumf %add3A_27, %max3A_29 : vector<256x32xf32>
    %swap3A = arith.constant 0 : index
    %swap3A_31 = arith.constant 0 : index
    %swap3A_32 = vector.load %arg8[%swap3A, %swap3A_31] : memref<256x32xf32, #tpu.memory_space<vmem>>, vector<256x32xf32>
    tpu.vector_store %arg8[%swap3A, %swap3A_31], %max3A_30 {strides = array<i32>} : memref<256x32xf32, #tpu.memory_space<vmem>>, vector<256x32xf32>,
    return
  }
  func.func @transform_0(%arg0: i32) -> (i32, i32) {
    %c0_i32 = arith.constant 0 : i32
    %c0_i32_0 = arith.constant 0 : i32
    return %arg0, %c0_i32 : i32, i32
  }
  func.func @transform_1(%arg0: i32) -> (i32, i32) {
    %c0_i32 = arith.constant 0 : i32
    %c0_i32_0 = arith.constant 0 : i32
    return %arg0, %c0_i32 : i32, i32
  }
  func.func @transform_2(%arg0: i32) -> (i32, i32) {
    %c0_i32 = arith.constant 0 : i32
    %c0_i32_0 = arith.constant 0 : i32
    return %arg0, %c0_i32 : i32, i32
  }
  func.func @transform_3(%arg0: i32) -> (i32, i32) {
    %c0_i32 = arith.constant 0 : i32
    %c0_i32_0 = arith.constant 0 : i32
    return %arg0, %c0_i32 : i32, i32
  }
  func.func @transform_4(%arg0: i32) -> (i32, i32) {
    %c0_i32 = arith.constant 0 : i32
    %c0_i32_0 = arith.constant 0 : i32
    return %arg0, %c0_i32 : i32, i32
  }
  func.func @transform_5(%arg0: i32) -> (i32, i32) {
    %c0_i32 = arith.constant 0 : i32
    %c0_i32_0 = arith.constant 0 : i32
    %c0_i32_1 = arith.constant 0 : i32
    return %c0_i32, %c0_i32_0 : i32, i32
  }
  func.func @transform_6(%arg0: i32) -> (i32, i32) {
    %c0_i32 = arith.constant 0 : i32
    %c0_i32_0 = arith.constant 0 : i32
    %c0_i32_1 = arith.constant 0 : i32
    return %c0_i32, %c0_i32_0 : i32, i32
  }
  func.func @transform_7(%arg0: i32) -> (i32, i32) {
    %c0_i32 = arith.constant 0 : i32
    %c0_i32_0 = arith.constant 0 : i32
    return %arg0, %c0_i32 : i32, i32
  }
}

module attributes {stable_mosaic.version = 14 : i64} {
  func.func @_mm_body(%arg0: i32, %arg1: memref<256x32xf32, #tpu.memory_space<vmem>>, %arg2: memref<32x2304xf32, #tpu.memory_space<vmem>>, %arg3: memref<256x2304xf32, #tpu.memory_space<vmem>>) attributes {dimension_semantics = [#tpu.dimension_semantics<arbitrary>], iteration_bounds = array<i64: 27>, scalar_prefetch = 0 : i64, scratch_operands = 0 : i64, tpu.core_type = #tpu.core_type<tc>, window_params = [{transform_indices = @transform_0, window_bounds = array<i64: 256, 32>}, {pipeline_mode = #tpu.pipeline_mode<synchronous>, transform_indices = @transform_1, window_bounds = array<i64: 32, 2304>}, {transform_indices = @transform_2, window_bounds = array<i64: 256, 2304>}]} {
    %get3A = arith.constant 0 : index
    %get3A_0 = arith.constant 0 : index
    %get3A_1 = vector.load %arg1[%get3A, %get3A_0] : memref<256x32xf32, #tpu.memory_space<vmem>>, vector<256x32xf32>
    %get3A_2 = arith.constant 0 : index
    %get3A_3 = arith.constant 0 : index
    %get3A_4 = vector.load %arg2[%get3A_2, %get3A_3] : memref<32x2304xf32, #tpu.memory_space<vmem>>, vector<32x2304xf32>
    %dot_general3A = arith.constant dense<0.000000e+00> : vector<256x2304xf32>
    %dot_general3A_5 = tpu.matmul %get3A_1, %get3A_4, %dot_general3A {dimension_numbers = #tpu.dot_dimension_numbers<[1], [0], [0], [1], [0, 0, 1, 1], [], []>, transpose_lhs_hint = false} : vector<256x32xf32>, vector<32x2304xf32>, vector<256x2304xf32> -> vector<256x2304xf32>
    %swap3A = arith.constant 0 : index
    %swap3A_6 = arith.constant 0 : index
    %swap3A_7 = vector.load %arg3[%swap3A, %swap3A_6] : memref<256x2304xf32, #tpu.memory_space<vmem>>, vector<256x2304xf32>
    tpu.vector_store %arg3[%swap3A, %swap3A_6], %dot_general3A_5 {strides = array<i32>} : memref<256x2304xf32, #tpu.memory_space<vmem>>, vector<256x2304xf32>,
    return
  }
  func.func @transform_0(%arg0: i32) -> (i32, i32) {
    %c0_i32 = arith.constant 0 : i32
    %c0_i32_0 = arith.constant 0 : i32
    return %arg0, %c0_i32 : i32, i32
  }
  func.func @transform_1(%arg0: i32) -> (i32, i32) {
    %c0_i32 = arith.constant 0 : i32
    %c0_i32_0 = arith.constant 0 : i32
    %c0_i32_1 = arith.constant 0 : i32
    return %c0_i32, %c0_i32_0 : i32, i32
  }
  func.func @transform_2(%arg0: i32) -> (i32, i32) {
    %c0_i32 = arith.constant 0 : i32
    %c0_i32_0 = arith.constant 0 : i32
    return %arg0, %c0_i32 : i32, i32
  }
}

module attributes {stable_mosaic.version = 14 : i64} {
  func.func @_combine_body(%arg0: i32, %arg1: memref<256x64xf32, #tpu.memory_space<vmem>>, %arg2: memref<256x64xf32, #tpu.memory_space<vmem>>, %arg3: memref<256x16xf32, #tpu.memory_space<vmem>>, %arg4: memref<256x16xf32, #tpu.memory_space<vmem>>, %arg5: memref<256x32xf32, #tpu.memory_space<vmem>>, %arg6: memref<32x64xf32, #tpu.memory_space<vmem>>, %arg7: memref<1x64xf32, #tpu.memory_space<vmem>>, %arg8: memref<256x64xf32, #tpu.memory_space<vmem>>) attributes {dimension_semantics = [#tpu.dimension_semantics<arbitrary>], iteration_bounds = array<i64: 27>, scalar_prefetch = 0 : i64, scratch_operands = 0 : i64, tpu.core_type = #tpu.core_type<tc>, window_params = [{transform_indices = @transform_0, window_bounds = array<i64: 256, 64>}, {transform_indices = @transform_1, window_bounds = array<i64: 256, 64>}, {transform_indices = @transform_2, window_bounds = array<i64: 256, 16>}, {transform_indices = @transform_3, window_bounds = array<i64: 256, 16>}, {transform_indices = @transform_4, window_bounds = array<i64: 256, 32>}, {pipeline_mode = #tpu.pipeline_mode<synchronous>, transform_indices = @transform_5, window_bounds = array<i64: 32, 64>}, {pipeline_mode = #tpu.pipeline_mode<synchronous>, transform_indices = @transform_6, window_bounds = array<i64: 1, 64>}, {transform_indices = @transform_7, window_bounds = array<i64: 256, 64>}]} {
    %get3A = arith.constant 0 : index
    %get3A_0 = arith.constant 0 : index
    %get3A_1 = vector.load %arg1[%get3A, %get3A_0] : memref<256x64xf32, #tpu.memory_space<vmem>>, vector<256x64xf32>
    %get3A_2 = arith.constant 0 : index
    %get3A_3 = arith.constant 0 : index
    %get3A_4 = vector.load %arg2[%get3A_2, %get3A_3] : memref<256x64xf32, #tpu.memory_space<vmem>>, vector<256x64xf32>
    %add3A = arith.addf %get3A_1, %get3A_4 : vector<256x64xf32>
    %get3A_5 = arith.constant 0 : index
    %get3A_6 = arith.constant 0 : index
    %get3A_7 = vector.load %arg3[%get3A_5, %get3A_6] : memref<256x16xf32, #tpu.memory_space<vmem>>, vector<256x1xf32>
    %get3A_8 = arith.constant 0 : index
    %get3A_9 = arith.constant 0 : index
    %get3A_10 = vector.load %arg4[%get3A_8, %get3A_9] : memref<256x16xf32, #tpu.memory_space<vmem>>, vector<256x1xf32>
    %add3A_11 = arith.addf %get3A_7, %get3A_10 : vector<256x1xf32>
    %get3A_12 = arith.constant 0 : index
    %get3A_13 = arith.constant 0 : index
    %get3A_14 = vector.load %arg5[%get3A_12, %get3A_13] : memref<256x32xf32, #tpu.memory_space<vmem>>, vector<256x32xf32>
    %get3A_15 = arith.constant 0 : index
    %get3A_16 = arith.constant 0 : index
    %get3A_17 = vector.load %arg6[%get3A_15, %get3A_16] : memref<32x64xf32, #tpu.memory_space<vmem>>, vector<32x64xf32>
    %dot_general3A = arith.constant dense<0.000000e+00> : vector<256x64xf32>
    %dot_general3A_18 = tpu.matmul %get3A_14, %get3A_17, %dot_general3A {dimension_numbers = #tpu.dot_dimension_numbers<[1], [0], [0], [1], [0, 0, 1, 1], [], []>, transpose_lhs_hint = false} : vector<256x32xf32>, vector<32x64xf32>, vector<256x64xf32> -> vector<256x64xf32>
    %max3A = arith.constant 1.000000e+00 : f32
    %max3A_19 = vector.broadcast %max3A : f32 to vector<256x1xf32>
    %max3A_20 = arith.maximumf %add3A_11, %max3A_19 : vector<256x1xf32>
    %div3A = vector.broadcast %max3A_20 : vector<256x1xf32> to vector<256x64xf32>
    %div3A_21 = arith.divf %add3A, %div3A : vector<256x64xf32>
    %add3A_22 = arith.addf %div3A_21, %dot_general3A_18 : vector<256x64xf32>
    %get3A_23 = arith.constant 0 : index
    %get3A_24 = arith.constant 0 : index
    %get3A_25 = vector.load %arg7[%get3A_23, %get3A_24] : memref<1x64xf32, #tpu.memory_space<vmem>>, vector<1x64xf32>
    %add3A_26 = vector.broadcast %get3A_25 : vector<1x64xf32> to vector<256x64xf32>
    %add3A_27 = arith.addf %add3A_22, %add3A_26 : vector<256x64xf32>
    %max3A_28 = arith.constant 0.000000e+00 : f32
    %max3A_29 = vector.broadcast %max3A_28 : f32 to vector<256x64xf32>
    %max3A_30 = arith.maximumf %add3A_27, %max3A_29 : vector<256x64xf32>
    %swap3A = arith.constant 0 : index
    %swap3A_31 = arith.constant 0 : index
    %swap3A_32 = vector.load %arg8[%swap3A, %swap3A_31] : memref<256x64xf32, #tpu.memory_space<vmem>>, vector<256x64xf32>
    tpu.vector_store %arg8[%swap3A, %swap3A_31], %max3A_30 {strides = array<i32>} : memref<256x64xf32, #tpu.memory_space<vmem>>, vector<256x64xf32>,
    return
  }
  func.func @transform_0(%arg0: i32) -> (i32, i32) {
    %c0_i32 = arith.constant 0 : i32
    %c0_i32_0 = arith.constant 0 : i32
    return %arg0, %c0_i32 : i32, i32
  }
  func.func @transform_1(%arg0: i32) -> (i32, i32) {
    %c0_i32 = arith.constant 0 : i32
    %c0_i32_0 = arith.constant 0 : i32
    return %arg0, %c0_i32 : i32, i32
  }
  func.func @transform_2(%arg0: i32) -> (i32, i32) {
    %c0_i32 = arith.constant 0 : i32
    %c0_i32_0 = arith.constant 0 : i32
    return %arg0, %c0_i32 : i32, i32
  }
  func.func @transform_3(%arg0: i32) -> (i32, i32) {
    %c0_i32 = arith.constant 0 : i32
    %c0_i32_0 = arith.constant 0 : i32
    return %arg0, %c0_i32 : i32, i32
  }
  func.func @transform_4(%arg0: i32) -> (i32, i32) {
    %c0_i32 = arith.constant 0 : i32
    %c0_i32_0 = arith.constant 0 : i32
    return %arg0, %c0_i32 : i32, i32
  }
  func.func @transform_5(%arg0: i32) -> (i32, i32) {
    %c0_i32 = arith.constant 0 : i32
    %c0_i32_0 = arith.constant 0 : i32
    %c0_i32_1 = arith.constant 0 : i32
    return %c0_i32, %c0_i32_0 : i32, i32
  }
  func.func @transform_6(%arg0: i32) -> (i32, i32) {
    %c0_i32 = arith.constant 0 : i32
    %c0_i32_0 = arith.constant 0 : i32
    %c0_i32_1 = arith.constant 0 : i32
    return %c0_i32, %c0_i32_0 : i32, i32
  }
  func.func @transform_7(%arg0: i32) -> (i32, i32) {
    %c0_i32 = arith.constant 0 : i32
    %c0_i32_0 = arith.constant 0 : i32
    return %arg0, %c0_i32 : i32, i32
  }
}

module attributes {stable_mosaic.version = 14 : i64} {
  func.func @_mm_body(%arg0: i32, %arg1: memref<256x64xf32, #tpu.memory_space<vmem>>, %arg2: memref<64x4608xf32, #tpu.memory_space<vmem>>, %arg3: memref<256x4608xf32, #tpu.memory_space<vmem>>) attributes {dimension_semantics = [#tpu.dimension_semantics<arbitrary>], iteration_bounds = array<i64: 27>, scalar_prefetch = 0 : i64, scratch_operands = 0 : i64, tpu.core_type = #tpu.core_type<tc>, window_params = [{transform_indices = @transform_0, window_bounds = array<i64: 256, 64>}, {pipeline_mode = #tpu.pipeline_mode<synchronous>, transform_indices = @transform_1, window_bounds = array<i64: 64, 4608>}, {transform_indices = @transform_2, window_bounds = array<i64: 256, 4608>}]} {
    %get3A = arith.constant 0 : index
    %get3A_0 = arith.constant 0 : index
    %get3A_1 = vector.load %arg1[%get3A, %get3A_0] : memref<256x64xf32, #tpu.memory_space<vmem>>, vector<256x64xf32>
    %get3A_2 = arith.constant 0 : index
    %get3A_3 = arith.constant 0 : index
    %get3A_4 = vector.load %arg2[%get3A_2, %get3A_3] : memref<64x4608xf32, #tpu.memory_space<vmem>>, vector<64x4608xf32>
    %dot_general3A = arith.constant dense<0.000000e+00> : vector<256x4608xf32>
    %dot_general3A_5 = tpu.matmul %get3A_1, %get3A_4, %dot_general3A {dimension_numbers = #tpu.dot_dimension_numbers<[1], [0], [0], [1], [0, 0, 1, 1], [], []>, transpose_lhs_hint = false} : vector<256x64xf32>, vector<64x4608xf32>, vector<256x4608xf32> -> vector<256x4608xf32>
    %swap3A = arith.constant 0 : index
    %swap3A_6 = arith.constant 0 : index
    %swap3A_7 = vector.load %arg3[%swap3A, %swap3A_6] : memref<256x4608xf32, #tpu.memory_space<vmem>>, vector<256x4608xf32>
    tpu.vector_store %arg3[%swap3A, %swap3A_6], %dot_general3A_5 {strides = array<i32>} : memref<256x4608xf32, #tpu.memory_space<vmem>>, vector<256x4608xf32>,
    return
  }
  func.func @transform_0(%arg0: i32) -> (i32, i32) {
    %c0_i32 = arith.constant 0 : i32
    %c0_i32_0 = arith.constant 0 : i32
    return %arg0, %c0_i32 : i32, i32
  }
  func.func @transform_1(%arg0: i32) -> (i32, i32) {
    %c0_i32 = arith.constant 0 : i32
    %c0_i32_0 = arith.constant 0 : i32
    %c0_i32_1 = arith.constant 0 : i32
    return %c0_i32, %c0_i32_0 : i32, i32
  }
  func.func @transform_2(%arg0: i32) -> (i32, i32) {
    %c0_i32 = arith.constant 0 : i32
    %c0_i32_0 = arith.constant 0 : i32
    return %arg0, %c0_i32 : i32, i32
  }
}

module attributes {stable_mosaic.version = 14 : i64} {
  func.func @_combine_body(%arg0: i32, %arg1: memref<256x128xf32, #tpu.memory_space<vmem>>, %arg2: memref<256x128xf32, #tpu.memory_space<vmem>>, %arg3: memref<256x16xf32, #tpu.memory_space<vmem>>, %arg4: memref<256x16xf32, #tpu.memory_space<vmem>>, %arg5: memref<256x64xf32, #tpu.memory_space<vmem>>, %arg6: memref<64x128xf32, #tpu.memory_space<vmem>>, %arg7: memref<1x128xf32, #tpu.memory_space<vmem>>, %arg8: memref<256x128xf32, #tpu.memory_space<vmem>>) attributes {dimension_semantics = [#tpu.dimension_semantics<arbitrary>], iteration_bounds = array<i64: 27>, scalar_prefetch = 0 : i64, scratch_operands = 0 : i64, tpu.core_type = #tpu.core_type<tc>, window_params = [{transform_indices = @transform_0, window_bounds = array<i64: 256, 128>}, {transform_indices = @transform_1, window_bounds = array<i64: 256, 128>}, {transform_indices = @transform_2, window_bounds = array<i64: 256, 16>}, {transform_indices = @transform_3, window_bounds = array<i64: 256, 16>}, {transform_indices = @transform_4, window_bounds = array<i64: 256, 64>}, {pipeline_mode = #tpu.pipeline_mode<synchronous>, transform_indices = @transform_5, window_bounds = array<i64: 64, 128>}, {pipeline_mode = #tpu.pipeline_mode<synchronous>, transform_indices = @transform_6, window_bounds = array<i64: 1, 128>}, {transform_indices = @transform_7, window_bounds = array<i64: 256, 128>}]} {
    %get3A = arith.constant 0 : index
    %get3A_0 = arith.constant 0 : index
    %get3A_1 = vector.load %arg1[%get3A, %get3A_0] : memref<256x128xf32, #tpu.memory_space<vmem>>, vector<256x128xf32>
    %get3A_2 = arith.constant 0 : index
    %get3A_3 = arith.constant 0 : index
    %get3A_4 = vector.load %arg2[%get3A_2, %get3A_3] : memref<256x128xf32, #tpu.memory_space<vmem>>, vector<256x128xf32>
    %add3A = arith.addf %get3A_1, %get3A_4 : vector<256x128xf32>
    %get3A_5 = arith.constant 0 : index
    %get3A_6 = arith.constant 0 : index
    %get3A_7 = vector.load %arg3[%get3A_5, %get3A_6] : memref<256x16xf32, #tpu.memory_space<vmem>>, vector<256x1xf32>
    %get3A_8 = arith.constant 0 : index
    %get3A_9 = arith.constant 0 : index
    %get3A_10 = vector.load %arg4[%get3A_8, %get3A_9] : memref<256x16xf32, #tpu.memory_space<vmem>>, vector<256x1xf32>
    %add3A_11 = arith.addf %get3A_7, %get3A_10 : vector<256x1xf32>
    %get3A_12 = arith.constant 0 : index
    %get3A_13 = arith.constant 0 : index
    %get3A_14 = vector.load %arg5[%get3A_12, %get3A_13] : memref<256x64xf32, #tpu.memory_space<vmem>>, vector<256x64xf32>
    %get3A_15 = arith.constant 0 : index
    %get3A_16 = arith.constant 0 : index
    %get3A_17 = vector.load %arg6[%get3A_15, %get3A_16] : memref<64x128xf32, #tpu.memory_space<vmem>>, vector<64x128xf32>
    %dot_general3A = arith.constant dense<0.000000e+00> : vector<256x128xf32>
    %dot_general3A_18 = tpu.matmul %get3A_14, %get3A_17, %dot_general3A {dimension_numbers = #tpu.dot_dimension_numbers<[1], [0], [0], [1], [0, 0, 1, 1], [], []>, transpose_lhs_hint = false} : vector<256x64xf32>, vector<64x128xf32>, vector<256x128xf32> -> vector<256x128xf32>
    %max3A = arith.constant 1.000000e+00 : f32
    %max3A_19 = vector.broadcast %max3A : f32 to vector<256x1xf32>
    %max3A_20 = arith.maximumf %add3A_11, %max3A_19 : vector<256x1xf32>
    %div3A = vector.broadcast %max3A_20 : vector<256x1xf32> to vector<256x128xf32>
    %div3A_21 = arith.divf %add3A, %div3A : vector<256x128xf32>
    %add3A_22 = arith.addf %div3A_21, %dot_general3A_18 : vector<256x128xf32>
    %get3A_23 = arith.constant 0 : index
    %get3A_24 = arith.constant 0 : index
    %get3A_25 = vector.load %arg7[%get3A_23, %get3A_24] : memref<1x128xf32, #tpu.memory_space<vmem>>, vector<1x128xf32>
    %add3A_26 = vector.broadcast %get3A_25 : vector<1x128xf32> to vector<256x128xf32>
    %add3A_27 = arith.addf %add3A_22, %add3A_26 : vector<256x128xf32>
    %max3A_28 = arith.constant 0.000000e+00 : f32
    %max3A_29 = vector.broadcast %max3A_28 : f32 to vector<256x128xf32>
    %max3A_30 = arith.maximumf %add3A_27, %max3A_29 : vector<256x128xf32>
    %swap3A = arith.constant 0 : index
    %swap3A_31 = arith.constant 0 : index
    %swap3A_32 = vector.load %arg8[%swap3A, %swap3A_31] : memref<256x128xf32, #tpu.memory_space<vmem>>, vector<256x128xf32>
    tpu.vector_store %arg8[%swap3A, %swap3A_31], %max3A_30 {strides = array<i32>} : memref<256x128xf32, #tpu.memory_space<vmem>>, vector<256x128xf32>,
    return
  }
  func.func @transform_0(%arg0: i32) -> (i32, i32) {
    %c0_i32 = arith.constant 0 : i32
    %c0_i32_0 = arith.constant 0 : i32
    return %arg0, %c0_i32 : i32, i32
  }
  func.func @transform_1(%arg0: i32) -> (i32, i32) {
    %c0_i32 = arith.constant 0 : i32
    %c0_i32_0 = arith.constant 0 : i32
    return %arg0, %c0_i32 : i32, i32
  }
  func.func @transform_2(%arg0: i32) -> (i32, i32) {
    %c0_i32 = arith.constant 0 : i32
    %c0_i32_0 = arith.constant 0 : i32
    return %arg0, %c0_i32 : i32, i32
  }
  func.func @transform_3(%arg0: i32) -> (i32, i32) {
    %c0_i32 = arith.constant 0 : i32
    %c0_i32_0 = arith.constant 0 : i32
    return %arg0, %c0_i32 : i32, i32
  }
  func.func @transform_4(%arg0: i32) -> (i32, i32) {
    %c0_i32 = arith.constant 0 : i32
    %c0_i32_0 = arith.constant 0 : i32
    return %arg0, %c0_i32 : i32, i32
  }
  func.func @transform_5(%arg0: i32) -> (i32, i32) {
    %c0_i32 = arith.constant 0 : i32
    %c0_i32_0 = arith.constant 0 : i32
    %c0_i32_1 = arith.constant 0 : i32
    return %c0_i32, %c0_i32_0 : i32, i32
  }
  func.func @transform_6(%arg0: i32) -> (i32, i32) {
    %c0_i32 = arith.constant 0 : i32
    %c0_i32_0 = arith.constant 0 : i32
    %c0_i32_1 = arith.constant 0 : i32
    return %c0_i32, %c0_i32_0 : i32, i32
  }
  func.func @transform_7(%arg0: i32) -> (i32, i32) {
    %c0_i32 = arith.constant 0 : i32
    %c0_i32_0 = arith.constant 0 : i32
    return %arg0, %c0_i32 : i32, i32
  }
}

module attributes {stable_mosaic.version = 14 : i64} {
  func.func @_head1_body(%arg0: i32, %arg1: memref<256x128xf32, #tpu.memory_space<vmem>>, %arg2: memref<128x256xf32, #tpu.memory_space<vmem>>, %arg3: memref<1x256xf32, #tpu.memory_space<vmem>>, %arg4: memref<256x256xf32, #tpu.memory_space<vmem>>) attributes {dimension_semantics = [#tpu.dimension_semantics<arbitrary>], iteration_bounds = array<i64: 27>, scalar_prefetch = 0 : i64, scratch_operands = 0 : i64, tpu.core_type = #tpu.core_type<tc>, window_params = [{transform_indices = @transform_0, window_bounds = array<i64: 256, 128>}, {pipeline_mode = #tpu.pipeline_mode<synchronous>, transform_indices = @transform_1, window_bounds = array<i64: 128, 256>}, {pipeline_mode = #tpu.pipeline_mode<synchronous>, transform_indices = @transform_2, window_bounds = array<i64: 1, 256>}, {transform_indices = @transform_3, window_bounds = array<i64: 256, 256>}]} {
    %get3A = arith.constant 0 : index
    %get3A_0 = arith.constant 0 : index
    %get3A_1 = vector.load %arg1[%get3A, %get3A_0] : memref<256x128xf32, #tpu.memory_space<vmem>>, vector<256x128xf32>
    %get3A_2 = arith.constant 0 : index
    %get3A_3 = arith.constant 0 : index
    %get3A_4 = vector.load %arg2[%get3A_2, %get3A_3] : memref<128x256xf32, #tpu.memory_space<vmem>>, vector<128x256xf32>
    %dot_general3A = arith.constant dense<0.000000e+00> : vector<256x256xf32>
    %dot_general3A_5 = tpu.matmul %get3A_1, %get3A_4, %dot_general3A {dimension_numbers = #tpu.dot_dimension_numbers<[1], [0], [0], [1], [0, 0, 1, 1], [], []>, transpose_lhs_hint = false} : vector<256x128xf32>, vector<128x256xf32>, vector<256x256xf32> -> vector<256x256xf32>
    %get3A_6 = arith.constant 0 : index
    %get3A_7 = arith.constant 0 : index
    %get3A_8 = vector.load %arg3[%get3A_6, %get3A_7] : memref<1x256xf32, #tpu.memory_space<vmem>>, vector<1x256xf32>
    %add3A = vector.broadcast %get3A_8 : vector<1x256xf32> to vector<256x256xf32>
    %add3A_9 = arith.addf %dot_general3A_5, %add3A : vector<256x256xf32>
    %max3A = arith.constant 0.000000e+00 : f32
    %max3A_10 = vector.broadcast %max3A : f32 to vector<256x256xf32>
    %max3A_11 = arith.maximumf %add3A_9, %max3A_10 : vector<256x256xf32>
    %swap3A = arith.constant 0 : index
    %swap3A_12 = arith.constant 0 : index
    %swap3A_13 = vector.load %arg4[%swap3A, %swap3A_12] : memref<256x256xf32, #tpu.memory_space<vmem>>, vector<256x256xf32>
    tpu.vector_store %arg4[%swap3A, %swap3A_12], %max3A_11 {strides = array<i32>} : memref<256x256xf32, #tpu.memory_space<vmem>>, vector<256x256xf32>,
    return
  }
  func.func @transform_0(%arg0: i32) -> (i32, i32) {
    %c0_i32 = arith.constant 0 : i32
    %c0_i32_0 = arith.constant 0 : i32
    return %arg0, %c0_i32 : i32, i32
  }
  func.func @transform_1(%arg0: i32) -> (i32, i32) {
    %c0_i32 = arith.constant 0 : i32
    %c0_i32_0 = arith.constant 0 : i32
    %c0_i32_1 = arith.constant 0 : i32
    return %c0_i32, %c0_i32_0 : i32, i32
  }
  func.func @transform_2(%arg0: i32) -> (i32, i32) {
    %c0_i32 = arith.constant 0 : i32
    %c0_i32_0 = arith.constant 0 : i32
    %c0_i32_1 = arith.constant 0 : i32
    return %c0_i32, %c0_i32_0 : i32, i32
  }
  func.func @transform_3(%arg0: i32) -> (i32, i32) {
    %c0_i32 = arith.constant 0 : i32
    %c0_i32_0 = arith.constant 0 : i32
    return %arg0, %c0_i32 : i32, i32
  }
}

module attributes {stable_mosaic.version = 14 : i64} {
  func.func @_head2_body(%arg0: i32, %arg1: memref<128x256xf32, #tpu.memory_space<vmem>>, %arg2: memref<256x6912xf32, #tpu.memory_space<vmem>>, %arg3: memref<1x6912xf32, #tpu.memory_space<vmem>>, %arg4: memref<128x6912xf32, #tpu.memory_space<vmem>>) attributes {dimension_semantics = [#tpu.dimension_semantics<arbitrary>], iteration_bounds = array<i64: 54>, scalar_prefetch = 0 : i64, scratch_operands = 0 : i64, tpu.core_type = #tpu.core_type<tc>, window_params = [{transform_indices = @transform_0, window_bounds = array<i64: 128, 256>}, {pipeline_mode = #tpu.pipeline_mode<synchronous>, transform_indices = @transform_1, window_bounds = array<i64: 256, 6912>}, {pipeline_mode = #tpu.pipeline_mode<synchronous>, transform_indices = @transform_2, window_bounds = array<i64: 1, 6912>}, {transform_indices = @transform_3, window_bounds = array<i64: 128, 6912>}]} {
    %get3A = arith.constant 0 : index
    %get3A_0 = arith.constant 0 : index
    %get3A_1 = vector.load %arg1[%get3A, %get3A_0] : memref<128x256xf32, #tpu.memory_space<vmem>>, vector<128x256xf32>
    %get3A_2 = arith.constant 0 : index
    %get3A_3 = arith.constant 0 : index
    %get3A_4 = vector.load %arg2[%get3A_2, %get3A_3] : memref<256x6912xf32, #tpu.memory_space<vmem>>, vector<256x6912xf32>
    %dot_general3A = arith.constant dense<0.000000e+00> : vector<128x6912xf32>
    %dot_general3A_5 = tpu.matmul %get3A_1, %get3A_4, %dot_general3A {dimension_numbers = #tpu.dot_dimension_numbers<[1], [0], [0], [1], [0, 0, 1, 1], [], []>, transpose_lhs_hint = false} : vector<128x256xf32>, vector<256x6912xf32>, vector<128x6912xf32> -> vector<128x6912xf32>
    %get3A_6 = arith.constant 0 : index
    %get3A_7 = arith.constant 0 : index
    %get3A_8 = vector.load %arg3[%get3A_6, %get3A_7] : memref<1x6912xf32, #tpu.memory_space<vmem>>, vector<1x6912xf32>
    %add3A = vector.broadcast %get3A_8 : vector<1x6912xf32> to vector<128x6912xf32>
    %add3A_9 = arith.addf %dot_general3A_5, %add3A : vector<128x6912xf32>
    %reduce_max3A = arith.constant dense<0xFF800000> : vector<128xf32>
    %reduce_max3A_10 = vector.multi_reduction <maximumf>, %add3A_9, %reduce_max3A [1] : vector<128x6912xf32> to vector<128xf32>
    %broadcast_in_dim3A = vector.shape_cast %reduce_max3A_10 : vector<128xf32> to vector<128x1xf32>
    %sub3A = vector.broadcast %broadcast_in_dim3A : vector<128x1xf32> to vector<128x6912xf32>
    %sub3A_11 = arith.subf %add3A_9, %sub3A : vector<128x6912xf32>
    %exp3A = math.exp %sub3A_11 : vector<128x6912xf32>
    %reduce_sum3A = arith.constant dense<0.000000e+00> : vector<128xf32>
    %reduce_sum3A_12 = vector.multi_reduction <add>, %exp3A, %reduce_sum3A [1] : vector<128x6912xf32> to vector<128xf32>
    %broadcast_in_dim3A_13 = vector.shape_cast %reduce_sum3A_12 : vector<128xf32> to vector<128x1xf32>
    %log3A = math.log %broadcast_in_dim3A_13 : vector<128x1xf32>
    %sub3A_14 = vector.broadcast %broadcast_in_dim3A : vector<128x1xf32> to vector<128x6912xf32>
    %sub3A_15 = arith.subf %add3A_9, %sub3A_14 : vector<128x6912xf32>
    %sub3A_16 = vector.broadcast %log3A : vector<128x1xf32> to vector<128x6912xf32>
    %sub3A_17 = arith.subf %sub3A_15, %sub3A_16 : vector<128x6912xf32>
    %swap3A = arith.constant 0 : index
    %swap3A_18 = arith.constant 0 : index
    %swap3A_19 = vector.load %arg4[%swap3A, %swap3A_18] : memref<128x6912xf32, #tpu.memory_space<vmem>>, vector<128x6912xf32>
    tpu.vector_store %arg4[%swap3A, %swap3A_18], %sub3A_17 {strides = array<i32>} : memref<128x6912xf32, #tpu.memory_space<vmem>>, vector<128x6912xf32>,
    return
  }
  func.func @transform_0(%arg0: i32) -> (i32, i32) {
    %c0_i32 = arith.constant 0 : i32
    %c0_i32_0 = arith.constant 0 : i32
    return %arg0, %c0_i32 : i32, i32
  }
  func.func @transform_1(%arg0: i32) -> (i32, i32) {
    %c0_i32 = arith.constant 0 : i32
    %c0_i32_0 = arith.constant 0 : i32
    %c0_i32_1 = arith.constant 0 : i32
    return %c0_i32, %c0_i32_0 : i32, i32
  }
  func.func @transform_2(%arg0: i32) -> (i32, i32) {
    %c0_i32 = arith.constant 0 : i32
    %c0_i32_0 = arith.constant 0 : i32
    %c0_i32_1 = arith.constant 0 : i32
    return %c0_i32, %c0_i32_0 : i32, i32
  }
  func.func @transform_3(%arg0: i32) -> (i32, i32) {
    %c0_i32 = arith.constant 0 : i32
    %c0_i32_0 = arith.constant 0 : i32
    return %arg0, %c0_i32 : i32, i32
  }
}

</mosaic_0001>

<sc_bundles>
// kernel: kernel.15.cloned.1.call-start
scs
__scs_entry_jumppad:
0x0: {  	(pc) =	sbr.rel $0x88, $3  }
0x1: {  	(tag) =	ssettag $0x0;
	lr =	simm.s32 $0x1  }
0x2: {  	[smem:$0x3F91] =	sst lr;
	_ =	strace $0xD0000000  }
0x3: {  	_ = 	snop  }
0x4: {  	_ = 	snop  }
0x5: {  	_ = 	snop  }
0x6: {  	_ = 	snop  }
0x7: {  	_ = 	snop  }
__scs_overlays_trampoline_lowered:
0x8: {  	[smem:$0x3FA0] =	sst s0  }
0x9: {  	[smem:$0x3FA1] =	sst s1  }
0xa: {  	[smem:$0x3FA2] =	sst s2  }
0xb: {  	[smem:$0x3FA3] =	sst s3  }
0xc: {  	[smem:$0x3FA4] =	sst s4  }
0xd: {  	[smem:$0x3FA5] =	sst s5  }
0xe: {  	[smem:$0x3FA6] =	sst s6  }
0xf: {  	[smem:$0x3FA7] =	sst s7  }
0x10: {  	[smem:$0x3FA8] =	sst s8  }
0x11: {  	[smem:$0x3FA9] =	sst s9;
	s0 =	simm.s32 @!p0 $0x0  }
0x12: {  	s1 =	sld [smem:$0x3F8F];
	s0 =	simm.s32 @p0 $0x1  }
0x13: {  	[smem:$0x3FAA] =	sst s0;
	s0 =	simm.s32 @!p1 $0x0  }
0x14: {  	s2 =	sld [smem:$0x3F8E];
	s0 =	simm.s32 @p1 $0x1  }
0x15: {  	[smem:$0x3FAB] =	sst s0;
	s0 =	simm.s32 @!p2 $0x0  }
0x16: {  	s3 =	sld [smem:$0x3FDB];
	s0 =	simm.s32 @p2 $0x1  }
0x17: {  	s4 =	simm.s32 $0x1BF5;
	[smem:$0x3FAD] =	sst s0  }
0x18: {  	s0 =	sld [smem:$0x3F90];
	_ =	swait.ge [sflag:s4], $0x0  }
0x19: {  	s7 =	sld [smem:$0x3F91]  }
0x1a: {  	s8 =	sadd.s32 $0xFFFFE003, lr  }
0x1b: {  	s9 =	sadd.s32 $0xFFFFFEF7, lr;
	s5 =	simm.s32 $0xFFFFFFFF;
	p2 =	slt.u32 s8, $0xFFFFF086  }
0x1c: {  	p1 =	slt.u32 s9, $0xF7A;
	s5 =	simm.s32 @!p2 $0x0  }
0x1d: {  	s5 =	simm.s32 @p1 $0x1;
	p0 =	seq.s32 s7, s2  }
0x1e: {  	s7 =	smul.u32 @!p0 $0xF7A, s2;
	p2 =	seq.s32 @!p0 s5, $0x0  }
0x1f: {  	s9 =	smul.u32 $0xF7A, s1;
	s8 =	simm.s32 @!p0 $0x1BF5;
	p2 =	por !p2, p0  }
0x20: {  	[sflag:s8] =	ssyncset.s32 @!p0 $0xFFFFF086;
	s6 =	sadd.s32 @!p0 s3, s7;
	s7 =	simm.s32 @!p0 $0x108  }
0x21: {  	s3 =	sadd.s32 s3, s9;
	s6 =	sadd.s32 @!p0 $0x88, s6;
	s7 =	simm.s32 @p2 $0x1082  }
0x22: {  	[simem:s7], [sflag:s8] =	dma.local @!p0 [hbm:s6], $0xF7A  }
0x23: {  	s9 =	sor.u32 $0xD0000000, s2;
	s6 =	simm.s32 $0x108;
	_ =	swait.ge @!p0 [sflag:s8], $0x0  }
0x24: {  	s3 =	sadd.s32 $0x88, s3;
	s6 =	simm.s32 @!p1 $0x1082;
	[sflag:s4] =	ssyncset.s32 $0xFFFFF086  }
0x25: {  	[simem:s6], [sflag:s4] =	dma.local [hbm:s3], $0xF7A  }
0x26: {  	[smem:$0x3F91] =	sst s1;
	(tag) =	ssettag s2;
	_ =	strace s9  }
0x27: {  	s1 =	sld [smem:$0x3FA1]  }
0x28: {  	s2 =	sld [smem:$0x3FA2]  }
0x29: {  	s4 =	sld [smem:$0x3FA4]  }
0x2a: {  	p0 =	seq.s32 s5, $0x0;
	s5 =	sld [smem:$0x3FA5]  }
0x2b: {  	s6 =	sld [smem:$0x3FA6]  }
0x2c: {  	s7 =	sld [smem:$0x3FA7]  }
0x2d: {  	s3 =	simm.s32 $0x108;
	s8 =	sld [smem:$0x3FA8]  }
0x2e: {  	s3 =	simm.s32 @!p0 $0x1082;
	s9 =	sld [smem:$0x3FA9]  }
0x2f: {  	lr =	sadd.s32 s0, s3;
	s0 =	sld [smem:$0x3FA0]  }
0x30: {  	s3 =	sld [smem:$0x3FA3]  }
0x31: {  	[smem:$0x3FAC] =	sst s10  }
0x32: {  	s10 =	sld [smem:$0x3FAA];
	_ =	sdelay $0x3  }
0x33: {  	p0 =	seq.s32 s10, $0x1;
	s10 =	sld [smem:$0x3FAC];
	_ =	sdelay $0x3  }
0x34: {  	[smem:$0x3FAC] =	sst s10  }
0x35: {  	s10 =	sld [smem:$0x3FAB];
	_ =	sdelay $0x3  }
0x36: {  	p1 =	seq.s32 s10, $0x1;
	s10 =	sld [smem:$0x3FAC];
	_ =	sdelay $0x3  }
0x37: {  	[smem:$0x3FAC] =	sst s10  }
0x38: {  	s10 =	sld [smem:$0x3FAD]  }
0x39: {  	_ = 	snop;
	(pc) =	sbr.ind lr, $3  }
0x3a: {  	_ = 	snop  }
0x3b: {  	_ = 	snop  }
0x3c: {  	p2 =	seq.s32 s10, $0x1;
	s10 =	sld [smem:$0x3FAC]  }
0x3d: {  	_ =	shalt  }
0x3e: {  	_ =	shalt  }
0x3f: {  	_ =	shalt  }
0x40: {  	_ =	shalt  }
0x41: {  	_ =	shalt  }
0x42: {  	_ =	shalt  }
0x43: {  	_ =	shalt  }
0x44: {  	_ =	shalt  }
0x45: {  	_ =	shalt  }
0x46: {  	_ =	shalt  }
0x47: {  	_ =	shalt  }
0x48: {  	_ =	shalt  }
0x49: {  	_ =	shalt  }
0x4a: {  	_ =	shalt  }
0x4b: {  	_ =	shalt  }
0x4c: {  	_ =	shalt  }
0x4d: {  	_ =	shalt  }
0x4e: {  	_ =	shalt  }
0x4f: {  	_ =	shalt  }
0x50: {  	_ =	shalt  }
0x51: {  	_ =	shalt  }
0x52: {  	_ =	shalt  }
0x53: {  	_ =	shalt  }
0x54: {  	_ =	shalt  }
0x55: {  	_ =	shalt  }
0x56: {  	_ =	shalt  }
0x57: {  	_ =	shalt  }
0x58: {  	_ =	shalt  }
0x59: {  	_ =	shalt  }
0x5a: {  	_ =	shalt  }
0x5b: {  	_ =	shalt  }
0x5c: {  	_ =	shalt  }
0x5d: {  	_ =	shalt  }
0x5e: {  	_ =	shalt  }
0x5f: {  	_ =	shalt  }
0x60: {  	_ =	shalt  }
0x61: {  	_ =	shalt  }
0x62: {  	_ =	shalt  }
0x63: {  	_ =	shalt  }
0x64: {  	_ =	shalt  }
0x65: {  	_ =	shalt  }
0x66: {  	_ =	shalt  }
0x67: {  	_ =	shalt  }
0x68: {  	_ =	shalt  }
0x69: {  	_ =	shalt  }
0x6a: {  	_ =	shalt  }
0x6b: {  	_ =	shalt  }
0x6c: {  	_ =	shalt  }
0x6d: {  	_ =	shalt  }
0x6e: {  	_ =	shalt  }
0x6f: {  	_ =	shalt  }
0x70: {  	_ =	shalt  }
0x71: {  	_ =	shalt  }
0x72: {  	_ =	shalt  }
0x73: {  	_ =	shalt  }
0x74: {  	_ =	shalt  }
0x75: {  	_ =	shalt  }
0x76: {  	_ =	shalt  }
0x77: {  	_ =	shalt  }
0x78: {  	_ =	shalt  }
0x79: {  	_ =	shalt  }
0x7a: {  	_ =	shalt  }
0x7b: {  	_ =	shalt  }
0x7c: {  	_ =	shalt  }
0x7d: {  	_ =	shalt  }
0x7e: {  	_ =	shalt  }
0x7f: {  	_ =	shalt  }
0x80: {  	_ =	shalt  }
0x81: {  	_ =	shalt  }
0x82: {  	_ =	shalt  }
0x83: {  	_ =	shalt  }
0x84: {  	_ =	shalt  }
0x85: {  	_ =	shalt  }
0x86: {  	_ =	shalt  }
0x87: {  	_ =	shalt  }
.Lfunc_end0:
.L_simem_size_0:
called_computation_lowered:
.L_overlay_start_0:
0x88: {  	s2 =	sld [smem:$0x3FD9]  }
0x89: {  	s3 =	sld [smem:$0x3FFE];
	_ =	sdelay $0x1  }
0x8a: {  	s1 =	srdreg.scid  }
0x8b: {  	s0 =	sand.u32 $0x1, s1  }
0x8c: {  	s16 =	sshll.u32 s0, $0xA;
	s2 =	sadd.s32 s3, s2  }
0x8d: {  	s2 =	sadd.s32 s2, s16  }
0x8e: {  	[smem:$0x3FB8] =	sst s2  }
0x8f: {  	_ = 	snop  }
0x90: {  	(tm) =	ssettm $0x1  }
0x91: {  	s17 =	sld [smem:$0x3FFB];
	_ =	sdelay $0x3  }
0x92: {  	_ =	strace s17  }
0x93: {  	s2 =	sld [smem:$0x3FFC];
	_ =	sdelay $0x3  }
0x94: {  	_ =	strace s2  }
0x95: {  	s2 =	sld [smem:$0x3FFD];
	_ =	sdelay $0x3  }
0x96: {  	_ =	strace s2  }
0x97: {  	_ =	strace $0x8FFFFFFF  }
0x98: {  	s18 =	sld [smem:$0x3FDB];
	_ =	sdelay $0x1  }
0x99: {  	s19 =	simm.s32 $_scs_section_size  }
0x9a: {  	s4 =	simm.s32 $_size__tile_overlayer_lowered;
	s5 =	simm.s32 $_tile_overlayer_lowered  }
0x9b: {  	s22 =	simm.s32 $0x1BFF;
	s21 =	sshll.u32 s5, $0x1;
	s2 =	sadd.s32 s19, s18  }
0x9c: {  	s6 =	simm.s32 $0x0;
	s20 =	sshll.u32 s4, $0x1;
	s4 =	sadd.s32 s21, s2  }
0x9d: {  	[timem:s6], [sflag:s22] =	dma.local [hbm:s4], s20  }
0x9e: {  	_ =	swait.ge [sflag:s22], s20  }
0x9f: {  	s3 =	ssub.s32 $0x0, s20;
	[sflag:s22] =	ssyncset.done $0x0  }
0xa0: {  	[sflag:s22] =	ssyncadd.s32 s3;
	_ =	sdelay $0x1  }
0xa1: {  	s23 =	simm.s32 $0x1B8B  }
0xa2: {  	_ =	swait.ge [sflag:s23], $0x1  }
0xa3: {  	[sflag:s23] =	ssyncset.done $0x0  }
0xa4: {  	s25 =	simm.s32 $0x1B8E;
	s24 =	sld [smem:$0x3FFE];
	[sflag:s23] =	ssyncadd.s32 $0xFFFFFFFF  }
0xa5: {  	s26 =	simm.s32 $execute0_lowered;
	[smem:$0x3FD2] =	sst s25  }
0xa6: {  	s4 =	sshll.u32 s26, $0x1;
	_ =	strace $0x80000046;
	[dreg:$0x1] =	wrdreg $0xFFFFFFFF  }
0xa7: {  	s28 =	simm.s32 $_size_execute0_lowered;
	s2 =	sadd.s32 s2, s4;
	[dreg:$0x0] =	wrdreg $0x0  }
0xa8: {  	s4 =	sshll.u32 s28, $0x1;
	[dreg:$0x2] =	wrdreg s2  }
0xa9: {  	[dreg:$0x3] =	wrdreg s4  }
0xaa: {  	[dreg:$0x4] =	wrdreg $0xC0  }
0xab: {  	_ =	task [dreg:s6], $0x5FFFF  }
0xac: {  	[dreg:$0x1] =	wrdreg $0xFFFFFFFF  }
0xad: {  	[dreg:$0x0] =	wrdreg $0x60  }
0xae: {  	[dreg:$0x2] =	wrdreg s24  }
0xaf: {  	[dreg:$0x3] =	wrdreg $0x59400  }
0xb0: {  	[dreg:$0x4] =	wrdreg $0x9  }
0xb1: {  	_ =	task.clear_ibuf [dreg:s6], $0x5FFFF;
	_ =	strace $0x90000046  }
0xb2: {  	s29 =	simm.s32 $0x9;
	_ =	strace $0x80000048  }
0xb3: {  	_ =	swait.ge [sflag:s29], $0x1  }
0xb4: {  	[sflag:s29] =	ssyncadd.s32 $0xFFFFFFFF  }
0xb5: {  	_ =	strace $0x90000048  }
0xb6: {  	_ =	sfence  }
0xb7: {  	s30 =	sld [smem:$0x0];
	_ =	sdelay $0x2  }
0xb8: {  	s31 =	sshll.u32 s1, $0xD;
	s1 =	sshrl.u32 s1, $0x2  }
0xb9: {  	s3 =	sand.u32 $0x4000, s31;
	s1 =	sadd.s32 s1, s30  }
0xba: {  	s0 =	sor.u32 s3, s0;
	s1 =	sshll.u32 s1, $0x11  }
0xbb: {  	s0 =	sor.u32 s1, s0  }
0xbc: {  	s0 =	sadd.s32 $0x8F2B, s0  }
0xbd: {  	[sflag:s0] =	ssyncadd.remote.s32 $0x1  }
0xbe: {  	_ =	sfence.sel $0xFFFF  }
0xbf: {  	[dreg:$0x0] =	wrdreg $0xFFFFFFFF;
	(pc) =	sbr.abs _section_cstart, $3  }
0xc0: {  	[dreg:$0x1] =	wrdreg $0xFFFFFFFF  }
0xc1: {  	_ =	task.clear_ibuf [dreg:s6], $0x2FFFF;
	_ =	strace $0x9FFFFFFF  }
0xc2: {  	(tm) =	ssettm $0x7FFFFFFF  }
0xc3: {  	_ =	shalt  }
tec
execute0_lowered:
.L_overlay_start_1:
0x0: {  	(tag) =	ssettag $0x1  }
0x1: {  	s1 =	rddreg [dreg:$0x0];
	s3 =	srdreg.scid  }
0x2: {  	s2 =	rddreg [dreg:$0x1];
	s24 =	sand.u32 $0x1, s3;
	s3 =	simm.s32 $0x0  }
0x3: {  	s19 =	simm.s32 $0x5440;
	[smem:$0x7FF] =	sst s3  }
0x4: {  	s20 =	simm.s32 $0x400;
	_ =	strace $0x80000047;
	[dreg:$0x6] =	wrdreg s19  }
0x5: {  	s21 =	simm.s32 $0x5480;
	[dreg:$0x7] =	wrdreg s20  }
0x6: {  	s22 =	simm.s32 $0x800;
	[dreg:$0x8] =	wrdreg s21  }
0x7: {  	s23 =	simm.s32 $0x54C0;
	[dreg:$0x9] =	wrdreg s22  }
0x8: {  	s26 =	simm.s32 $0xC00;
	[dreg:$0xa] =	wrdreg s23  }
0x9: {  	s8 =	simm.s32 $0x5540;
	[dreg:$0xb] =	wrdreg s26  }
0xa: {  	s9 =	simm.s32 $0x1400;
	[dreg:$0xe] =	wrdreg s8  }
0xb: {  	s10 =	simm.s32 $0x5580;
	[dreg:$0xf] =	wrdreg s9  }
0xc: {  	s0 =	stileid.u32;
	s11 =	simm.s32 $0x1800;
	[dreg:$0x10] =	wrdreg s10  }
0xd: {  	s12 =	simm.s32 $0x55C0;
	s13 =	simm.s32 $0x1C00;
	[dreg:$0x11] =	wrdreg s11  }
0xe: {  	s14 =	simm.s32 $0x5600;
	s15 =	simm.s32 $0x2000;
	[dreg:$0x12] =	wrdreg s12  }
0xf: {  	s18 =	sshll.u32 s0, $0x1;
	s4 =	smul.u32 $0x1B00, s0;
	[dreg:$0x13] =	wrdreg s13  }
0x10: {  	s16 =	simm.s32 $0x5640;
	s5 =	sor.u32 s24, s18;
	[dreg:$0x14] =	wrdreg s14  }
0x11: {  	s6 =	smul.u32 $0xA80, s5;
	s25 =	sshrl.u32 s4, $0x3;
	[dreg:$0x15] =	wrdreg s15  }
0x12: {  	s5 =	smul.u32 $0xA8, s5;
	[dreg:$0x16] =	wrdreg s16;
	s19 =	simm.s32 $0x2400  }
0x13: {  	s8 =	simm.s32 $0x5680;
	s7 =	sadd.s32 s25, s1;
	[dreg:$0x17] =	wrdreg s19  }
0x14: {  	[dreg:$0x18] =	wrdreg s8;
	s6 =	sadd.s32 s6, s1;
	s7 =	sadd.s32 $0x1A800, s7  }
0x15: {  	s5 =	sadd.s32 s5, s1;
	[dreg:$0x3] =	wrdreg s7;
	s6 =	sadd.s32 $0x5800, s6  }
0x16: {  	s5 =	sadd.s32 $0x4200, s5;
	[dreg:$0x4] =	wrdreg s6  }
0x17: {  	s7 =	simm.s32 $0x1000;
	[dreg:$0x5] =	wrdreg s5  }
0x18: {  	s18 =	sshll.u32 s0, $0x6;
	s17 =	sadd.s32 s4, s2;
	[dreg:$0xd] =	wrdreg s7  }
0x19: {  	s4 =	sor.u32 $0x1C01, s18;
	s6 =	simm.s32 $0x5500;
	s7 =	rddreg [dreg:$0x3]  }
0x1a: {  	s5 =	simm.s32 $0x1;
	[dreg:$0xc] =	wrdreg s6;
	s6 =	sshrl.u32 s17, $0x3  }
0x1b: {  	[spmem:s6], [sflag:s4] =	dma.local [hbm:s7], $0x360  }
0x1c: {  	_ =	swait.ge [sflag:s5], $0x360  }
0x1d: {  	[sflag:s5] =	ssyncset.done $0x0  }
0x1e: {  	s20 =	rddreg [dreg:$0x4];
	[sflag:s5] =	ssyncadd.s32 $0xFFFFFCA0  }
0x1f: {  	[tilespmem:s3], [sflag:$0x1] =	stream.linear.gather [hbm4b:s20+s3], $0x5400, $0x38;
	[tilespmem:$0x7440] =	vst v63  }
0x20: {  	_ =	swait.ge [sflag:s5], $0x5400  }
0x21: {  	[sflag:s5] =	ssyncset.done $0x0  }
0x22: {  	s7 =	simm.s32 $0x5400;
	s21 =	rddreg [dreg:$0x5];
	[sflag:s5] =	ssyncadd.s32 $0xFFFFAC00  }
0x23: {  	[tilespmem:s7], [sflag:$0x1] =	stream.linear.gather [hbm4b:s21+s3], $0x540, $0x38;
	[tilespmem:$0x7440] =	vst v63  }
0x24: {  	_ =	swait.ge [sflag:s5], $0x540  }
0x25: {  	[sflag:s5] =	ssyncset.done $0x0  }
0x26: {  	[sflag:s5] =	ssyncadd.s32 $0xFFFFFAC0  }
0x27: {  	s8 =	simm.s32 $0x40;
	[bflag:$0x0] =	sbarrier.arrive $0xFFFF  }
0x28: {  	[spmem:s2] =	stream.indirect.scatter.add.f32 [tilespmem:s3], [sflag:$0x1], $0x10, s7, s8, $0xb8;
	[tilespmem:$0x7440] =	vst v63  }
0x29: {  	_ =	swait.ge [sflag:s5], $0x400  }
0x2a: {  	s9 =	rddreg [dreg:$0x6];
	[sflag:s5] =	ssyncset.done $0x0  }
0x2b: {  	s10 =	rddreg [dreg:$0x7];
	[sflag:s5] =	ssyncadd.s32 $0xFFFFFC00  }
0x2c: {  	[spmem:s2] =	stream.indirect.scatter.add.f32 [tilespmem:s10], [sflag:$0x1], $0x10, s9, s8, $0xb8;
	[tilespmem:$0x7440] =	vst v63  }
0x2d: {  	_ =	swait.ge [sflag:s5], $0x400  }
0x2e: {  	s22 =	rddreg [dreg:$0x8];
	[sflag:s5] =	ssyncset.done $0x0  }
0x2f: {  	s23 =	rddreg [dreg:$0x9];
	[sflag:s5] =	ssyncadd.s32 $0xFFFFFC00  }
0x30: {  	[spmem:s2] =	stream.indirect.scatter.add.f32 [tilespmem:s23], [sflag:$0x1], $0x10, s22, s8, $0xb8;
	[tilespmem:$0x7440] =	vst v63  }
0x31: {  	_ =	swait.ge [sflag:s5], $0x400  }
0x32: {  	s26 =	rddreg [dreg:$0xa];
	[sflag:s5] =	ssyncset.done $0x0  }
0x33: {  	s0 =	rddreg [dreg:$0xb];
	[sflag:s5] =	ssyncadd.s32 $0xFFFFFC00  }
0x34: {  	[spmem:s2] =	stream.indirect.scatter.add.f32 [tilespmem:s0], [sflag:$0x1], $0x10, s26, s8, $0xb8;
	[tilespmem:$0x7440] =	vst v63  }
0x35: {  	_ =	swait.ge [sflag:s5], $0x400  }
0x36: {  	s11 =	rddreg [dreg:$0xc];
	[sflag:s5] =	ssyncset.done $0x0  }
0x37: {  	s12 =	rddreg [dreg:$0xd];
	[sflag:s5] =	ssyncadd.s32 $0xFFFFFC00  }
0x38: {  	[spmem:s2] =	stream.indirect.scatter.add.f32 [tilespmem:s12], [sflag:$0x1], $0x10, s11, s8, $0xb8;
	[tilespmem:$0x7440] =	vst v63  }
0x39: {  	_ =	swait.ge [sflag:s5], $0x400  }
0x3a: {  	s13 =	rddreg [dreg:$0xe];
	[sflag:s5] =	ssyncset.done $0x0  }
0x3b: {  	s14 =	rddreg [dreg:$0xf];
	[sflag:s5] =	ssyncadd.s32 $0xFFFFFC00  }
0x3c: {  	[spmem:s2] =	stream.indirect.scatter.add.f32 [tilespmem:s14], [sflag:$0x1], $0x10, s13, s8, $0xb8;
	[tilespmem:$0x7440] =	vst v63  }
0x3d: {  	_ =	swait.ge [sflag:s5], $0x400  }
0x3e: {  	s15 =	rddreg [dreg:$0x10];
	[sflag:s5] =	ssyncset.done $0x0  }
0x3f: {  	s16 =	rddreg [dreg:$0x11];
	[sflag:s5] =	ssyncadd.s32 $0xFFFFFC00  }
0x40: {  	[spmem:s2] =	stream.indirect.scatter.add.f32 [tilespmem:s16], [sflag:$0x1], $0x10, s15, s8, $0xb8;
	[tilespmem:$0x7440] =	vst v63  }
0x41: {  	_ =	swait.ge [sflag:s5], $0x400  }
0x42: {  	s17 =	rddreg [dreg:$0x12];
	[sflag:s5] =	ssyncset.done $0x0  }
0x43: {  	s18 =	rddreg [dreg:$0x13];
	[sflag:s5] =	ssyncadd.s32 $0xFFFFFC00  }
0x44: {  	[spmem:s2] =	stream.indirect.scatter.add.f32 [tilespmem:s18], [sflag:$0x1], $0x10, s17, s8, $0xb8;
	[tilespmem:$0x7440] =	vst v63  }
0x45: {  	_ =	swait.ge [sflag:s5], $0x400  }
0x46: {  	s19 =	rddreg [dreg:$0x14];
	[sflag:s5] =	ssyncset.done $0x0  }
0x47: {  	s20 =	rddreg [dreg:$0x15];
	[sflag:s5] =	ssyncadd.s32 $0xFFFFFC00  }
0x48: {  	[spmem:s2] =	stream.indirect.scatter.add.f32 [tilespmem:s20], [sflag:$0x1], $0x10, s19, s8, $0xb8;
	[tilespmem:$0x7440] =	vst v63  }
0x49: {  	_ =	swait.ge [sflag:s5], $0x400  }
0x4a: {  	s21 =	rddreg [dreg:$0x16];
	[sflag:s5] =	ssyncset.done $0x0  }
0x4b: {  	s22 =	rddreg [dreg:$0x17];
	[sflag:s5] =	ssyncadd.s32 $0xFFFFFC00  }
0x4c: {  	[spmem:s2] =	stream.indirect.scatter.add.f32 [tilespmem:s22], [sflag:$0x1], $0x10, s21, s8, $0xb8;
	[tilespmem:$0x7440] =	vst v63  }
0x4d: {  	_ =	swait.ge [sflag:s5], $0x400  }
0x4e: {  	[sflag:s5] =	ssyncset.done $0x0  }
0x4f: {  	s26 =	simm.s32 $0x2800;
	s23 =	rddreg [dreg:$0x18];
	[sflag:s5] =	ssyncadd.s32 $0xFFFFFC00  }
0x50: {  	[spmem:s2] =	stream.indirect.scatter.add.f32 [tilespmem:s26], [sflag:$0x1], $0x10, s23, s8, $0xb8;
	[tilespmem:$0x7440] =	vst v63  }
0x51: {  	_ =	swait.ge [sflag:s5], $0x400  }
0x52: {  	[sflag:s5] =	ssyncset.done $0x0  }
0x53: {  	s10 =	simm.s32 $0x56C0;
	s11 =	simm.s32 $0x2C00;
	[sflag:s5] =	ssyncadd.s32 $0xFFFFFC00  }
0x54: {  	[spmem:s2] =	stream.indirect.scatter.add.f32 [tilespmem:s11], [sflag:$0x1], $0x10, s10, s8, $0xb8;
	[tilespmem:$0x7440] =	vst v63  }
0x55: {  	_ =	swait.ge [sflag:s5], $0x400  }
0x56: {  	[sflag:s5] =	ssyncset.done $0x0  }
0x57: {  	s12 =	simm.s32 $0x5700;
	s13 =	simm.s32 $0x3000;
	[sflag:s5] =	ssyncadd.s32 $0xFFFFFC00  }
0x58: {  	[spmem:s2] =	stream.indirect.scatter.add.f32 [tilespmem:s13], [sflag:$0x1], $0x10, s12, s8, $0xb8;
	[tilespmem:$0x7440] =	vst v63  }
0x59: {  	_ =	swait.ge [sflag:s5], $0x400  }
0x5a: {  	[sflag:s5] =	ssyncset.done $0x0  }
0x5b: {  	s14 =	simm.s32 $0x5740;
	s15 =	simm.s32 $0x3400;
	[sflag:s5] =	ssyncadd.s32 $0xFFFFFC00  }
0x5c: {  	[spmem:s2] =	stream.indirect.scatter.add.f32 [tilespmem:s15], [sflag:$0x1], $0x10, s14, s8, $0xb8;
	[tilespmem:$0x7440] =	vst v63  }
0x5d: {  	_ =	swait.ge [sflag:s5], $0x400  }
0x5e: {  	[sflag:s5] =	ssyncset.done $0x0  }
0x5f: {  	s16 =	simm.s32 $0x5780;
	s17 =	simm.s32 $0x3800;
	[sflag:s5] =	ssyncadd.s32 $0xFFFFFC00  }
0x60: {  	[spmem:s2] =	stream.indirect.scatter.add.f32 [tilespmem:s17], [sflag:$0x1], $0x10, s16, s8, $0xb8;
	[tilespmem:$0x7440] =	vst v63  }
0x61: {  	_ =	swait.ge [sflag:s5], $0x400  }
0x62: {  	[sflag:s5] =	ssyncset.done $0x0  }
0x63: {  	s18 =	simm.s32 $0x57C0;
	s19 =	simm.s32 $0x3C00;
	[sflag:s5] =	ssyncadd.s32 $0xFFFFFC00  }
0x64: {  	[spmem:s2] =	stream.indirect.scatter.add.f32 [tilespmem:s19], [sflag:$0x1], $0x10, s18, s8, $0xb8;
	[tilespmem:$0x7440] =	vst v63  }
0x65: {  	_ =	swait.ge [sflag:s5], $0x400  }
0x66: {  	[sflag:s5] =	ssyncset.done $0x0  }
0x67: {  	s20 =	simm.s32 $0x5800;
	s21 =	simm.s32 $0x4000;
	[sflag:s5] =	ssyncadd.s32 $0xFFFFFC00  }
0x68: {  	[spmem:s2] =	stream.indirect.scatter.add.f32 [tilespmem:s21], [sflag:$0x1], $0x10, s20, s8, $0xb8;
	[tilespmem:$0x7440] =	vst v63  }
0x69: {  	_ =	swait.ge [sflag:s5], $0x400  }
0x6a: {  	s28 =	smul.u32 $0x3600, s24;
	s29 =	ssub.s32 $0x2, s24;
	[sflag:s5] =	ssyncset.done $0x0  }
0x6b: {  	s22 =	simm.s32 $0x5840;
	s23 =	simm.s32 $0x4400;
	[sflag:s5] =	ssyncadd.s32 $0xFFFFFC00  }
0x6c: {  	[spmem:s2] =	stream.indirect.scatter.add.f32 [tilespmem:s23], [sflag:$0x1], $0x10, s22, s8, $0xb8;
	[tilespmem:$0x7440] =	vst v63  }
0x6d: {  	s1 =	sadd.s32 s28, s1;
	s28 =	sshrl.u32 s29, $0x1;
	_ =	swait.ge [sflag:s5], $0x400  }
0x6e: {  	s24 =	simm.s32 $0x5880;
	s28 =	ssub.s32 s29, s28;
	[sflag:s5] =	ssyncset.done $0x0  }
0x6f: {  	s9 =	smax.u32 s28, $0x1;
	s26 =	simm.s32 $0x4800;
	[sflag:s5] =	ssyncadd.s32 $0xFFFFFC00  }
0x70: {  	[spmem:s2] =	stream.indirect.scatter.add.f32 [tilespmem:s26], [sflag:$0x1], $0x10, s24, s8, $0xb8;
	[tilespmem:$0x7440] =	vst v63  }
0x71: {  	p0 =	sne.s32 s9, $0x1;
	_ =	swait.ge [sflag:s5], $0x400  }
.Ltmp0:
0x72: {  	s1 =	sadd.s32 $0x1DE00, s1;
	[sflag:s5] =	ssyncset.done $0x0;
	(pc) =	sbr.rel @!p0 .LBB2_2-.Ltmp0, $4  }
0x73: {  	s29 =	simm.s32 $0x4C00;
	s28 =	simm.s32 $0x58C0;
	[sflag:s5] =	ssyncadd.s32 $0xFFFFFC00  }
0x74: {  	[spmem:s2] =	stream.indirect.scatter.add.f32 [tilespmem:s29], [sflag:$0x1], $0x10, s28, s8, $0xb8;
	[tilespmem:$0x7440] =	vst v63  }
0x75: {  	s31 =	simm.s32 $0x5900;
	s25 =	sadd.s32 s25, s1;
	_ =	swait.ge [sflag:s5], $0x400  }
0x76: {  	s1 =	simm.s32 $0x5000;
	s30 =	sadd.s32 $0xFFFFFFFF, s9;
	[sflag:s5] =	ssyncset.done $0x0  }
.LBB2_1:
0x77: {  	[sflag:s5] =	ssyncadd.s32 $0xFFFFFC00  }
0x78: {  	[spmem:s2] =	stream.indirect.scatter.add.f32 [tilespmem:s1], [sflag:$0x1], $0x10, s31, s8, $0xb8;
	[tilespmem:$0x7440] =	vst v63  }
0x79: {  	_ =	swait.ge [sflag:s5], $0x400  }
0x7a: {  	[sflag:s5] =	ssyncset.done $0x0  }
0x7b: {  	[sflag:s5] =	ssyncadd.s32 $0xFFFFFC00  }
0x7c: {  	[bflag:$0x0] =	sbarrier.arrive $0xFFFF  }
0x7d: {  	[hbm:s25], [sflag:s4] =	dma.local [spmem:s6], $0x360  }
0x7e: {  	_ =	swait.ge [sflag:s5], $0x360  }
0x7f: {  	[sflag:s5] =	ssyncset.done $0x0  }
0x80: {  	s0 =	rddreg [dreg:$0x3];
	[sflag:s5] =	ssyncadd.s32 $0xFFFFFCA0  }
0x81: {  	[spmem:s6], [sflag:s4] =	dma.local [hbm:s0], $0x360  }
0x82: {  	_ =	swait.ge [sflag:s5], $0x360  }
0x83: {  	[sflag:s5] =	ssyncset.done $0x0  }
0x84: {  	s9 =	rddreg [dreg:$0x4];
	[sflag:s5] =	ssyncadd.s32 $0xFFFFFCA0  }
0x85: {  	[tilespmem:s3], [sflag:$0x1] =	stream.linear.gather [hbm4b:s9+s3], $0x5400, $0x38;
	[tilespmem:$0x7440] =	vst v63  }
0x86: {  	_ =	swait.ge [sflag:s5], $0x5400  }
0x87: {  	[sflag:s5] =	ssyncset.done $0x0  }
0x88: {  	s9 =	rddreg [dreg:$0x5];
	[sflag:s5] =	ssyncadd.s32 $0xFFFFAC00  }
0x89: {  	[tilespmem:s7], [sflag:$0x1] =	stream.linear.gather [hbm4b:s9+s3], $0x540, $0x38;
	[tilespmem:$0x7440] =	vst v63  }
0x8a: {  	_ =	swait.ge [sflag:s5], $0x540  }
0x8b: {  	[sflag:s5] =	ssyncset.done $0x0  }
0x8c: {  	[sflag:s5] =	ssyncadd.s32 $0xFFFFFAC0  }
0x8d: {  	[bflag:$0x0] =	sbarrier.arrive $0xFFFF  }
0x8e: {  	[spmem:s2] =	stream.indirect.scatter.add.f32 [tilespmem:s3], [sflag:$0x1], $0x10, s7, s8, $0xb8;
	[tilespmem:$0x7440] =	vst v63  }
0x8f: {  	_ =	swait.ge [sflag:s5], $0x400  }
0x90: {  	s0 =	rddreg [dreg:$0x6];
	[sflag:s5] =	ssyncset.done $0x0  }
0x91: {  	s9 =	rddreg [dreg:$0x7];
	[sflag:s5] =	ssyncadd.s32 $0xFFFFFC00  }
0x92: {  	[spmem:s2] =	stream.indirect.scatter.add.f32 [tilespmem:s9], [sflag:$0x1], $0x10, s0, s8, $0xb8;
	[tilespmem:$0x7440] =	vst v63  }
0x93: {  	_ =	swait.ge [sflag:s5], $0x400  }
0x94: {  	[sflag:s5] =	ssyncset.done $0x0;
	s0 =	rddreg [dreg:$0x8]  }
0x95: {  	s9 =	rddreg [dreg:$0x9];
	[sflag:s5] =	ssyncadd.s32 $0xFFFFFC00  }
0x96: {  	[spmem:s2] =	stream.indirect.scatter.add.f32 [tilespmem:s9], [sflag:$0x1], $0x10, s0, s8, $0xb8;
	[tilespmem:$0x7440] =	vst v63  }
0x97: {  	_ =	swait.ge [sflag:s5], $0x400  }
0x98: {  	[sflag:s5] =	ssyncset.done $0x0;
	s0 =	rddreg [dreg:$0xa]  }
0x99: {  	s9 =	rddreg [dreg:$0xb];
	[sflag:s5] =	ssyncadd.s32 $0xFFFFFC00  }
0x9a: {  	[spmem:s2] =	stream.indirect.scatter.add.f32 [tilespmem:s9], [sflag:$0x1], $0x10, s0, s8, $0xb8;
	[tilespmem:$0x7440] =	vst v63  }
0x9b: {  	_ =	swait.ge [sflag:s5], $0x400  }
0x9c: {  	[sflag:s5] =	ssyncset.done $0x0;
	s0 =	rddreg [dreg:$0xc]  }
0x9d: {  	s9 =	rddreg [dreg:$0xd];
	[sflag:s5] =	ssyncadd.s32 $0xFFFFFC00  }
0x9e: {  	[spmem:s2] =	stream.indirect.scatter.add.f32 [tilespmem:s9], [sflag:$0x1], $0x10, s0, s8, $0xb8;
	[tilespmem:$0x7440] =	vst v63  }
0x9f: {  	_ =	swait.ge [sflag:s5], $0x400  }
0xa0: {  	[sflag:s5] =	ssyncset.done $0x0;
	s0 =	rddreg [dreg:$0xe]  }
0xa1: {  	s9 =	rddreg [dreg:$0xf];
	[sflag:s5] =	ssyncadd.s32 $0xFFFFFC00  }
0xa2: {  	[spmem:s2] =	stream.indirect.scatter.add.f32 [tilespmem:s9], [sflag:$0x1], $0x10, s0, s8, $0xb8;
	[tilespmem:$0x7440] =	vst v63  }
0xa3: {  	_ =	swait.ge [sflag:s5], $0x400  }
0xa4: {  	[sflag:s5] =	ssyncset.done $0x0;
	s0 =	rddreg [dreg:$0x10]  }
0xa5: {  	s9 =	rddreg [dreg:$0x11];
	[sflag:s5] =	ssyncadd.s32 $0xFFFFFC00  }
0xa6: {  	[spmem:s2] =	stream.indirect.scatter.add.f32 [tilespmem:s9], [sflag:$0x1], $0x10, s0, s8, $0xb8;
	[tilespmem:$0x7440] =	vst v63  }
0xa7: {  	_ =	swait.ge [sflag:s5], $0x400  }
0xa8: {  	[sflag:s5] =	ssyncset.done $0x0;
	s0 =	rddreg [dreg:$0x12]  }
0xa9: {  	s9 =	rddreg [dreg:$0x13];
	[sflag:s5] =	ssyncadd.s32 $0xFFFFFC00  }
0xaa: {  	[spmem:s2] =	stream.indirect.scatter.add.f32 [tilespmem:s9], [sflag:$0x1], $0x10, s0, s8, $0xb8;
	[tilespmem:$0x7440] =	vst v63  }
0xab: {  	_ =	swait.ge [sflag:s5], $0x400  }
0xac: {  	[sflag:s5] =	ssyncset.done $0x0;
	s0 =	rddreg [dreg:$0x14]  }
0xad: {  	s9 =	rddreg [dreg:$0x15];
	[sflag:s5] =	ssyncadd.s32 $0xFFFFFC00  }
0xae: {  	[spmem:s2] =	stream.indirect.scatter.add.f32 [tilespmem:s9], [sflag:$0x1], $0x10, s0, s8, $0xb8;
	[tilespmem:$0x7440] =	vst v63  }
0xaf: {  	_ =	swait.ge [sflag:s5], $0x400  }
0xb0: {  	[sflag:s5] =	ssyncset.done $0x0;
	s0 =	rddreg [dreg:$0x16]  }
0xb1: {  	s9 =	rddreg [dreg:$0x17];
	[sflag:s5] =	ssyncadd.s32 $0xFFFFFC00  }
0xb2: {  	[spmem:s2] =	stream.indirect.scatter.add.f32 [tilespmem:s9], [sflag:$0x1], $0x10, s0, s8, $0xb8;
	[tilespmem:$0x7440] =	vst v63  }
0xb3: {  	_ =	swait.ge [sflag:s5], $0x400  }
0xb4: {  	[sflag:s5] =	ssyncset.done $0x0  }
0xb5: {  	s9 =	simm.s32 $0x2800;
	s0 =	rddreg [dreg:$0x18];
	[sflag:s5] =	ssyncadd.s32 $0xFFFFFC00  }
0xb6: {  	[spmem:s2] =	stream.indirect.scatter.add.f32 [tilespmem:s9], [sflag:$0x1], $0x10, s0, s8, $0xb8;
	[tilespmem:$0x7440] =	vst v63  }
0xb7: {  	_ =	swait.ge [sflag:s5], $0x400  }
0xb8: {  	[sflag:s5] =	ssyncset.done $0x0  }
0xb9: {  	[sflag:s5] =	ssyncadd.s32 $0xFFFFFC00  }
0xba: {  	[spmem:s2] =	stream.indirect.scatter.add.f32 [tilespmem:s11], [sflag:$0x1], $0x10, s10, s8, $0xb8;
	[tilespmem:$0x7440] =	vst v63  }
0xbb: {  	_ =	swait.ge [sflag:s5], $0x400  }
0xbc: {  	[sflag:s5] =	ssyncset.done $0x0  }
0xbd: {  	[sflag:s5] =	ssyncadd.s32 $0xFFFFFC00  }
0xbe: {  	[spmem:s2] =	stream.indirect.scatter.add.f32 [tilespmem:s13], [sflag:$0x1], $0x10, s12, s8, $0xb8;
	[tilespmem:$0x7440] =	vst v63  }
0xbf: {  	_ =	swait.ge [sflag:s5], $0x400  }
0xc0: {  	[sflag:s5] =	ssyncset.done $0x0  }
0xc1: {  	[sflag:s5] =	ssyncadd.s32 $0xFFFFFC00  }
0xc2: {  	[spmem:s2] =	stream.indirect.scatter.add.f32 [tilespmem:s15], [sflag:$0x1], $0x10, s14, s8, $0xb8;
	[tilespmem:$0x7440] =	vst v63  }
0xc3: {  	_ =	swait.ge [sflag:s5], $0x400  }
0xc4: {  	[sflag:s5] =	ssyncset.done $0x0  }
0xc5: {  	[sflag:s5] =	ssyncadd.s32 $0xFFFFFC00  }
0xc6: {  	[spmem:s2] =	stream.indirect.scatter.add.f32 [tilespmem:s17], [sflag:$0x1], $0x10, s16, s8, $0xb8;
	[tilespmem:$0x7440] =	vst v63  }
0xc7: {  	_ =	swait.ge [sflag:s5], $0x400  }
0xc8: {  	[sflag:s5] =	ssyncset.done $0x0  }
0xc9: {  	[sflag:s5] =	ssyncadd.s32 $0xFFFFFC00  }
0xca: {  	[spmem:s2] =	stream.indirect.scatter.add.f32 [tilespmem:s19], [sflag:$0x1], $0x10, s18, s8, $0xb8;
	[tilespmem:$0x7440] =	vst v63  }
0xcb: {  	_ =	swait.ge [sflag:s5], $0x400  }
0xcc: {  	[sflag:s5] =	ssyncset.done $0x0  }
0xcd: {  	[sflag:s5] =	ssyncadd.s32 $0xFFFFFC00  }
0xce: {  	[spmem:s2] =	stream.indirect.scatter.add.f32 [tilespmem:s21], [sflag:$0x1], $0x10, s20, s8, $0xb8;
	[tilespmem:$0x7440] =	vst v63  }
0xcf: {  	_ =	swait.ge [sflag:s5], $0x400  }
0xd0: {  	[sflag:s5] =	ssyncset.done $0x0  }
0xd1: {  	[sflag:s5] =	ssyncadd.s32 $0xFFFFFC00  }
0xd2: {  	[spmem:s2] =	stream.indirect.scatter.add.f32 [tilespmem:s23], [sflag:$0x1], $0x10, s22, s8, $0xb8;
	[tilespmem:$0x7440] =	vst v63  }
0xd3: {  	_ =	swait.ge [sflag:s5], $0x400  }
0xd4: {  	[sflag:s5] =	ssyncset.done $0x0  }
0xd5: {  	[sflag:s5] =	ssyncadd.s32 $0xFFFFFC00  }
0xd6: {  	[spmem:s2] =	stream.indirect.scatter.add.f32 [tilespmem:s26], [sflag:$0x1], $0x10, s24, s8, $0xb8;
	[tilespmem:$0x7440] =	vst v63  }
0xd7: {  	p0 =	sne.s32 s30, $0x1;
	_ =	swait.ge [sflag:s5], $0x400  }
.Ltmp1:
0xd8: {  	[sflag:s5] =	ssyncset.done $0x0;
	(pc) =	sbr.rel @p0 .LBB2_1-.Ltmp1, $4  }
0xd9: {  	[sflag:s5] =	ssyncadd.s32 $0xFFFFFC00  }
0xda: {  	[spmem:s2] =	stream.indirect.scatter.add.f32 [tilespmem:s29], [sflag:$0x1], $0x10, s28, s8, $0xb8;
	[tilespmem:$0x7440] =	vst v63  }
0xdb: {  	_ =	swait.ge [sflag:s5], $0x400  }
0xdc: {  	s30 =	sadd.s32 $0xFFFFFFFF, s30;
	[sflag:s5] =	ssyncset.done $0x0  }
.LBB2_2:
0xdd: {  	[sflag:s5] =	ssyncadd.s32 $0xFFFFFC00  }
0xde: {  	[spmem:s2] =	stream.indirect.scatter.add.f32 [tilespmem:s1], [sflag:$0x1], $0x10, s31, s8, $0xb8;
	[tilespmem:$0x7440] =	vst v63  }
0xdf: {  	_ =	swait.ge [sflag:s5], $0x400  }
0xe0: {  	[sflag:s5] =	ssyncset.done $0x0  }
0xe1: {  	[sflag:s5] =	ssyncadd.s32 $0xFFFFFC00  }
0xe2: {  	[bflag:$0x0] =	sbarrier.arrive $0xFFFF  }
0xe3: {  	[hbm:s25], [sflag:s4] =	dma.local [spmem:s6], $0x360  }
0xe4: {  	_ =	swait.ge [sflag:s5], $0x360  }
0xe5: {  	[sflag:s5] =	ssyncset.done $0x0  }
0xe6: {  	[sflag:s5] =	ssyncadd.s32 $0xFFFFFCA0  }
0xe7: {  	_ =	sfence.sel $0x180000  }
0xe8: {  	[bflag:$0x0] =	sbarrier.arrive $0xFFFF  }
0xe9: {  	_ =	strace $0x90000047  }
0xea: {  	s0 =	stileid.u32;
	[bflag:$0x2] =	sbarrier.arrive $0xFFFF  }
0xeb: {  	p0 =	sne.s32 s0, $0x0;
	s0 =	rddreg [dreg:$0x2]  }
0xec: {  	s0 =	sadd.s32 @!p0 $0x100000, s0  }
0xed: {  	[sflag:s0] =	ssyncadd.tile.s32 @!p0 $0x1;
	_ =	shalt  }
.Lfunc_end2:
_tile_overlayer_lowered:
.L_overlay_start_2:
0xee: {  	(tag) =	ssettag $0x2  }
0xef: {  	s0 =	rddreg [dreg:$0x0];
	s2 =	stileid.u32  }
0xf0: {  	s1 =	rddreg [dreg:$0x1];
	p0 =	sne.s32 s2, $0x0  }
0xf1: {  	s3 =	rddreg [dreg:$0x2];
	[bflag:$0x3] =	sbarrier.arrive $0xFFFF;
	s2 =	simm.s32 @!p0 $0x1C01  }
0xf2: {  	[timem:s3], [sflag:s2] =	dma.local @!p0 [hbm:s0], s1  }
0xf3: {  	s0 =	simm.s32 @!p0 $0x1  }
0xf4: {  	_ =	swait.ge @!p0 [sflag:s0], s1  }
0xf5: {  	s1 =	ssub.s32 @!p0 $0x0, s1;
	[sflag:s0] =	ssyncset.done @!p0 $0x0  }
0xf6: {  	[sflag:s0] =	ssyncadd.s32 @!p0 s1  }
0xf7: {  	[bflag:$0x3] =	sbarrier.arrive $0xFFFF  }
0xf8: {  	_ =	shalt  }

// kernel: kernel.18.cloned.1.call-start
scs
__scs_entry_jumppad:
0x0: {  	(pc) =	sbr.rel $0x88, $3  }
0x1: {  	(tag) =	ssettag $0x0;
	lr =	simm.s32 $0x1  }
0x2: {  	[smem:$0x3F91] =	sst lr;
	_ =	strace $0xD0000000  }
0x3: {  	_ = 	snop  }
0x4: {  	_ = 	snop  }
0x5: {  	_ = 	snop  }
0x6: {  	_ = 	snop  }
0x7: {  	_ = 	snop  }
__scs_overlays_trampoline_lowered:
0x8: {  	[smem:$0x3FA0] =	sst s0  }
0x9: {  	[smem:$0x3FA1] =	sst s1  }
0xa: {  	[smem:$0x3FA2] =	sst s2  }
0xb: {  	[smem:$0x3FA3] =	sst s3  }
0xc: {  	[smem:$0x3FA4] =	sst s4  }
0xd: {  	[smem:$0x3FA5] =	sst s5  }
0xe: {  	[smem:$0x3FA6] =	sst s6  }
0xf: {  	[smem:$0x3FA7] =	sst s7  }
0x10: {  	[smem:$0x3FA8] =	sst s8  }
0x11: {  	[smem:$0x3FA9] =	sst s9;
	s0 =	simm.s32 @!p0 $0x0  }
0x12: {  	s1 =	sld [smem:$0x3F8F];
	s0 =	simm.s32 @p0 $0x1  }
0x13: {  	[smem:$0x3FAA] =	sst s0;
	s0 =	simm.s32 @!p1 $0x0  }
0x14: {  	s2 =	sld [smem:$0x3F8E];
	s0 =	simm.s32 @p1 $0x1  }
0x15: {  	[smem:$0x3FAB] =	sst s0;
	s0 =	simm.s32 @!p2 $0x0  }
0x16: {  	s3 =	sld [smem:$0x3FDB];
	s0 =	simm.s32 @p2 $0x1  }
0x17: {  	s4 =	simm.s32 $0x1BF5;
	[smem:$0x3FAD] =	sst s0  }
0x18: {  	s0 =	sld [smem:$0x3F90];
	_ =	swait.ge [sflag:s4], $0x0  }
0x19: {  	s7 =	sld [smem:$0x3F91]  }
0x1a: {  	s8 =	sadd.s32 $0xFFFFE003, lr  }
0x1b: {  	s9 =	sadd.s32 $0xFFFFFEF7, lr;
	s5 =	simm.s32 $0xFFFFFFFF;
	p2 =	slt.u32 s8, $0xFFFFF086  }
0x1c: {  	p1 =	slt.u32 s9, $0xF7A;
	s5 =	simm.s32 @!p2 $0x0  }
0x1d: {  	s5 =	simm.s32 @p1 $0x1;
	p0 =	seq.s32 s7, s2  }
0x1e: {  	s7 =	smul.u32 @!p0 $0xF7A, s2;
	p2 =	seq.s32 @!p0 s5, $0x0  }
0x1f: {  	s9 =	smul.u32 $0xF7A, s1;
	s8 =	simm.s32 @!p0 $0x1BF5;
	p2 =	por !p2, p0  }
0x20: {  	[sflag:s8] =	ssyncset.s32 @!p0 $0xFFFFF086;
	s6 =	sadd.s32 @!p0 s3, s7;
	s7 =	simm.s32 @!p0 $0x108  }
0x21: {  	s3 =	sadd.s32 s3, s9;
	s6 =	sadd.s32 @!p0 $0x88, s6;
	s7 =	simm.s32 @p2 $0x1082  }
0x22: {  	[simem:s7], [sflag:s8] =	dma.local @!p0 [hbm:s6], $0xF7A  }
0x23: {  	s9 =	sor.u32 $0xD0000000, s2;
	s6 =	simm.s32 $0x108;
	_ =	swait.ge @!p0 [sflag:s8], $0x0  }
0x24: {  	s3 =	sadd.s32 $0x88, s3;
	s6 =	simm.s32 @!p1 $0x1082;
	[sflag:s4] =	ssyncset.s32 $0xFFFFF086  }
0x25: {  	[simem:s6], [sflag:s4] =	dma.local [hbm:s3], $0xF7A  }
0x26: {  	[smem:$0x3F91] =	sst s1;
	(tag) =	ssettag s2;
	_ =	strace s9  }
0x27: {  	s1 =	sld [smem:$0x3FA1]  }
0x28: {  	s2 =	sld [smem:$0x3FA2]  }
0x29: {  	s4 =	sld [smem:$0x3FA4]  }
0x2a: {  	p0 =	seq.s32 s5, $0x0;
	s5 =	sld [smem:$0x3FA5]  }
0x2b: {  	s6 =	sld [smem:$0x3FA6]  }
0x2c: {  	s7 =	sld [smem:$0x3FA7]  }
0x2d: {  	s3 =	simm.s32 $0x108;
	s8 =	sld [smem:$0x3FA8]  }
0x2e: {  	s3 =	simm.s32 @!p0 $0x1082;
	s9 =	sld [smem:$0x3FA9]  }
0x2f: {  	lr =	sadd.s32 s0, s3;
	s0 =	sld [smem:$0x3FA0]  }
0x30: {  	s3 =	sld [smem:$0x3FA3]  }
0x31: {  	[smem:$0x3FAC] =	sst s10  }
0x32: {  	s10 =	sld [smem:$0x3FAA];
	_ =	sdelay $0x3  }
0x33: {  	p0 =	seq.s32 s10, $0x1;
	s10 =	sld [smem:$0x3FAC];
	_ =	sdelay $0x3  }
0x34: {  	[smem:$0x3FAC] =	sst s10  }
0x35: {  	s10 =	sld [smem:$0x3FAB];
	_ =	sdelay $0x3  }
0x36: {  	p1 =	seq.s32 s10, $0x1;
	s10 =	sld [smem:$0x3FAC];
	_ =	sdelay $0x3  }
0x37: {  	[smem:$0x3FAC] =	sst s10  }
0x38: {  	s10 =	sld [smem:$0x3FAD]  }
0x39: {  	_ = 	snop;
	(pc) =	sbr.ind lr, $3  }
0x3a: {  	_ = 	snop  }
0x3b: {  	_ = 	snop  }
0x3c: {  	p2 =	seq.s32 s10, $0x1;
	s10 =	sld [smem:$0x3FAC]  }
0x3d: {  	_ =	shalt  }
0x3e: {  	_ =	shalt  }
0x3f: {  	_ =	shalt  }
0x40: {  	_ =	shalt  }
0x41: {  	_ =	shalt  }
0x42: {  	_ =	shalt  }
0x43: {  	_ =	shalt  }
0x44: {  	_ =	shalt  }
0x45: {  	_ =	shalt  }
0x46: {  	_ =	shalt  }
0x47: {  	_ =	shalt  }
0x48: {  	_ =	shalt  }
0x49: {  	_ =	shalt  }
0x4a: {  	_ =	shalt  }
0x4b: {  	_ =	shalt  }
0x4c: {  	_ =	shalt  }
0x4d: {  	_ =	shalt  }
0x4e: {  	_ =	shalt  }
0x4f: {  	_ =	shalt  }
0x50: {  	_ =	shalt  }
0x51: {  	_ =	shalt  }
0x52: {  	_ =	shalt  }
0x53: {  	_ =	shalt  }
0x54: {  	_ =	shalt  }
0x55: {  	_ =	shalt  }
0x56: {  	_ =	shalt  }
0x57: {  	_ =	shalt  }
0x58: {  	_ =	shalt  }
0x59: {  	_ =	shalt  }
0x5a: {  	_ =	shalt  }
0x5b: {  	_ =	shalt  }
0x5c: {  	_ =	shalt  }
0x5d: {  	_ =	shalt  }
0x5e: {  	_ =	shalt  }
0x5f: {  	_ =	shalt  }
0x60: {  	_ =	shalt  }
0x61: {  	_ =	shalt  }
0x62: {  	_ =	shalt  }
0x63: {  	_ =	shalt  }
0x64: {  	_ =	shalt  }
0x65: {  	_ =	shalt  }
0x66: {  	_ =	shalt  }
0x67: {  	_ =	shalt  }
0x68: {  	_ =	shalt  }
0x69: {  	_ =	shalt  }
0x6a: {  	_ =	shalt  }
0x6b: {  	_ =	shalt  }
0x6c: {  	_ =	shalt  }
0x6d: {  	_ =	shalt  }
0x6e: {  	_ =	shalt  }
0x6f: {  	_ =	shalt  }
0x70: {  	_ =	shalt  }
0x71: {  	_ =	shalt  }
0x72: {  	_ =	shalt  }
0x73: {  	_ =	shalt  }
0x74: {  	_ =	shalt  }
0x75: {  	_ =	shalt  }
0x76: {  	_ =	shalt  }
0x77: {  	_ =	shalt  }
0x78: {  	_ =	shalt  }
0x79: {  	_ =	shalt  }
0x7a: {  	_ =	shalt  }
0x7b: {  	_ =	shalt  }
0x7c: {  	_ =	shalt  }
0x7d: {  	_ =	shalt  }
0x7e: {  	_ =	shalt  }
0x7f: {  	_ =	shalt  }
0x80: {  	_ =	shalt  }
0x81: {  	_ =	shalt  }
0x82: {  	_ =	shalt  }
0x83: {  	_ =	shalt  }
0x84: {  	_ =	shalt  }
0x85: {  	_ =	shalt  }
0x86: {  	_ =	shalt  }
0x87: {  	_ =	shalt  }
.Lfunc_end0:
.L_simem_size_0:
called_computation.1_lowered:
.L_overlay_start_0:
0x88: {  	s2 =	sld [smem:$0x3FD9]  }
0x89: {  	s3 =	sld [smem:$0x3FFE];
	_ =	sdelay $0x1  }
0x8a: {  	s1 =	srdreg.scid  }
0x8b: {  	s0 =	sand.u32 $0x1, s1  }
0x8c: {  	s17 =	sshll.u32 s0, $0xA;
	s2 =	sadd.s32 s3, s2  }
0x8d: {  	s2 =	sadd.s32 s2, s17  }
0x8e: {  	[smem:$0x3FB8] =	sst s2  }
0x8f: {  	_ = 	snop  }
0x90: {  	s18 =	sld [smem:$0x3FD0];
	(tm) =	ssettm $0x1  }
0x91: {  	s19 =	sld [smem:$0x3FFB];
	_ =	sdelay $0x3  }
0x92: {  	_ =	strace s19  }
0x93: {  	s2 =	sld [smem:$0x3FFC];
	_ =	sdelay $0x3  }
0x94: {  	_ =	strace s2  }
0x95: {  	s2 =	sld [smem:$0x3FFD];
	_ =	sdelay $0x3  }
0x96: {  	_ =	strace s2  }
0x97: {  	_ =	strace $0x8FFFFFFF  }
0x98: {  	s20 =	sld [smem:$0x3FDB];
	_ =	sdelay $0x1  }
0x99: {  	s4 =	simm.s32 $_scs_section_size  }
0x9a: {  	s5 =	simm.s32 $_size__tile_overlayer_lowered;
	s6 =	simm.s32 $_tile_overlayer_lowered  }
0x9b: {  	s7 =	simm.s32 $0x1BFF;
	s21 =	sshll.u32 s6, $0x1;
	s4 =	sadd.s32 s4, s20  }
0x9c: {  	s22 =	simm.s32 $0x0;
	s5 =	sshll.u32 s5, $0x1;
	s6 =	sadd.s32 s21, s4  }
0x9d: {  	[timem:s22], [sflag:s7] =	dma.local [hbm:s6], s5  }
0x9e: {  	_ =	swait.ge [sflag:s7], s5  }
0x9f: {  	s5 =	ssub.s32 $0x0, s5;
	[sflag:s7] =	ssyncset.done $0x0  }
0xa0: {  	[sflag:s7] =	ssyncadd.s32 s5;
	_ =	sdelay $0x1  }
0xa1: {  	s23 =	simm.s32 $0x1B8B  }
0xa2: {  	_ =	swait.ge [sflag:s23], $0x1  }
0xa3: {  	[sflag:s23] =	ssyncset.done $0x0  }
0xa4: {  	[sflag:s23] =	ssyncadd.s32 $0xFFFFFFFF  }
0xa5: {  	s5 =	sld [smem:$0x0]  }
0xa6: {  	s6 =	sand.u32 $0xFFFFFFFE, s1  }
0xa7: {  	p0 =	sne.s32 s1, s6  }
0xa8: {  	s6 =	sshll.u32 @p0 s6, $0xE  }
0xa9: {  	s6 =	sadd.s32 @p0 $0x11B8D, s6;
	s7 =	sshll.u32 @p0 s5, $0x11  }
0xaa: {  	s6 =	sor.u32 @p0 s7, s6  }
0xab: {  	[sflag:s6] =	ssyncadd.remote.s32 @p0 $0x1;
	_ =	sdelay $0x1  }
0xac: {  	s6 =	simm.s32 @p0 $0x1B8D  }
0xad: {  	_ =	swait.eq @p0 [sflag:s6], $0x1  }
0xae: {  	[sflag:s6] =	ssyncadd.s32 @p0 $0xFFFFFFFF  }
0xaf: {  	s7 =	sshll.u32 @!p0 s1, $0xE  }
0xb0: {  	s7 =	sor.u32 @!p0 $0x4000, s7;
	s6 =	simm.s32 @!p0 $0x1B8D  }
0xb1: {  	s5 =	sshll.u32 @!p0 s5, $0x11;
	s7 =	sadd.s32 @!p0 $0x11B8D, s7;
	_ =	swait.eq @!p0 [sflag:s6], $0x1  }
0xb2: {  	s5 =	sor.u32 @!p0 s5, s7;
	[sflag:s6] =	ssyncadd.s32 @!p0 $0xFFFFFFFF  }
0xb3: {  	s25 =	simm.s32 $0x1B8E;
	s24 =	sld [smem:$0x3FFE];
	[sflag:s5] =	ssyncadd.remote.s32 @!p0 $0x1  }
0xb4: {  	s26 =	simm.s32 $execute0_lowered;
	[smem:$0x3FD2] =	sst s25  }
0xb5: {  	s6 =	sshll.u32 s26, $0x1;
	_ =	strace $0x80000049;
	[dreg:$0x1] =	wrdreg $0xFFFFFFFF  }
0xb6: {  	s28 =	simm.s32 $_size_execute0_lowered;
	s4 =	sadd.s32 s4, s6;
	[dreg:$0x0] =	wrdreg $0x0  }
0xb7: {  	s6 =	sshll.u32 s28, $0x1;
	[dreg:$0x2] =	wrdreg s4  }
0xb8: {  	[dreg:$0x3] =	wrdreg s6  }
0xb9: {  	[dreg:$0x4] =	wrdreg $0xC0  }
0xba: {  	_ =	task [dreg:s22], $0x5FFFF  }
0xbb: {  	[dreg:$0x1] =	wrdreg $0xFFFFFFFF  }
0xbc: {  	[dreg:$0x0] =	wrdreg $0x60  }
0xbd: {  	[dreg:$0x2] =	wrdreg s24  }
0xbe: {  	[dreg:$0x3] =	wrdreg s18  }
0xbf: {  	[dreg:$0x4] =	wrdreg $0x81400  }
0xc0: {  	[dreg:$0x5] =	wrdreg $0xA  }
0xc1: {  	_ =	task.clear_ibuf [dreg:s22], $0x6FFFF;
	_ =	strace $0x90000049  }
0xc2: {  	s29 =	simm.s32 $0xA;
	_ =	strace $0x8000004B  }
0xc3: {  	_ =	swait.ge [sflag:s29], $0x1  }
0xc4: {  	[sflag:s29] =	ssyncadd.s32 $0xFFFFFFFF  }
0xc5: {  	_ =	strace $0x9000004B  }
0xc6: {  	_ =	sfence  }
0xc7: {  	s30 =	sld [smem:$0x0];
	_ =	sdelay $0x2  }
0xc8: {  	s31 =	sshll.u32 s1, $0xD;
	s1 =	sshrl.u32 s1, $0x2  }
0xc9: {  	s4 =	sand.u32 $0x4000, s31;
	s1 =	sadd.s32 s1, s30  }
0xca: {  	s0 =	sor.u32 s4, s0;
	s1 =	sshll.u32 s1, $0x11  }
0xcb: {  	s0 =	sor.u32 s1, s0  }
0xcc: {  	s0 =	sadd.s32 $0x8F2B, s0  }
0xcd: {  	[sflag:s0] =	ssyncadd.remote.s32 $0x1  }
0xce: {  	_ =	sfence.sel $0xFFFF  }
0xcf: {  	[dreg:$0x0] =	wrdreg $0xFFFFFFFF;
	(pc) =	sbr.abs _section_cstart, $3  }
0xd0: {  	[dreg:$0x1] =	wrdreg $0xFFFFFFFF  }
0xd1: {  	_ =	task.clear_ibuf [dreg:s22], $0x2FFFF;
	_ =	strace $0x9FFFFFFF  }
0xd2: {  	(tm) =	ssettm $0x7FFFFFFF  }
0xd3: {  	_ =	shalt  }
tec
execute0_lowered:
.L_overlay_start_1:
0x0: {  	(tag) =	ssettag $0x1  }
0x1: {  	s0 =	rddreg [dreg:$0x0];
	s1 =	srdreg.scid  }
0x2: {  	s14 =	stileid.u32;
	s10 =	rddreg [dreg:$0x1]  }
0x3: {  	s2 =	rddreg [dreg:$0x2];
	s15 =	simm.s32 $0x80;
	s16 =	simm.s32 $0x5940  }
0x4: {  	s17 =	simm.s32 $0x1;
	s18 =	simm.s32 $0x6940;
	s19 =	simm.s32 $0x40  }
0x5: {  	s20 =	simm.s32 $0x7940;
	s22 =	simm.s32 $0x0;
	s1 =	sand.u32 $0x1, s1  }
0x6: {  	s3 =	sshll.u32 s14, $0x1;
	s7 =	smul.u32 $0x3600, s14;
	s28 =	sshll.u32 s14, $0x6  }
0x7: {  	s4 =	sor.u32 s1, s3;
	s25 =	ssub.s32 $0x2, s1;
	s1 =	smul.u32 $0x6C00, s1  }
0x8: {  	s14 =	simm.s32 $0x2F40;
	s3 =	simm.s32 $0x0;
	s5 =	smul.u32 $0x540, s4  }
0x9: {  	[smem:$0x7FF] =	sst s3;
	s6 =	smul.u32 $0xA8, s4;
	s4 =	sadd.s32 $0x39A00, s0  }
0xa: {  	s13 =	sshrl.u32 s7, $0x3;
	s26 =	sshrl.u32 s25, $0x1;
	s12 =	sadd.s32 s7, s2  }
0xb: {  	_ =	strace $0x8000004A;
	s11 =	ssub.s32 s25, s26;
	s31 =	sadd.s32 s10, s1  }
0xc: {  	s9 =	sadd.s32 s5, s0;
	s8 =	sadd.s32 s6, s0;
	s0 =	sadd.s32 s13, s0  }
0xd: {  	s6 =	sor.u32 $0x1C02, s28;
	s10 =	smax.u32 s11, $0x1;
	s0 =	sadd.s32 $0x12CA00, s0  }
0xe: {  	s11 =	sshrl.u32 s12, $0x3;
	s29 =	sadd.s32 $0x24A00, s9;
	[dreg:$0x4] =	wrdreg s0  }
0xf: {  	v0 =	vimm.s32 $0x0;
	vm0 =	vcmask $0x300;
	s12 =	simm.s32 $0x2;
	s30 =	sadd.s32 $0x4200, s8;
	[dreg:$0x5] =	wrdreg s29  }
0x10: {  	v0 =	vsel vm0, $0x3, v0;
	s21 =	sadd.s32 s13, s31;
	s9 =	sadd.s32 $0x2F200, s9;
	[dreg:$0x6] =	wrdreg s30  }
.LBB2_1:
0x11: {  	s0 =	rddreg [dreg:$0x4]  }
0x12: {  	[spmem:s11], [sflag:s6] =	dma.local [hbm:s0], $0x6C0  }
0x13: {  	_ =	swait.ge [sflag:s12], $0x6C0  }
0x14: {  	[sflag:s12] =	ssyncset.done $0x0  }
0x15: {  	s30 =	rddreg [dreg:$0x5];
	[sflag:s12] =	ssyncadd.s32 $0xFFFFF940  }
0x16: {  	[tilespmem:s3], [sflag:$0x2] =	stream.linear.gather [hbm4b:s30+s3], $0x2A00, $0x38;
	[tilespmem:$0xB740] =	vst v63  }
0x17: {  	_ =	swait.ge [sflag:s12], $0x2A00  }
0x18: {  	[sflag:s12] =	ssyncset.done $0x0  }
0x19: {  	s1 =	simm.s32 $0x2A00;
	s31 =	rddreg [dreg:$0x6];
	[sflag:s12] =	ssyncadd.s32 $0xFFFFD600  }
0x1a: {  	[tilespmem:s1], [sflag:$0x2] =	stream.linear.gather [hbm4b:s31+s3], $0x540, $0x38;
	[tilespmem:$0xB740] =	vst v63  }
0x1b: {  	_ =	swait.ge [sflag:s12], $0x540  }
0x1c: {  	[sflag:s12] =	ssyncset.done $0x0  }
0x1d: {  	[sflag:s12] =	ssyncadd.s32 $0xFFFFFAC0  }
0x1e: {  	[tilespmem:s14], [sflag:$0x2] =	stream.linear.gather [hbm4b:s9+s3], $0x2A00, $0x38;
	[tilespmem:$0xB740] =	vst v63  }
0x1f: {  	_ =	swait.ge [sflag:s12], $0x2A00  }
0x20: {  	[sflag:s12] =	ssyncset.done $0x0  }
0x21: {  	[sflag:s12] =	ssyncadd.s32 $0xFFFFD600  }
0x22: {  	s23 =	simm.s32 $0x0;
	s24 =	simm.s32 $0x0;
	[bflag:$0x0] =	sbarrier.arrive $0xFFFF  }
.LBB2_2:
0x23: {  	s0 =	sshll.u32 s24, $0x9  }
0x24: {  	s25 =	sand.u32 $0x3FFFFE00, s0  }
0x25: {  	[tilespmem:s16], [sflag:$0x1] =	stream.indirect.gather [hbm4b:s4+s15], $0x20, s25, s15, $0xb8;
	[tilespmem:$0xB740] =	vst v63  }
0x26: {  	_ =	swait.ge [sflag:s17], $0x1000  }
0x27: {  	[sflag:s17] =	ssyncset.done $0x0  }
0x28: {  	s0 =	sor.u32 $0x80, s25;
	[sflag:s17] =	ssyncadd.s32 $0xFFFFF000  }
0x29: {  	[tilespmem:s18], [sflag:$0x1] =	stream.indirect.gather [hbm4b:s4+s15], $0x20, s0, s15, $0xb8;
	[tilespmem:$0xB740] =	vst v63  }
0x2a: {  	s31 =	sadd.s32 $0x0, s23;
	_ =	swait.ge [sflag:s17], $0x1000  }
0x2b: {  	v1 =	vmov s31;
	[sflag:s17] =	ssyncset.done $0x0  }
0x2c: {  	s26 =	simm.s32 $0x59C0;
	v1 =	vshrl.u32 v1, $0x3;
	[sflag:s17] =	ssyncadd.s32 $0xFFFFF000  }
0x2d: {  	v1 =	vshll.u32 v1, v0;
	v2 =	vld [tilespmem:s26+$0x50]  }
0x2e: {  	v3 =	vbroadcast v1, $0x0;
	v4 =	vld [tilespmem:s26+$0x30]  }
0x2f: {  	v6 =	vld [tilespmem:s26+$0x10]  }
0x30: {  	v5 =	vadd.s32 $0x1, v1;
	v7 =	vld [tilespmem:s26+$0xFFFFFFF0]  }
0x31: {  	v5 =	vbroadcast v5, $0x0;
	v9 =	vld [tilespmem:s26+$0xFFFFFFD0]  }
0x32: {  	v8 =	vadd.s32 $0x2, v1;
	v10 =	vld [tilespmem:s26+$0xFFFFFFB0]  }
0x33: {  	v8 =	vbroadcast v8, $0x0;
	v12 =	vld [tilespmem:s26+$0xFFFFFF90]  }
0x34: {  	v11 =	vadd.s32 $0x3, v1;
	v3 =	vld.idx.msk [tilespmem:v3+s14+$0x0], $0xffff  }
0x35: {  	v11 =	vbroadcast v11, $0x0;
	v14 =	vld [tilespmem:s26+$0xFFFFFF80]  }
0x36: {  	v13 =	vadd.s32 $0x4, v1;
	v16 =	vld [tilespmem:s26+$0xFFFFFFA0]  }
0x37: {  	v13 =	vbroadcast v13, $0x0;
	v5 =	vld.idx.msk [tilespmem:v5+s14+$0x0], $0xffff  }
0x38: {  	v15 =	vadd.s32 $0x5, v1;
	v18 =	vld [tilespmem:s26+$0xFFFFFFC0]  }
0x39: {  	v17 =	vadd.s32 $0x6, v1;
	v15 =	vbroadcast v15, $0x0;
	v8 =	vld.idx.msk [tilespmem:v8+s14+$0x0], $0xffff  }
0x3a: {  	v17 =	vbroadcast v17, $0x0;
	v49 =	vld [tilespmem:s26+$0xFFFFFFE0]  }
0x3b: {  	v1 =	vadd.s32 $0x7, v1;
	v11 =	vld.idx.msk [tilespmem:v11+s14+$0x0], $0xffff;
	v14 =	vmul.f32 v14, v3;
	v3 =	vmul.f32 v12, v3  }
0x3c: {  	v1 =	vbroadcast v1, $0x0;
	v50 =	vld [tilespmem:s26+$0x0];
	v16 =	vmul.f32 v16, v5  }
0x3d: {  	v13 =	vld.idx.msk [tilespmem:v13+s14+$0x0], $0xffff;
	v5 =	vmul.f32 v10, v5;
	v14 =	vadd.f32 $0.0e+00, v14;
	v3 =	vadd.f32 $0.0e+00, v3  }
0x3e: {  	v53 =	vld [tilespmem:s26+$0x20];
	v51 =	vmul.f32 v18, v8  }
0x3f: {  	v15 =	vld.idx.msk [tilespmem:v15+s14+$0x0], $0xffff;
	v52 =	vmul.f32 v9, v8;
	v14 =	vadd.f32 v16, v14;
	v3 =	vadd.f32 v5, v3  }
0x40: {  	v57 =	vld [tilespmem:s26+$0x40];
	v12 =	vmul.f32 v49, v11  }
0x41: {  	v55 =	vld.idx.msk [tilespmem:v17+s14+$0x0], $0xffff;
	v56 =	vmul.f32 v7, v11;
	v54 =	vadd.f32 v51, v14;
	v3 =	vadd.f32 v52, v3  }
0x42: {  	v59 =	vld [tilespmem:s26+$0x60];
	v10 =	vmul.f32 v50, v13  }
0x43: {  	v1 =	vld.idx.msk [tilespmem:v1+s14+$0x0], $0xffff;
	v58 =	vmul.f32 v6, v13;
	v9 =	vadd.f32 v12, v54;
	v3 =	vadd.f32 v56, v3  }
0x44: {  	v60 =	vld [tilespmem:s26+$0x70];
	v8 =	vmul.f32 v53, v15  }
0x45: {  	v4 =	vmul.f32 v4, v15;
	v9 =	vadd.f32 v10, v9;
	v3 =	vadd.f32 v58, v3  }
0x46: {  	v7 =	vmul.f32 v57, v55  }
0x47: {  	v2 =	vmul.f32 v2, v55;
	v61 =	vadd.f32 v8, v9;
	v3 =	vadd.f32 v4, v3  }
0x48: {  	v63 =	vmul.f32 v59, v1  }
0x49: {  	v1 =	vmul.f32 v60, v1;
	v62 =	vadd.f32 v7, v61;
	v3 =	vadd.f32 v2, v3  }
0x4a: {  	s29 =	simm.s32 $0x7950  }
0x4b: {  	s1 =	sadd.s32 $0x8, s23;
	s28 =	simm.s32 $0x7950;
	s0 =	simm.s32 $0x10;
	v2 =	vadd.f32 v63, v62;
	v1 =	vadd.f32 v1, v3  }
.LBB2_3:
0x4c: {  	s28 =	sadd.s32 $0x20, s28  }
0x4d: {  	v3 =	vmov s1;
	[tilespmem:s29+$0xFFFFFFF0] =	vst v2;
	s26 =	sadd.s32 $0x100, s26;
	s31 =	smov.u32 s0;
	s30 =	sadd.s32 $0x8, s0  }
0x4e: {  	p0 =	sne.s32 s0, $0xF8;
	v2 =	vshrl.u32 v3, $0x3;
	[tilespmem:s29+$0x0] =	vst v1;
	s29 =	smov.u32 s28  }
0x4f: {  	v1 =	vshll.u32 v2, v0;
	v2 =	vld [tilespmem:s26+$0x50]  }
0x50: {  	v3 =	vbroadcast v1, $0x0;
	v4 =	vadd.s32 $0x1, v1;
	v5 =	vadd.s32 $0x2, v1;
	v6 =	vld [tilespmem:s26+$0x30]  }
0x51: {  	v7 =	vadd.s32 $0x3, v1;
	v4 =	vbroadcast v4, $0x0;
	v5 =	vbroadcast v5, $0x0;
	v8 =	vld [tilespmem:s26+$0x10]  }
0x52: {  	v10 =	vadd.s32 $0x4, v1;
	v11 =	vadd.s32 $0x5, v1;
	v7 =	vbroadcast v7, $0x0;
	v9 =	vld [tilespmem:s26+$0xFFFFFFF0]  }
0x53: {  	v13 =	vadd.s32 $0x6, v1;
	v10 =	vbroadcast v10, $0x0;
	v11 =	vbroadcast v11, $0x0;
	v12 =	vld [tilespmem:s26+$0xFFFFFFD0]  }
0x54: {  	v1 =	vadd.s32 $0x7, v1;
	v13 =	vbroadcast v13, $0x0;
	v14 =	vld [tilespmem:s26+$0xFFFFFFB0]  }
0x55: {  	v1 =	vbroadcast v1, $0x0;
	v15 =	vld [tilespmem:s26+$0xFFFFFF90]  }
0x56: {  	v3 =	vld.idx.msk [tilespmem:v3+s14+$0x0], $0xffff  }
0x57: {  	v16 =	vld [tilespmem:s26+$0xFFFFFF80]  }
0x58: {  	v4 =	vld.idx.msk [tilespmem:v4+s14+$0x0], $0xffff  }
0x59: {  	v17 =	vld [tilespmem:s26+$0xFFFFFFA0]  }
0x5a: {  	v5 =	vld.idx.msk [tilespmem:v5+s14+$0x0], $0xffff  }
0x5b: {  	v18 =	vld [tilespmem:s26+$0xFFFFFFC0]  }
0x5c: {  	v16 =	vmul.f32 v16, v3;
	v3 =	vmul.f32 v15, v3;
	v7 =	vld.idx.msk [tilespmem:v7+s14+$0x0], $0xffff  }
0x5d: {  	v15 =	vld [tilespmem:s26+$0xFFFFFFE0]  }
0x5e: {  	v16 =	vadd.f32 $0.0e+00, v16;
	v3 =	vadd.f32 $0.0e+00, v3;
	v17 =	vmul.f32 v17, v4;
	v10 =	vld.idx.msk [tilespmem:v10+s14+$0x0], $0xffff  }
0x5f: {  	v4 =	vmul.f32 v14, v4;
	v14 =	vld [tilespmem:s26+$0x0]  }
0x60: {  	v16 =	vadd.f32 v17, v16;
	v17 =	vmul.f32 v18, v5;
	v11 =	vld.idx.msk [tilespmem:v11+s14+$0x0], $0xffff  }
0x61: {  	v3 =	vadd.f32 v4, v3;
	v4 =	vmul.f32 v12, v5;
	v5 =	vld [tilespmem:s26+$0x20]  }
0x62: {  	v12 =	vadd.f32 v17, v16;
	v15 =	vmul.f32 v15, v7;
	v13 =	vld.idx.msk [tilespmem:v13+s14+$0x0], $0xffff  }
0x63: {  	v3 =	vadd.f32 v4, v3;
	v4 =	vmul.f32 v9, v7;
	v7 =	vld [tilespmem:s26+$0x40]  }
0x64: {  	v9 =	vadd.f32 v15, v12;
	v12 =	vmul.f32 v14, v10;
	v1 =	vld.idx.msk [tilespmem:v1+s14+$0x0], $0xffff  }
0x65: {  	v3 =	vadd.f32 v4, v3;
	v4 =	vmul.f32 v8, v10;
	v8 =	vld [tilespmem:s26+$0x60]  }
0x66: {  	v9 =	vadd.f32 v12, v9;
	v5 =	vmul.f32 v5, v11;
	v10 =	vld [tilespmem:s26+$0x70]  }
0x67: {  	v3 =	vadd.f32 v4, v3;
	v4 =	vmul.f32 v6, v11  }
0x68: {  	v5 =	vadd.f32 v5, v9;
	v6 =	vmul.f32 v7, v13  }
.Ltmp0:
0x69: {  	v2 =	vmul.f32 v2, v13;
	v3 =	vadd.f32 v4, v3;
	(pc) =	sbr.rel @p0 .LBB2_3-.Ltmp0, $4  }
0x6a: {  	v4 =	vadd.f32 v6, v5;
	v5 =	vmul.f32 v8, v1  }
0x6b: {  	v3 =	vadd.f32 v2, v3;
	v1 =	vmul.f32 v10, v1  }
0x6c: {  	v2 =	vadd.f32 v5, v4  }
0x6d: {  	s1 =	sadd.s32 s31, s23;
	s0 =	smov.u32 s30;
	v1 =	vadd.f32 v1, v3  }
0x6e: {  	v3 =	vmov s1;
	[tilespmem:s29+$0xFFFFFFF0] =	vst v2  }
0x6f: {  	s0 =	sadd.s32 $0x100, s26;
	v2 =	vshrl.u32 v3, $0x3;
	[tilespmem:s29+$0x0] =	vst v1  }
0x70: {  	v1 =	vshll.u32 v2, v0;
	v2 =	vld [tilespmem:s0+$0x50]  }
0x71: {  	v4 =	vld [tilespmem:s0+$0x30]  }
0x72: {  	v6 =	vld [tilespmem:s0+$0x10];
	v3 =	vbroadcast v1, $0x0  }
0x73: {  	v7 =	vld [tilespmem:s0+$0xFFFFFFF0];
	v5 =	vadd.s32 $0x1, v1  }
0x74: {  	v9 =	vld [tilespmem:s0+$0xFFFFFFD0];
	v5 =	vbroadcast v5, $0x0  }
0x75: {  	v10 =	vld [tilespmem:s0+$0xFFFFFFB0];
	v8 =	vadd.s32 $0x2, v1  }
0x76: {  	v12 =	vld [tilespmem:s0+$0xFFFFFF90];
	v8 =	vbroadcast v8, $0x0  }
0x77: {  	v14 =	vld [tilespmem:s0+$0xFFFFFF80];
	v11 =	vadd.s32 $0x3, v1  }
0x78: {  	v11 =	vbroadcast v11, $0x0;
	v3 =	vld.idx.msk [tilespmem:v3+s14+$0x0], $0xffff  }
0x79: {  	v16 =	vld [tilespmem:s0+$0xFFFFFFA0];
	v13 =	vadd.s32 $0x4, v1  }
0x7a: {  	v13 =	vbroadcast v13, $0x0;
	v5 =	vld.idx.msk [tilespmem:v5+s14+$0x0], $0xffff  }
0x7b: {  	v18 =	vld [tilespmem:s0+$0xFFFFFFC0];
	v15 =	vadd.s32 $0x5, v1  }
0x7c: {  	v15 =	vbroadcast v15, $0x0;
	v8 =	vld.idx.msk [tilespmem:v8+s14+$0x0], $0xffff  }
0x7d: {  	v63 =	vld [tilespmem:s0+$0xFFFFFFE0];
	v17 =	vadd.s32 $0x6, v1;
	v14 =	vmul.f32 v14, v3  }
0x7e: {  	v17 =	vbroadcast v17, $0x0;
	v11 =	vld.idx.msk [tilespmem:v11+s14+$0x0], $0xffff;
	v3 =	vmul.f32 v12, v3  }
0x7f: {  	v20 =	vld [tilespmem:s0+$0x0];
	v1 =	vadd.s32 $0x7, v1;
	v16 =	vmul.f32 v16, v5;
	v14 =	vadd.f32 $0.0e+00, v14  }
0x80: {  	v1 =	vbroadcast v1, $0x0;
	v13 =	vld.idx.msk [tilespmem:v13+s14+$0x0], $0xffff;
	v5 =	vmul.f32 v10, v5;
	v3 =	vadd.f32 $0.0e+00, v3  }
0x81: {  	v23 =	vld [tilespmem:s0+$0x20];
	v21 =	vmul.f32 v18, v8;
	v14 =	vadd.f32 v16, v14  }
0x82: {  	v15 =	vld.idx.msk [tilespmem:v15+s14+$0x0], $0xffff;
	v22 =	vmul.f32 v9, v8;
	v3 =	vadd.f32 v5, v3  }
0x83: {  	v27 =	vld [tilespmem:s0+$0x40];
	v12 =	vmul.f32 v63, v11;
	v24 =	vadd.f32 v21, v14  }
0x84: {  	v25 =	vld.idx.msk [tilespmem:v17+s14+$0x0], $0xffff;
	v26 =	vmul.f32 v7, v11;
	v3 =	vadd.f32 v22, v3  }
0x85: {  	v29 =	vld [tilespmem:s0+$0x60];
	v10 =	vmul.f32 v20, v13;
	v9 =	vadd.f32 v12, v24  }
0x86: {  	v1 =	vld.idx.msk [tilespmem:v1+s14+$0x0], $0xffff;
	v28 =	vmul.f32 v6, v13;
	v3 =	vadd.f32 v26, v3  }
0x87: {  	v30 =	vld [tilespmem:s0+$0x70];
	v8 =	vmul.f32 v23, v15;
	v9 =	vadd.f32 v10, v9  }
0x88: {  	v4 =	vmul.f32 v4, v15;
	v3 =	vadd.f32 v28, v3  }
0x89: {  	v7 =	vmul.f32 v27, v25;
	v31 =	vadd.f32 v8, v9  }
0x8a: {  	v2 =	vmul.f32 v2, v25;
	v3 =	vadd.f32 v4, v3  }
0x8b: {  	v33 =	vmul.f32 v29, v1;
	v32 =	vadd.f32 v7, v31  }
0x8c: {  	v1 =	vmul.f32 v30, v1;
	v2 =	vadd.f32 v2, v3  }
0x8d: {  	v3 =	vadd.f32 v33, v32  }
0x8e: {  	s8 =	sadd.s32 $0x20, s28;
	v1 =	vadd.f32 v1, v2  }
0x8f: {  	[tilespmem:s8+$0xFFFFFFF0] =	vst v3  }
0x90: {  	s13 =	sadd.s32 $0x100, s25;
	[tilespmem:s8+$0x0] =	vst v1  }
0x91: {  	[tilespmem:s16], [sflag:$0x1] =	stream.indirect.gather [hbm4b:s4+s15], $0x20, s13, s15, $0xb8;
	[tilespmem:$0xB740] =	vst v63  }
0x92: {  	_ =	swait.ge [sflag:s17], $0x1000  }
0x93: {  	[sflag:s17] =	ssyncset.done $0x0  }
0x94: {  	s25 =	sadd.s32 $0x180, s25;
	s0 =	sadd.s32 $0x0, s23;
	[sflag:s17] =	ssyncadd.s32 $0xFFFFF000  }
0x95: {  	[tilespmem:s18], [sflag:$0x1] =	stream.indirect.gather [hbm4b:s4+s15], $0x20, s25, s15, $0xb8;
	[tilespmem:$0xB740] =	vst v63  }
0x96: {  	s26 =	sadd.s32 $0x100, s0;
	_ =	swait.ge [sflag:s17], $0x1000  }
0x97: {  	v1 =	vmov s26;
	[sflag:s17] =	ssyncset.done $0x0  }
0x98: {  	s5 =	sadd.s32 $0x102, s0;
	v1 =	vshrl.u32 v1, $0x3;
	s25 =	simm.s32 $0x59C0;
	[sflag:s17] =	ssyncadd.s32 $0xFFFFF000  }
0x99: {  	v34 =	vmov s5;
	s13 =	sadd.s32 $0x101, s0;
	v1 =	vshll.u32 v1, v0;
	v3 =	vld [tilespmem:s25+$0x50]  }
0x9a: {  	v4 =	vshrl.u32 v34, $0x3;
	v2 =	vmov s13;
	v1 =	vbroadcast v1, $0x0;
	v35 =	vld [tilespmem:s25+$0x30]  }
0x9b: {  	s7 =	sadd.s32 $0x103, s0;
	v4 =	vshll.u32 v4, v0;
	v2 =	vshrl.u32 v2, $0x3;
	v36 =	vld [tilespmem:s25+$0x10]  }
0x9c: {  	v37 =	vmov s7;
	v4 =	vadd.s32 $0x2, v4;
	v2 =	vshll.u32 v2, v0;
	v38 =	vld [tilespmem:s25+$0xFFFFFFF0]  }
0x9d: {  	v7 =	vshrl.u32 v37, $0x3;
	v4 =	vbroadcast v4, $0x0;
	v2 =	vadd.s32 $0x1, v2;
	v39 =	vld [tilespmem:s25+$0xFFFFFFD0]  }
0x9e: {  	v7 =	vshll.u32 v7, v0;
	s8 =	sadd.s32 $0x104, s0;
	v2 =	vbroadcast v2, $0x0;
	v41 =	vld [tilespmem:s25+$0xFFFFFFB0]  }
0x9f: {  	v7 =	vadd.s32 $0x3, v7;
	v40 =	vmov s8;
	v42 =	vld [tilespmem:s25+$0xFFFFFF90]  }
0xa0: {  	v7 =	vbroadcast v7, $0x0;
	s13 =	sadd.s32 $0x105, s0;
	v10 =	vshrl.u32 v40, $0x3;
	v1 =	vld.idx.msk [tilespmem:v1+s14+$0x0], $0xffff  }
0xa1: {  	v43 =	vmov s13;
	v10 =	vshll.u32 v10, v0;
	v44 =	vld [tilespmem:s25+$0xFFFFFF80]  }
0xa2: {  	s26 =	sadd.s32 $0x106, s0;
	v13 =	vshrl.u32 v43, $0x3;
	v10 =	vadd.s32 $0x4, v10;
	v46 =	vld [tilespmem:s25+$0xFFFFFFA0]  }
0xa3: {  	v45 =	vmov s26;
	s0 =	sadd.s32 $0x107, s0;
	v13 =	vshll.u32 v13, v0;
	v10 =	vbroadcast v10, $0x0;
	v4 =	vld.idx.msk [tilespmem:v4+s14+$0x0], $0xffff  }
0xa4: {  	v15 =	vshrl.u32 v45, $0x3;
	v47 =	vmov s0;
	v13 =	vadd.s32 $0x5, v13;
	v2 =	vld.idx.msk [tilespmem:v2+s14+$0x0], $0xffff  }
0xa5: {  	v15 =	vshll.u32 v15, v0;
	v17 =	vshrl.u32 v47, $0x3;
	v13 =	vbroadcast v13, $0x0;
	v48 =	vld [tilespmem:s25+$0xFFFFFFC0]  }
0xa6: {  	v15 =	vadd.s32 $0x6, v15;
	v17 =	vshll.u32 v17, v0;
	v7 =	vld.idx.msk [tilespmem:v7+s14+$0x0], $0xffff;
	v14 =	vmul.f32 v44, v1  }
0xa7: {  	v15 =	vbroadcast v15, $0x0;
	v17 =	vadd.s32 $0x7, v17;
	v49 =	vld [tilespmem:s25+$0xFFFFFFE0];
	v1 =	vmul.f32 v42, v1  }
0xa8: {  	v17 =	vbroadcast v17, $0x0;
	v50 =	vld [tilespmem:s25+$0x0];
	v14 =	vadd.f32 $0.0e+00, v14  }
0xa9: {  	v10 =	vld.idx.msk [tilespmem:v10+s14+$0x0], $0xffff;
	v1 =	vadd.f32 $0.0e+00, v1;
	v16 =	vmul.f32 v46, v2;
	v2 =	vmul.f32 v41, v2  }
0xaa: {  	v52 =	vld [tilespmem:s25+$0x20];
	v51 =	vmul.f32 v48, v4  }
0xab: {  	v13 =	vld.idx.msk [tilespmem:v13+s14+$0x0], $0xffff;
	v14 =	vadd.f32 v16, v14;
	v1 =	vadd.f32 v2, v1;
	v2 =	vmul.f32 v39, v4  }
0xac: {  	v55 =	vld [tilespmem:s25+$0x40];
	v12 =	vmul.f32 v49, v7  }
0xad: {  	v54 =	vld.idx.msk [tilespmem:v15+s14+$0x0], $0xffff;
	v53 =	vadd.f32 v51, v14;
	v1 =	vadd.f32 v2, v1;
	v2 =	vmul.f32 v38, v7  }
0xae: {  	v59 =	vld [tilespmem:s25+$0x60];
	v57 =	vmul.f32 v50, v10  }
0xaf: {  	v58 =	vld.idx.msk [tilespmem:v17+s14+$0x0], $0xffff;
	v56 =	vadd.f32 v12, v53;
	v1 =	vadd.f32 v2, v1;
	v2 =	vmul.f32 v36, v10  }
0xb0: {  	v60 =	vld [tilespmem:s25+$0x70];
	v4 =	vmul.f32 v52, v13  }
0xb1: {  	v8 =	vadd.f32 v57, v56;
	v1 =	vadd.f32 v2, v1;
	v2 =	vmul.f32 v35, v13  }
0xb2: {  	v61 =	vmul.f32 v55, v54  }
0xb3: {  	v4 =	vadd.f32 v4, v8;
	v1 =	vadd.f32 v2, v1;
	v2 =	vmul.f32 v3, v54  }
0xb4: {  	v62 =	vmul.f32 v59, v58  }
0xb5: {  	s28 =	simm.s32 $0x7D50;
	s31 =	sadd.s32 $0x8, s23;
	v63 =	vmul.f32 v60, v58;
	v3 =	vadd.f32 v61, v4;
	v1 =	vadd.f32 v2, v1  }
0xb6: {  	s29 =	simm.s32 $0x10;
	s30 =	sadd.s32 $0x100, s31;
	s1 =	sadd.s32 $0x102, s31  }
0xb7: {  	s26 =	simm.s32 $0x5AC0;
	s13 =	sadd.s32 $0x101, s31;
	s25 =	simm.s32 $0x7D70;
	v2 =	vadd.f32 v62, v3;
	v1 =	vadd.f32 v63, v1  }
.LBB2_5:
0xb8: {  	s5 =	sadd.s32 $0x103, s31  }
0xb9: {  	v3 =	vmov s30;
	s7 =	sadd.s32 $0x104, s31;
	s8 =	sadd.s32 $0x105, s31;
	[tilespmem:s28+$0xFFFFFFF0] =	vst v2;
	s30 =	smov.u32 s29  }
0xba: {  	s0 =	sadd.s32 $0x8, s29;
	v2 =	vshrl.u32 v3, $0x3;
	v3 =	vmov s13;
	v4 =	vmov s5;
	s5 =	sadd.s32 $0x106, s31;
	s13 =	sadd.s32 $0x107, s31;
	[tilespmem:s28+$0x0] =	vst v1  }
0xbb: {  	p0 =	sne.s32 s29, $0xF8;
	s28 =	smov.u32 s25;
	v1 =	vshll.u32 v2, v0;
	v2 =	vshrl.u32 v3, $0x3;
	v3 =	vshrl.u32 v4, $0x3;
	v4 =	vld [tilespmem:s26+$0x50]  }
0xbc: {  	v5 =	vmov s1;
	v1 =	vbroadcast v1, $0x0;
	v2 =	vshll.u32 v2, v0;
	v6 =	vld [tilespmem:s26+$0x30]  }
0xbd: {  	v5 =	vshrl.u32 v5, $0x3;
	v3 =	vshll.u32 v3, v0;
	v2 =	vadd.s32 $0x1, v2;
	v7 =	vld [tilespmem:s26+$0x10]  }
0xbe: {  	v5 =	vshll.u32 v5, v0;
	v3 =	vadd.s32 $0x3, v3;
	v2 =	vbroadcast v2, $0x0;
	v8 =	vld [tilespmem:s26+$0xFFFFFFF0]  }
0xbf: {  	v10 =	vmov s7;
	v5 =	vadd.s32 $0x2, v5;
	v3 =	vbroadcast v3, $0x0;
	v9 =	vld [tilespmem:s26+$0xFFFFFFD0]  }
0xc0: {  	v12 =	vmov s8;
	v10 =	vshrl.u32 v10, $0x3;
	v5 =	vbroadcast v5, $0x0;
	v11 =	vld [tilespmem:s26+$0xFFFFFFB0]  }
0xc1: {  	v12 =	vshrl.u32 v12, $0x3;
	v14 =	vmov s5;
	v10 =	vshll.u32 v10, v0;
	v13 =	vld [tilespmem:s26+$0xFFFFFF90]  }
0xc2: {  	v12 =	vshll.u32 v12, v0;
	v14 =	vshrl.u32 v14, $0x3;
	v10 =	vadd.s32 $0x4, v10;
	v1 =	vld.idx.msk [tilespmem:v1+s14+$0x0], $0xffff  }
0xc3: {  	v12 =	vadd.s32 $0x5, v12;
	v14 =	vshll.u32 v14, v0;
	v10 =	vbroadcast v10, $0x0;
	v15 =	vld [tilespmem:s26+$0xFFFFFF80]  }
0xc4: {  	v16 =	vmov s13;
	v12 =	vbroadcast v12, $0x0;
	v14 =	vadd.s32 $0x6, v14;
	v2 =	vld.idx.msk [tilespmem:v2+s14+$0x0], $0xffff  }
0xc5: {  	v16 =	vshrl.u32 v16, $0x3;
	v14 =	vbroadcast v14, $0x0;
	v17 =	vld [tilespmem:s26+$0xFFFFFFA0]  }
0xc6: {  	v16 =	vshll.u32 v16, v0;
	v5 =	vld.idx.msk [tilespmem:v5+s14+$0x0], $0xffff  }
0xc7: {  	v16 =	vadd.s32 $0x7, v16;
	v18 =	vld [tilespmem:s26+$0xFFFFFFC0]  }
0xc8: {  	v15 =	vmul.f32 v15, v1;
	v1 =	vmul.f32 v13, v1;
	v3 =	vld.idx.msk [tilespmem:v3+s14+$0x0], $0xffff  }
0xc9: {  	v16 =	vbroadcast v16, $0x0;
	v13 =	vld [tilespmem:s26+$0xFFFFFFE0]  }
0xca: {  	v15 =	vadd.f32 $0.0e+00, v15;
	v1 =	vadd.f32 $0.0e+00, v1;
	v17 =	vmul.f32 v17, v2;
	v10 =	vld.idx.msk [tilespmem:v10+s14+$0x0], $0xffff  }
0xcb: {  	v2 =	vmul.f32 v11, v2;
	v11 =	vld [tilespmem:s26+$0x0]  }
0xcc: {  	v15 =	vadd.f32 v17, v15;
	v17 =	vmul.f32 v18, v5;
	v12 =	vld.idx.msk [tilespmem:v12+s14+$0x0], $0xffff  }
0xcd: {  	v1 =	vadd.f32 v2, v1;
	v2 =	vmul.f32 v9, v5;
	v5 =	vld [tilespmem:s26+$0x20]  }
0xce: {  	v9 =	vadd.f32 v17, v15;
	v13 =	vmul.f32 v13, v3;
	v14 =	vld.idx.msk [tilespmem:v14+s14+$0x0], $0xffff  }
0xcf: {  	v1 =	vadd.f32 v2, v1;
	v2 =	vmul.f32 v8, v3;
	v3 =	vld [tilespmem:s26+$0x40]  }
0xd0: {  	v8 =	vadd.f32 v13, v9;
	v9 =	vmul.f32 v11, v10;
	v11 =	vld.idx.msk [tilespmem:v16+s14+$0x0], $0xffff  }
0xd1: {  	v1 =	vadd.f32 v2, v1;
	v2 =	vmul.f32 v7, v10;
	v7 =	vld [tilespmem:s26+$0x60]  }
0xd2: {  	v8 =	vadd.f32 v9, v8;
	v5 =	vmul.f32 v5, v12;
	v9 =	vld [tilespmem:s26+$0x70]  }
0xd3: {  	v1 =	vadd.f32 v2, v1;
	v2 =	vmul.f32 v6, v12  }
0xd4: {  	v5 =	vadd.f32 v5, v8;
	v3 =	vmul.f32 v3, v14  }
.Ltmp1:
0xd5: {  	v1 =	vadd.f32 v2, v1;
	v2 =	vmul.f32 v4, v14;
	(pc) =	sbr.rel @p0 .LBB2_5-.Ltmp1, $4  }
0xd6: {  	v3 =	vadd.f32 v3, v5;
	v4 =	vmul.f32 v7, v11  }
0xd7: {  	s31 =	sadd.s32 s30, s23;
	v1 =	vadd.f32 v2, v1;
	v5 =	vmul.f32 v9, v11  }
0xd8: {  	s25 =	sadd.s32 $0x20, s25;
	s29 =	smov.u32 s0;
	s26 =	sadd.s32 $0x100, s26;
	v2 =	vadd.f32 v4, v3  }
0xd9: {  	s30 =	sadd.s32 $0x100, s31;
	s13 =	sadd.s32 $0x101, s31;
	s1 =	sadd.s32 $0x102, s31;
	v1 =	vadd.f32 v5, v1  }
0xda: {  	v3 =	vmov s30;
	[tilespmem:s28+$0xFFFFFFF0] =	vst v2  }
0xdb: {  	v2 =	vshrl.u32 v3, $0x3;
	v3 =	vmov s13;
	[tilespmem:s28+$0x0] =	vst v1  }
0xdc: {  	v1 =	vshll.u32 v2, v0;
	v2 =	vshrl.u32 v3, $0x3;
	v3 =	vld [tilespmem:s26+$0x50]  }
0xdd: {  	v5 =	vld [tilespmem:s26+$0x30]  }
0xde: {  	v4 =	vmov s1;
	v6 =	vld [tilespmem:s26+$0x10];
	v1 =	vbroadcast v1, $0x0;
	v2 =	vshll.u32 v2, v0  }
0xdf: {  	s0 =	sadd.s32 $0x103, s31;
	v4 =	vshrl.u32 v4, $0x3;
	v8 =	vld [tilespmem:s26+$0xFFFFFFF0];
	v2 =	vadd.s32 $0x1, v2  }
0xe0: {  	v7 =	vmov s0;
	v4 =	vshll.u32 v4, v0;
	v9 =	vld [tilespmem:s26+$0xFFFFFFD0];
	v2 =	vbroadcast v2, $0x0  }
0xe1: {  	s13 =	sadd.s32 $0x104, s31;
	v7 =	vshrl.u32 v7, $0x3;
	v11 =	vld [tilespmem:s26+$0xFFFFFFB0];
	v4 =	vadd.s32 $0x2, v4  }
0xe2: {  	v10 =	vmov s13;
	v12 =	vld [tilespmem:s26+$0xFFFFFF90];
	v7 =	vshll.u32 v7, v0;
	v4 =	vbroadcast v4, $0x0  }
0xe3: {  	s28 =	sadd.s32 $0x105, s31;
	v14 =	vld [tilespmem:s26+$0xFFFFFF80];
	v10 =	vshrl.u32 v10, $0x3;
	v7 =	vadd.s32 $0x3, v7  }
0xe4: {  	v13 =	vmov s28;
	v10 =	vshll.u32 v10, v0;
	v7 =	vbroadcast v7, $0x0;
	v1 =	vld.idx.msk [tilespmem:v1+s14+$0x0], $0xffff  }
0xe5: {  	s29 =	sadd.s32 $0x106, s31;
	v16 =	vld [tilespmem:s26+$0xFFFFFFA0];
	v13 =	vshrl.u32 v13, $0x3;
	v10 =	vadd.s32 $0x4, v10  }
0xe6: {  	v15 =	vmov s29;
	v13 =	vshll.u32 v13, v0;
	v10 =	vbroadcast v10, $0x0;
	v2 =	vld.idx.msk [tilespmem:v2+s14+$0x0], $0xffff  }
0xe7: {  	s30 =	sadd.s32 $0x107, s31;
	v15 =	vshrl.u32 v15, $0x3;
	v18 =	vld [tilespmem:s26+$0xFFFFFFC0];
	v13 =	vadd.s32 $0x5, v13  }
0xe8: {  	v17 =	vmov s30;
	v15 =	vshll.u32 v15, v0;
	v13 =	vbroadcast v13, $0x0;
	v4 =	vld.idx.msk [tilespmem:v4+s14+$0x0], $0xffff  }
0xe9: {  	v17 =	vshrl.u32 v17, $0x3;
	v50 =	vld [tilespmem:s26+$0xFFFFFFE0];
	v15 =	vadd.s32 $0x6, v15;
	v14 =	vmul.f32 v14, v1  }
0xea: {  	v17 =	vshll.u32 v17, v0;
	v15 =	vbroadcast v15, $0x0;
	v7 =	vld.idx.msk [tilespmem:v7+s14+$0x0], $0xffff;
	v1 =	vmul.f32 v12, v1  }
0xeb: {  	v51 =	vld [tilespmem:s26+$0x0];
	v17 =	vadd.s32 $0x7, v17;
	v14 =	vadd.f32 $0.0e+00, v14;
	v16 =	vmul.f32 v16, v2  }
0xec: {  	v17 =	vbroadcast v17, $0x0;
	v10 =	vld.idx.msk [tilespmem:v10+s14+$0x0], $0xffff;
	v1 =	vadd.f32 $0.0e+00, v1;
	v2 =	vmul.f32 v11, v2  }
0xed: {  	v53 =	vld [tilespmem:s26+$0x20];
	v52 =	vmul.f32 v18, v4;
	v14 =	vadd.f32 v16, v14  }
0xee: {  	v13 =	vld.idx.msk [tilespmem:v13+s14+$0x0], $0xffff;
	v1 =	vadd.f32 v2, v1;
	v2 =	vmul.f32 v9, v4  }
0xef: {  	v56 =	vld [tilespmem:s26+$0x40];
	v12 =	vmul.f32 v50, v7;
	v54 =	vadd.f32 v52, v14  }
0xf0: {  	v55 =	vld.idx.msk [tilespmem:v15+s14+$0x0], $0xffff;
	v1 =	vadd.f32 v2, v1;
	v2 =	vmul.f32 v8, v7  }
0xf1: {  	v60 =	vld [tilespmem:s26+$0x60];
	v58 =	vmul.f32 v51, v10;
	v57 =	vadd.f32 v12, v54  }
0xf2: {  	v59 =	vld.idx.msk [tilespmem:v17+s14+$0x0], $0xffff;
	v1 =	vadd.f32 v2, v1;
	v2 =	vmul.f32 v6, v10  }
0xf3: {  	v61 =	vld [tilespmem:s26+$0x70];
	v4 =	vmul.f32 v53, v13;
	v8 =	vadd.f32 v58, v57  }
0xf4: {  	v1 =	vadd.f32 v2, v1;
	v2 =	vmul.f32 v5, v13  }
0xf5: {  	v62 =	vmul.f32 v56, v55;
	v4 =	vadd.f32 v4, v8  }
0xf6: {  	v1 =	vadd.f32 v2, v1;
	v2 =	vmul.f32 v3, v55  }
0xf7: {  	v63 =	vmul.f32 v60, v59;
	v3 =	vadd.f32 v62, v4  }
0xf8: {  	v1 =	vadd.f32 v2, v1;
	v2 =	vmul.f32 v61, v59  }
0xf9: {  	v3 =	vadd.f32 v63, v3  }
0xfa: {  	s31 =	sshll.u32 s24, $0x6;
	s24 =	sadd.s32 $0x1, s24;
	v1 =	vadd.f32 v2, v1  }
0xfb: {  	s0 =	sand.u32 $0x3FFFFFC0, s31;
	p0 =	sne.s32 s24, $0x15;
	[tilespmem:s25+$0xFFFFFFF0] =	vst v3  }
.Ltmp2:
0xfc: {  	s0 =	sadd.s32 $0x2A00, s0;
	[tilespmem:s25+$0x0] =	vst v1;
	(pc) =	sbr.rel @p0 .LBB2_2-.Ltmp2, $4  }
0xfd: {  	[spmem:s2] =	stream.indirect.scatter.add.f32 [tilespmem:s20], [sflag:$0x2], $0x20, s0, s19, $0xb8;
	[tilespmem:$0xB740] =	vst v63  }
0xfe: {  	_ =	swait.ge [sflag:s12], $0x800  }
0xff: {  	[sflag:s12] =	ssyncset.done $0x0  }
0x100: {  	s23 =	sadd.s32 $0x200, s23;
	[sflag:s12] =	ssyncadd.s32 $0xFFFFF800  }
0x101: {  	s22 =	sadd.s32 $0x1, s22  }
0x102: {  	p0 =	sne.s32 s22, s10  }
.Ltmp3:
0x103: {  	[bflag:$0x0] =	sbarrier.arrive $0xFFFF;
	(pc) =	sbr.rel @p0 .LBB2_1-.Ltmp3, $4  }
0x104: {  	[hbm:s21], [sflag:s6] =	dma.local [spmem:s11], $0x6C0  }
0x105: {  	_ =	swait.ge [sflag:s12], $0x6C0  }
0x106: {  	[sflag:s12] =	ssyncset.done $0x0  }
0x107: {  	[sflag:s12] =	ssyncadd.s32 $0xFFFFF940  }
0x108: {  	_ =	sfence.sel $0x180000  }
0x109: {  	[bflag:$0x0] =	sbarrier.arrive $0xFFFF  }
0x10a: {  	_ =	strace $0x9000004A  }
0x10b: {  	s0 =	stileid.u32;
	[bflag:$0x2] =	sbarrier.arrive $0xFFFF  }
0x10c: {  	p0 =	sne.s32 s0, $0x0;
	s0 =	rddreg [dreg:$0x3]  }
0x10d: {  	s0 =	sadd.s32 @!p0 $0x100000, s0  }
0x10e: {  	[sflag:s0] =	ssyncadd.tile.s32 @!p0 $0x1;
	_ =	shalt  }
.Lfunc_end2:
_tile_overlayer_lowered:
.L_overlay_start_2:
0x10f: {  	(tag) =	ssettag $0x2  }
0x110: {  	s0 =	rddreg [dreg:$0x0];
	s2 =	stileid.u32  }
0x111: {  	s1 =	rddreg [dreg:$0x1];
	p0 =	sne.s32 s2, $0x0  }
0x112: {  	s3 =	rddreg [dreg:$0x2];
	[bflag:$0x3] =	sbarrier.arrive $0xFFFF;
	s2 =	simm.s32 @!p0 $0x1C02  }
0x113: {  	[timem:s3], [sflag:s2] =	dma.local @!p0 [hbm:s0], s1  }
0x114: {  	s0 =	simm.s32 @!p0 $0x2  }
0x115: {  	_ =	swait.ge @!p0 [sflag:s0], s1  }
0x116: {  	s1 =	ssub.s32 @!p0 $0x0, s1;
	[sflag:s0] =	ssyncset.done @!p0 $0x0  }
0x117: {  	[sflag:s0] =	ssyncadd.s32 @!p0 s1  }
0x118: {  	[bflag:$0x3] =	sbarrier.arrive $0xFFFF  }
0x119: {  	_ =	shalt  }

// kernel: kernel.21.cloned.1.call-start
scs
__scs_entry_jumppad:
0x0: {  	(pc) =	sbr.rel $0x88, $3  }
0x1: {  	(tag) =	ssettag $0x0;
	lr =	simm.s32 $0x1  }
0x2: {  	[smem:$0x3F91] =	sst lr;
	_ =	strace $0xD0000000  }
0x3: {  	_ = 	snop  }
0x4: {  	_ = 	snop  }
0x5: {  	_ = 	snop  }
0x6: {  	_ = 	snop  }
0x7: {  	_ = 	snop  }
__scs_overlays_trampoline_lowered:
0x8: {  	[smem:$0x3FA0] =	sst s0  }
0x9: {  	[smem:$0x3FA1] =	sst s1  }
0xa: {  	[smem:$0x3FA2] =	sst s2  }
0xb: {  	[smem:$0x3FA3] =	sst s3  }
0xc: {  	[smem:$0x3FA4] =	sst s4  }
0xd: {  	[smem:$0x3FA5] =	sst s5  }
0xe: {  	[smem:$0x3FA6] =	sst s6  }
0xf: {  	[smem:$0x3FA7] =	sst s7  }
0x10: {  	[smem:$0x3FA8] =	sst s8  }
0x11: {  	[smem:$0x3FA9] =	sst s9;
	s0 =	simm.s32 @!p0 $0x0  }
0x12: {  	s1 =	sld [smem:$0x3F8F];
	s0 =	simm.s32 @p0 $0x1  }
0x13: {  	[smem:$0x3FAA] =	sst s0;
	s0 =	simm.s32 @!p1 $0x0  }
0x14: {  	s2 =	sld [smem:$0x3F8E];
	s0 =	simm.s32 @p1 $0x1  }
0x15: {  	[smem:$0x3FAB] =	sst s0;
	s0 =	simm.s32 @!p2 $0x0  }
0x16: {  	s3 =	sld [smem:$0x3FDB];
	s0 =	simm.s32 @p2 $0x1  }
0x17: {  	s4 =	simm.s32 $0x1BF5;
	[smem:$0x3FAD] =	sst s0  }
0x18: {  	s0 =	sld [smem:$0x3F90];
	_ =	swait.ge [sflag:s4], $0x0  }
0x19: {  	s7 =	sld [smem:$0x3F91]  }
0x1a: {  	s8 =	sadd.s32 $0xFFFFE003, lr  }
0x1b: {  	s9 =	sadd.s32 $0xFFFFFEF7, lr;
	s5 =	simm.s32 $0xFFFFFFFF;
	p2 =	slt.u32 s8, $0xFFFFF086  }
0x1c: {  	p1 =	slt.u32 s9, $0xF7A;
	s5 =	simm.s32 @!p2 $0x0  }
0x1d: {  	s5 =	simm.s32 @p1 $0x1;
	p0 =	seq.s32 s7, s2  }
0x1e: {  	s7 =	smul.u32 @!p0 $0xF7A, s2;
	p2 =	seq.s32 @!p0 s5, $0x0  }
0x1f: {  	s9 =	smul.u32 $0xF7A, s1;
	s8 =	simm.s32 @!p0 $0x1BF5;
	p2 =	por !p2, p0  }
0x20: {  	[sflag:s8] =	ssyncset.s32 @!p0 $0xFFFFF086;
	s6 =	sadd.s32 @!p0 s3, s7;
	s7 =	simm.s32 @!p0 $0x108  }
0x21: {  	s3 =	sadd.s32 s3, s9;
	s6 =	sadd.s32 @!p0 $0x88, s6;
	s7 =	simm.s32 @p2 $0x1082  }
0x22: {  	[simem:s7], [sflag:s8] =	dma.local @!p0 [hbm:s6], $0xF7A  }
0x23: {  	s9 =	sor.u32 $0xD0000000, s2;
	s6 =	simm.s32 $0x108;
	_ =	swait.ge @!p0 [sflag:s8], $0x0  }
0x24: {  	s3 =	sadd.s32 $0x88, s3;
	s6 =	simm.s32 @!p1 $0x1082;
	[sflag:s4] =	ssyncset.s32 $0xFFFFF086  }
0x25: {  	[simem:s6], [sflag:s4] =	dma.local [hbm:s3], $0xF7A  }
0x26: {  	[smem:$0x3F91] =	sst s1;
	(tag) =	ssettag s2;
	_ =	strace s9  }
0x27: {  	s1 =	sld [smem:$0x3FA1]  }
0x28: {  	s2 =	sld [smem:$0x3FA2]  }
0x29: {  	s4 =	sld [smem:$0x3FA4]  }
0x2a: {  	p0 =	seq.s32 s5, $0x0;
	s5 =	sld [smem:$0x3FA5]  }
0x2b: {  	s6 =	sld [smem:$0x3FA6]  }
0x2c: {  	s7 =	sld [smem:$0x3FA7]  }
0x2d: {  	s3 =	simm.s32 $0x108;
	s8 =	sld [smem:$0x3FA8]  }
0x2e: {  	s3 =	simm.s32 @!p0 $0x1082;
	s9 =	sld [smem:$0x3FA9]  }
0x2f: {  	lr =	sadd.s32 s0, s3;
	s0 =	sld [smem:$0x3FA0]  }
0x30: {  	s3 =	sld [smem:$0x3FA3]  }
0x31: {  	[smem:$0x3FAC] =	sst s10  }
0x32: {  	s10 =	sld [smem:$0x3FAA];
	_ =	sdelay $0x3  }
0x33: {  	p0 =	seq.s32 s10, $0x1;
	s10 =	sld [smem:$0x3FAC];
	_ =	sdelay $0x3  }
0x34: {  	[smem:$0x3FAC] =	sst s10  }
0x35: {  	s10 =	sld [smem:$0x3FAB];
	_ =	sdelay $0x3  }
0x36: {  	p1 =	seq.s32 s10, $0x1;
	s10 =	sld [smem:$0x3FAC];
	_ =	sdelay $0x3  }
0x37: {  	[smem:$0x3FAC] =	sst s10  }
0x38: {  	s10 =	sld [smem:$0x3FAD]  }
0x39: {  	_ = 	snop;
	(pc) =	sbr.ind lr, $3  }
0x3a: {  	_ = 	snop  }
0x3b: {  	_ = 	snop  }
0x3c: {  	p2 =	seq.s32 s10, $0x1;
	s10 =	sld [smem:$0x3FAC]  }
0x3d: {  	_ =	shalt  }
0x3e: {  	_ =	shalt  }
0x3f: {  	_ =	shalt  }
0x40: {  	_ =	shalt  }
0x41: {  	_ =	shalt  }
0x42: {  	_ =	shalt  }
0x43: {  	_ =	shalt  }
0x44: {  	_ =	shalt  }
0x45: {  	_ =	shalt  }
0x46: {  	_ =	shalt  }
0x47: {  	_ =	shalt  }
0x48: {  	_ =	shalt  }
0x49: {  	_ =	shalt  }
0x4a: {  	_ =	shalt  }
0x4b: {  	_ =	shalt  }
0x4c: {  	_ =	shalt  }
0x4d: {  	_ =	shalt  }
0x4e: {  	_ =	shalt  }
0x4f: {  	_ =	shalt  }
0x50: {  	_ =	shalt  }
0x51: {  	_ =	shalt  }
0x52: {  	_ =	shalt  }
0x53: {  	_ =	shalt  }
0x54: {  	_ =	shalt  }
0x55: {  	_ =	shalt  }
0x56: {  	_ =	shalt  }
0x57: {  	_ =	shalt  }
0x58: {  	_ =	shalt  }
0x59: {  	_ =	shalt  }
0x5a: {  	_ =	shalt  }
0x5b: {  	_ =	shalt  }
0x5c: {  	_ =	shalt  }
0x5d: {  	_ =	shalt  }
0x5e: {  	_ =	shalt  }
0x5f: {  	_ =	shalt  }
0x60: {  	_ =	shalt  }
0x61: {  	_ =	shalt  }
0x62: {  	_ =	shalt  }
0x63: {  	_ =	shalt  }
0x64: {  	_ =	shalt  }
0x65: {  	_ =	shalt  }
0x66: {  	_ =	shalt  }
0x67: {  	_ =	shalt  }
0x68: {  	_ =	shalt  }
0x69: {  	_ =	shalt  }
0x6a: {  	_ =	shalt  }
0x6b: {  	_ =	shalt  }
0x6c: {  	_ =	shalt  }
0x6d: {  	_ =	shalt  }
0x6e: {  	_ =	shalt  }
0x6f: {  	_ =	shalt  }
0x70: {  	_ =	shalt  }
0x71: {  	_ =	shalt  }
0x72: {  	_ =	shalt  }
0x73: {  	_ =	shalt  }
0x74: {  	_ =	shalt  }
0x75: {  	_ =	shalt  }
0x76: {  	_ =	shalt  }
0x77: {  	_ =	shalt  }
0x78: {  	_ =	shalt  }
0x79: {  	_ =	shalt  }
0x7a: {  	_ =	shalt  }
0x7b: {  	_ =	shalt  }
0x7c: {  	_ =	shalt  }
0x7d: {  	_ =	shalt  }
0x7e: {  	_ =	shalt  }
0x7f: {  	_ =	shalt  }
0x80: {  	_ =	shalt  }
0x81: {  	_ =	shalt  }
0x82: {  	_ =	shalt  }
0x83: {  	_ =	shalt  }
0x84: {  	_ =	shalt  }
0x85: {  	_ =	shalt  }
0x86: {  	_ =	shalt  }
0x87: {  	_ =	shalt  }
.Lfunc_end0:
.L_simem_size_0:
called_computation.2_lowered:
.L_overlay_start_0:
0x88: {  	s2 =	sld [smem:$0x3FD9]  }
0x89: {  	s3 =	sld [smem:$0x3FFE];
	_ =	sdelay $0x1  }
0x8a: {  	s1 =	srdreg.scid  }
0x8b: {  	s0 =	sand.u32 $0x1, s1  }
0x8c: {  	s17 =	sshll.u32 s0, $0xA;
	s2 =	sadd.s32 s3, s2  }
0x8d: {  	s2 =	sadd.s32 s2, s17  }
0x8e: {  	[smem:$0x3FB8] =	sst s2  }
0x8f: {  	_ = 	snop  }
0x90: {  	s2 =	sld [smem:$0x3FD0];
	(tm) =	ssettm $0x1  }
0x91: {  	s18 =	sld [smem:$0x3FFB];
	_ =	sdelay $0x3  }
0x92: {  	_ =	strace s18  }
0x93: {  	s3 =	sld [smem:$0x3FFC];
	_ =	sdelay $0x3  }
0x94: {  	_ =	strace s3  }
0x95: {  	s3 =	sld [smem:$0x3FFD];
	_ =	sdelay $0x3  }
0x96: {  	_ =	strace s3  }
0x97: {  	_ =	strace $0x8FFFFFFF  }
0x98: {  	s19 =	sld [smem:$0x3FDB];
	_ =	sdelay $0x1  }
0x99: {  	s4 =	simm.s32 $_scs_section_size  }
0x9a: {  	s5 =	simm.s32 $_size__tile_overlayer_lowered;
	s6 =	simm.s32 $_tile_overlayer_lowered  }
0x9b: {  	s22 =	simm.s32 $0x1BFF;
	s21 =	sshll.u32 s6, $0x1;
	s3 =	sadd.s32 s4, s19  }
0x9c: {  	s7 =	simm.s32 $0x0;
	s20 =	sshll.u32 s5, $0x1;
	s5 =	sadd.s32 s21, s3  }
0x9d: {  	[timem:s7], [sflag:s22] =	dma.local [hbm:s5], s20  }
0x9e: {  	_ =	swait.ge [sflag:s22], s20  }
0x9f: {  	s4 =	ssub.s32 $0x0, s20;
	[sflag:s22] =	ssyncset.done $0x0  }
0xa0: {  	[sflag:s22] =	ssyncadd.s32 s4;
	_ =	sdelay $0x1  }
0xa1: {  	s23 =	simm.s32 $0x1B8B  }
0xa2: {  	_ =	swait.ge [sflag:s23], $0x1  }
0xa3: {  	[sflag:s23] =	ssyncset.done $0x0  }
0xa4: {  	s25 =	simm.s32 $0x1B8E;
	s24 =	sld [smem:$0x3FFE];
	[sflag:s23] =	ssyncadd.s32 $0xFFFFFFFF  }
0xa5: {  	s26 =	simm.s32 $execute0_lowered;
	[smem:$0x3FD2] =	sst s25  }
0xa6: {  	s5 =	sshll.u32 s26, $0x1;
	_ =	strace $0x8000004C;
	[dreg:$0x1] =	wrdreg $0xFFFFFFFF  }
0xa7: {  	s28 =	simm.s32 $_size_execute0_lowered;
	s3 =	sadd.s32 s3, s5;
	[dreg:$0x0] =	wrdreg $0x0  }
0xa8: {  	s5 =	sshll.u32 s28, $0x1;
	[dreg:$0x2] =	wrdreg s3  }
0xa9: {  	[dreg:$0x3] =	wrdreg s5  }
0xaa: {  	[dreg:$0x4] =	wrdreg $0xC0  }
0xab: {  	_ =	task [dreg:s7], $0x5FFFF  }
0xac: {  	[dreg:$0x1] =	wrdreg $0xFFFFFFFF  }
0xad: {  	[dreg:$0x0] =	wrdreg $0x60  }
0xae: {  	[dreg:$0x2] =	wrdreg s24  }
0xaf: {  	[dreg:$0x3] =	wrdreg s2  }
0xb0: {  	[dreg:$0x4] =	wrdreg $0xA9400  }
0xb1: {  	[dreg:$0x5] =	wrdreg $0x9  }
0xb2: {  	_ =	task.clear_ibuf [dreg:s7], $0x6FFFF;
	_ =	strace $0x9000004C  }
0xb3: {  	s29 =	simm.s32 $0x9;
	_ =	strace $0x8000004E  }
0xb4: {  	_ =	swait.ge [sflag:s29], $0x1  }
0xb5: {  	[sflag:s29] =	ssyncadd.s32 $0xFFFFFFFF  }
0xb6: {  	_ =	strace $0x9000004E  }
0xb7: {  	_ =	sfence  }
0xb8: {  	s30 =	sld [smem:$0x0];
	_ =	sdelay $0x2  }
0xb9: {  	s31 =	sshll.u32 s1, $0xD;
	s1 =	sshrl.u32 s1, $0x2  }
0xba: {  	s3 =	sand.u32 $0x4000, s31;
	s1 =	sadd.s32 s1, s30  }
0xbb: {  	s0 =	sor.u32 s3, s0;
	s1 =	sshll.u32 s1, $0x11  }
0xbc: {  	s0 =	sor.u32 s1, s0  }
0xbd: {  	s0 =	sadd.s32 $0x8F2B, s0  }
0xbe: {  	[sflag:s0] =	ssyncadd.remote.s32 $0x1  }
0xbf: {  	_ =	sfence.sel $0xFFFF  }
0xc0: {  	[dreg:$0x0] =	wrdreg $0xFFFFFFFF;
	(pc) =	sbr.abs _section_cstart, $3  }
0xc1: {  	[dreg:$0x1] =	wrdreg $0xFFFFFFFF  }
0xc2: {  	_ =	task.clear_ibuf [dreg:s7], $0x2FFFF;
	_ =	strace $0x9FFFFFFF  }
0xc3: {  	(tm) =	ssettm $0x7FFFFFFF  }
tec
execute0_lowered:
.L_overlay_start_1:
0x0: {  	(tag) =	ssettag $0x1  }
0x1: {  	s5 =	rddreg [dreg:$0x0];
	s1 =	srdreg.scid  }
0x2: {  	s0 =	stileid.u32;
	s10 =	rddreg [dreg:$0x1]  }
0x3: {  	s2 =	rddreg [dreg:$0x2];
	s3 =	simm.s32 $0x0;
	s15 =	simm.s32 $0x80  }
0x4: {  	s16 =	simm.s32 $0x5940;
	s17 =	simm.s32 $0x1;
	s18 =	simm.s32 $0x7940  }
0x5: {  	s19 =	simm.s32 $0x40;
	s20 =	simm.s32 $0x9940;
	s6 =	sand.u32 $0x1, s1  }
0x6: {  	s29 =	sshll.u32 s0, $0x1;
	[smem:$0x7FF] =	sst s3;
	s9 =	smul.u32 $0x6C00, s0  }
0x7: {  	s31 =	sshll.u32 s0, $0x6;
	s4 =	sor.u32 s6, s29;
	s14 =	smul.u32 $0xD800, s6  }
0x8: {  	_ =	strace $0x8000004D;
	s30 =	ssub.s32 $0x2, s6;
	s7 =	smul.u32 $0x540, s4  }
0x9: {  	s6 =	sor.u32 $0x1C02, s31;
	s8 =	smul.u32 $0xA8, s4;
	s4 =	sadd.s32 $0x14E600, s5  }
0xa: {  	s21 =	sshrl.u32 s9, $0x3;
	s12 =	sshrl.u32 s30, $0x1;
	s13 =	sadd.s32 s9, s2  }
0xb: {  	s12 =	ssub.s32 s30, s12;
	s22 =	sadd.s32 s10, s14;
	s14 =	simm.s32 $0x2F40  }
0xc: {  	s11 =	sadd.s32 s7, s5;
	s8 =	sadd.s32 s8, s5;
	s5 =	sadd.s32 s21, s5  }
0xd: {  	s10 =	smax.u32 s12, $0x1;
	s12 =	simm.s32 $0x2;
	s21 =	sadd.s32 s21, s22  }
0xe: {  	v0 =	vimm.s32 $0x0;
	vm0 =	vcmask $0x300;
	s22 =	simm.s32 $0x0;
	s5 =	sadd.s32 $0x39A00, s5;
	s7 =	sadd.s32 $0x24A00, s11  }
0xf: {  	v0 =	vsel vm0, $0x3, v0;
	s8 =	sadd.s32 $0x4200, s8;
	s9 =	sadd.s32 $0x2F200, s11;
	s11 =	sshrl.u32 s13, $0x3  }
.LBB2_1:
0x10: {  	[spmem:s11], [sflag:s6] =	dma.local [hbm:s5], $0xD80  }
0x11: {  	_ =	swait.ge [sflag:s12], $0xD80  }
0x12: {  	[sflag:s12] =	ssyncset.done $0x0  }
0x13: {  	[sflag:s12] =	ssyncadd.s32 $0xFFFFF280  }
0x14: {  	[tilespmem:s3], [sflag:$0x2] =	stream.linear.gather [hbm4b:s7+s3], $0x2A00, $0x38;
	[tilespmem:$0x11540] =	vst v63  }
0x15: {  	_ =	swait.ge [sflag:s12], $0x2A00  }
0x16: {  	[sflag:s12] =	ssyncset.done $0x0  }
0x17: {  	s0 =	simm.s32 $0x2A00;
	[sflag:s12] =	ssyncadd.s32 $0xFFFFD600  }
0x18: {  	[tilespmem:s0], [sflag:$0x2] =	stream.linear.gather [hbm4b:s8+s3], $0x540, $0x38;
	[tilespmem:$0x11540] =	vst v63  }
0x19: {  	_ =	swait.ge [sflag:s12], $0x540  }
0x1a: {  	[sflag:s12] =	ssyncset.done $0x0  }
0x1b: {  	[sflag:s12] =	ssyncadd.s32 $0xFFFFFAC0  }
0x1c: {  	[tilespmem:s14], [sflag:$0x2] =	stream.linear.gather [hbm4b:s9+s3], $0x2A00, $0x38;
	[tilespmem:$0x11540] =	vst v63  }
0x1d: {  	_ =	swait.ge [sflag:s12], $0x2A00  }
0x1e: {  	[sflag:s12] =	ssyncset.done $0x0  }
0x1f: {  	[sflag:s12] =	ssyncadd.s32 $0xFFFFD600  }
0x20: {  	s23 =	simm.s32 $0x0;
	s24 =	simm.s32 $0x0;
	[bflag:$0x0] =	sbarrier.arrive $0xFFFF  }
.LBB2_2:
0x21: {  	s25 =	sshll.u32 s24, $0x9  }
0x22: {  	s25 =	sand.u32 $0x3FFFFE00, s25  }
0x23: {  	[tilespmem:s16], [sflag:$0x1] =	stream.indirect.gather [hbm4b:s4+s15], $0x40, s25, s15, $0xb8;
	[tilespmem:$0x11540] =	vst v63  }
0x24: {  	_ =	swait.ge [sflag:s17], $0x2000  }
0x25: {  	[sflag:s17] =	ssyncset.done $0x0  }
0x26: {  	s26 =	sor.u32 $0x80, s25;
	[sflag:s17] =	ssyncadd.s32 $0xFFFFE000  }
0x27: {  	[tilespmem:s18], [sflag:$0x1] =	stream.indirect.gather [hbm4b:s4+s15], $0x40, s26, s15, $0xb8;
	[tilespmem:$0x11540] =	vst v63  }
0x28: {  	_ =	swait.ge [sflag:s17], $0x2000  }
0x29: {  	[sflag:s17] =	ssyncset.done $0x0  }
0x2a: {  	s26 =	simm.s32 $0x5A40;
	[sflag:s17] =	ssyncadd.s32 $0xFFFFE000  }
0x2b: {  	v1 =	vld [tilespmem:s26+$0xE0]  }
0x2c: {  	v2 =	vld [tilespmem:s26+$0xB0]  }
0x2d: {  	v4 =	vld [tilespmem:s26+$0x70]  }
0x2e: {  	v5 =	vld [tilespmem:s26+$0x60]  }
0x2f: {  	v3 =	vld [tilespmem:s26+$0x10]  }
0x30: {  	s28 =	sadd.s32 $0x0, s23;
	v7 =	vld [tilespmem:s26+$0x0]  }
0x31: {  	v8 =	vmov s28;
	v6 =	vld [tilespmem:s26+$0xFFFFFFF0]  }
0x32: {  	v8 =	vshrl.u32 v8, $0x3;
	v9 =	vld [tilespmem:s26+$0xFFFFFFB0]  }
0x33: {  	v8 =	vshll.u32 v8, v0;
	v10 =	vld [tilespmem:s26+$0xFFFFFF80]  }
0x34: {  	v12 =	vbroadcast v8, $0x0;
	v11 =	vld [tilespmem:s26+$0xFFFFFFE0]  }
0x35: {  	v13 =	vld [tilespmem:s26+$0xFFFFFF40]  }
0x36: {  	v17 =	vld [tilespmem:s26+$0xFFFFFF70]  }
0x37: {  	v14 =	vadd.s32 $0x1, v8;
	v18 =	vld [tilespmem:s26+$0xFFFFFF20]  }
0x38: {  	v14 =	vbroadcast v14, $0x0;
	v20 =	vld [tilespmem:s26+$0xFFFFFF10]  }
0x39: {  	v16 =	vadd.s32 $0x3, v8;
	v21 =	vld [tilespmem:s26+$0xFFFFFF30]  }
0x3a: {  	v19 =	vadd.s32 $0x2, v8;
	v16 =	vbroadcast v16, $0x0;
	v12 =	vld.idx.msk [tilespmem:v12+s14+$0x0], $0xffff  }
0x3b: {  	v19 =	vbroadcast v19, $0x0;
	v22 =	vld [tilespmem:s26+$0xFFFFFF00]  }
0x3c: {  	v25 =	vld [tilespmem:s26+$0xFFFFFF60]  }
0x3d: {  	v27 =	vld [tilespmem:s26+$0xFFFFFF50]  }
0x3e: {  	v23 =	vadd.s32 $0x4, v8;
	v14 =	vld.idx.msk [tilespmem:v14+s14+$0x0], $0xffff  }
0x3f: {  	v24 =	vadd.s32 $0x5, v8;
	v26 =	vadd.s32 $0x6, v8;
	v23 =	vbroadcast v23, $0x0;
	v28 =	vld [tilespmem:s26+$0xFFFFFFA0]  }
0x40: {  	v8 =	vadd.s32 $0x7, v8;
	v24 =	vbroadcast v24, $0x0;
	v26 =	vbroadcast v26, $0x0;
	v16 =	vld.idx.msk [tilespmem:v16+s14+$0x0], $0xffff  }
0x41: {  	v8 =	vbroadcast v8, $0x0;
	v19 =	vld.idx.msk [tilespmem:v19+s14+$0x0], $0xffff;
	v22 =	vmul.f32 v22, v12  }
0x42: {  	v51 =	vld [tilespmem:s26+$0xFFFFFF90];
	v18 =	vmul.f32 v18, v12;
	v21 =	vmul.f32 v21, v12  }
0x43: {  	v15 =	vld [tilespmem:s26+$0xFFFFFFD0];
	v12 =	vmul.f32 v20, v12;
	v17 =	vmul.f32 v17, v14  }
0x44: {  	v29 =	vld [tilespmem:s26+$0xFFFFFFC0];
	v25 =	vmul.f32 v25, v14;
	v13 =	vmul.f32 v13, v14  }
0x45: {  	v52 =	vld [tilespmem:s26+$0x20];
	v11 =	vmul.f32 v11, v16;
	v14 =	vmul.f32 v27, v14  }
0x46: {  	v54 =	vld [tilespmem:s26+$0x30];
	v10 =	vmul.f32 v10, v19;
	v53 =	vmul.f32 v28, v19  }
0x47: {  	v23 =	vld.idx.msk [tilespmem:v23+s14+$0x0], $0xffff;
	v55 =	vmul.f32 v51, v19;
	v50 =	vadd.f32 $0.0e+00, v22;
	v18 =	vadd.f32 $0.0e+00, v18  }
0x48: {  	v58 =	vld [tilespmem:s26+$0x40];
	v9 =	vmul.f32 v9, v19;
	v21 =	vadd.f32 $0.0e+00, v21;
	v12 =	vadd.f32 $0.0e+00, v12  }
0x49: {  	v56 =	vld.idx.msk [tilespmem:v24+s14+$0x0], $0xffff;
	v57 =	vmul.f32 v6, v16;
	v18 =	vadd.f32 v25, v18;
	v13 =	vadd.f32 v13, v50  }
0x4a: {  	v15 =	vmul.f32 v15, v16;
	v17 =	vadd.f32 v17, v21;
	v12 =	vadd.f32 v14, v12;
	v14 =	vld [tilespmem:s26+$0x50]  }
0x4b: {  	v59 =	vld [tilespmem:s26+$0xA0];
	v10 =	vadd.f32 v10, v13;
	v13 =	vmul.f32 v29, v16;
	v18 =	vadd.f32 v53, v18  }
0x4c: {  	v61 =	vld [tilespmem:s26+$0x90];
	v60 =	vmul.f32 v3, v23;
	v9 =	vadd.f32 v9, v17;
	v12 =	vadd.f32 v55, v12  }
0x4d: {  	v6 =	vld.idx.msk [tilespmem:v26+s14+$0x0], $0xffff;
	v10 =	vadd.f32 v13, v10;
	v13 =	vmul.f32 v52, v23;
	v11 =	vadd.f32 v11, v18  }
0x4e: {  	v3 =	vld [tilespmem:s26+$0x80];
	v62 =	vmul.f32 v54, v23;
	v12 =	vadd.f32 v15, v12;
	v15 =	vmul.f32 v7, v23  }
0x4f: {  	v9 =	vadd.f32 v57, v9;
	v7 =	vld.idx.msk [tilespmem:v8+s14+$0x0], $0xffff;
	v13 =	vadd.f32 v13, v11;
	v11 =	vmul.f32 v14, v56  }
0x50: {  	v8 =	vld [tilespmem:s26+$0xF0];
	v10 =	vadd.f32 v15, v10;
	v12 =	vadd.f32 v60, v12;
	v14 =	vmul.f32 v58, v56  }
0x51: {  	v63 =	vmul.f32 v5, v56;
	v19 =	vmul.f32 v4, v56;
	v4 =	vld [tilespmem:s26+$0xC0];
	v15 =	vadd.f32 v62, v9  }
0x52: {  	v9 =	vld [tilespmem:s26+$0xD0];
	v5 =	vadd.f32 v14, v10;
	v11 =	vadd.f32 v11, v12;
	v10 =	vmul.f32 v59, v6  }
0x53: {  	s29 =	simm.s32 $0x9960;
	s30 =	simm.s32 $0x8;
	s28 =	simm.s32 $0x9960;
	v12 =	vadd.f32 v63, v13;
	v13 =	vadd.f32 v19, v15;
	v14 =	vmul.f32 v61, v6  }
.LBB2_3:
0x54: {  	p0 =	sne.s32 s30, $0xF8;
	v3 =	vmul.f32 v3, v6;
	v2 =	vmul.f32 v2, v6;
	s29 =	sadd.s32 $0x40, s29;
	s26 =	sadd.s32 $0x200, s26  }
0x55: {  	s31 =	smov.u32 s30;
	s30 =	sadd.s32 $0x8, s30;
	v6 =	vadd.f32 v14, v11;
	v10 =	vadd.f32 v10, v12;
	v8 =	vmul.f32 v8, v7  }
0x56: {  	v3 =	vadd.f32 v3, v5;
	v2 =	vadd.f32 v2, v13;
	v4 =	vmul.f32 v4, v7  }
0x57: {  	v1 =	vmul.f32 v1, v7;
	v5 =	vmul.f32 v9, v7  }
0x58: {  	v3 =	vadd.f32 v4, v3;
	v2 =	vadd.f32 v8, v2  }
0x59: {  	v1 =	vadd.f32 v1, v10;
	v4 =	vadd.f32 v5, v6  }
0x5a: {  	[tilespmem:s28+$0x10] =	vst v2  }
0x5b: {  	[tilespmem:s28+$0xFFFFFFF0] =	vst v4  }
0x5c: {  	[tilespmem:s28+$0x0] =	vst v1  }
0x5d: {  	[tilespmem:s28+$0xFFFFFFE0] =	vst v3;
	s28 =	smov.u32 s29  }
0x5e: {  	v1 =	vld [tilespmem:s26+$0xE0]  }
0x5f: {  	v2 =	vld [tilespmem:s26+$0xB0]  }
0x60: {  	v3 =	vld [tilespmem:s26+$0x80]  }
0x61: {  	v4 =	vld [tilespmem:s26+$0x70]  }
0x62: {  	v5 =	vld [tilespmem:s26+$0x60]  }
0x63: {  	v7 =	vld [tilespmem:s26+$0x10]  }
0x64: {  	v8 =	vld [tilespmem:s26+$0x0]  }
0x65: {  	s31 =	sadd.s32 s31, s23;
	v6 =	vld [tilespmem:s26+$0xFFFFFFF0]  }
0x66: {  	v9 =	vmov s31;
	v10 =	vld [tilespmem:s26+$0xFFFFFFB0]  }
0x67: {  	v9 =	vshrl.u32 v9, $0x3;
	v11 =	vld [tilespmem:s26+$0xFFFFFF80]  }
0x68: {  	v9 =	vshll.u32 v9, v0;
	v12 =	vld [tilespmem:s26+$0xFFFFFFE0]  }
0x69: {  	v13 =	vbroadcast v9, $0x0;
	v14 =	vadd.s32 $0x1, v9;
	v16 =	vadd.s32 $0x3, v9;
	v15 =	vld [tilespmem:s26+$0xFFFFFF40]  }
0x6a: {  	v17 =	vadd.s32 $0x2, v9;
	v19 =	vadd.s32 $0x4, v9;
	v14 =	vbroadcast v14, $0x0;
	v18 =	vld [tilespmem:s26+$0xFFFFFFD0]  }
0x6b: {  	v21 =	vadd.s32 $0x5, v9;
	v17 =	vbroadcast v17, $0x0;
	v16 =	vbroadcast v16, $0x0;
	v20 =	vld [tilespmem:s26+$0xFFFFFF70]  }
0x6c: {  	v23 =	vadd.s32 $0x6, v9;
	v19 =	vbroadcast v19, $0x0;
	v21 =	vbroadcast v21, $0x0;
	v22 =	vld [tilespmem:s26+$0xFFFFFF20]  }
0x6d: {  	v9 =	vadd.s32 $0x7, v9;
	v23 =	vbroadcast v23, $0x0;
	v24 =	vld [tilespmem:s26+$0xFFFFFF10]  }
0x6e: {  	v9 =	vbroadcast v9, $0x0;
	v25 =	vld [tilespmem:s26+$0xFFFFFF30]  }
0x6f: {  	v13 =	vld.idx.msk [tilespmem:v13+s14+$0x0], $0xffff  }
0x70: {  	v26 =	vld [tilespmem:s26+$0xFFFFFF00]  }
0x71: {  	v14 =	vld.idx.msk [tilespmem:v14+s14+$0x0], $0xffff  }
0x72: {  	v16 =	vld.idx.msk [tilespmem:v16+s14+$0x0], $0xffff  }
0x73: {  	v27 =	vld [tilespmem:s26+$0xFFFFFF60]  }
0x74: {  	v17 =	vld.idx.msk [tilespmem:v17+s14+$0x0], $0xffff  }
0x75: {  	v25 =	vmul.f32 v25, v13;
	v26 =	vmul.f32 v26, v13;
	v28 =	vld [tilespmem:s26+$0xFFFFFF50]  }
0x76: {  	v24 =	vmul.f32 v24, v13;
	v13 =	vmul.f32 v22, v13;
	v22 =	vld [tilespmem:s26+$0xFFFFFFA0]  }
0x77: {  	v25 =	vadd.f32 $0.0e+00, v25;
	v20 =	vmul.f32 v20, v14;
	v26 =	vadd.f32 $0.0e+00, v26;
	v29 =	vld [tilespmem:s26+$0xFFFFFF90]  }
0x78: {  	v13 =	vadd.f32 $0.0e+00, v13;
	v18 =	vmul.f32 v18, v16;
	v27 =	vmul.f32 v27, v14;
	v30 =	vld [tilespmem:s26+$0xFFFFFFC0]  }
0x79: {  	v15 =	vmul.f32 v15, v14;
	v12 =	vmul.f32 v12, v16;
	v19 =	vld.idx.msk [tilespmem:v19+s14+$0x0], $0xffff  }
0x7a: {  	v11 =	vmul.f32 v11, v17;
	v14 =	vmul.f32 v28, v14;
	v13 =	vadd.f32 v27, v13;
	v27 =	vld [tilespmem:s26+$0x20]  }
0x7b: {  	v24 =	vadd.f32 $0.0e+00, v24;
	v15 =	vadd.f32 v15, v26;
	v22 =	vmul.f32 v22, v17;
	v26 =	vld [tilespmem:s26+$0x30]  }
0x7c: {  	v20 =	vadd.f32 v20, v25;
	v10 =	vmul.f32 v10, v17;
	v25 =	vmul.f32 v29, v17;
	v17 =	vld.idx.msk [tilespmem:v21+s14+$0x0], $0xffff  }
0x7d: {  	v11 =	vadd.f32 v11, v15;
	v14 =	vadd.f32 v14, v24;
	v15 =	vmul.f32 v30, v16;
	v21 =	vld [tilespmem:s26+$0x50]  }
0x7e: {  	v10 =	vadd.f32 v10, v20;
	v13 =	vadd.f32 v22, v13;
	v16 =	vmul.f32 v6, v16;
	v20 =	vld [tilespmem:s26+$0x40]  }
0x7f: {  	v14 =	vadd.f32 v25, v14;
	v11 =	vadd.f32 v15, v11;
	v15 =	vmul.f32 v27, v19;
	v6 =	vld.idx.msk [tilespmem:v23+s14+$0x0], $0xffff  }
0x80: {  	v12 =	vadd.f32 v12, v13;
	v10 =	vadd.f32 v16, v10;
	v13 =	vmul.f32 v26, v19;
	v16 =	vld [tilespmem:s26+$0xA0]  }
0x81: {  	v8 =	vmul.f32 v8, v19;
	v14 =	vadd.f32 v18, v14;
	v18 =	vmul.f32 v7, v19;
	v19 =	vld [tilespmem:s26+$0x90]  }
.Ltmp0:
0x82: {  	v12 =	vadd.f32 v15, v12;
	v13 =	vadd.f32 v13, v10;
	v10 =	vmul.f32 v21, v17;
	v7 =	vld.idx.msk [tilespmem:v9+s14+$0x0], $0xffff;
	(pc) =	sbr.rel @p0 .LBB2_3-.Ltmp0, $4  }
0x83: {  	v9 =	vadd.f32 v8, v11;
	v11 =	vadd.f32 v18, v14;
	v14 =	vmul.f32 v20, v17;
	v8 =	vld [tilespmem:s26+$0xF0]  }
0x84: {  	v15 =	vmul.f32 v5, v17;
	v17 =	vmul.f32 v4, v17;
	v4 =	vld [tilespmem:s26+$0xC0]  }
0x85: {  	v11 =	vadd.f32 v10, v11;
	v5 =	vadd.f32 v14, v9;
	v10 =	vmul.f32 v16, v6;
	v9 =	vld [tilespmem:s26+$0xD0]  }
0x86: {  	v12 =	vadd.f32 v15, v12;
	v13 =	vadd.f32 v17, v13;
	v14 =	vmul.f32 v19, v6  }
0x87: {  	v2 =	vmul.f32 v2, v6  }
0x88: {  	v1 =	vmul.f32 v1, v7;
	v10 =	vadd.f32 v10, v12  }
0x89: {  	v3 =	vmul.f32 v3, v6;
	v8 =	vmul.f32 v8, v7;
	v2 =	vadd.f32 v2, v13  }
0x8a: {  	v6 =	vadd.f32 v14, v11;
	v9 =	vmul.f32 v9, v7;
	v1 =	vadd.f32 v1, v10  }
0x8b: {  	v3 =	vadd.f32 v3, v5;
	v4 =	vmul.f32 v4, v7;
	v2 =	vadd.f32 v8, v2  }
0x8c: {  	v5 =	vadd.f32 v9, v6;
	[tilespmem:s28+$0x0] =	vst v1  }
0x8d: {  	[tilespmem:s28+$0x10] =	vst v2;
	v2 =	vadd.f32 v4, v3  }
0x8e: {  	[tilespmem:s28+$0xFFFFFFF0] =	vst v5  }
0x8f: {  	s26 =	sadd.s32 $0x100, s25;
	[tilespmem:s28+$0xFFFFFFE0] =	vst v2  }
0x90: {  	[tilespmem:s16], [sflag:$0x1] =	stream.indirect.gather [hbm4b:s4+s15], $0x40, s26, s15, $0xb8;
	[tilespmem:$0x11540] =	vst v63  }
0x91: {  	_ =	swait.ge [sflag:s17], $0x2000  }
0x92: {  	[sflag:s17] =	ssyncset.done $0x0  }
0x93: {  	s30 =	sadd.s32 $0x180, s25;
	[sflag:s17] =	ssyncadd.s32 $0xFFFFE000  }
0x94: {  	[tilespmem:s18], [sflag:$0x1] =	stream.indirect.gather [hbm4b:s4+s15], $0x40, s30, s15, $0xb8;
	[tilespmem:$0x11540] =	vst v63  }
0x95: {  	_ =	swait.ge [sflag:s17], $0x2000  }
0x96: {  	[sflag:s17] =	ssyncset.done $0x0  }
0x97: {  	s25 =	simm.s32 $0x5A40;
	[sflag:s17] =	ssyncadd.s32 $0xFFFFE000  }
0x98: {  	v1 =	vld [tilespmem:s25+$0xE0]  }
0x99: {  	v2 =	vld [tilespmem:s25+$0x90]  }
0x9a: {  	v3 =	vld [tilespmem:s25+$0xB0]  }
0x9b: {  	s31 =	sadd.s32 $0x0, s23;
	v4 =	vld [tilespmem:s25+$0x70]  }
0x9c: {  	s29 =	sadd.s32 $0x102, s31;
	v5 =	vld [tilespmem:s25+$0x20]  }
0x9d: {  	v9 =	vmov s29;
	v6 =	vld [tilespmem:s25+$0x0]  }
0x9e: {  	v9 =	vshrl.u32 v9, $0x3;
	v10 =	vld [tilespmem:s25+$0xFFFFFFD0]  }
0x9f: {  	v9 =	vshll.u32 v9, v0;
	v12 =	vld [tilespmem:s25+$0xFFFFFF80]  }
0xa0: {  	v9 =	vadd.s32 $0x2, v9;
	v13 =	vld [tilespmem:s25+$0xFFFFFFB0]  }
0xa1: {  	s29 =	sadd.s32 $0x105, s31;
	s28 =	sadd.s32 $0x100, s31;
	v9 =	vbroadcast v9, $0x0;
	v14 =	vld [tilespmem:s25+$0xFFFFFF70]  }
0xa2: {  	v22 =	vmov s29;
	v8 =	vmov s28;
	s30 =	sadd.s32 $0x101, s31;
	v15 =	vld [tilespmem:s25+$0xFFFFFF90]  }
0xa3: {  	v22 =	vshrl.u32 v22, $0x3;
	v8 =	vshrl.u32 v8, $0x3;
	v11 =	vmov s30;
	v16 =	vld [tilespmem:s25+$0xFFFFFFA0]  }
0xa4: {  	v22 =	vshll.u32 v22, v0;
	s28 =	sadd.s32 $0x103, s31;
	v8 =	vshll.u32 v8, v0;
	v11 =	vshrl.u32 v11, $0x3;
	v18 =	vld [tilespmem:s25+$0xFFFFFF20]  }
0xa5: {  	v17 =	vmov s28;
	v8 =	vbroadcast v8, $0x0;
	v11 =	vshll.u32 v11, v0;
	v19 =	vld [tilespmem:s25+$0xFFFFFF30]  }
0xa6: {  	v22 =	vadd.s32 $0x5, v22;
	s28 =	sadd.s32 $0x104, s31;
	v17 =	vshrl.u32 v17, $0x3;
	v11 =	vadd.s32 $0x1, v11;
	v21 =	vld [tilespmem:s25+$0xFFFFFF00]  }
0xa7: {  	s26 =	sadd.s32 $0x107, s31;
	v20 =	vmov s28;
	v17 =	vshll.u32 v17, v0;
	v9 =	vld.idx.msk [tilespmem:v9+s14+$0x0], $0xffff;
	v11 =	vbroadcast v11, $0x0  }
0xa8: {  	v24 =	vmov s26;
	s28 =	sadd.s32 $0x106, s31;
	v20 =	vshrl.u32 v20, $0x3;
	v17 =	vadd.s32 $0x3, v17;
	v25 =	vld [tilespmem:s25+$0xFFFFFF10]  }
0xa9: {  	v23 =	vmov s28;
	v20 =	vshll.u32 v20, v0;
	v17 =	vbroadcast v17, $0x0;
	v26 =	vld [tilespmem:s25+$0xFFFFFF60]  }
0xaa: {  	v24 =	vshrl.u32 v24, $0x3;
	v23 =	vshrl.u32 v23, $0x3;
	v20 =	vadd.s32 $0x4, v20;
	v27 =	vld [tilespmem:s25+$0xFFFFFF40]  }
0xab: {  	v24 =	vshll.u32 v24, v0;
	v23 =	vshll.u32 v23, v0;
	v20 =	vbroadcast v20, $0x0;
	v8 =	vld.idx.msk [tilespmem:v8+s14+$0x0], $0xffff  }
0xac: {  	v22 =	vbroadcast v22, $0x0;
	v24 =	vadd.s32 $0x7, v24;
	v23 =	vadd.s32 $0x6, v23;
	v28 =	vld [tilespmem:s25+$0xFFFFFF50]  }
0xad: {  	v24 =	vbroadcast v24, $0x0;
	v23 =	vbroadcast v23, $0x0;
	v11 =	vld.idx.msk [tilespmem:v11+s14+$0x0], $0xffff  }
0xae: {  	v29 =	vld [tilespmem:s25+$0xFFFFFFC0];
	v16 =	vmul.f32 v16, v9;
	v15 =	vmul.f32 v15, v9  }
0xaf: {  	v17 =	vld.idx.msk [tilespmem:v17+s14+$0x0], $0xffff;
	v12 =	vmul.f32 v12, v9;
	v9 =	vmul.f32 v13, v9  }
0xb0: {  	v56 =	vld [tilespmem:s25+$0x30];
	v21 =	vmul.f32 v21, v8;
	v19 =	vmul.f32 v19, v8  }
0xb1: {  	v20 =	vld.idx.msk [tilespmem:v20+s14+$0x0], $0xffff;
	v18 =	vmul.f32 v18, v8;
	v8 =	vmul.f32 v25, v8  }
0xb2: {  	v7 =	vld [tilespmem:s25+$0xFFFFFFF0];
	v19 =	vadd.f32 $0.0e+00, v19;
	v54 =	vmul.f32 v26, v11;
	v27 =	vmul.f32 v27, v11  }
0xb3: {  	v55 =	vld [tilespmem:s25+$0xFFFFFFE0];
	v8 =	vadd.f32 $0.0e+00, v8;
	v14 =	vmul.f32 v14, v11;
	v11 =	vmul.f32 v28, v11  }
0xb4: {  	v57 =	vld [tilespmem:s25+$0x10];
	v21 =	vadd.f32 $0.0e+00, v21;
	v18 =	vadd.f32 $0.0e+00, v18;
	v58 =	vmul.f32 v29, v17  }
0xb5: {  	v59 =	vld [tilespmem:s25+$0x60];
	v10 =	vmul.f32 v10, v17;
	v13 =	vadd.f32 v14, v19;
	v8 =	vadd.f32 v11, v8  }
0xb6: {  	v61 =	vmul.f32 v56, v20;
	v18 =	vadd.f32 v54, v18;
	v21 =	vadd.f32 v27, v21;
	v11 =	vld.idx.msk [tilespmem:v22+s14+$0x0], $0xffff  }
0xb7: {  	v5 =	vmul.f32 v5, v20;
	v9 =	vadd.f32 v9, v13;
	v8 =	vadd.f32 v15, v8;
	v13 =	vld [tilespmem:s25+$0x40]  }
0xb8: {  	v60 =	vld [tilespmem:s25+$0x50];
	v14 =	vadd.f32 v16, v18;
	v12 =	vadd.f32 v12, v21;
	v15 =	vmul.f32 v55, v17  }
0xb9: {  	v62 =	vld [tilespmem:s25+$0x80];
	v17 =	vmul.f32 v7, v17;
	v8 =	vadd.f32 v10, v8;
	v10 =	vmul.f32 v57, v20  }
0xba: {  	v7 =	vld.idx.msk [tilespmem:v23+s14+$0x0], $0xffff;
	v12 =	vadd.f32 v58, v12;
	v14 =	vadd.f32 v15, v14;
	v15 =	vmul.f32 v6, v20  }
0xbb: {  	v9 =	vadd.f32 v17, v9;
	v6 =	vld [tilespmem:s25+$0xA0];
	v63 =	vadd.f32 v10, v8;
	v10 =	vmul.f32 v59, v11  }
0xbc: {  	v8 =	vadd.f32 v15, v12;
	v12 =	vadd.f32 v5, v14;
	v5 =	vld.idx.msk [tilespmem:v24+s14+$0x0], $0xffff;
	v13 =	vmul.f32 v13, v11  }
0xbd: {  	v14 =	vadd.f32 v61, v9;
	v15 =	vmul.f32 v60, v11;
	v11 =	vmul.f32 v4, v11;
	v4 =	vld [tilespmem:s25+$0xF0]  }
0xbe: {  	v9 =	vld [tilespmem:s25+$0xD0];
	v10 =	vadd.f32 v10, v12;
	v8 =	vadd.f32 v13, v8  }
0xbf: {  	s29 =	simm.s32 $0x8;
	s26 =	simm.s32 $0xA170;
	s28 =	simm.s32 $0xA170;
	v13 =	vadd.f32 v15, v63;
	v12 =	vadd.f32 v11, v14;
	v14 =	vmul.f32 v62, v7;
	v11 =	vld [tilespmem:s25+$0xC0]  }
.LBB2_5:
0xc0: {  	p0 =	sne.s32 s29, $0xF8;
	v6 =	vmul.f32 v6, v7;
	v3 =	vmul.f32 v3, v7;
	s28 =	sadd.s32 $0x40, s28;
	s25 =	sadd.s32 $0x200, s25  }
0xc1: {  	v2 =	vmul.f32 v2, v7;
	s30 =	smov.u32 s29;
	s29 =	sadd.s32 $0x8, s29  }
0xc2: {  	v7 =	vadd.f32 v14, v8;
	v6 =	vadd.f32 v6, v10;
	v4 =	vmul.f32 v4, v5  }
0xc3: {  	v2 =	vadd.f32 v2, v13;
	v3 =	vadd.f32 v3, v12;
	v8 =	vmul.f32 v9, v5  }
0xc4: {  	v1 =	vmul.f32 v1, v5;
	v9 =	vmul.f32 v11, v5  }
0xc5: {  	v3 =	vadd.f32 v4, v3;
	v2 =	vadd.f32 v8, v2  }
0xc6: {  	v1 =	vadd.f32 v1, v6;
	v4 =	vadd.f32 v9, v7  }
0xc7: {  	[tilespmem:s26+$0xFFFFFFE0] =	vst v2  }
0xc8: {  	[tilespmem:s26+$0xFFFFFFF0] =	vst v1  }
0xc9: {  	[tilespmem:s26+$0x0] =	vst v3  }
0xca: {  	[tilespmem:s26+$0xFFFFFFD0] =	vst v4;
	s26 =	smov.u32 s28  }
0xcb: {  	v1 =	vld [tilespmem:s25+$0xE0]  }
0xcc: {  	v2 =	vld [tilespmem:s25+$0x90]  }
0xcd: {  	v3 =	vld [tilespmem:s25+$0xB0]  }
0xce: {  	v4 =	vld [tilespmem:s25+$0x70]  }
0xcf: {  	v5 =	vld [tilespmem:s25+$0x20]  }
0xd0: {  	s30 =	sadd.s32 s30, s23;
	v6 =	vld [tilespmem:s25+$0x0]  }
0xd1: {  	s31 =	sadd.s32 $0x100, s30;
	s1 =	sadd.s32 $0x101, s30;
	s0 =	sadd.s32 $0x102, s30;
	v7 =	vld [tilespmem:s25+$0xFFFFFFF0]  }
0xd2: {  	v10 =	vmov s0;
	s0 =	sadd.s32 $0x103, s30;
	v8 =	vmov s31;
	s31 =	sadd.s32 $0x105, s30;
	v9 =	vmov s1;
	s1 =	sadd.s32 $0x104, s30;
	v11 =	vld [tilespmem:s25+$0xFFFFFFD0]  }
0xd3: {  	s13 =	sadd.s32 $0x106, s30;
	v10 =	vshrl.u32 v10, $0x3;
	v8 =	vshrl.u32 v8, $0x3;
	s30 =	sadd.s32 $0x107, s30;
	v9 =	vshrl.u32 v9, $0x3;
	v12 =	vld [tilespmem:s25+$0xFFFFFF80]  }
0xd4: {  	v10 =	vshll.u32 v10, v0;
	v8 =	vshll.u32 v8, v0;
	v9 =	vshll.u32 v9, v0;
	v13 =	vld [tilespmem:s25+$0xFFFFFFB0]  }
0xd5: {  	v10 =	vadd.s32 $0x2, v10;
	v8 =	vbroadcast v8, $0x0;
	v9 =	vadd.s32 $0x1, v9;
	v14 =	vld [tilespmem:s25+$0xFFFFFF70]  }
0xd6: {  	v16 =	vmov s0;
	v10 =	vbroadcast v10, $0x0;
	v9 =	vbroadcast v9, $0x0;
	v15 =	vld [tilespmem:s25+$0xFFFFFF90]  }
0xd7: {  	v16 =	vshrl.u32 v16, $0x3;
	v19 =	vmov s31;
	v18 =	vmov s1;
	v17 =	vld [tilespmem:s25+$0xFFFFFFA0]  }
0xd8: {  	v16 =	vshll.u32 v16, v0;
	v19 =	vshrl.u32 v19, $0x3;
	v18 =	vshrl.u32 v18, $0x3;
	v20 =	vld [tilespmem:s25+$0xFFFFFF20]  }
0xd9: {  	v16 =	vadd.s32 $0x3, v16;
	v19 =	vshll.u32 v19, v0;
	v18 =	vshll.u32 v18, v0;
	v21 =	vld [tilespmem:s25+$0xFFFFFF30]  }
0xda: {  	v16 =	vbroadcast v16, $0x0;
	v19 =	vadd.s32 $0x5, v19;
	v18 =	vadd.s32 $0x4, v18;
	v22 =	vld [tilespmem:s25+$0xFFFFFF00]  }
0xdb: {  	v23 =	vmov s13;
	v19 =	vbroadcast v19, $0x0;
	v18 =	vbroadcast v18, $0x0;
	v8 =	vld.idx.msk [tilespmem:v8+s14+$0x0], $0xffff  }
0xdc: {  	v23 =	vshrl.u32 v23, $0x3;
	v24 =	vmov s30;
	v10 =	vld.idx.msk [tilespmem:v10+s14+$0x0], $0xffff  }
0xdd: {  	v23 =	vshll.u32 v23, v0;
	v24 =	vshrl.u32 v24, $0x3;
	v9 =	vld.idx.msk [tilespmem:v9+s14+$0x0], $0xffff  }
0xde: {  	v23 =	vadd.s32 $0x6, v23;
	v24 =	vshll.u32 v24, v0;
	v25 =	vld [tilespmem:s25+$0xFFFFFF10]  }
0xdf: {  	v23 =	vbroadcast v23, $0x0;
	v24 =	vadd.s32 $0x7, v24;
	v26 =	vld [tilespmem:s25+$0xFFFFFF60]  }
0xe0: {  	v24 =	vbroadcast v24, $0x0;
	v27 =	vld [tilespmem:s25+$0xFFFFFF40]  }
0xe1: {  	v22 =	vmul.f32 v22, v8;
	v21 =	vmul.f32 v21, v8;
	v28 =	vld [tilespmem:s25+$0xFFFFFF50]  }
0xe2: {  	v20 =	vmul.f32 v20, v8;
	v17 =	vmul.f32 v17, v10;
	v16 =	vld.idx.msk [tilespmem:v16+s14+$0x0], $0xffff  }
0xe3: {  	v22 =	vadd.f32 $0.0e+00, v22;
	v21 =	vadd.f32 $0.0e+00, v21;
	v8 =	vmul.f32 v25, v8;
	v25 =	vld [tilespmem:s25+$0xFFFFFFC0]  }
0xe4: {  	v15 =	vmul.f32 v15, v10;
	v20 =	vadd.f32 $0.0e+00, v20;
	v26 =	vmul.f32 v26, v9;
	v29 =	vld [tilespmem:s25+$0xFFFFFFE0]  }
0xe5: {  	v14 =	vmul.f32 v14, v9;
	v8 =	vadd.f32 $0.0e+00, v8;
	v27 =	vmul.f32 v27, v9;
	v18 =	vld.idx.msk [tilespmem:v18+s14+$0x0], $0xffff  }
0xe6: {  	v13 =	vmul.f32 v13, v10;
	v9 =	vmul.f32 v28, v9;
	v20 =	vadd.f32 v26, v20;
	v26 =	vld [tilespmem:s25+$0x30]  }
0xe7: {  	v10 =	vmul.f32 v12, v10;
	v14 =	vadd.f32 v14, v21;
	v22 =	vadd.f32 v27, v22;
	v12 =	vld [tilespmem:s25+$0x10]  }
0xe8: {  	v8 =	vadd.f32 v9, v8;
	v9 =	vadd.f32 v17, v20;
	v17 =	vmul.f32 v25, v16;
	v19 =	vld.idx.msk [tilespmem:v19+s14+$0x0], $0xffff  }
0xe9: {  	v13 =	vadd.f32 v13, v14;
	v10 =	vadd.f32 v10, v22;
	v14 =	vmul.f32 v29, v16;
	v20 =	vld [tilespmem:s25+$0x60]  }
0xea: {  	v11 =	vmul.f32 v11, v16;
	v7 =	vmul.f32 v7, v16;
	v8 =	vadd.f32 v15, v8;
	v15 =	vld [tilespmem:s25+$0x40]  }
0xeb: {  	v10 =	vadd.f32 v17, v10;
	v9 =	vadd.f32 v14, v9;
	v14 =	vmul.f32 v26, v18;
	v16 =	vld [tilespmem:s25+$0x50]  }
0xec: {  	v8 =	vadd.f32 v11, v8;
	v11 =	vadd.f32 v7, v13;
	v12 =	vmul.f32 v12, v18;
	v7 =	vld.idx.msk [tilespmem:v23+s14+$0x0], $0xffff  }
0xed: {  	v5 =	vmul.f32 v5, v18;
	v13 =	vmul.f32 v6, v18;
	v17 =	vld [tilespmem:s25+$0x80]  }
.Ltmp1:
0xee: {  	v12 =	vadd.f32 v12, v8;
	v11 =	vadd.f32 v14, v11;
	v14 =	vmul.f32 v20, v19;
	v6 =	vld [tilespmem:s25+$0xA0];
	(pc) =	sbr.rel @p0 .LBB2_5-.Ltmp1, $4  }
0xef: {  	v9 =	vadd.f32 v5, v9;
	v8 =	vadd.f32 v13, v10;
	v10 =	vmul.f32 v15, v19;
	v5 =	vld.idx.msk [tilespmem:v24+s14+$0x0], $0xffff  }
0xf0: {  	v15 =	vmul.f32 v4, v19;
	v13 =	vmul.f32 v16, v19;
	v4 =	vld [tilespmem:s25+$0xF0]  }
0xf1: {  	v8 =	vadd.f32 v10, v8;
	v10 =	vadd.f32 v14, v9;
	v9 =	vld [tilespmem:s25+$0xD0]  }
0xf2: {  	v13 =	vadd.f32 v13, v12;
	v12 =	vadd.f32 v15, v11;
	v14 =	vmul.f32 v17, v7;
	v11 =	vld [tilespmem:s25+$0xC0]  }
0xf3: {  	v6 =	vmul.f32 v6, v7  }
0xf4: {  	v2 =	vmul.f32 v2, v7  }
0xf5: {  	v3 =	vmul.f32 v3, v7;
	v1 =	vmul.f32 v1, v5;
	v6 =	vadd.f32 v6, v10  }
0xf6: {  	v2 =	vadd.f32 v2, v13;
	v61 =	vmul.f32 v9, v5  }
0xf7: {  	v4 =	vmul.f32 v4, v5;
	v3 =	vadd.f32 v3, v12;
	v1 =	vadd.f32 v1, v6  }
0xf8: {  	v62 =	vadd.f32 v14, v8;
	v63 =	vmul.f32 v11, v5;
	v2 =	vadd.f32 v61, v2  }
0xf9: {  	v3 =	vadd.f32 v4, v3;
	[tilespmem:s26+$0xFFFFFFF0] =	vst v1  }
0xfa: {  	s0 =	sshll.u32 s24, $0x6;
	s24 =	sadd.s32 $0x1, s24;
	[tilespmem:s26+$0xFFFFFFE0] =	vst v2;
	v2 =	vadd.f32 v63, v62  }
0xfb: {  	s0 =	sand.u32 $0x3FFFFFC0, s0;
	p0 =	sne.s32 s24, $0x15;
	[tilespmem:s26+$0x0] =	vst v3  }
.Ltmp2:
0xfc: {  	s0 =	sadd.s32 $0x2A00, s0;
	[tilespmem:s26+$0xFFFFFFD0] =	vst v2;
	(pc) =	sbr.rel @p0 .LBB2_2-.Ltmp2, $4  }
0xfd: {  	[spmem:s2] =	stream.indirect.scatter.add.f32 [tilespmem:s20], [sflag:$0x2], $0x40, s0, s19, $0xb8;
	[tilespmem:$0x11540] =	vst v63  }
0xfe: {  	_ =	swait.ge [sflag:s12], $0x1000  }
0xff: {  	[sflag:s12] =	ssyncset.done $0x0  }
0x100: {  	s23 =	sadd.s32 $0x200, s23;
	[sflag:s12] =	ssyncadd.s32 $0xFFFFF000  }
0x101: {  	s22 =	sadd.s32 $0x1, s22  }
0x102: {  	p0 =	sne.s32 s22, s10  }
.Ltmp3:
0x103: {  	[bflag:$0x0] =	sbarrier.arrive $0xFFFF;
	(pc) =	sbr.rel @p0 .LBB2_1-.Ltmp3, $4  }
0x104: {  	[hbm:s21], [sflag:s6] =	dma.local [spmem:s11], $0xD80  }
0x105: {  	_ =	swait.ge [sflag:s12], $0xD80  }
0x106: {  	[sflag:s12] =	ssyncset.done $0x0  }
0x107: {  	[sflag:s12] =	ssyncadd.s32 $0xFFFFF280  }
0x108: {  	_ =	sfence.sel $0x180000  }
0x109: {  	[bflag:$0x0] =	sbarrier.arrive $0xFFFF  }
0x10a: {  	_ =	strace $0x9000004D  }
0x10b: {  	s0 =	stileid.u32;
	[bflag:$0x2] =	sbarrier.arrive $0xFFFF  }
0x10c: {  	p0 =	sne.s32 s0, $0x0;
	s0 =	rddreg [dreg:$0x3]  }
0x10d: {  	s0 =	sadd.s32 @!p0 $0x100000, s0  }
0x10e: {  	[sflag:s0] =	ssyncadd.tile.s32 @!p0 $0x1;
	_ =	shalt  }
.Lfunc_end2:
_tile_overlayer_lowered:
.L_overlay_start_2:
0x10f: {  	(tag) =	ssettag $0x2  }
0x110: {  	s0 =	rddreg [dreg:$0x0];
	s2 =	stileid.u32  }
0x111: {  	s1 =	rddreg [dreg:$0x1];
	p0 =	sne.s32 s2, $0x0  }
0x112: {  	s3 =	rddreg [dreg:$0x2];
	[bflag:$0x3] =	sbarrier.arrive $0xFFFF;
	s2 =	simm.s32 @!p0 $0x1C02  }
0x113: {  	[timem:s3], [sflag:s2] =	dma.local @!p0 [hbm:s0], s1  }
0x114: {  	s0 =	simm.s32 @!p0 $0x2  }
0x115: {  	_ =	swait.ge @!p0 [sflag:s0], s1  }
0x116: {  	s1 =	ssub.s32 @!p0 $0x0, s1;
	[sflag:s0] =	ssyncset.done @!p0 $0x0  }
0x117: {  	[sflag:s0] =	ssyncadd.s32 @!p0 s1  }
0x118: {  	[bflag:$0x3] =	sbarrier.arrive $0xFFFF  }
0x119: {  	_ =	shalt  }

// kernel: kernel.24.cloned.1.call-start
scs
__scs_entry_jumppad:
0x0: {  	(pc) =	sbr.rel $0x88, $3  }
0x1: {  	(tag) =	ssettag $0x0;
	lr =	simm.s32 $0x1  }
0x2: {  	[smem:$0x3F91] =	sst lr;
	_ =	strace $0xD0000000  }
0x3: {  	_ = 	snop  }
0x4: {  	_ = 	snop  }
0x5: {  	_ = 	snop  }
0x6: {  	_ = 	snop  }
0x7: {  	_ = 	snop  }
__scs_overlays_trampoline_lowered:
0x8: {  	[smem:$0x3FA0] =	sst s0  }
0x9: {  	[smem:$0x3FA1] =	sst s1  }
0xa: {  	[smem:$0x3FA2] =	sst s2  }
0xb: {  	[smem:$0x3FA3] =	sst s3  }
0xc: {  	[smem:$0x3FA4] =	sst s4  }
0xd: {  	[smem:$0x3FA5] =	sst s5  }
0xe: {  	[smem:$0x3FA6] =	sst s6  }
0xf: {  	[smem:$0x3FA7] =	sst s7  }
0x10: {  	[smem:$0x3FA8] =	sst s8  }
0x11: {  	[smem:$0x3FA9] =	sst s9;
	s0 =	simm.s32 @!p0 $0x0  }
0x12: {  	s1 =	sld [smem:$0x3F8F];
	s0 =	simm.s32 @p0 $0x1  }
0x13: {  	[smem:$0x3FAA] =	sst s0;
	s0 =	simm.s32 @!p1 $0x0  }
0x14: {  	s2 =	sld [smem:$0x3F8E];
	s0 =	simm.s32 @p1 $0x1  }
0x15: {  	[smem:$0x3FAB] =	sst s0;
	s0 =	simm.s32 @!p2 $0x0  }
0x16: {  	s3 =	sld [smem:$0x3FDB];
	s0 =	simm.s32 @p2 $0x1  }
0x17: {  	s4 =	simm.s32 $0x1BF5;
	[smem:$0x3FAD] =	sst s0  }
0x18: {  	s0 =	sld [smem:$0x3F90];
	_ =	swait.ge [sflag:s4], $0x0  }
0x19: {  	s7 =	sld [smem:$0x3F91]  }
0x1a: {  	s8 =	sadd.s32 $0xFFFFE003, lr  }
0x1b: {  	s9 =	sadd.s32 $0xFFFFFEF7, lr;
	s5 =	simm.s32 $0xFFFFFFFF;
	p2 =	slt.u32 s8, $0xFFFFF086  }
0x1c: {  	p1 =	slt.u32 s9, $0xF7A;
	s5 =	simm.s32 @!p2 $0x0  }
0x1d: {  	s5 =	simm.s32 @p1 $0x1;
	p0 =	seq.s32 s7, s2  }
0x1e: {  	s7 =	smul.u32 @!p0 $0xF7A, s2;
	p2 =	seq.s32 @!p0 s5, $0x0  }
0x1f: {  	s9 =	smul.u32 $0xF7A, s1;
	s8 =	simm.s32 @!p0 $0x1BF5;
	p2 =	por !p2, p0  }
0x20: {  	[sflag:s8] =	ssyncset.s32 @!p0 $0xFFFFF086;
	s6 =	sadd.s32 @!p0 s3, s7;
	s7 =	simm.s32 @!p0 $0x108  }
0x21: {  	s3 =	sadd.s32 s3, s9;
	s6 =	sadd.s32 @!p0 $0x88, s6;
	s7 =	simm.s32 @p2 $0x1082  }
0x22: {  	[simem:s7], [sflag:s8] =	dma.local @!p0 [hbm:s6], $0xF7A  }
0x23: {  	s9 =	sor.u32 $0xD0000000, s2;
	s6 =	simm.s32 $0x108;
	_ =	swait.ge @!p0 [sflag:s8], $0x0  }
0x24: {  	s3 =	sadd.s32 $0x88, s3;
	s6 =	simm.s32 @!p1 $0x1082;
	[sflag:s4] =	ssyncset.s32 $0xFFFFF086  }
0x25: {  	[simem:s6], [sflag:s4] =	dma.local [hbm:s3], $0xF7A  }
0x26: {  	[smem:$0x3F91] =	sst s1;
	(tag) =	ssettag s2;
	_ =	strace s9  }
0x27: {  	s1 =	sld [smem:$0x3FA1]  }
0x28: {  	s2 =	sld [smem:$0x3FA2]  }
0x29: {  	s4 =	sld [smem:$0x3FA4]  }
0x2a: {  	p0 =	seq.s32 s5, $0x0;
	s5 =	sld [smem:$0x3FA5]  }
0x2b: {  	s6 =	sld [smem:$0x3FA6]  }
0x2c: {  	s7 =	sld [smem:$0x3FA7]  }
0x2d: {  	s3 =	simm.s32 $0x108;
	s8 =	sld [smem:$0x3FA8]  }
0x2e: {  	s3 =	simm.s32 @!p0 $0x1082;
	s9 =	sld [smem:$0x3FA9]  }
0x2f: {  	lr =	sadd.s32 s0, s3;
	s0 =	sld [smem:$0x3FA0]  }
0x30: {  	s3 =	sld [smem:$0x3FA3]  }
0x31: {  	[smem:$0x3FAC] =	sst s10  }
0x32: {  	s10 =	sld [smem:$0x3FAA];
	_ =	sdelay $0x3  }
0x33: {  	p0 =	seq.s32 s10, $0x1;
	s10 =	sld [smem:$0x3FAC];
	_ =	sdelay $0x3  }
0x34: {  	[smem:$0x3FAC] =	sst s10  }
0x35: {  	s10 =	sld [smem:$0x3FAB];
	_ =	sdelay $0x3  }
0x36: {  	p1 =	seq.s32 s10, $0x1;
	s10 =	sld [smem:$0x3FAC];
	_ =	sdelay $0x3  }
0x37: {  	[smem:$0x3FAC] =	sst s10  }
0x38: {  	s10 =	sld [smem:$0x3FAD]  }
0x39: {  	_ = 	snop;
	(pc) =	sbr.ind lr, $3  }
0x3a: {  	_ = 	snop  }
0x3b: {  	_ = 	snop  }
0x3c: {  	p2 =	seq.s32 s10, $0x1;
	s10 =	sld [smem:$0x3FAC]  }
0x3d: {  	_ =	shalt  }
0x3e: {  	_ =	shalt  }
0x3f: {  	_ =	shalt  }
0x40: {  	_ =	shalt  }
0x41: {  	_ =	shalt  }
0x42: {  	_ =	shalt  }
0x43: {  	_ =	shalt  }
0x44: {  	_ =	shalt  }
0x45: {  	_ =	shalt  }
0x46: {  	_ =	shalt  }
0x47: {  	_ =	shalt  }
0x48: {  	_ =	shalt  }
0x49: {  	_ =	shalt  }
0x4a: {  	_ =	shalt  }
0x4b: {  	_ =	shalt  }
0x4c: {  	_ =	shalt  }
0x4d: {  	_ =	shalt  }
0x4e: {  	_ =	shalt  }
0x4f: {  	_ =	shalt  }
0x50: {  	_ =	shalt  }
0x51: {  	_ =	shalt  }
0x52: {  	_ =	shalt  }
0x53: {  	_ =	shalt  }
0x54: {  	_ =	shalt  }
0x55: {  	_ =	shalt  }
0x56: {  	_ =	shalt  }
0x57: {  	_ =	shalt  }
0x58: {  	_ =	shalt  }
0x59: {  	_ =	shalt  }
0x5a: {  	_ =	shalt  }
0x5b: {  	_ =	shalt  }
0x5c: {  	_ =	shalt  }
0x5d: {  	_ =	shalt  }
0x5e: {  	_ =	shalt  }
0x5f: {  	_ =	shalt  }
0x60: {  	_ =	shalt  }
0x61: {  	_ =	shalt  }
0x62: {  	_ =	shalt  }
0x63: {  	_ =	shalt  }
0x64: {  	_ =	shalt  }
0x65: {  	_ =	shalt  }
0x66: {  	_ =	shalt  }
0x67: {  	_ =	shalt  }
0x68: {  	_ =	shalt  }
0x69: {  	_ =	shalt  }
0x6a: {  	_ =	shalt  }
0x6b: {  	_ =	shalt  }
0x6c: {  	_ =	shalt  }
0x6d: {  	_ =	shalt  }
0x6e: {  	_ =	shalt  }
0x6f: {  	_ =	shalt  }
0x70: {  	_ =	shalt  }
0x71: {  	_ =	shalt  }
0x72: {  	_ =	shalt  }
0x73: {  	_ =	shalt  }
0x74: {  	_ =	shalt  }
0x75: {  	_ =	shalt  }
0x76: {  	_ =	shalt  }
0x77: {  	_ =	shalt  }
0x78: {  	_ =	shalt  }
0x79: {  	_ =	shalt  }
0x7a: {  	_ =	shalt  }
0x7b: {  	_ =	shalt  }
0x7c: {  	_ =	shalt  }
0x7d: {  	_ =	shalt  }
0x7e: {  	_ =	shalt  }
0x7f: {  	_ =	shalt  }
0x80: {  	_ =	shalt  }
0x81: {  	_ =	shalt  }
0x82: {  	_ =	shalt  }
0x83: {  	_ =	shalt  }
0x84: {  	_ =	shalt  }
0x85: {  	_ =	shalt  }
0x86: {  	_ =	shalt  }
0x87: {  	_ =	shalt  }
.Lfunc_end0:
.L_simem_size_0:
called_computation.3_lowered:
.L_overlay_start_0:
0x88: {  	s2 =	sld [smem:$0x3FD9]  }
0x89: {  	s3 =	sld [smem:$0x3FFE];
	_ =	sdelay $0x1  }
0x8a: {  	s1 =	srdreg.scid  }
0x8b: {  	s0 =	sand.u32 $0x1, s1  }
0x8c: {  	s17 =	sshll.u32 s0, $0xA;
	s2 =	sadd.s32 s3, s2  }
0x8d: {  	s2 =	sadd.s32 s2, s17  }
0x8e: {  	[smem:$0x3FB8] =	sst s2  }
0x8f: {  	_ = 	snop  }
0x90: {  	s2 =	sld [smem:$0x3FD0];
	(tm) =	ssettm $0x1  }
0x91: {  	s18 =	sld [smem:$0x3FFB];
	_ =	sdelay $0x3  }
0x92: {  	_ =	strace s18  }
0x93: {  	s3 =	sld [smem:$0x3FFC];
	_ =	sdelay $0x3  }
0x94: {  	_ =	strace s3  }
0x95: {  	s3 =	sld [smem:$0x3FFD];
	_ =	sdelay $0x3  }
0x96: {  	_ =	strace s3  }
0x97: {  	_ =	strace $0x8FFFFFFF  }
0x98: {  	s19 =	sld [smem:$0x3FDB];
	_ =	sdelay $0x1  }
0x99: {  	s4 =	simm.s32 $_scs_section_size  }
0x9a: {  	s5 =	simm.s32 $_size__tile_overlayer_lowered;
	s6 =	simm.s32 $_tile_overlayer_lowered  }
0x9b: {  	s22 =	simm.s32 $0x1BFF;
	s21 =	sshll.u32 s6, $0x1;
	s3 =	sadd.s32 s4, s19  }
0x9c: {  	s7 =	simm.s32 $0x0;
	s20 =	sshll.u32 s5, $0x1;
	s5 =	sadd.s32 s21, s3  }
0x9d: {  	[timem:s7], [sflag:s22] =	dma.local [hbm:s5], s20  }
0x9e: {  	_ =	swait.ge [sflag:s22], s20  }
0x9f: {  	s4 =	ssub.s32 $0x0, s20;
	[sflag:s22] =	ssyncset.done $0x0  }
0xa0: {  	[sflag:s22] =	ssyncadd.s32 s4;
	_ =	sdelay $0x1  }
0xa1: {  	s23 =	simm.s32 $0x1B8B  }
0xa2: {  	_ =	swait.ge [sflag:s23], $0x1  }
0xa3: {  	[sflag:s23] =	ssyncset.done $0x0  }
0xa4: {  	s25 =	simm.s32 $0x1B8E;
	s24 =	sld [smem:$0x3FFE];
	[sflag:s23] =	ssyncadd.s32 $0xFFFFFFFF  }
0xa5: {  	s26 =	simm.s32 $execute0_lowered;
	[smem:$0x3FD2] =	sst s25  }
0xa6: {  	s5 =	sshll.u32 s26, $0x1;
	_ =	strace $0x8000004F;
	[dreg:$0x1] =	wrdreg $0xFFFFFFFF  }
0xa7: {  	s28 =	simm.s32 $_size_execute0_lowered;
	s3 =	sadd.s32 s3, s5;
	[dreg:$0x0] =	wrdreg $0x0  }
0xa8: {  	s5 =	sshll.u32 s28, $0x1;
	[dreg:$0x2] =	wrdreg s3  }
0xa9: {  	[dreg:$0x3] =	wrdreg s5  }
0xaa: {  	[dreg:$0x4] =	wrdreg $0xC0  }
0xab: {  	_ =	task [dreg:s7], $0x5FFFF  }
0xac: {  	[dreg:$0x1] =	wrdreg $0xFFFFFFFF  }
0xad: {  	[dreg:$0x0] =	wrdreg $0x60  }
0xae: {  	[dreg:$0x2] =	wrdreg s24  }
0xaf: {  	[dreg:$0x3] =	wrdreg s2  }
0xb0: {  	[dreg:$0x4] =	wrdreg $0xF9400  }
0xb1: {  	[dreg:$0x5] =	wrdreg $0x9  }
0xb2: {  	_ =	task.clear_ibuf [dreg:s7], $0x6FFFF;
	_ =	strace $0x9000004F  }
0xb3: {  	s29 =	simm.s32 $0x9;
	_ =	strace $0x80000051  }
0xb4: {  	_ =	swait.ge [sflag:s29], $0x1  }
0xb5: {  	[sflag:s29] =	ssyncadd.s32 $0xFFFFFFFF  }
0xb6: {  	_ =	strace $0x90000051  }
0xb7: {  	_ =	sfence  }
0xb8: {  	s30 =	sld [smem:$0x0];
	_ =	sdelay $0x2  }
0xb9: {  	s31 =	sshll.u32 s1, $0xD;
	s1 =	sshrl.u32 s1, $0x2  }
0xba: {  	s3 =	sand.u32 $0x4000, s31;
	s1 =	sadd.s32 s1, s30  }
0xbb: {  	s0 =	sor.u32 s3, s0;
	s1 =	sshll.u32 s1, $0x11  }
0xbc: {  	s0 =	sor.u32 s1, s0  }
0xbd: {  	s0 =	sadd.s32 $0x8F2B, s0  }
0xbe: {  	[sflag:s0] =	ssyncadd.remote.s32 $0x1  }
0xbf: {  	_ =	sfence.sel $0xFFFF  }
0xc0: {  	[dreg:$0x0] =	wrdreg $0xFFFFFFFF;
	(pc) =	sbr.abs _section_cstart, $3  }
0xc1: {  	[dreg:$0x1] =	wrdreg $0xFFFFFFFF  }
0xc2: {  	_ =	task.clear_ibuf [dreg:s7], $0x2FFFF;
	_ =	strace $0x9FFFFFFF  }
0xc3: {  	(tm) =	ssettm $0x7FFFFFFF  }
tec
execute0_lowered:
.L_overlay_start_1:
0x0: {  	(tag) =	ssettag $0x1  }
0x1: {  	s1 =	rddreg [dreg:$0x0];
	s2 =	srdreg.scid  }
0x2: {  	s0 =	stileid.u32;
	s10 =	rddreg [dreg:$0x1];
	s15 =	simm.s32 $0x80  }
0x3: {  	s16 =	simm.s32 $0x5940;
	s17 =	simm.s32 $0x1;
	s18 =	simm.s32 $0x9940  }
0x4: {  	s19 =	simm.s32 $0x40;
	s20 =	simm.s32 $0xD940;
	s22 =	simm.s32 $0x0  }
0x5: {  	s6 =	sand.u32 $0x1, s2;
	s3 =	sshll.u32 s0, $0x1;
	s2 =	rddreg [dreg:$0x2]  }
0x6: {  	s8 =	smul.u32 $0xD800, s0;
	s30 =	sshll.u32 s0, $0x6;
	s4 =	sor.u32 s6, s3  }
0x7: {  	s3 =	simm.s32 $0x0;
	s28 =	ssub.s32 $0x2, s6;
	s14 =	smul.u32 $0x1B000, s6  }
0x8: {  	s6 =	sor.u32 $0x1C02, s30;
	s5 =	smul.u32 $0x540, s4;
	[smem:$0x7FF] =	sst s3  }
0x9: {  	s7 =	smul.u32 $0xA8, s4;
	s4 =	sadd.s32 $0x14E600, s1;
	s21 =	sshrl.u32 s8, $0x3  }
0xa: {  	s29 =	sshrl.u32 s28, $0x1;
	s13 =	sadd.s32 s8, s2;
	_ =	strace $0x80000050  }
0xb: {  	s12 =	ssub.s32 s28, s29;
	s31 =	sadd.s32 s10, s14;
	s14 =	simm.s32 $0x2F40  }
0xc: {  	s9 =	sadd.s32 s5, s1;
	s11 =	sadd.s32 s7, s1;
	s1 =	sadd.s32 s21, s1  }
0xd: {  	s10 =	smax.u32 s12, $0x1;
	s12 =	simm.s32 $0x2;
	s21 =	sadd.s32 s21, s31  }
0xe: {  	v0 =	vimm.s32 $0x0;
	vm0 =	vcmask $0x300;
	s1 =	sadd.s32 $0x54A00, s1;
	s7 =	sadd.s32 $0x24A00, s9;
	s8 =	sadd.s32 $0x4200, s11  }
0xf: {  	v0 =	vsel vm0, $0x3, v0;
	s9 =	sadd.s32 $0x2F200, s9;
	s11 =	sshrl.u32 s13, $0x3;
	[dreg:$0x4] =	wrdreg s1  }
.LBB2_1:
0x10: {  	s0 =	rddreg [dreg:$0x4]  }
0x11: {  	[spmem:s11], [sflag:s6] =	dma.local [hbm:s0], $0x1B00  }
0x12: {  	_ =	swait.ge [sflag:s12], $0x1B00  }
0x13: {  	[sflag:s12] =	ssyncset.done $0x0  }
0x14: {  	[sflag:s12] =	ssyncadd.s32 $0xFFFFE500  }
0x15: {  	[tilespmem:s3], [sflag:$0x2] =	stream.linear.gather [hbm4b:s7+s3], $0x2A00, $0x38;
	[tilespmem:$0x1D140] =	vst v63  }
0x16: {  	_ =	swait.ge [sflag:s12], $0x2A00  }
0x17: {  	[sflag:s12] =	ssyncset.done $0x0  }
0x18: {  	s31 =	simm.s32 $0x2A00;
	[sflag:s12] =	ssyncadd.s32 $0xFFFFD600  }
0x19: {  	[tilespmem:s31], [sflag:$0x2] =	stream.linear.gather [hbm4b:s8+s3], $0x540, $0x38;
	[tilespmem:$0x1D140] =	vst v63  }
0x1a: {  	_ =	swait.ge [sflag:s12], $0x540  }
0x1b: {  	[sflag:s12] =	ssyncset.done $0x0  }
0x1c: {  	[sflag:s12] =	ssyncadd.s32 $0xFFFFFAC0  }
0x1d: {  	[tilespmem:s14], [sflag:$0x2] =	stream.linear.gather [hbm4b:s9+s3], $0x2A00, $0x38;
	[tilespmem:$0x1D140] =	vst v63  }
0x1e: {  	_ =	swait.ge [sflag:s12], $0x2A00  }
0x1f: {  	[sflag:s12] =	ssyncset.done $0x0  }
0x20: {  	[sflag:s12] =	ssyncadd.s32 $0xFFFFD600  }
0x21: {  	s23 =	simm.s32 $0x0;
	s24 =	simm.s32 $0x0;
	[bflag:$0x0] =	sbarrier.arrive $0xFFFF  }
.LBB2_2:
0x22: {  	s1 =	sshll.u32 s24, $0x9  }
0x23: {  	s25 =	sand.u32 $0x3FFFFE00, s1  }
0x24: {  	[tilespmem:s16], [sflag:$0x1] =	stream.indirect.gather [hbm4b:s4+s15], $0x80, s25, s15, $0xb8;
	[tilespmem:$0x1D140] =	vst v63  }
0x25: {  	_ =	swait.ge [sflag:s17], $0x4000  }
0x26: {  	[sflag:s17] =	ssyncset.done $0x0  }
0x27: {  	s1 =	sor.u32 $0x80, s25;
	[sflag:s17] =	ssyncadd.s32 $0xFFFFC000  }
0x28: {  	[tilespmem:s18], [sflag:$0x1] =	stream.indirect.gather [hbm4b:s4+s15], $0x80, s1, s15, $0xb8;
	[tilespmem:$0x1D140] =	vst v63  }
0x29: {  	_ =	swait.ge [sflag:s17], $0x4000  }
0x2a: {  	[sflag:s17] =	ssyncset.done $0x0  }
0x2b: {  	s26 =	simm.s32 $0x5B40;
	[sflag:s17] =	ssyncadd.s32 $0xFFFFC000  }
0x2c: {  	v8 =	vld [tilespmem:s26+$0xFFFFFFE0]  }
0x2d: {  	v2 =	vld [tilespmem:s26+$0x1D0]  }
0x2e: {  	v1 =	vld [tilespmem:s26+$0x1E0]  }
0x2f: {  	v3 =	vld [tilespmem:s26+$0x1F0]  }
0x30: {  	v4 =	vld [tilespmem:s26+$0x1A0]  }
0x31: {  	v5 =	vld [tilespmem:s26+$0x110]  }
0x32: {  	v6 =	vld [tilespmem:s26+$0x140]  }
0x33: {  	v7 =	vld [tilespmem:s26+$0x130]  }
0x34: {  	v9 =	vld [tilespmem:s26+$0xF0]  }
0x35: {  	v10 =	vld [tilespmem:s26+$0x70]  }
0x36: {  	v11 =	vld [tilespmem:s26+$0xFFFFFFD0]  }
0x37: {  	v19 =	vld [tilespmem:s26+$0x50]  }
0x38: {  	v22 =	vld [tilespmem:s26+$0x0]  }
0x39: {  	v15 =	vld [tilespmem:s26+$0xFFFFFFA0]  }
0x3a: {  	v24 =	vld [tilespmem:s26+$0xFFFFFE60]  }
0x3b: {  	s13 =	sadd.s32 $0x0, s23;
	v26 =	vld [tilespmem:s26+$0xFFFFFF90]  }
0x3c: {  	v12 =	vmov s13;
	v18 =	vld [tilespmem:s26+$0xFFFFFF60]  }
0x3d: {  	v12 =	vshrl.u32 v12, $0x3;
	v16 =	vld [tilespmem:s26+$0xFFFFFF50]  }
0x3e: {  	v12 =	vshll.u32 v12, v0;
	v21 =	vld [tilespmem:s26+$0xFFFFFF00]  }
0x3f: {  	v13 =	vbroadcast v12, $0x0;
	v27 =	vld [tilespmem:s26+$0xFFFFFF10]  }
0x40: {  	v20 =	vld [tilespmem:s26+$0xFFFFFED0]  }
0x41: {  	v28 =	vld [tilespmem:s26+$0xFFFFFE80]  }
0x42: {  	v30 =	vld [tilespmem:s26+$0xFFFFFE20]  }
0x43: {  	v31 =	vld [tilespmem:s26+$0xFFFFFE10]  }
0x44: {  	v14 =	vadd.s32 $0x1, v12;
	v33 =	vld [tilespmem:s26+$0xFFFFFE70]  }
0x45: {  	v14 =	vbroadcast v14, $0x0;
	v34 =	vld.idx.msk [tilespmem:v13+s14+$0x0], $0xffff  }
0x46: {  	v35 =	vld [tilespmem:s26+$0xFFFFFE00]  }
0x47: {  	v32 =	vadd.s32 $0x2, v12;
	v38 =	vld [tilespmem:s26+$0xFFFFFEC0]  }
0x48: {  	v32 =	vbroadcast v32, $0x0;
	v39 =	vld [tilespmem:s26+$0xFFFFFE90]  }
0x49: {  	v13 =	vadd.s32 $0x3, v12;
	v51 =	vld [tilespmem:s26+$0xFFFFFE50]  }
0x4a: {  	v45 =	vld [tilespmem:s26+$0xFFFFFE30];
	v36 =	vbroadcast v13, $0x0;
	v13 =	vadd.s32 $0x4, v12  }
0x4b: {  	v37 =	vld.idx.msk [tilespmem:v14+s14+$0x0], $0xffff;
	v14 =	vadd.s32 $0x5, v12;
	v40 =	vbroadcast v13, $0x0;
	v13 =	vadd.s32 $0x6, v12  }
0x4c: {  	v42 =	vld [tilespmem:s26+$0xFFFFFEA0];
	v41 =	vbroadcast v14, $0x0;
	v12 =	vadd.s32 $0x7, v12;
	v13 =	vbroadcast v13, $0x0  }
0x4d: {  	v17 =	vld [tilespmem:s26+$0xFFFFFEE0];
	v12 =	vbroadcast v12, $0x0;
	v14 =	vmul.f32 v35, v34  }
0x4e: {  	v32 =	vld.idx.msk [tilespmem:v32+s14+$0x0], $0xffff;
	v33 =	vmul.f32 v33, v34;
	v31 =	vmul.f32 v31, v34  }
0x4f: {  	v23 =	vld [tilespmem:s26+$0xFFFFFEB0];
	v30 =	vmul.f32 v30, v34;
	v35 =	vmul.f32 v51, v34  }
0x50: {  	v53 =	vld [tilespmem:s26+$0xFFFFFF30];
	v57 =	vmul.f32 v45, v34;
	v38 =	vmul.f32 v38, v37  }
0x51: {  	v25 =	vld [tilespmem:s26+$0xFFFFFF40];
	v52 =	vmul.f32 v39, v37;
	v42 =	vmul.f32 v42, v37  }
0x52: {  	v54 =	vld [tilespmem:s26+$0xFFFFFEF0];
	v17 =	vmul.f32 v17, v37;
	v28 =	vmul.f32 v28, v37  }
0x53: {  	v29 =	vld [tilespmem:s26+$0xFFFFFF20];
	v20 =	vmul.f32 v20, v37;
	v27 =	vmul.f32 v27, v32  }
0x54: {  	v47 =	vld [tilespmem:s26+$0xFFFFFF70];
	v55 =	vmul.f32 v23, v37;
	v46 =	vmul.f32 v21, v32  }
0x55: {  	v44 =	vld [tilespmem:s26+$0xFFFFFE40];
	v21 =	vmul.f32 v53, v32;
	v23 =	vmul.f32 v16, v32  }
0x56: {  	v56 =	vld [tilespmem:s26+$0xFFFFFFB0];
	v25 =	vmul.f32 v25, v32;
	v18 =	vmul.f32 v18, v32;
	v31 =	vadd.f32 $0.0e+00, v31  }
0x57: {  	v59 =	vmul.f32 v54, v37;
	v43 =	vadd.f32 $0.0e+00, v14;
	v14 =	vld.idx.msk [tilespmem:v36+s14+$0x0], $0xffff;
	v30 =	vadd.f32 $0.0e+00, v30  }
0x58: {  	v58 =	vld [tilespmem:s26+$0xFFFFFFC0];
	v29 =	vmul.f32 v29, v32;
	v33 =	vadd.f32 $0.0e+00, v33;
	v31 =	vadd.f32 v52, v31  }
0x59: {  	v49 =	vld [tilespmem:s26+$0xFFFFFFF0];
	v61 =	vmul.f32 v47, v32;
	v28 =	vadd.f32 v28, v43;
	v42 =	vadd.f32 v42, v30  }
0x5a: {  	v32 =	vmul.f32 v24, v34;
	v16 =	vld.idx.msk [tilespmem:v40+s14+$0x0], $0xffff;
	v63 =	vadd.f32 v59, v33;
	v48 =	vadd.f32 v27, v31  }
0x5b: {  	v60 =	vld [tilespmem:s26+$0x20];
	v31 =	vmul.f32 v44, v34;
	v27 =	vadd.f32 v46, v28;
	v28 =	vadd.f32 $0.0e+00, v35  }
0x5c: {  	v37 =	vld [tilespmem:s26+$0xFFFFFF80];
	v39 =	vadd.f32 v29, v42;
	v62 =	vmul.f32 v26, v14;
	v36 =	vmul.f32 v15, v14  }
0x5d: {  	v33 =	vld [tilespmem:s26+$0xD0];
	v40 =	vadd.f32 v61, v63;
	v26 =	vmul.f32 v56, v14;
	v29 =	vmul.f32 v58, v14  }
0x5e: {  	v15 =	vld.idx.msk [tilespmem:v41+s14+$0x0], $0xffff;
	v41 =	vmul.f32 v49, v14;
	v30 =	vadd.f32 $0.0e+00, v31;
	v31 =	vadd.f32 $0.0e+00, v57  }
0x5f: {  	s29 =	simm.s32 $0xD980;
	v34 =	vld [tilespmem:s26+$0xA0];
	v22 =	vmul.f32 v22, v16;
	v19 =	vmul.f32 v19, v16;
	v24 =	vadd.f32 v62, v48  }
0x60: {  	s30 =	simm.s32 $0x8;
	s31 =	simm.s32 $0x5B40;
	s28 =	simm.s32 $0xD980;
	v35 =	vld [tilespmem:s26+$0x10];
	v30 =	vadd.f32 v38, v30;
	v31 =	vadd.f32 v55, v31;
	v38 =	vmul.f32 v60, v16  }
.LBB2_3:
0x61: {  	p0 =	sne.s32 s30, $0xF8;
	v37 =	vmul.f32 v37, v14;
	v36 =	vadd.f32 v36, v39;
	v11 =	vmul.f32 v11, v14;
	v39 =	vld [tilespmem:s26+$0x30];
	s29 =	sadd.s32 $0x80, s29;
	s31 =	sadd.s32 $0x400, s31  }
0x62: {  	v32 =	vadd.f32 $0.0e+00, v32;
	v10 =	vmul.f32 v10, v16;
	s1 =	smov.u32 s30;
	s30 =	sadd.s32 $0x8, s30;
	v40 =	vadd.f32 v41, v40;
	v41 =	vld [tilespmem:s26+$0x60]  }
0x63: {  	v27 =	vadd.f32 v37, v27;
	v36 =	vadd.f32 v38, v36;
	v33 =	vmul.f32 v33, v15;
	v13 =	vld.idx.msk [tilespmem:v13+s14+$0x0], $0xffff  }
0x64: {  	v20 =	vadd.f32 v20, v28;
	v25 =	vadd.f32 v25, v30;
	v28 =	vld [tilespmem:s26+$0x40];
	v30 =	vmul.f32 v34, v15  }
0x65: {  	v9 =	vmul.f32 v9, v15;
	v17 =	vadd.f32 v17, v32;
	v32 =	vmul.f32 v35, v16;
	v34 =	vld [tilespmem:s26+$0x100]  }
0x66: {  	v21 =	vadd.f32 v21, v31;
	v8 =	vmul.f32 v8, v14;
	v20 =	vadd.f32 v23, v20;
	v14 =	vld [tilespmem:s26+$0xC0]  }
0x67: {  	v23 =	vadd.f32 v29, v25;
	v10 =	vadd.f32 v10, v40;
	v25 =	vmul.f32 v41, v16;
	v29 =	vld [tilespmem:s26+$0x80]  }
0x68: {  	v11 =	vadd.f32 v11, v20;
	v20 =	vmul.f32 v39, v16;
	v30 =	vadd.f32 v30, v36;
	v31 =	vld [tilespmem:s26+$0x90]  }
0x69: {  	v21 =	vadd.f32 v26, v21;
	v9 =	vadd.f32 v9, v10;
	v16 =	vmul.f32 v28, v16;
	v26 =	vld [tilespmem:s26+$0xB0]  }
0x6a: {  	v10 =	vadd.f32 v18, v17;
	v7 =	vmul.f32 v7, v13;
	v17 =	vld [tilespmem:s26+$0xE0];
	v18 =	vmul.f32 v34, v13  }
0x6b: {  	v6 =	vmul.f32 v6, v13;
	v16 =	vadd.f32 v16, v23;
	v14 =	vmul.f32 v14, v15;
	v12 =	vld.idx.msk [tilespmem:v12+s14+$0x0], $0xffff  }
0x6c: {  	v11 =	vadd.f32 v19, v11;
	v23 =	vadd.f32 v32, v24;
	v19 =	vmul.f32 v29, v15;
	v24 =	vld [tilespmem:s26+$0x150]  }
0x6d: {  	v8 =	vadd.f32 v8, v10;
	v10 =	vadd.f32 v22, v27;
	v22 =	vmul.f32 v31, v15;
	v27 =	vld [tilespmem:s26+$0x160]  }
0x6e: {  	v11 =	vadd.f32 v33, v11;
	v14 =	vadd.f32 v14, v16;
	v26 =	vmul.f32 v26, v15;
	v16 =	vld [tilespmem:s26+$0x170]  }
0x6f: {  	v20 =	vadd.f32 v20, v21;
	v21 =	vadd.f32 v22, v23;
	v15 =	vmul.f32 v17, v15;
	v17 =	vld [tilespmem:s26+$0x190]  }
0x70: {  	v5 =	vmul.f32 v5, v13;
	v8 =	vadd.f32 v25, v8;
	v10 =	vadd.f32 v19, v10;
	v19 =	vld [tilespmem:s26+$0x120]  }
0x71: {  	v20 =	vadd.f32 v26, v20;
	v4 =	vmul.f32 v4, v12;
	v22 =	vmul.f32 v24, v13;
	v23 =	vld [tilespmem:s26+$0x1B0]  }
0x72: {  	v6 =	vadd.f32 v6, v14;
	v5 =	vadd.f32 v5, v21;
	v14 =	vmul.f32 v27, v13;
	v21 =	vld [tilespmem:s26+$0x180]  }
0x73: {  	v3 =	vmul.f32 v3, v12;
	v11 =	vadd.f32 v22, v11;
	v16 =	vmul.f32 v16, v13;
	v22 =	vld [tilespmem:s26+$0x1C0];
	s26 =	smov.u32 s31  }
0x74: {  	v1 =	vmul.f32 v1, v12;
	v7 =	vadd.f32 v7, v20;
	v17 =	vmul.f32 v17, v12  }
0x75: {  	v2 =	vmul.f32 v2, v12;
	v8 =	vadd.f32 v15, v8;
	v13 =	vmul.f32 v19, v13  }
0x76: {  	v10 =	vadd.f32 v18, v10;
	v9 =	vadd.f32 v16, v9;
	v15 =	vmul.f32 v23, v12  }
0x77: {  	v2 =	vadd.f32 v2, v11;
	v13 =	vadd.f32 v13, v30;
	v16 =	vmul.f32 v21, v12  }
0x78: {  	v3 =	vadd.f32 v3, v9;
	v7 =	vadd.f32 v15, v7;
	v11 =	vmul.f32 v22, v12  }
0x79: {  	v9 =	vadd.f32 v16, v10;
	v4 =	vadd.f32 v4, v13;
	[tilespmem:s28+$0x10] =	vst v2  }
0x7a: {  	v2 =	vadd.f32 v14, v8;
	v6 =	vadd.f32 v11, v6;
	[tilespmem:s28+$0x30] =	vst v3  }
0x7b: {  	v3 =	vadd.f32 v17, v5;
	[tilespmem:s28+$0xFFFFFFC0] =	vst v9  }
0x7c: {  	v1 =	vadd.f32 v1, v2;
	[tilespmem:s28+$0x0] =	vst v6  }
0x7d: {  	[tilespmem:s28+$0xFFFFFFD0] =	vst v3  }
0x7e: {  	[tilespmem:s28+$0xFFFFFFE0] =	vst v4  }
0x7f: {  	[tilespmem:s28+$0x20] =	vst v1  }
0x80: {  	[tilespmem:s28+$0xFFFFFFF0] =	vst v7;
	s28 =	smov.u32 s29  }
0x81: {  	v8 =	vld [tilespmem:s31+$0xFFFFFFE0]  }
0x82: {  	v2 =	vld [tilespmem:s31+$0x1D0]  }
0x83: {  	v1 =	vld [tilespmem:s31+$0x1E0]  }
0x84: {  	v3 =	vld [tilespmem:s31+$0x1F0]  }
0x85: {  	v4 =	vld [tilespmem:s31+$0x1A0]  }
0x86: {  	v5 =	vld [tilespmem:s31+$0x110]  }
0x87: {  	v6 =	vld [tilespmem:s31+$0x140]  }
0x88: {  	v7 =	vld [tilespmem:s31+$0x130]  }
0x89: {  	v9 =	vld [tilespmem:s31+$0xF0]  }
0x8a: {  	v10 =	vld [tilespmem:s31+$0x70]  }
0x8b: {  	v11 =	vld [tilespmem:s31+$0xFFFFFFD0]  }
0x8c: {  	v19 =	vld [tilespmem:s31+$0x50]  }
0x8d: {  	v22 =	vld [tilespmem:s31+$0x0]  }
0x8e: {  	v15 =	vld [tilespmem:s31+$0xFFFFFFA0]  }
0x8f: {  	v24 =	vld [tilespmem:s31+$0xFFFFFE60]  }
0x90: {  	v26 =	vld [tilespmem:s31+$0xFFFFFF90]  }
0x91: {  	v29 =	vld [tilespmem:s31+$0xFFFFFF20]  }
0x92: {  	v18 =	vld [tilespmem:s31+$0xFFFFFF60]  }
0x93: {  	v25 =	vld [tilespmem:s31+$0xFFFFFF40]  }
0x94: {  	s1 =	sadd.s32 s1, s23;
	v16 =	vld [tilespmem:s31+$0xFFFFFF50]  }
0x95: {  	v12 =	vmov s1;
	v21 =	vld [tilespmem:s31+$0xFFFFFF00]  }
0x96: {  	v12 =	vshrl.u32 v12, $0x3;
	v23 =	vld [tilespmem:s31+$0xFFFFFEB0]  }
0x97: {  	v12 =	vshll.u32 v12, v0;
	v27 =	vld [tilespmem:s31+$0xFFFFFF10]  }
0x98: {  	v14 =	vbroadcast v12, $0x0;
	v13 =	vadd.s32 $0x1, v12;
	v17 =	vadd.s32 $0x2, v12;
	v20 =	vld [tilespmem:s31+$0xFFFFFED0]  }
0x99: {  	v28 =	vbroadcast v13, $0x0;
	v17 =	vbroadcast v17, $0x0;
	v13 =	vadd.s32 $0x3, v12;
	v30 =	vld [tilespmem:s31+$0xFFFFFE80]  }
0x9a: {  	v33 =	vadd.s32 $0x5, v12;
	v32 =	vbroadcast v13, $0x0;
	v13 =	vadd.s32 $0x4, v12;
	v31 =	vld [tilespmem:s31+$0xFFFFFEE0]  }
0x9b: {  	v33 =	vbroadcast v33, $0x0;
	v35 =	vbroadcast v13, $0x0;
	v13 =	vadd.s32 $0x6, v12;
	v34 =	vld [tilespmem:s31+$0xFFFFFE20]  }
0x9c: {  	v12 =	vadd.s32 $0x7, v12;
	v13 =	vbroadcast v13, $0x0;
	v36 =	vld [tilespmem:s31+$0xFFFFFE10]  }
0x9d: {  	v12 =	vbroadcast v12, $0x0;
	v37 =	vld [tilespmem:s31+$0xFFFFFE70]  }
0x9e: {  	v38 =	vld.idx.msk [tilespmem:v14+s14+$0x0], $0xffff  }
0x9f: {  	v14 =	vld [tilespmem:s31+$0xFFFFFE00]  }
0xa0: {  	v39 =	vld.idx.msk [tilespmem:v28+s14+$0x0], $0xffff  }
0xa1: {  	v28 =	vld [tilespmem:s31+$0xFFFFFEC0]  }
0xa2: {  	v40 =	vld [tilespmem:s31+$0xFFFFFE90]  }
0xa3: {  	v41 =	vld [tilespmem:s31+$0xFFFFFEA0]  }
0xa4: {  	v37 =	vmul.f32 v37, v38;
	v14 =	vmul.f32 v14, v38;
	v42 =	vld.idx.msk [tilespmem:v17+s14+$0x0], $0xffff  }
0xa5: {  	v34 =	vmul.f32 v34, v38;
	v17 =	vmul.f32 v36, v38;
	v36 =	vld [tilespmem:s31+$0xFFFFFE50]  }
0xa6: {  	v44 =	vadd.f32 $0.0e+00, v37;
	v43 =	vadd.f32 $0.0e+00, v14;
	v45 =	vmul.f32 v28, v39;
	v14 =	vld.idx.msk [tilespmem:v32+s14+$0x0], $0xffff  }
0xa7: {  	v28 =	vadd.f32 $0.0e+00, v17;
	v32 =	vadd.f32 $0.0e+00, v34;
	v34 =	vmul.f32 v40, v39;
	v37 =	vld [tilespmem:s31+$0xFFFFFF30]  }
0xa8: {  	v17 =	vmul.f32 v31, v39;
	v40 =	vld [tilespmem:s31+$0xFFFFFE40];
	v41 =	vmul.f32 v41, v39  }
0xa9: {  	v30 =	vmul.f32 v30, v39;
	v20 =	vmul.f32 v20, v39;
	v31 =	vld [tilespmem:s31+$0xFFFFFE30]  }
0xaa: {  	v28 =	vadd.f32 v34, v28;
	v27 =	vmul.f32 v27, v42;
	v36 =	vmul.f32 v36, v38;
	v34 =	vld [tilespmem:s31+$0xFFFFFEF0]  }
0xab: {  	v30 =	vadd.f32 v30, v43;
	v43 =	vmul.f32 v23, v39;
	v46 =	vmul.f32 v21, v42;
	v47 =	vld [tilespmem:s31+$0xFFFFFF70]  }
0xac: {  	v23 =	vmul.f32 v16, v42;
	v48 =	vadd.f32 v27, v28;
	v21 =	vmul.f32 v37, v42;
	v16 =	vld.idx.msk [tilespmem:v35+s14+$0x0], $0xffff  }
0xad: {  	v25 =	vmul.f32 v25, v42;
	v27 =	vadd.f32 v46, v30;
	v35 =	vmul.f32 v40, v38;
	v40 =	vld [tilespmem:s31+$0xFFFFFFB0]  }
0xae: {  	v18 =	vmul.f32 v18, v42;
	v28 =	vadd.f32 $0.0e+00, v36;
	v30 =	vmul.f32 v31, v38;
	v31 =	vld [tilespmem:s31+$0xFFFFFFC0]  }
0xaf: {  	v29 =	vmul.f32 v29, v42;
	v41 =	vadd.f32 v41, v32;
	v34 =	vmul.f32 v34, v39;
	v46 =	vld [tilespmem:s31+$0x20]  }
0xb0: {  	v35 =	vadd.f32 $0.0e+00, v35;
	v42 =	vmul.f32 v47, v42;
	v47 =	vmul.f32 v26, v14;
	v49 =	vld [tilespmem:s31+$0xFFFFFFF0]  }
.Ltmp0:
0xb1: {  	v32 =	vmul.f32 v24, v38;
	v36 =	vmul.f32 v15, v14;
	v50 =	vadd.f32 $0.0e+00, v30;
	v37 =	vld [tilespmem:s31+$0xFFFFFF80];
	(pc) =	sbr.rel @p0 .LBB2_3-.Ltmp0, $4  }
0xb2: {  	v30 =	vadd.f32 v45, v35;
	v35 =	vadd.f32 v34, v44;
	v26 =	vmul.f32 v40, v14;
	v15 =	vld.idx.msk [tilespmem:v33+s14+$0x0], $0xffff  }
0xb3: {  	v39 =	vadd.f32 v29, v41;
	v22 =	vmul.f32 v22, v16;
	v29 =	vmul.f32 v31, v14;
	v33 =	vld [tilespmem:s31+$0xD0]  }
0xb4: {  	v24 =	vadd.f32 v47, v48;
	v31 =	vadd.f32 v43, v50;
	v38 =	vmul.f32 v46, v16;
	v34 =	vld [tilespmem:s31+$0xA0]  }
0xb5: {  	v19 =	vmul.f32 v19, v16;
	v40 =	vadd.f32 v42, v35;
	v41 =	vmul.f32 v49, v14;
	v35 =	vld [tilespmem:s31+$0x10]  }
0xb6: {  	_ =	sdelay $0x1  }
0xb7: {  	v37 =	vmul.f32 v37, v14;
	v42 =	vld [tilespmem:s26+$0x30]  }
0xb8: {  	v36 =	vadd.f32 v36, v39;
	v11 =	vmul.f32 v11, v14;
	v32 =	vadd.f32 $0.0e+00, v32;
	v51 =	vld [tilespmem:s26+$0x60]  }
0xb9: {  	v10 =	vmul.f32 v10, v16;
	v13 =	vld.idx.msk [tilespmem:v13+s14+$0x0], $0xffff;
	v20 =	vadd.f32 v20, v28;
	v25 =	vadd.f32 v25, v30  }
0xba: {  	v28 =	vld [tilespmem:s26+$0x40];
	v21 =	vadd.f32 v21, v31;
	v8 =	vmul.f32 v8, v14;
	v40 =	vadd.f32 v41, v40  }
0xbb: {  	v52 =	vld [tilespmem:s26+$0x100];
	v9 =	vmul.f32 v9, v15;
	v27 =	vadd.f32 v37, v27;
	v36 =	vadd.f32 v38, v36  }
0xbc: {  	v12 =	vld.idx.msk [tilespmem:v12+s14+$0x0], $0xffff;
	v33 =	vmul.f32 v33, v15;
	v17 =	vadd.f32 v17, v32;
	v20 =	vadd.f32 v23, v20  }
0xbd: {  	v23 =	vld [tilespmem:s26+$0xC0];
	v14 =	vadd.f32 v29, v25;
	v21 =	vadd.f32 v26, v21;
	v30 =	vmul.f32 v34, v15  }
0xbe: {  	v25 =	vld [tilespmem:s26+$0x80];
	v10 =	vadd.f32 v10, v40;
	v53 =	vmul.f32 v35, v16;
	v11 =	vadd.f32 v11, v20  }
0xbf: {  	v20 =	vld [tilespmem:s26+$0x90];
	v22 =	vadd.f32 v22, v27;
	v29 =	vmul.f32 v51, v16;
	v30 =	vadd.f32 v30, v36  }
0xc0: {  	v26 =	vmul.f32 v28, v16;
	v28 =	vld [tilespmem:s26+$0xB0];
	v16 =	vmul.f32 v42, v16;
	v9 =	vadd.f32 v9, v10  }
0xc1: {  	v10 =	vadd.f32 v18, v17;
	v17 =	vld [tilespmem:s26+$0xE0];
	v18 =	vmul.f32 v52, v13;
	v7 =	vmul.f32 v7, v13  }
0xc2: {  	v6 =	vmul.f32 v6, v13;
	v5 =	vmul.f32 v5, v13;
	v14 =	vadd.f32 v26, v14;
	v26 =	vld [tilespmem:s26+$0x150]  }
0xc3: {  	v2 =	vmul.f32 v2, v12;
	v11 =	vadd.f32 v19, v11;
	v8 =	vadd.f32 v8, v10;
	v10 =	vld [tilespmem:s26+$0x170]  }
0xc4: {  	v24 =	vadd.f32 v53, v24;
	v23 =	vmul.f32 v23, v15;
	v19 =	vmul.f32 v25, v15;
	v25 =	vld [tilespmem:s26+$0x160]  }
0xc5: {  	v16 =	vadd.f32 v16, v21;
	v21 =	vld [tilespmem:s26+$0x120];
	v11 =	vadd.f32 v33, v11;
	v20 =	vmul.f32 v20, v15  }
0xc6: {  	v14 =	vadd.f32 v23, v14;
	v23 =	vmul.f32 v28, v15;
	v15 =	vmul.f32 v17, v15;
	v17 =	vld [tilespmem:s26+$0x180]  }
0xc7: {  	v19 =	vadd.f32 v19, v22;
	v20 =	vadd.f32 v20, v24;
	v24 =	vld [tilespmem:s26+$0x1C0];
	v22 =	vmul.f32 v26, v13  }
0xc8: {  	v8 =	vadd.f32 v29, v8;
	v6 =	vadd.f32 v6, v14;
	v26 =	vld [tilespmem:s26+$0x190];
	v10 =	vmul.f32 v10, v13  }
0xc9: {  	v3 =	vmul.f32 v3, v12;
	v18 =	vadd.f32 v18, v19;
	v11 =	vadd.f32 v22, v11  }
0xca: {  	v16 =	vadd.f32 v23, v16;
	v14 =	vmul.f32 v25, v13;
	v9 =	vadd.f32 v10, v9  }
0xcb: {  	v8 =	vadd.f32 v15, v8;
	v10 =	vld [tilespmem:s26+$0x1B0];
	v17 =	vmul.f32 v17, v12;
	v2 =	vadd.f32 v2, v11  }
0xcc: {  	v11 =	vmul.f32 v21, v13;
	v13 =	vmul.f32 v24, v12;
	v3 =	vadd.f32 v3, v9  }
0xcd: {  	v5 =	vadd.f32 v5, v20;
	v9 =	vmul.f32 v26, v12;
	v15 =	vadd.f32 v17, v18;
	[tilespmem:s28+$0x10] =	vst v2  }
0xce: {  	v2 =	vmul.f32 v4, v12;
	v4 =	vadd.f32 v11, v30;
	v6 =	vadd.f32 v13, v6;
	[tilespmem:s28+$0x30] =	vst v3  }
0xcf: {  	v1 =	vmul.f32 v1, v12;
	v3 =	vadd.f32 v14, v8;
	v5 =	vadd.f32 v9, v5;
	[tilespmem:s28+$0xFFFFFFC0] =	vst v15  }
0xd0: {  	v7 =	vadd.f32 v7, v16;
	v8 =	vmul.f32 v10, v12;
	v2 =	vadd.f32 v2, v4;
	[tilespmem:s28+$0x0] =	vst v6  }
0xd1: {  	v1 =	vadd.f32 v1, v3;
	[tilespmem:s28+$0xFFFFFFD0] =	vst v5  }
0xd2: {  	v3 =	vadd.f32 v8, v7;
	[tilespmem:s28+$0xFFFFFFE0] =	vst v2  }
0xd3: {  	[tilespmem:s28+$0x20] =	vst v1  }
0xd4: {  	s1 =	sadd.s32 $0x100, s25;
	[tilespmem:s28+$0xFFFFFFF0] =	vst v3  }
0xd5: {  	[tilespmem:s16], [sflag:$0x1] =	stream.indirect.gather [hbm4b:s4+s15], $0x80, s1, s15, $0xb8;
	[tilespmem:$0x1D140] =	vst v63  }
0xd6: {  	_ =	swait.ge [sflag:s17], $0x4000  }
0xd7: {  	[sflag:s17] =	ssyncset.done $0x0  }
0xd8: {  	s31 =	sadd.s32 $0x180, s25;
	[sflag:s17] =	ssyncadd.s32 $0xFFFFC000  }
0xd9: {  	[tilespmem:s18], [sflag:$0x1] =	stream.indirect.gather [hbm4b:s4+s15], $0x80, s31, s15, $0xb8;
	[tilespmem:$0x1D140] =	vst v63  }
0xda: {  	_ =	swait.ge [sflag:s17], $0x4000  }
0xdb: {  	[sflag:s17] =	ssyncset.done $0x0  }
0xdc: {  	s25 =	simm.s32 $0x5B40;
	[sflag:s17] =	ssyncadd.s32 $0xFFFFC000  }
0xdd: {  	v4 =	vld [tilespmem:s25+$0x0]  }
0xde: {  	v2 =	vld [tilespmem:s25+$0xE0]  }
0xdf: {  	v1 =	vld [tilespmem:s25+$0x1A0]  }
0xe0: {  	v3 =	vld [tilespmem:s25+$0x90]  }
0xe1: {  	v5 =	vld [tilespmem:s25+$0xA0]  }
0xe2: {  	v6 =	vld [tilespmem:s25+$0xFFFFFFE0]  }
0xe3: {  	v7 =	vld [tilespmem:s25+$0xFFFFFFB0]  }
0xe4: {  	v8 =	vld [tilespmem:s25+$0x30]  }
0xe5: {  	v9 =	vld [tilespmem:s25+$0x60]  }
0xe6: {  	v22 =	vld [tilespmem:s25+$0xFFFFFF80]  }
0xe7: {  	v24 =	vld [tilespmem:s25+$0xFFFFFF50]  }
0xe8: {  	v20 =	vld [tilespmem:s25+$0x160]  }
0xe9: {  	v25 =	vld [tilespmem:s25+$0xFFFFFFF0]  }
0xea: {  	v14 =	vld [tilespmem:s25+$0x110]  }
0xeb: {  	v30 =	vld [tilespmem:s25+$0xFFFFFE50]  }
0xec: {  	v10 =	vld [tilespmem:s25+$0x150]  }
0xed: {  	v17 =	vld [tilespmem:s25+$0xFFFFFF00]  }
0xee: {  	v28 =	vld [tilespmem:s25+$0xFFFFFF20]  }
0xef: {  	s1 =	sadd.s32 $0x0, s23;
	v21 =	vld [tilespmem:s25+$0xFFFFFF40]  }
0xf0: {  	s0 =	sadd.s32 $0x100, s1;
	s28 =	sadd.s32 $0x101, s1;
	s5 =	sadd.s32 $0x102, s1;
	v23 =	vld [tilespmem:s25+$0xFFFFFF60]  }
0xf1: {  	s13 =	sadd.s32 $0x103, s1;
	v11 =	vmov s0;
	v15 =	vmov s28;
	v16 =	vmov s5;
	v31 =	vld [tilespmem:s25+$0xFFFFFEF0]  }
0xf2: {  	v19 =	vmov s13;
	v11 =	vshrl.u32 v11, $0x3;
	v16 =	vshrl.u32 v16, $0x3;
	v29 =	vld [tilespmem:s25+$0xFFFFFEB0]  }
0xf3: {  	v15 =	vshrl.u32 v15, $0x3;
	v11 =	vshll.u32 v11, v0;
	v16 =	vshll.u32 v16, v0;
	v18 =	vld [tilespmem:s25+$0xFFFFFED0]  }
0xf4: {  	v15 =	vshll.u32 v15, v0;
	v11 =	vbroadcast v11, $0x0;
	v16 =	vadd.s32 $0x2, v16;
	v26 =	vld [tilespmem:s25+$0xFFFFFE20]  }
0xf5: {  	v15 =	vadd.s32 $0x1, v15;
	v54 =	vbroadcast v16, $0x0;
	v16 =	vshrl.u32 v19, $0x3;
	v19 =	vld [tilespmem:s25+$0xFFFFFE10]  }
0xf6: {  	s28 =	sadd.s32 $0x105, s1;
	v15 =	vbroadcast v15, $0x0;
	v57 =	vld [tilespmem:s25+$0xFFFFFE70]  }
0xf7: {  	v56 =	vmov s28;
	s31 =	sadd.s32 $0x104, s1;
	v59 =	vld [tilespmem:s25+$0xFFFFFE00]  }
0xf8: {  	s29 =	sadd.s32 $0x106, s1;
	v34 =	vshrl.u32 v56, $0x3;
	s1 =	sadd.s32 $0x107, s1;
	v55 =	vmov s31;
	v61 =	vld [tilespmem:s25+$0xFFFFFEC0]  }
0xf9: {  	v34 =	vshll.u32 v34, v0;
	v60 =	vmov s1;
	v33 =	vshrl.u32 v55, $0x3;
	v62 =	vld [tilespmem:s25+$0xFFFFFEE0]  }
0xfa: {  	v34 =	vadd.s32 $0x5, v34;
	v16 =	vshll.u32 v16, v0;
	v33 =	vshll.u32 v33, v0;
	v63 =	vld [tilespmem:s25+$0xFFFFFEA0]  }
0xfb: {  	v42 =	vbroadcast v34, $0x0;
	v58 =	vadd.s32 $0x3, v16;
	v40 =	vld.idx.msk [tilespmem:v11+s14+$0x0], $0xffff;
	v11 =	vmov s29  }
0xfc: {  	v33 =	vadd.s32 $0x4, v33;
	v11 =	vshrl.u32 v11, $0x3;
	v16 =	vld.idx.msk [tilespmem:v15+s14+$0x0], $0xffff;
	v15 =	vshrl.u32 v60, $0x3  }
0xfd: {  	v49 =	vld [tilespmem:s25+$0xFFFFFE60];
	v36 =	vbroadcast v58, $0x0;
	v11 =	vshll.u32 v11, v0;
	v15 =	vshll.u32 v15, v0  }
0xfe: {  	v45 =	vld [tilespmem:s25+$0xFFFFFE90];
	v33 =	vbroadcast v33, $0x0;
	v11 =	vadd.s32 $0x6, v11;
	v15 =	vadd.s32 $0x7, v15  }
0xff: {  	v51 =	vld [tilespmem:s25+$0xFFFFFF10];
	v11 =	vbroadcast v11, $0x0;
	v15 =	vbroadcast v15, $0x0  }
0x100: {  	v32 =	vld.idx.msk [tilespmem:v54+s14+$0x0], $0xffff;
	v48 =	vmul.f32 v59, v40;
	v35 =	vmul.f32 v57, v40  }
0x101: {  	v46 =	vld [tilespmem:s25+$0xFFFFFF30];
	v43 =	vmul.f32 v19, v40;
	v44 =	vmul.f32 v26, v40  }
0x102: {  	v56 =	vld [tilespmem:s25+$0xFFFFFFA0];
	v37 =	vmul.f32 v49, v40;
	v30 =	vmul.f32 v30, v40  }
0x103: {  	v54 =	vld [tilespmem:s25+$0xFFFFFF70];
	v26 =	vmul.f32 v61, v16;
	v50 =	vmul.f32 v62, v16  }
0x104: {  	v60 =	vld [tilespmem:s25+$0x70];
	v52 =	vmul.f32 v63, v16;
	v31 =	vmul.f32 v31, v16  }
0x105: {  	v47 =	vmul.f32 v23, v32;
	v23 =	vmul.f32 v21, v32;
	v21 =	vld.idx.msk [tilespmem:v36+s14+$0x0], $0xffff;
	v35 =	vadd.f32 $0.0e+00, v35  }
0x106: {  	v18 =	vmul.f32 v18, v16;
	v29 =	vmul.f32 v29, v16;
	v61 =	vld [tilespmem:s25+$0xFFFFFE30];
	v53 =	vadd.f32 $0.0e+00, v44  }
0x107: {  	v35 =	vadd.f32 v31, v35;
	v31 =	vmul.f32 v28, v32;
	v28 =	vmul.f32 v17, v32;
	v17 =	vld.idx.msk [tilespmem:v33+s14+$0x0], $0xffff  }
0x108: {  	v45 =	vmul.f32 v45, v16;
	v43 =	vadd.f32 $0.0e+00, v43;
	v37 =	vadd.f32 $0.0e+00, v37;
	v11 =	vld.idx.msk [tilespmem:v11+s14+$0x0], $0xffff  }
0x109: {  	v13 =	vld [tilespmem:s25+$0x170];
	v55 =	vmul.f32 v51, v32;
	v19 =	vadd.f32 $0.0e+00, v48;
	v39 =	vadd.f32 v52, v53  }
0x10a: {  	v12 =	vld [tilespmem:s25+$0x140];
	v59 =	vmul.f32 v54, v32;
	v57 =	vadd.f32 v45, v43;
	v34 =	vadd.f32 v50, v37  }
0x10b: {  	v27 =	vld [tilespmem:s25+$0x120];
	v58 =	vadd.f32 v31, v39;
	v31 =	vmul.f32 v46, v32;
	v63 =	vmul.f32 v56, v21  }
0x10c: {  	v62 =	vld [tilespmem:s25+$0xFFFFFE40];
	v48 =	vadd.f32 v59, v35;
	v49 =	vmul.f32 v25, v21;
	v41 =	vmul.f32 v61, v40  }
0x10d: {  	v37 =	vld [tilespmem:s25+$0xFFFFFE80];
	v35 =	vadd.f32 v47, v34;
	v25 =	vmul.f32 v60, v17;
	v10 =	vmul.f32 v10, v11  }
0x10e: {  	v34 =	vadd.f32 $0.0e+00, v30;
	v39 =	vld [tilespmem:s25+$0x10];
	v13 =	vmul.f32 v13, v11;
	v14 =	vmul.f32 v14, v11  }
0x10f: {  	v38 =	vld [tilespmem:s25+$0x20];
	v30 =	vadd.f32 v55, v57;
	v12 =	vmul.f32 v12, v11;
	v20 =	vmul.f32 v20, v11  }
0x110: {  	s30 =	simm.s32 $0x5B40;
	v36 =	vadd.f32 v63, v58;
	v33 =	vmul.f32 v27, v11;
	v27 =	vmul.f32 v24, v32;
	v24 =	vld.idx.msk [tilespmem:v42+s14+$0x0], $0xffff  }
0x111: {  	s26 =	simm.s32 $0xE9B0;
	s28 =	simm.s32 $0xE9B0;
	s29 =	simm.s32 $0x8;
	v42 =	vmul.f32 v62, v40;
	v32 =	vmul.f32 v22, v21;
	v40 =	vld [tilespmem:s25+$0xFFFFFF90];
	v22 =	vadd.f32 v49, v48  }
.LBB2_5:
0x112: {  	p0 =	sne.s32 s29, $0xF8;
	v41 =	vadd.f32 $0.0e+00, v41;
	v16 =	vmul.f32 v37, v16;
	v9 =	vmul.f32 v9, v17;
	v37 =	vld [tilespmem:s25+$0x80];
	s28 =	sadd.s32 $0x80, s28;
	s30 =	sadd.s32 $0x400, s30  }
0x113: {  	s1 =	smov.u32 s29;
	s29 =	sadd.s32 $0x8, s29;
	v42 =	vadd.f32 $0.0e+00, v42;
	v43 =	vld [tilespmem:s25+$0xFFFFFFD0];
	v39 =	vmul.f32 v39, v17  }
0x114: {  	v8 =	vmul.f32 v8, v17;
	v29 =	vadd.f32 v29, v41;
	v38 =	vmul.f32 v38, v17;
	v15 =	vld.idx.msk [tilespmem:v15+s14+$0x0], $0xffff  }
0x115: {  	v7 =	vmul.f32 v7, v21;
	v6 =	vmul.f32 v6, v21;
	v26 =	vadd.f32 v26, v42;
	v41 =	vld [tilespmem:s25+$0x100]  }
0x116: {  	v5 =	vmul.f32 v5, v24;
	v40 =	vmul.f32 v40, v21;
	v42 =	vld [tilespmem:s25+$0xFFFFFFC0];
	v36 =	vadd.f32 v38, v36  }
0x117: {  	v4 =	vmul.f32 v4, v17;
	v16 =	vadd.f32 v16, v19;
	v6 =	vadd.f32 v6, v35;
	v19 =	vld [tilespmem:s25+$0x50]  }
0x118: {  	v29 =	vadd.f32 v31, v29;
	v31 =	vmul.f32 v43, v21;
	v35 =	vld [tilespmem:s25+$0x40];
	v5 =	vadd.f32 v5, v36  }
0x119: {  	v18 =	vadd.f32 v18, v34;
	v3 =	vmul.f32 v3, v24;
	v34 =	vmul.f32 v37, v24;
	v36 =	vld [tilespmem:s25+$0xB0]  }
0x11a: {  	v23 =	vadd.f32 v23, v26;
	v26 =	vld [tilespmem:s25+$0xC0];
	v37 =	vmul.f32 v41, v11;
	v5 =	vadd.f32 v33, v5  }
0x11b: {  	v16 =	vadd.f32 v28, v16;
	v28 =	vadd.f32 v40, v30;
	v21 =	vmul.f32 v42, v21;
	v30 =	vld [tilespmem:s25+$0x130]  }
0x11c: {  	v7 =	vadd.f32 v7, v29;
	v1 =	vmul.f32 v1, v15;
	v19 =	vmul.f32 v19, v17;
	v29 =	vld [tilespmem:s25+$0xF0]  }
0x11d: {  	v16 =	vadd.f32 v32, v16;
	v28 =	vadd.f32 v39, v28;
	v17 =	vmul.f32 v35, v17;
	v32 =	vld [tilespmem:s25+$0xD0]  }
0x11e: {  	v2 =	vmul.f32 v2, v24;
	v6 =	vadd.f32 v9, v6;
	v9 =	vmul.f32 v36, v24;
	v33 =	vld [tilespmem:s25+$0x1E0]  }
0x11f: {  	v4 =	vadd.f32 v4, v16;
	v7 =	vadd.f32 v8, v7;
	v8 =	vmul.f32 v26, v24;
	v16 =	vld [tilespmem:s25+$0x1C0]  }
0x120: {  	v18 =	vadd.f32 v27, v18;
	v21 =	vadd.f32 v21, v23;
	v11 =	vmul.f32 v30, v11;
	v23 =	vld [tilespmem:s25+$0x190]  }
0x121: {  	v2 =	vadd.f32 v2, v6;
	v7 =	vadd.f32 v9, v7;
	v6 =	vmul.f32 v29, v24;
	v9 =	vld [tilespmem:s25+$0x180]  }
0x122: {  	v22 =	vadd.f32 v25, v22;
	v4 =	vadd.f32 v34, v4;
	v24 =	vmul.f32 v32, v24;
	v25 =	vld [tilespmem:s25+$0x1F0]  }
0x123: {  	v2 =	vadd.f32 v20, v2;
	v17 =	vadd.f32 v17, v21;
	v20 =	vld [tilespmem:s25+$0x1B0];
	v21 =	vmul.f32 v33, v15  }
0x124: {  	v4 =	vadd.f32 v37, v4;
	v6 =	vadd.f32 v6, v22;
	v16 =	vmul.f32 v16, v15;
	v22 =	vld [tilespmem:s25+$0x1D0];
	s25 =	smov.u32 s30  }
0x125: {  	v8 =	vadd.f32 v8, v17;
	v17 =	vmul.f32 v23, v15;
	v2 =	vadd.f32 v21, v2  }
0x126: {  	v18 =	vadd.f32 v31, v18;
	v3 =	vadd.f32 v3, v28;
	v9 =	vmul.f32 v9, v15  }
0x127: {  	v7 =	vadd.f32 v11, v7;
	v6 =	vadd.f32 v13, v6;
	v11 =	vmul.f32 v25, v15  }
0x128: {  	v3 =	vadd.f32 v14, v3;
	v4 =	vadd.f32 v9, v4;
	v9 =	vmul.f32 v20, v15;
	[tilespmem:s26+$0xFFFFFFF0] =	vst v2  }
0x129: {  	v2 =	vadd.f32 v19, v18;
	v13 =	vmul.f32 v22, v15;
	v6 =	vadd.f32 v11, v6  }
0x12a: {  	v8 =	vadd.f32 v12, v8;
	v7 =	vadd.f32 v9, v7;
	[tilespmem:s26+$0xFFFFFF90] =	vst v4  }
0x12b: {  	v1 =	vadd.f32 v1, v5;
	v2 =	vadd.f32 v24, v2;
	[tilespmem:s26+$0x0] =	vst v6  }
0x12c: {  	v3 =	vadd.f32 v17, v3;
	v4 =	vadd.f32 v16, v8;
	[tilespmem:s26+$0xFFFFFFC0] =	vst v7  }
0x12d: {  	v2 =	vadd.f32 v10, v2;
	[tilespmem:s26+$0xFFFFFFB0] =	vst v1  }
0x12e: {  	[tilespmem:s26+$0xFFFFFFA0] =	vst v3  }
0x12f: {  	v1 =	vadd.f32 v13, v2;
	[tilespmem:s26+$0xFFFFFFD0] =	vst v4;
	_ =	sdelay $0x1  }
0x130: {  	[tilespmem:s26+$0xFFFFFFE0] =	vst v1;
	s26 =	smov.u32 s28  }
0x131: {  	v4 =	vld [tilespmem:s30+$0x0]  }
0x132: {  	v2 =	vld [tilespmem:s30+$0xE0]  }
0x133: {  	v1 =	vld [tilespmem:s30+$0x1A0]  }
0x134: {  	v3 =	vld [tilespmem:s30+$0x90]  }
0x135: {  	v5 =	vld [tilespmem:s30+$0xA0]  }
0x136: {  	v6 =	vld [tilespmem:s30+$0xFFFFFFE0]  }
0x137: {  	v7 =	vld [tilespmem:s30+$0xFFFFFFB0]  }
0x138: {  	v8 =	vld [tilespmem:s30+$0x30]  }
0x139: {  	v9 =	vld [tilespmem:s30+$0x60]  }
0x13a: {  	v22 =	vld [tilespmem:s30+$0xFFFFFF80]  }
0x13b: {  	v24 =	vld [tilespmem:s30+$0xFFFFFF50]  }
0x13c: {  	v27 =	vld [tilespmem:s30+$0x120]  }
0x13d: {  	v20 =	vld [tilespmem:s30+$0x160]  }
0x13e: {  	v25 =	vld [tilespmem:s30+$0xFFFFFFF0]  }
0x13f: {  	v12 =	vld [tilespmem:s30+$0x140]  }
0x140: {  	v14 =	vld [tilespmem:s30+$0x110]  }
0x141: {  	v30 =	vld [tilespmem:s30+$0xFFFFFE50]  }
0x142: {  	v13 =	vld [tilespmem:s30+$0x170]  }
0x143: {  	s1 =	sadd.s32 s1, s23;
	v10 =	vld [tilespmem:s30+$0x150]  }
0x144: {  	s31 =	sadd.s32 $0x100, s1;
	s0 =	sadd.s32 $0x101, s1;
	s13 =	sadd.s32 $0x102, s1;
	v17 =	vld [tilespmem:s30+$0xFFFFFF00]  }
0x145: {  	v11 =	vmov s31;
	v15 =	vmov s0;
	s0 =	sadd.s32 $0x103, s1;
	s31 =	sadd.s32 $0x105, s1;
	v16 =	vmov s13;
	s13 =	sadd.s32 $0x104, s1;
	v28 =	vld [tilespmem:s30+$0xFFFFFF20]  }
0x146: {  	s5 =	sadd.s32 $0x106, s1;
	v11 =	vshrl.u32 v11, $0x3;
	v15 =	vshrl.u32 v15, $0x3;
	s1 =	sadd.s32 $0x107, s1;
	v16 =	vshrl.u32 v16, $0x3;
	v21 =	vld [tilespmem:s30+$0xFFFFFF40]  }
0x147: {  	v11 =	vshll.u32 v11, v0;
	v15 =	vshll.u32 v15, v0;
	v16 =	vshll.u32 v16, v0;
	v23 =	vld [tilespmem:s30+$0xFFFFFF60]  }
0x148: {  	v11 =	vbroadcast v11, $0x0;
	v15 =	vadd.s32 $0x1, v15;
	v16 =	vadd.s32 $0x2, v16;
	v31 =	vld [tilespmem:s30+$0xFFFFFEF0]  }
0x149: {  	v15 =	vbroadcast v15, $0x0;
	v18 =	vbroadcast v16, $0x0;
	v16 =	vmov s0;
	v29 =	vld [tilespmem:s30+$0xFFFFFEB0]  }
0x14a: {  	v26 =	vmov s31;
	v19 =	vmov s13;
	v16 =	vshrl.u32 v16, $0x3;
	v32 =	vld [tilespmem:s30+$0xFFFFFED0]  }
0x14b: {  	v26 =	vshrl.u32 v26, $0x3;
	v19 =	vshrl.u32 v19, $0x3;
	v16 =	vshll.u32 v16, v0;
	v33 =	vld [tilespmem:s30+$0xFFFFFE20]  }
0x14c: {  	v26 =	vshll.u32 v26, v0;
	v19 =	vshll.u32 v19, v0;
	v16 =	vadd.s32 $0x3, v16;
	v34 =	vld [tilespmem:s30+$0xFFFFFE10]  }
0x14d: {  	v36 =	vbroadcast v16, $0x0;
	v16 =	vadd.s32 $0x4, v19;
	v19 =	vadd.s32 $0x5, v26;
	v35 =	vld [tilespmem:s30+$0xFFFFFE70]  }
0x14e: {  	v37 =	vbroadcast v16, $0x0;
	v42 =	vbroadcast v19, $0x0;
	v40 =	vld.idx.msk [tilespmem:v11+s14+$0x0], $0xffff;
	v11 =	vmov s5  }
0x14f: {  	v26 =	vmov s1;
	v19 =	vld [tilespmem:s30+$0xFFFFFE00];
	v11 =	vshrl.u32 v11, $0x3  }
0x150: {  	v16 =	vld.idx.msk [tilespmem:v15+s14+$0x0], $0xffff;
	v11 =	vshll.u32 v11, v0;
	v15 =	vshrl.u32 v26, $0x3  }
0x151: {  	v26 =	vld [tilespmem:s30+$0xFFFFFEC0];
	v11 =	vadd.s32 $0x6, v11;
	v15 =	vshll.u32 v15, v0  }
0x152: {  	v38 =	vld [tilespmem:s30+$0xFFFFFEE0];
	v11 =	vbroadcast v11, $0x0;
	v15 =	vadd.s32 $0x7, v15  }
0x153: {  	v39 =	vld [tilespmem:s30+$0xFFFFFEA0];
	v15 =	vbroadcast v15, $0x0  }
0x154: {  	v35 =	vmul.f32 v35, v40;
	v19 =	vmul.f32 v19, v40;
	v43 =	vld.idx.msk [tilespmem:v18+s14+$0x0], $0xffff  }
0x155: {  	v33 =	vmul.f32 v33, v40;
	v18 =	vmul.f32 v34, v40;
	v34 =	vld [tilespmem:s30+$0xFFFFFE60]  }
0x156: {  	v35 =	vadd.f32 $0.0e+00, v35;
	v19 =	vadd.f32 $0.0e+00, v19;
	v41 =	vld [tilespmem:s30+$0xFFFFFE90];
	v26 =	vmul.f32 v26, v16  }
0x157: {  	v33 =	vadd.f32 $0.0e+00, v33;
	v44 =	vadd.f32 $0.0e+00, v18;
	v38 =	vmul.f32 v38, v16;
	v45 =	vld [tilespmem:s30+$0xFFFFFF10]  }
0x158: {  	v18 =	vmul.f32 v32, v16;
	v39 =	vmul.f32 v39, v16;
	v11 =	vld.idx.msk [tilespmem:v11+s14+$0x0], $0xffff  }
0x159: {  	v29 =	vmul.f32 v29, v16;
	v31 =	vmul.f32 v31, v16;
	v32 =	vld [tilespmem:s30+$0xFFFFFF70]  }
0x15a: {  	v47 =	vmul.f32 v23, v43;
	v34 =	vmul.f32 v34, v40;
	v46 =	vld [tilespmem:s30+$0xFFFFFF30]  }
0x15b: {  	v23 =	vmul.f32 v21, v43;
	v33 =	vadd.f32 v39, v33;
	v41 =	vmul.f32 v41, v16;
	v21 =	vld.idx.msk [tilespmem:v36+s14+$0x0], $0xffff  }
0x15c: {  	v35 =	vadd.f32 v31, v35;
	v31 =	vmul.f32 v28, v43;
	v36 =	vmul.f32 v45, v43;
	v39 =	vld [tilespmem:s30+$0xFFFFFFA0]  }
0x15d: {  	v28 =	vmul.f32 v17, v43;
	v34 =	vadd.f32 $0.0e+00, v34;
	v41 =	vadd.f32 v41, v44;
	v17 =	vld.idx.msk [tilespmem:v37+s14+$0x0], $0xffff  }
0x15e: {  	v44 =	vadd.f32 v31, v33;
	v10 =	vmul.f32 v10, v11;
	v32 =	vmul.f32 v32, v43;
	v33 =	vld [tilespmem:s30+$0x70]  }
0x15f: {  	v13 =	vmul.f32 v13, v11;
	v34 =	vadd.f32 v38, v34;
	v45 =	vld [tilespmem:s30+$0xFFFFFE30];
	v31 =	vmul.f32 v46, v43  }
0x160: {  	v30 =	vmul.f32 v30, v40;
	v14 =	vmul.f32 v14, v11;
	v46 =	vld [tilespmem:s30+$0xFFFFFE40];
	v48 =	vadd.f32 v32, v35  }
.Ltmp1:
0x161: {  	v12 =	vmul.f32 v12, v11;
	v35 =	vadd.f32 v47, v34;
	v37 =	vld [tilespmem:s30+$0xFFFFFE80];
	v32 =	vmul.f32 v39, v21;
	(pc) =	sbr.rel @p0 .LBB2_5-.Ltmp1, $4  }
0x162: {  	v20 =	vmul.f32 v20, v11;
	v34 =	vadd.f32 $0.0e+00, v30;
	v47 =	vmul.f32 v25, v21;
	v39 =	vld [tilespmem:s30+$0x10]  }
0x163: {  	v30 =	vadd.f32 v36, v41;
	v38 =	vld [tilespmem:s30+$0x20];
	v25 =	vmul.f32 v33, v17;
	v33 =	vmul.f32 v27, v11  }
0x164: {  	v27 =	vmul.f32 v24, v43;
	v36 =	vadd.f32 v32, v44;
	v41 =	vmul.f32 v45, v40;
	v24 =	vld.idx.msk [tilespmem:v42+s14+$0x0], $0xffff  }
0x165: {  	v32 =	vmul.f32 v22, v21;
	v22 =	vadd.f32 v47, v48;
	v42 =	vmul.f32 v46, v40;
	v40 =	vld [tilespmem:s30+$0xFFFFFF90]  }
0x166: {  	v16 =	vmul.f32 v37, v16;
	v9 =	vmul.f32 v9, v17  }
0x167: {  	v41 =	vadd.f32 $0.0e+00, v41;
	v8 =	vmul.f32 v8, v17;
	v7 =	vmul.f32 v7, v21  }
0x168: {  	v54 =	vld [tilespmem:s25+$0xFFFFFFD0];
	v6 =	vmul.f32 v6, v21;
	v4 =	vmul.f32 v4, v17;
	v18 =	vadd.f32 v18, v34  }
0x169: {  	v43 =	vld [tilespmem:s25+$0x80];
	v53 =	vadd.f32 $0.0e+00, v42;
	v39 =	vmul.f32 v39, v17;
	v22 =	vadd.f32 v25, v22  }
0x16a: {  	v55 =	vld [tilespmem:s25+$0x100];
	v29 =	vadd.f32 v29, v41;
	v38 =	vmul.f32 v38, v17;
	v16 =	vadd.f32 v16, v19  }
0x16b: {  	v56 =	vld [tilespmem:s25+$0xFFFFFFC0];
	v6 =	vadd.f32 v6, v35;
	v45 =	vadd.f32 v27, v18;
	v5 =	vmul.f32 v5, v24  }
0x16c: {  	v57 =	vld [tilespmem:s25+$0x50];
	v26 =	vadd.f32 v26, v53;
	v3 =	vmul.f32 v3, v24;
	v2 =	vmul.f32 v2, v24  }
0x16d: {  	v61 =	vld [tilespmem:s25+$0x40];
	v40 =	vmul.f32 v40, v21;
	v36 =	vadd.f32 v38, v36;
	v29 =	vadd.f32 v31, v29  }
0x16e: {  	v63 =	vld [tilespmem:s25+$0xC0];
	v16 =	vadd.f32 v28, v16;
	v6 =	vadd.f32 v9, v6;
	v58 =	vmul.f32 v54, v21  }
0x16f: {  	v15 =	vld.idx.msk [tilespmem:v15+s14+$0x0], $0xffff;
	v60 =	vmul.f32 v43, v24;
	v23 =	vadd.f32 v23, v26;
	v62 =	vmul.f32 v55, v11  }
0x170: {  	v59 =	vld [tilespmem:s25+$0xB0];
	v37 =	vmul.f32 v56, v21;
	v5 =	vadd.f32 v5, v36;
	v30 =	vadd.f32 v40, v30  }
0x171: {  	v41 =	vld [tilespmem:s25+$0x1E0];
	v19 =	vmul.f32 v57, v17;
	v7 =	vadd.f32 v7, v29;
	v16 =	vadd.f32 v32, v16  }
0x172: {  	v38 =	vld [tilespmem:s25+$0xF0];
	v43 =	vmul.f32 v61, v17;
	v2 =	vadd.f32 v2, v6;
	v46 =	vadd.f32 v37, v23  }
0x173: {  	v42 =	vld [tilespmem:s25+$0x130];
	v47 =	vmul.f32 v63, v24;
	v17 =	vadd.f32 v58, v45;
	v5 =	vadd.f32 v33, v5  }
0x174: {  	v44 =	vld [tilespmem:s25+$0xD0];
	v1 =	vmul.f32 v1, v15;
	v30 =	vadd.f32 v39, v30;
	v4 =	vadd.f32 v4, v16  }
0x175: {  	v48 =	vld [tilespmem:s25+$0x180];
	v40 =	vmul.f32 v59, v24;
	v7 =	vadd.f32 v8, v7;
	v2 =	vadd.f32 v20, v2  }
0x176: {  	v50 =	vld [tilespmem:s25+$0x1F0];
	v52 =	vmul.f32 v41, v15;
	v8 =	vadd.f32 v43, v46;
	v59 =	vadd.f32 v19, v17  }
0x177: {  	v51 =	vld [tilespmem:s25+$0x1B0];
	v49 =	vmul.f32 v38, v24;
	v7 =	vadd.f32 v40, v7;
	v4 =	vadd.f32 v60, v4  }
0x178: {  	v54 =	vld [tilespmem:s25+$0x190];
	v53 =	vmul.f32 v42, v11;
	v2 =	vadd.f32 v52, v2;
	v3 =	vadd.f32 v3, v30  }
0x179: {  	v55 =	vld [tilespmem:s25+$0x1C0];
	v16 =	vmul.f32 v44, v24;
	v1 =	vadd.f32 v1, v5;
	v9 =	vadd.f32 v49, v22  }
0x17a: {  	v56 =	vld [tilespmem:s25+$0x1D0];
	v6 =	vmul.f32 v48, v15;
	v8 =	vadd.f32 v47, v8;
	v4 =	vadd.f32 v62, v4  }
0x17b: {  	v57 =	vmul.f32 v50, v15;
	v61 =	vadd.f32 v16, v59;
	v9 =	vadd.f32 v13, v9  }
0x17c: {  	v58 =	vmul.f32 v51, v15;
	v7 =	vadd.f32 v53, v7;
	[tilespmem:s26+$0xFFFFFFF0] =	vst v2;
	v4 =	vadd.f32 v6, v4  }
0x17d: {  	v60 =	vmul.f32 v54, v15;
	v3 =	vadd.f32 v14, v3;
	[tilespmem:s26+$0xFFFFFFB0] =	vst v1;
	v2 =	vadd.f32 v57, v9  }
0x17e: {  	v62 =	vmul.f32 v55, v15;
	v8 =	vadd.f32 v12, v8;
	v6 =	vadd.f32 v58, v7;
	[tilespmem:s26+$0xFFFFFF90] =	vst v4  }
0x17f: {  	v3 =	vadd.f32 v60, v3;
	v4 =	vadd.f32 v10, v61;
	[tilespmem:s26+$0x0] =	vst v2;
	v2 =	vmul.f32 v56, v15  }
0x180: {  	v63 =	vadd.f32 v62, v8;
	[tilespmem:s26+$0xFFFFFFC0] =	vst v6  }
0x181: {  	s0 =	sshll.u32 s24, $0x6;
	s24 =	sadd.s32 $0x1, s24;
	[tilespmem:s26+$0xFFFFFFA0] =	vst v3;
	v1 =	vadd.f32 v2, v4  }
0x182: {  	s0 =	sand.u32 $0x3FFFFFC0, s0;
	p0 =	sne.s32 s24, $0x15;
	[tilespmem:s26+$0xFFFFFFD0] =	vst v63  }
.Ltmp2:
0x183: {  	s0 =	sadd.s32 $0x2A00, s0;
	[tilespmem:s26+$0xFFFFFFE0] =	vst v1;
	(pc) =	sbr.rel @p0 .LBB2_2-.Ltmp2, $4  }
0x184: {  	[spmem:s2] =	stream.indirect.scatter.add.f32 [tilespmem:s20], [sflag:$0x2], $0x80, s0, s19, $0xb8;
	[tilespmem:$0x1D140] =	vst v63  }
0x185: {  	_ =	swait.ge [sflag:s12], $0x2000  }
0x186: {  	[sflag:s12] =	ssyncset.done $0x0  }
0x187: {  	s23 =	sadd.s32 $0x200, s23;
	[sflag:s12] =	ssyncadd.s32 $0xFFFFE000  }
0x188: {  	s22 =	sadd.s32 $0x1, s22  }
0x189: {  	p0 =	sne.s32 s22, s10  }
.Ltmp3:
0x18a: {  	[bflag:$0x0] =	sbarrier.arrive $0xFFFF;
	(pc) =	sbr.rel @p0 .LBB2_1-.Ltmp3, $4  }
0x18b: {  	[hbm:s21], [sflag:s6] =	dma.local [spmem:s11], $0x1B00  }
0x18c: {  	_ =	swait.ge [sflag:s12], $0x1B00  }
0x18d: {  	[sflag:s12] =	ssyncset.done $0x0  }
0x18e: {  	[sflag:s12] =	ssyncadd.s32 $0xFFFFE500  }
0x18f: {  	_ =	sfence.sel $0x180000  }
0x190: {  	[bflag:$0x0] =	sbarrier.arrive $0xFFFF  }
0x191: {  	_ =	strace $0x90000050  }
0x192: {  	s0 =	stileid.u32;
	[bflag:$0x2] =	sbarrier.arrive $0xFFFF  }
0x193: {  	p0 =	sne.s32 s0, $0x0;
	s0 =	rddreg [dreg:$0x3]  }
0x194: {  	s0 =	sadd.s32 @!p0 $0x100000, s0  }
0x195: {  	[sflag:s0] =	ssyncadd.tile.s32 @!p0 $0x1;
	_ =	shalt  }
.Lfunc_end2:
_tile_overlayer_lowered:
.L_overlay_start_2:
0x196: {  	(tag) =	ssettag $0x2  }
0x197: {  	s0 =	rddreg [dreg:$0x0];
	s2 =	stileid.u32  }
0x198: {  	s1 =	rddreg [dreg:$0x1];
	p0 =	sne.s32 s2, $0x0  }
0x199: {  	s3 =	rddreg [dreg:$0x2];
	[bflag:$0x3] =	sbarrier.arrive $0xFFFF;
	s2 =	simm.s32 @!p0 $0x1C02  }
0x19a: {  	[timem:s3], [sflag:s2] =	dma.local @!p0 [hbm:s0], s1  }
0x19b: {  	s0 =	simm.s32 @!p0 $0x2  }
0x19c: {  	_ =	swait.ge @!p0 [sflag:s0], s1  }
0x19d: {  	s1 =	ssub.s32 @!p0 $0x0, s1;
	[sflag:s0] =	ssyncset.done @!p0 $0x0  }
0x19e: {  	[sflag:s0] =	ssyncadd.s32 @!p0 s1  }
0x19f: {  	[bflag:$0x3] =	sbarrier.arrive $0xFFFF  }
0x1a0: {  	_ =	shalt  }

</sc_bundles>
